<compile_context>
chip_gen: v7x
topology: tpu7x:2x2x1
jax: 0.10.2.dev20260603
libtpu: 0.0.44.dev20260713+nightly
codegen_flags: <defaults>
</compile_context>

<pallas_src>
import functools

import jax
import jax.numpy as jnp
from jax import lax
from jax.experimental import pallas as pl
from jax.experimental.pallas import tpu as pltpu
from jax.experimental.pallas import tpu_sc as plsc

N = 10000
E = 320000
D = 128

NC = 2
NS = 16
NW = NC * NS
EPT = E // NW
K = 80
CPT = EPT // K
RB = 80
NCHUNK = N // RB
LANES = 8


def _mm_body(x_ref, w_ref, o_ref):
    o_ref[...] = jnp.dot(x_ref[...], w_ref[...],
                         preferred_element_type=jnp.float32)


def _combine_body(p_ref, b_ref, o_ref):
    o_ref[...] = p_ref[0] + p_ref[1] + b_ref[...]


def _sc_scatter(support, dst, src, wts):
    mesh = plsc.VectorSubcoreMesh(core_axis_name="c", subcore_axis_name="s")

    @functools.partial(
        pl.kernel,
        mesh=mesh,
        out_type=jax.ShapeDtypeStruct((NC, N, D), jnp.float32),
        scratch_types=[
            pltpu.VMEM((EPT,), jnp.int32),
            pltpu.VMEM((EPT,), jnp.int32),
            pltpu.VMEM((K,), jnp.float32),
            pltpu.VMEM((K,), jnp.float32),
            pltpu.VMEM((K,), jnp.int32),
            pltpu.VMEM((K,), jnp.int32),
            pltpu.VMEM((K, D), jnp.float32),
            pltpu.VMEM((K, D), jnp.float32),
            pltpu.VMEM_SHARED((N, D), jnp.float32),
            pltpu.SemaphoreType.DMA,
            pltpu.SemaphoreType.DMA,
            pltpu.SemaphoreType.DMA,
            pltpu.SemaphoreType.DMA,
        ],
    )
    def scatter_kernel(support_hbm, dst_hbm, src_hbm, wts_hbm, out_hbm,
                       srcb, dstb, wbuf0, wbuf1, sbuf0, sbuf1,
                       rows0, rows1, acc, esem0, esem1, gsem, ssem):
        c = lax.axis_index("c")
        s = lax.axis_index("s")
        wid = c * NS + s

        wbuf = (wbuf0, wbuf1)
        sbuf = (sbuf0, sbuf1)
        rows = (rows0, rows1)
        esem = (esem0, esem1)

        def multiply(gi, p):
            @pl.loop(0, K // 16)
            def _(eg):
                wvec = wbuf[p][pl.ds(eg * 16, 16)]
                for l in range(16):
                    wl = jnp.broadcast_to(wvec[l], (16,))
                    e = eg * 16 + l
                    for j in range(LANES):
                        sl = pl.ds(j * 16, 16)
                        rows[p][e, sl] = rows[p][e, sl] * wl
            for i in range(K // 16):
                sbuf[p][pl.ds(i * 16, 16)] = dstb[pl.ds(gi * K + i * 16, 16)]

        def load_edges(g, p):
            e0 = wid * EPT + g * K
            pltpu.async_copy(wts_hbm.at[pl.ds(e0, K)], wbuf[p], esem[p])

        def wait_edges(g, p):
            e0 = wid * EPT + g * K
            pltpu.make_async_copy(wts_hbm.at[pl.ds(e0, K)], wbuf[p],
                                  esem[p]).wait()

        def step(g, p):
            pltpu.make_async_copy(
                support_hbm.at[srcb.at[pl.ds(g * K, K)]], rows[p],
                gsem).wait()

            @pl.when(g + 1 < CPT)
            def _():
                wait_edges(g + 1, 1 - p)

            @pl.when(g > 0)
            def _():
                pltpu.make_async_copy(
                    rows[1 - p], acc.at[sbuf[1 - p]], ssem).wait()

            @pl.when(g + 1 < CPT)
            def _():
                pltpu.async_copy(
                    support_hbm.at[srcb.at[pl.ds((g + 1) * K, K)]],
                    rows[1 - p], gsem)

            multiply(g, p)

            @pl.when(g + 2 < CPT)
            def _():
                load_edges(g + 2, p)

            pltpu.async_copy(rows[p], acc.at[sbuf[p]], ssem, add=True)

        base = wid * EPT
        pltpu.async_copy(src_hbm.at[pl.ds(base, EPT)], srcb, gsem)
        pltpu.async_copy(dst_hbm.at[pl.ds(base, EPT)], dstb, gsem)
        load_edges(0, 0)
        load_edges(1, 1)

        zeros16 = jnp.zeros((16,), jnp.float32)

        @pl.loop(0, RB)
        def _(i):
            for j in range(LANES):
                rows0[i, pl.ds(j * 16, 16)] = zeros16

        for i in range((NCHUNK + NS - 1) // NS):
            ck = s + i * NS

            @pl.when(ck < NCHUNK)
            def _():
                pltpu.sync_copy(rows0, acc.at[pl.ds(ck * RB, RB)])
        plsc.subcore_barrier()

        pltpu.make_async_copy(src_hbm.at[pl.ds(base, EPT)], srcb,
                              gsem).wait()
        pltpu.make_async_copy(dst_hbm.at[pl.ds(base, EPT)], dstb,
                              gsem).wait()
        wait_edges(0, 0)
        pltpu.async_copy(support_hbm.at[srcb.at[pl.ds(0, K)]], rows0, gsem)

        @pl.loop(0, CPT, step=2)
        def _(g):
            step(g, 0)

            @pl.when(g + 1 < CPT)
            def _():
                step(g + 1, 1)

        pltpu.make_async_copy(rows0, acc.at[sbuf0], ssem).wait()

        plsc.subcore_barrier()

        WB = 400
        NWB = N // WB
        for i in range((NWB + NS - 1) // NS):
            ck = s + i * NS

            @pl.when(ck < NWB)
            def _():
                pltpu.sync_copy(acc.at[pl.ds(ck * WB, WB)],
                                out_hbm.at[c, pl.ds(ck * WB, WB)])

    return scatter_kernel(support, dst, src, wts)


def kernel(x, edge_index, edge_weight, W, b):
    support = pl.pallas_call(
        _mm_body,
        out_shape=jax.ShapeDtypeStruct((N, D), jnp.float32),
    )(x, W)

    dst = edge_index[0]
    src = edge_index[1]
    wts = edge_weight

    partial = _sc_scatter(support, dst, src, wts)

    out = pl.pallas_call(
        _combine_body,
        out_shape=jax.ShapeDtypeStruct((N, D), jnp.float32),
    )(partial, b.reshape(1, D))
    return out

# --- scband reference (transcript-rebuilt; emitter-appended) ---
"""Pipeline reference for scband-graph-convolution-6597069767349 (READ-ONLY COPY).

The authoritative reference and input builder live on the scoring server;
editing this copy changes nothing except your own understanding.
"""

import jax, jax.numpy as jnp
import numpy as np

N = 10000
E = 320000
D_IN = 128
D_OUT = 128

def setup_inputs(seed: int = 0) -> dict:
    key = jax.random.key(seed)
    k1, k2, k3, k4, k5 = jax.random.split(key, 5)
    x = jax.random.normal(k1, (N, D_IN), dtype=jnp.float32)
    edge_index = jax.random.randint(k2, (2, E), 0, N, dtype=jnp.int32)
    edge_weight = jax.random.uniform(k3, (E,), dtype=jnp.float32)
    stdv = 1.0 / np.sqrt(D_OUT)
    W = jax.random.uniform(k4, (D_IN, D_OUT), minval=-stdv, maxval=stdv, dtype=jnp.float32)
    b = jax.random.uniform(k5, (D_OUT,), minval=-stdv, maxval=stdv, dtype=jnp.float32)
    return {"x": x, "edge_index": edge_index, "edge_weight": edge_weight, "W": W, "b": b}

def reference(x, edge_index, edge_weight, W, b):
    # support = input @ weight
    support = x @ W
    # output = torch.sparse.mm(adj, support): out[i] = sum_j adj[i, j] * support[j]
    row = edge_index[0]
    col = edge_index[1]
    messages = support[col] * edge_weight[:, None]
    out = jax.ops.segment_sum(messages, row, num_segments=N)
    # residual=False (default); bias present
    return out + b

if __name__ == "__main__":
    import jax
    _d = setup_inputs()
    print(jax.jit(kernel)(*tuple(_d.values())))

</pallas_src>

<mosaic_0001>
#map = affine_map<(d0, d1) -> (0, 0)>
#map1 = affine_map<(d0, d1) -> (0)>
#map2 = affine_map<(d0, d1) -> (0, 0, 0)>
module attributes {stable_mosaic.version = 14 : i64} {
  func.func @scatter_kernel(%arg0: i32, %arg1: i32, %arg2: memref<10000x128xf32, #tpu.memory_space<hbm>>, %arg3: memref<320000xi32, #tpu.memory_space<hbm>>, %arg4: memref<320000xi32, #tpu.memory_space<hbm>>, %arg5: memref<320000xf32, #tpu.memory_space<hbm>>, %arg6: memref<2x10000x128xf32, #tpu.memory_space<hbm>>, %arg7: memref<10000xi32, #tpu.memory_space<vmem>>, %arg8: memref<10000xi32, #tpu.memory_space<vmem>>, %arg9: memref<80xf32, #tpu.memory_space<vmem>>, %arg10: memref<80xf32, #tpu.memory_space<vmem>>, %arg11: memref<80xi32, #tpu.memory_space<vmem>>, %arg12: memref<80xi32, #tpu.memory_space<vmem>>, %arg13: memref<80x128xf32, #tpu.memory_space<vmem>>, %arg14: memref<80x128xf32, #tpu.memory_space<vmem>>, %arg15: memref<10000x128xf32, #tpu.memory_space<vmem_shared>>, %arg16: memref<!tpu.dma_semaphore, #tpu.memory_space<semaphore_mem>>, %arg17: memref<!tpu.dma_semaphore, #tpu.memory_space<semaphore_mem>>, %arg18: memref<!tpu.dma_semaphore, #tpu.memory_space<semaphore_mem>>, %arg19: memref<!tpu.dma_semaphore, #tpu.memory_space<semaphore_mem>>) attributes {dimension_semantics = [#tpu.dimension_semantics<core_parallel>, #tpu.dimension_semantics<subcore_parallel>], iteration_bounds = array<i64: 2, 16>, scalar_prefetch = 0 : i64, scratch_operands = 13 : i64, tpu.core_type = #tpu.core_type<sc_vector_subcore>, window_params = [{transform_indices = #map}, {transform_indices = #map1}, {transform_indices = #map1}, {transform_indices = #map1}, {transform_indices = #map2}]} {
    %mul3A = arith.constant 16 : i32
    %mul3A_0 = arith.muli %arg0, %mul3A : i32
    %add3A = arith.addi %mul3A_0, %arg1 : i32
    %mul3A_1 = arith.constant 10000 : i32
    %mul3A_2 = arith.muli %add3A, %mul3A_1 : i32
    %dma_start3A = tpu.memref_slice %arg4[%mul3A_2] : memref<320000xi32, #tpu.memory_space<hbm>> -> memref<10000xi32, #tpu.memory_space<hbm>>
    %dma_start3A_3 = tpu.memref_slice %arg4[%mul3A_2] : memref<320000xi32, #tpu.memory_space<hbm>> -> memref<10000xi32, #tpu.memory_space<hbm>>
    tpu.enqueue_dma source(%dma_start3A_3 : memref<10000xi32, #tpu.memory_space<hbm>>) target(%arg7 : memref<10000xi32, #tpu.memory_space<vmem>>) target_semaphore(%arg18 : memref<!tpu.dma_semaphore, #tpu.memory_space<semaphore_mem>>)
    %dma_start3A_4 = tpu.memref_slice %arg3[%mul3A_2] : memref<320000xi32, #tpu.memory_space<hbm>> -> memref<10000xi32, #tpu.memory_space<hbm>>
    %dma_start3A_5 = tpu.memref_slice %arg3[%mul3A_2] : memref<320000xi32, #tpu.memory_space<hbm>> -> memref<10000xi32, #tpu.memory_space<hbm>>
    tpu.enqueue_dma source(%dma_start3A_5 : memref<10000xi32, #tpu.memory_space<hbm>>) target(%arg8 : memref<10000xi32, #tpu.memory_space<vmem>>) target_semaphore(%arg18 : memref<!tpu.dma_semaphore, #tpu.memory_space<semaphore_mem>>)
    %mul3A_6 = arith.constant 10000 : i32
    %mul3A_7 = arith.muli %add3A, %mul3A_6 : i32
    %add3A_8 = arith.constant 0 : i32
    %add3A_9 = arith.addi %mul3A_7, %add3A_8 : i32
    %dma_start3A_10 = tpu.memref_slice %arg5[%add3A_9] : memref<320000xf32, #tpu.memory_space<hbm>> -> memref<80xf32, #tpu.memory_space<hbm>>
    %dma_start3A_11 = tpu.memref_slice %arg5[%add3A_9] : memref<320000xf32, #tpu.memory_space<hbm>> -> memref<80xf32, #tpu.memory_space<hbm>>
    tpu.enqueue_dma source(%dma_start3A_11 : memref<80xf32, #tpu.memory_space<hbm>>) target(%arg9 : memref<80xf32, #tpu.memory_space<vmem>>) target_semaphore(%arg16 : memref<!tpu.dma_semaphore, #tpu.memory_space<semaphore_mem>>)
    %mul3A_12 = arith.constant 10000 : i32
    %mul3A_13 = arith.muli %add3A, %mul3A_12 : i32
    %add3A_14 = arith.constant 80 : i32
    %add3A_15 = arith.addi %mul3A_13, %add3A_14 : i32
    %dma_start3A_16 = tpu.memref_slice %arg5[%add3A_15] : memref<320000xf32, #tpu.memory_space<hbm>> -> memref<80xf32, #tpu.memory_space<hbm>>
    %dma_start3A_17 = tpu.memref_slice %arg5[%add3A_15] : memref<320000xf32, #tpu.memory_space<hbm>> -> memref<80xf32, #tpu.memory_space<hbm>>
    tpu.enqueue_dma source(%dma_start3A_17 : memref<80xf32, #tpu.memory_space<hbm>>) target(%arg10 : memref<80xf32, #tpu.memory_space<vmem>>) target_semaphore(%arg17 : memref<!tpu.dma_semaphore, #tpu.memory_space<semaphore_mem>>)
    %broadcast_in_dim3A = arith.constant 0.000000e+00 : f32
    %broadcast_in_dim3A_18 = vector.broadcast %broadcast_in_dim3A : f32 to vector<16xf32>
    %scan3A = arith.constant 0 : i32
    %scan3A_19 = arith.constant 80 : i32
    %scan3A_20 = arith.addi %scan3A, %scan3A_19 : i32
    %scan3A_21 = arith.constant 1 : i32
    scf.for %scan3A_113 = %scan3A to %scan3A_20 step %scan3A_21  : i32 {
      %mul3A_114 = arith.constant 1 : i32
      %mul3A_115 = arith.muli %scan3A_113, %mul3A_114 : i32
      %add3A_116 = arith.constant 0 : i32
      %add3A_117 = arith.addi %add3A_116, %mul3A_115 : i32
      %swap3A = arith.index_cast %add3A_117 : i32 to index
      %swap3A_118 = arith.constant 0 : index
      %swap3A_119 = tpu.vector_load %arg13[%swap3A, %swap3A_118] {strides = array<i32>} : memref<80x128xf32, #tpu.memory_space<vmem>>, vector<1x16xf32>,
      %swap3A_120 = vector.shape_cast %swap3A_119 : vector<1x16xf32> to vector<16xf32>
      %swap3A_121 = vector.shape_cast %broadcast_in_dim3A_18 : vector<16xf32> to vector<1x16xf32>
      tpu.vector_store %arg13[%swap3A, %swap3A_118], %swap3A_121 {strides = array<i32>} : memref<80x128xf32, #tpu.memory_space<vmem>>, vector<1x16xf32>,
      %swap3A_122 = arith.index_cast %add3A_117 : i32 to index
      %swap3A_123 = arith.constant 16 : index
      %swap3A_124 = tpu.vector_load %arg13[%swap3A_122, %swap3A_123] {strides = array<i32>} : memref<80x128xf32, #tpu.memory_space<vmem>>, vector<1x16xf32>,
      %swap3A_125 = vector.shape_cast %swap3A_124 : vector<1x16xf32> to vector<16xf32>
      %swap3A_126 = vector.shape_cast %broadcast_in_dim3A_18 : vector<16xf32> to vector<1x16xf32>
      tpu.vector_store %arg13[%swap3A_122, %swap3A_123], %swap3A_126 {strides = array<i32>} : memref<80x128xf32, #tpu.memory_space<vmem>>, vector<1x16xf32>,
      %swap3A_127 = arith.index_cast %add3A_117 : i32 to index
      %swap3A_128 = arith.constant 32 : index
      %swap3A_129 = tpu.vector_load %arg13[%swap3A_127, %swap3A_128] {strides = array<i32>} : memref<80x128xf32, #tpu.memory_space<vmem>>, vector<1x16xf32>,
      %swap3A_130 = vector.shape_cast %swap3A_129 : vector<1x16xf32> to vector<16xf32>
      %swap3A_131 = vector.shape_cast %broadcast_in_dim3A_18 : vector<16xf32> to vector<1x16xf32>
      tpu.vector_store %arg13[%swap3A_127, %swap3A_128], %swap3A_131 {strides = array<i32>} : memref<80x128xf32, #tpu.memory_space<vmem>>, vector<1x16xf32>,
      %swap3A_132 = arith.index_cast %add3A_117 : i32 to index
      %swap3A_133 = arith.constant 48 : index
      %swap3A_134 = tpu.vector_load %arg13[%swap3A_132, %swap3A_133] {strides = array<i32>} : memref<80x128xf32, #tpu.memory_space<vmem>>, vector<1x16xf32>,
      %swap3A_135 = vector.shape_cast %swap3A_134 : vector<1x16xf32> to vector<16xf32>
      %swap3A_136 = vector.shape_cast %broadcast_in_dim3A_18 : vector<16xf32> to vector<1x16xf32>
      tpu.vector_store %arg13[%swap3A_132, %swap3A_133], %swap3A_136 {strides = array<i32>} : memref<80x128xf32, #tpu.memory_space<vmem>>, vector<1x16xf32>,
      %swap3A_137 = arith.index_cast %add3A_117 : i32 to index
      %swap3A_138 = arith.constant 64 : index
      %swap3A_139 = tpu.vector_load %arg13[%swap3A_137, %swap3A_138] {strides = array<i32>} : memref<80x128xf32, #tpu.memory_space<vmem>>, vector<1x16xf32>,
      %swap3A_140 = vector.shape_cast %swap3A_139 : vector<1x16xf32> to vector<16xf32>
      %swap3A_141 = vector.shape_cast %broadcast_in_dim3A_18 : vector<16xf32> to vector<1x16xf32>
      tpu.vector_store %arg13[%swap3A_137, %swap3A_138], %swap3A_141 {strides = array<i32>} : memref<80x128xf32, #tpu.memory_space<vmem>>, vector<1x16xf32>,
      %swap3A_142 = arith.index_cast %add3A_117 : i32 to index
      %swap3A_143 = arith.constant 80 : index
      %swap3A_144 = tpu.vector_load %arg13[%swap3A_142, %swap3A_143] {strides = array<i32>} : memref<80x128xf32, #tpu.memory_space<vmem>>, vector<1x16xf32>,
      %swap3A_145 = vector.shape_cast %swap3A_144 : vector<1x16xf32> to vector<16xf32>
      %swap3A_146 = vector.shape_cast %broadcast_in_dim3A_18 : vector<16xf32> to vector<1x16xf32>
      tpu.vector_store %arg13[%swap3A_142, %swap3A_143], %swap3A_146 {strides = array<i32>} : memref<80x128xf32, #tpu.memory_space<vmem>>, vector<1x16xf32>,
      %swap3A_147 = arith.index_cast %add3A_117 : i32 to index
      %swap3A_148 = arith.constant 96 : index
      %swap3A_149 = tpu.vector_load %arg13[%swap3A_147, %swap3A_148] {strides = array<i32>} : memref<80x128xf32, #tpu.memory_space<vmem>>, vector<1x16xf32>,
      %swap3A_150 = vector.shape_cast %swap3A_149 : vector<1x16xf32> to vector<16xf32>
      %swap3A_151 = vector.shape_cast %broadcast_in_dim3A_18 : vector<16xf32> to vector<1x16xf32>
      tpu.vector_store %arg13[%swap3A_147, %swap3A_148], %swap3A_151 {strides = array<i32>} : memref<80x128xf32, #tpu.memory_space<vmem>>, vector<1x16xf32>,
      %swap3A_152 = arith.index_cast %add3A_117 : i32 to index
      %swap3A_153 = arith.constant 112 : index
      %swap3A_154 = tpu.vector_load %arg13[%swap3A_152, %swap3A_153] {strides = array<i32>} : memref<80x128xf32, #tpu.memory_space<vmem>>, vector<1x16xf32>,
      %swap3A_155 = vector.shape_cast %swap3A_154 : vector<1x16xf32> to vector<16xf32>
      %swap3A_156 = vector.shape_cast %broadcast_in_dim3A_18 : vector<16xf32> to vector<1x16xf32>
      tpu.vector_store %arg13[%swap3A_152, %swap3A_153], %swap3A_156 {strides = array<i32>} : memref<80x128xf32, #tpu.memory_space<vmem>>, vector<1x16xf32>,
    }
    %scan3A_22 = arith.constant 80 : i32
    %add3A_23 = arith.constant 0 : i32
    %add3A_24 = arith.addi %arg1, %add3A_23 : i32
    %lt3A = arith.constant 125 : i32
    %lt3A_25 = arith.cmpi slt, %add3A_24, %lt3A : i32
    %convert_element_type3A = arith.extui %lt3A_25 : i1 to i32
    %cond3A = arith.constant 0 : i32
    %cond3A_26 = arith.cmpi ne, %convert_element_type3A, %cond3A : i32
    scf.if %cond3A_26 {
      %mul3A_113 = arith.constant 80 : i32
      %mul3A_114 = arith.muli %add3A_24, %mul3A_113 : i32
      "tpu.region"() ({
        %run_scoped3A = tpu.sem_alloc : memref<!tpu.dma_semaphore, #tpu.memory_space<semaphore_mem>>
        %dma_start3A_115 = arith.constant 0 : i32
        %dma_start3A_116 = tpu.memref_slice %arg15[%mul3A_114, %dma_start3A_115] : memref<10000x128xf32, #tpu.memory_space<vmem_shared>> -> memref<80x128xf32, #tpu.memory_space<vmem_shared>>
        %dma_start3A_117 = arith.constant 0 : i32
        %dma_start3A_118 = tpu.memref_slice %arg15[%mul3A_114, %dma_start3A_117] : memref<10000x128xf32, #tpu.memory_space<vmem_shared>> -> memref<80x128xf32, #tpu.memory_space<vmem_shared>>
        tpu.enqueue_dma source(%arg13 : memref<80x128xf32, #tpu.memory_space<vmem>>) target(%dma_start3A_118 : memref<80x128xf32, #tpu.memory_space<vmem_shared>>) target_semaphore(%run_scoped3A : memref<!tpu.dma_semaphore, #tpu.memory_space<semaphore_mem>>)
        %dma_wait3A_119 = arith.constant 0 : i32
        %dma_wait3A_120 = tpu.memref_slice %arg15[%mul3A_114, %dma_wait3A_119] : memref<10000x128xf32, #tpu.memory_space<vmem_shared>> -> memref<80x128xf32, #tpu.memory_space<vmem_shared>>
        %dma_wait3A_121 = arith.constant 0 : i32
        %dma_wait3A_122 = tpu.memref_slice %arg15[%mul3A_114, %dma_wait3A_121] : memref<10000x128xf32, #tpu.memory_space<vmem_shared>> -> memref<80x128xf32, #tpu.memory_space<vmem_shared>>
        tpu.wait_dma2 semaphore(%run_scoped3A : memref<!tpu.dma_semaphore, #tpu.memory_space<semaphore_mem>>) src(%arg13 : memref<80x128xf32, #tpu.memory_space<vmem>>) dst(%dma_wait3A_122 : memref<80x128xf32, #tpu.memory_space<vmem_shared>>)
        tpu.yield
      }) : () -> ()
    } else {
    }
    %add3A_27 = arith.constant 16 : i32
    %add3A_28 = arith.addi %arg1, %add3A_27 : i32
    %lt3A_29 = arith.constant 125 : i32
    %lt3A_30 = arith.cmpi slt, %add3A_28, %lt3A_29 : i32
    %convert_element_type3A_31 = arith.extui %lt3A_30 : i1 to i32
    %cond3A_32 = arith.constant 0 : i32
    %cond3A_33 = arith.cmpi ne, %convert_element_type3A_31, %cond3A_32 : i32
    scf.if %cond3A_33 {
      %mul3A_113 = arith.constant 80 : i32
      %mul3A_114 = arith.muli %add3A_28, %mul3A_113 : i32
      "tpu.region"() ({
        %run_scoped3A = tpu.sem_alloc : memref<!tpu.dma_semaphore, #tpu.memory_space<semaphore_mem>>
        %dma_start3A_115 = arith.constant 0 : i32
        %dma_start3A_116 = tpu.memref_slice %arg15[%mul3A_114, %dma_start3A_115] : memref<10000x128xf32, #tpu.memory_space<vmem_shared>> -> memref<80x128xf32, #tpu.memory_space<vmem_shared>>
        %dma_start3A_117 = arith.constant 0 : i32
        %dma_start3A_118 = tpu.memref_slice %arg15[%mul3A_114, %dma_start3A_117] : memref<10000x128xf32, #tpu.memory_space<vmem_shared>> -> memref<80x128xf32, #tpu.memory_space<vmem_shared>>
        tpu.enqueue_dma source(%arg13 : memref<80x128xf32, #tpu.memory_space<vmem>>) target(%dma_start3A_118 : memref<80x128xf32, #tpu.memory_space<vmem_shared>>) target_semaphore(%run_scoped3A : memref<!tpu.dma_semaphore, #tpu.memory_space<semaphore_mem>>)
        %dma_wait3A_119 = arith.constant 0 : i32
        %dma_wait3A_120 = tpu.memref_slice %arg15[%mul3A_114, %dma_wait3A_119] : memref<10000x128xf32, #tpu.memory_space<vmem_shared>> -> memref<80x128xf32, #tpu.memory_space<vmem_shared>>
        %dma_wait3A_121 = arith.constant 0 : i32
        %dma_wait3A_122 = tpu.memref_slice %arg15[%mul3A_114, %dma_wait3A_121] : memref<10000x128xf32, #tpu.memory_space<vmem_shared>> -> memref<80x128xf32, #tpu.memory_space<vmem_shared>>
        tpu.wait_dma2 semaphore(%run_scoped3A : memref<!tpu.dma_semaphore, #tpu.memory_space<semaphore_mem>>) src(%arg13 : memref<80x128xf32, #tpu.memory_space<vmem>>) dst(%dma_wait3A_122 : memref<80x128xf32, #tpu.memory_space<vmem_shared>>)
        tpu.yield
      }) : () -> ()
    } else {
    }
    %add3A_34 = arith.constant 32 : i32
    %add3A_35 = arith.addi %arg1, %add3A_34 : i32
    %lt3A_36 = arith.constant 125 : i32
    %lt3A_37 = arith.cmpi slt, %add3A_35, %lt3A_36 : i32
    %convert_element_type3A_38 = arith.extui %lt3A_37 : i1 to i32
    %cond3A_39 = arith.constant 0 : i32
    %cond3A_40 = arith.cmpi ne, %convert_element_type3A_38, %cond3A_39 : i32
    scf.if %cond3A_40 {
      %mul3A_113 = arith.constant 80 : i32
      %mul3A_114 = arith.muli %add3A_35, %mul3A_113 : i32
      "tpu.region"() ({
        %run_scoped3A = tpu.sem_alloc : memref<!tpu.dma_semaphore, #tpu.memory_space<semaphore_mem>>
        %dma_start3A_115 = arith.constant 0 : i32
        %dma_start3A_116 = tpu.memref_slice %arg15[%mul3A_114, %dma_start3A_115] : memref<10000x128xf32, #tpu.memory_space<vmem_shared>> -> memref<80x128xf32, #tpu.memory_space<vmem_shared>>
        %dma_start3A_117 = arith.constant 0 : i32
        %dma_start3A_118 = tpu.memref_slice %arg15[%mul3A_114, %dma_start3A_117] : memref<10000x128xf32, #tpu.memory_space<vmem_shared>> -> memref<80x128xf32, #tpu.memory_space<vmem_shared>>
        tpu.enqueue_dma source(%arg13 : memref<80x128xf32, #tpu.memory_space<vmem>>) target(%dma_start3A_118 : memref<80x128xf32, #tpu.memory_space<vmem_shared>>) target_semaphore(%run_scoped3A : memref<!tpu.dma_semaphore, #tpu.memory_space<semaphore_mem>>)
        %dma_wait3A_119 = arith.constant 0 : i32
        %dma_wait3A_120 = tpu.memref_slice %arg15[%mul3A_114, %dma_wait3A_119] : memref<10000x128xf32, #tpu.memory_space<vmem_shared>> -> memref<80x128xf32, #tpu.memory_space<vmem_shared>>
        %dma_wait3A_121 = arith.constant 0 : i32
        %dma_wait3A_122 = tpu.memref_slice %arg15[%mul3A_114, %dma_wait3A_121] : memref<10000x128xf32, #tpu.memory_space<vmem_shared>> -> memref<80x128xf32, #tpu.memory_space<vmem_shared>>
        tpu.wait_dma2 semaphore(%run_scoped3A : memref<!tpu.dma_semaphore, #tpu.memory_space<semaphore_mem>>) src(%arg13 : memref<80x128xf32, #tpu.memory_space<vmem>>) dst(%dma_wait3A_122 : memref<80x128xf32, #tpu.memory_space<vmem_shared>>)
        tpu.yield
      }) : () -> ()
    } else {
    }
    %add3A_41 = arith.constant 48 : i32
    %add3A_42 = arith.addi %arg1, %add3A_41 : i32
    %lt3A_43 = arith.constant 125 : i32
    %lt3A_44 = arith.cmpi slt, %add3A_42, %lt3A_43 : i32
    %convert_element_type3A_45 = arith.extui %lt3A_44 : i1 to i32
    %cond3A_46 = arith.constant 0 : i32
    %cond3A_47 = arith.cmpi ne, %convert_element_type3A_45, %cond3A_46 : i32
    scf.if %cond3A_47 {
      %mul3A_113 = arith.constant 80 : i32
      %mul3A_114 = arith.muli %add3A_42, %mul3A_113 : i32
      "tpu.region"() ({
        %run_scoped3A = tpu.sem_alloc : memref<!tpu.dma_semaphore, #tpu.memory_space<semaphore_mem>>
        %dma_start3A_115 = arith.constant 0 : i32
        %dma_start3A_116 = tpu.memref_slice %arg15[%mul3A_114, %dma_start3A_115] : memref<10000x128xf32, #tpu.memory_space<vmem_shared>> -> memref<80x128xf32, #tpu.memory_space<vmem_shared>>
        %dma_start3A_117 = arith.constant 0 : i32
        %dma_start3A_118 = tpu.memref_slice %arg15[%mul3A_114, %dma_start3A_117] : memref<10000x128xf32, #tpu.memory_space<vmem_shared>> -> memref<80x128xf32, #tpu.memory_space<vmem_shared>>
        tpu.enqueue_dma source(%arg13 : memref<80x128xf32, #tpu.memory_space<vmem>>) target(%dma_start3A_118 : memref<80x128xf32, #tpu.memory_space<vmem_shared>>) target_semaphore(%run_scoped3A : memref<!tpu.dma_semaphore, #tpu.memory_space<semaphore_mem>>)
        %dma_wait3A_119 = arith.constant 0 : i32
        %dma_wait3A_120 = tpu.memref_slice %arg15[%mul3A_114, %dma_wait3A_119] : memref<10000x128xf32, #tpu.memory_space<vmem_shared>> -> memref<80x128xf32, #tpu.memory_space<vmem_shared>>
        %dma_wait3A_121 = arith.constant 0 : i32
        %dma_wait3A_122 = tpu.memref_slice %arg15[%mul3A_114, %dma_wait3A_121] : memref<10000x128xf32, #tpu.memory_space<vmem_shared>> -> memref<80x128xf32, #tpu.memory_space<vmem_shared>>
        tpu.wait_dma2 semaphore(%run_scoped3A : memref<!tpu.dma_semaphore, #tpu.memory_space<semaphore_mem>>) src(%arg13 : memref<80x128xf32, #tpu.memory_space<vmem>>) dst(%dma_wait3A_122 : memref<80x128xf32, #tpu.memory_space<vmem_shared>>)
        tpu.yield
      }) : () -> ()
    } else {
    }
    %add3A_48 = arith.constant 64 : i32
    %add3A_49 = arith.addi %arg1, %add3A_48 : i32
    %lt3A_50 = arith.constant 125 : i32
    %lt3A_51 = arith.cmpi slt, %add3A_49, %lt3A_50 : i32
    %convert_element_type3A_52 = arith.extui %lt3A_51 : i1 to i32
    %cond3A_53 = arith.constant 0 : i32
    %cond3A_54 = arith.cmpi ne, %convert_element_type3A_52, %cond3A_53 : i32
    scf.if %cond3A_54 {
      %mul3A_113 = arith.constant 80 : i32
      %mul3A_114 = arith.muli %add3A_49, %mul3A_113 : i32
      "tpu.region"() ({
        %run_scoped3A = tpu.sem_alloc : memref<!tpu.dma_semaphore, #tpu.memory_space<semaphore_mem>>
        %dma_start3A_115 = arith.constant 0 : i32
        %dma_start3A_116 = tpu.memref_slice %arg15[%mul3A_114, %dma_start3A_115] : memref<10000x128xf32, #tpu.memory_space<vmem_shared>> -> memref<80x128xf32, #tpu.memory_space<vmem_shared>>
        %dma_start3A_117 = arith.constant 0 : i32
        %dma_start3A_118 = tpu.memref_slice %arg15[%mul3A_114, %dma_start3A_117] : memref<10000x128xf32, #tpu.memory_space<vmem_shared>> -> memref<80x128xf32, #tpu.memory_space<vmem_shared>>
        tpu.enqueue_dma source(%arg13 : memref<80x128xf32, #tpu.memory_space<vmem>>) target(%dma_start3A_118 : memref<80x128xf32, #tpu.memory_space<vmem_shared>>) target_semaphore(%run_scoped3A : memref<!tpu.dma_semaphore, #tpu.memory_space<semaphore_mem>>)
        %dma_wait3A_119 = arith.constant 0 : i32
        %dma_wait3A_120 = tpu.memref_slice %arg15[%mul3A_114, %dma_wait3A_119] : memref<10000x128xf32, #tpu.memory_space<vmem_shared>> -> memref<80x128xf32, #tpu.memory_space<vmem_shared>>
        %dma_wait3A_121 = arith.constant 0 : i32
        %dma_wait3A_122 = tpu.memref_slice %arg15[%mul3A_114, %dma_wait3A_121] : memref<10000x128xf32, #tpu.memory_space<vmem_shared>> -> memref<80x128xf32, #tpu.memory_space<vmem_shared>>
        tpu.wait_dma2 semaphore(%run_scoped3A : memref<!tpu.dma_semaphore, #tpu.memory_space<semaphore_mem>>) src(%arg13 : memref<80x128xf32, #tpu.memory_space<vmem>>) dst(%dma_wait3A_122 : memref<80x128xf32, #tpu.memory_space<vmem_shared>>)
        tpu.yield
      }) : () -> ()
    } else {
    }
    %add3A_55 = arith.constant 80 : i32
    %add3A_56 = arith.addi %arg1, %add3A_55 : i32
    %lt3A_57 = arith.constant 125 : i32
    %lt3A_58 = arith.cmpi slt, %add3A_56, %lt3A_57 : i32
    %convert_element_type3A_59 = arith.extui %lt3A_58 : i1 to i32
    %cond3A_60 = arith.constant 0 : i32
    %cond3A_61 = arith.cmpi ne, %convert_element_type3A_59, %cond3A_60 : i32
    scf.if %cond3A_61 {
      %mul3A_113 = arith.constant 80 : i32
      %mul3A_114 = arith.muli %add3A_56, %mul3A_113 : i32
      "tpu.region"() ({
        %run_scoped3A = tpu.sem_alloc : memref<!tpu.dma_semaphore, #tpu.memory_space<semaphore_mem>>
        %dma_start3A_115 = arith.constant 0 : i32
        %dma_start3A_116 = tpu.memref_slice %arg15[%mul3A_114, %dma_start3A_115] : memref<10000x128xf32, #tpu.memory_space<vmem_shared>> -> memref<80x128xf32, #tpu.memory_space<vmem_shared>>
        %dma_start3A_117 = arith.constant 0 : i32
        %dma_start3A_118 = tpu.memref_slice %arg15[%mul3A_114, %dma_start3A_117] : memref<10000x128xf32, #tpu.memory_space<vmem_shared>> -> memref<80x128xf32, #tpu.memory_space<vmem_shared>>
        tpu.enqueue_dma source(%arg13 : memref<80x128xf32, #tpu.memory_space<vmem>>) target(%dma_start3A_118 : memref<80x128xf32, #tpu.memory_space<vmem_shared>>) target_semaphore(%run_scoped3A : memref<!tpu.dma_semaphore, #tpu.memory_space<semaphore_mem>>)
        %dma_wait3A_119 = arith.constant 0 : i32
        %dma_wait3A_120 = tpu.memref_slice %arg15[%mul3A_114, %dma_wait3A_119] : memref<10000x128xf32, #tpu.memory_space<vmem_shared>> -> memref<80x128xf32, #tpu.memory_space<vmem_shared>>
        %dma_wait3A_121 = arith.constant 0 : i32
        %dma_wait3A_122 = tpu.memref_slice %arg15[%mul3A_114, %dma_wait3A_121] : memref<10000x128xf32, #tpu.memory_space<vmem_shared>> -> memref<80x128xf32, #tpu.memory_space<vmem_shared>>
        tpu.wait_dma2 semaphore(%run_scoped3A : memref<!tpu.dma_semaphore, #tpu.memory_space<semaphore_mem>>) src(%arg13 : memref<80x128xf32, #tpu.memory_space<vmem>>) dst(%dma_wait3A_122 : memref<80x128xf32, #tpu.memory_space<vmem_shared>>)
        tpu.yield
      }) : () -> ()
    } else {
    }
    %add3A_62 = arith.constant 96 : i32
    %add3A_63 = arith.addi %arg1, %add3A_62 : i32
    %lt3A_64 = arith.constant 125 : i32
    %lt3A_65 = arith.cmpi slt, %add3A_63, %lt3A_64 : i32
    %convert_element_type3A_66 = arith.extui %lt3A_65 : i1 to i32
    %cond3A_67 = arith.constant 0 : i32
    %cond3A_68 = arith.cmpi ne, %convert_element_type3A_66, %cond3A_67 : i32
    scf.if %cond3A_68 {
      %mul3A_113 = arith.constant 80 : i32
      %mul3A_114 = arith.muli %add3A_63, %mul3A_113 : i32
      "tpu.region"() ({
        %run_scoped3A = tpu.sem_alloc : memref<!tpu.dma_semaphore, #tpu.memory_space<semaphore_mem>>
        %dma_start3A_115 = arith.constant 0 : i32
        %dma_start3A_116 = tpu.memref_slice %arg15[%mul3A_114, %dma_start3A_115] : memref<10000x128xf32, #tpu.memory_space<vmem_shared>> -> memref<80x128xf32, #tpu.memory_space<vmem_shared>>
        %dma_start3A_117 = arith.constant 0 : i32
        %dma_start3A_118 = tpu.memref_slice %arg15[%mul3A_114, %dma_start3A_117] : memref<10000x128xf32, #tpu.memory_space<vmem_shared>> -> memref<80x128xf32, #tpu.memory_space<vmem_shared>>
        tpu.enqueue_dma source(%arg13 : memref<80x128xf32, #tpu.memory_space<vmem>>) target(%dma_start3A_118 : memref<80x128xf32, #tpu.memory_space<vmem_shared>>) target_semaphore(%run_scoped3A : memref<!tpu.dma_semaphore, #tpu.memory_space<semaphore_mem>>)
        %dma_wait3A_119 = arith.constant 0 : i32
        %dma_wait3A_120 = tpu.memref_slice %arg15[%mul3A_114, %dma_wait3A_119] : memref<10000x128xf32, #tpu.memory_space<vmem_shared>> -> memref<80x128xf32, #tpu.memory_space<vmem_shared>>
        %dma_wait3A_121 = arith.constant 0 : i32
        %dma_wait3A_122 = tpu.memref_slice %arg15[%mul3A_114, %dma_wait3A_121] : memref<10000x128xf32, #tpu.memory_space<vmem_shared>> -> memref<80x128xf32, #tpu.memory_space<vmem_shared>>
        tpu.wait_dma2 semaphore(%run_scoped3A : memref<!tpu.dma_semaphore, #tpu.memory_space<semaphore_mem>>) src(%arg13 : memref<80x128xf32, #tpu.memory_space<vmem>>) dst(%dma_wait3A_122 : memref<80x128xf32, #tpu.memory_space<vmem_shared>>)
        tpu.yield
      }) : () -> ()
    } else {
    }
    %add3A_69 = arith.constant 112 : i32
    %add3A_70 = arith.addi %arg1, %add3A_69 : i32
    %lt3A_71 = arith.constant 125 : i32
    %lt3A_72 = arith.cmpi slt, %add3A_70, %lt3A_71 : i32
    %convert_element_type3A_73 = arith.extui %lt3A_72 : i1 to i32
    %cond3A_74 = arith.constant 0 : i32
    %cond3A_75 = arith.cmpi ne, %convert_element_type3A_73, %cond3A_74 : i32
    scf.if %cond3A_75 {
      %mul3A_113 = arith.constant 80 : i32
      %mul3A_114 = arith.muli %add3A_70, %mul3A_113 : i32
      "tpu.region"() ({
        %run_scoped3A = tpu.sem_alloc : memref<!tpu.dma_semaphore, #tpu.memory_space<semaphore_mem>>
        %dma_start3A_115 = arith.constant 0 : i32
        %dma_start3A_116 = tpu.memref_slice %arg15[%mul3A_114, %dma_start3A_115] : memref<10000x128xf32, #tpu.memory_space<vmem_shared>> -> memref<80x128xf32, #tpu.memory_space<vmem_shared>>
        %dma_start3A_117 = arith.constant 0 : i32
        %dma_start3A_118 = tpu.memref_slice %arg15[%mul3A_114, %dma_start3A_117] : memref<10000x128xf32, #tpu.memory_space<vmem_shared>> -> memref<80x128xf32, #tpu.memory_space<vmem_shared>>
        tpu.enqueue_dma source(%arg13 : memref<80x128xf32, #tpu.memory_space<vmem>>) target(%dma_start3A_118 : memref<80x128xf32, #tpu.memory_space<vmem_shared>>) target_semaphore(%run_scoped3A : memref<!tpu.dma_semaphore, #tpu.memory_space<semaphore_mem>>)
        %dma_wait3A_119 = arith.constant 0 : i32
        %dma_wait3A_120 = tpu.memref_slice %arg15[%mul3A_114, %dma_wait3A_119] : memref<10000x128xf32, #tpu.memory_space<vmem_shared>> -> memref<80x128xf32, #tpu.memory_space<vmem_shared>>
        %dma_wait3A_121 = arith.constant 0 : i32
        %dma_wait3A_122 = tpu.memref_slice %arg15[%mul3A_114, %dma_wait3A_121] : memref<10000x128xf32, #tpu.memory_space<vmem_shared>> -> memref<80x128xf32, #tpu.memory_space<vmem_shared>>
        tpu.wait_dma2 semaphore(%run_scoped3A : memref<!tpu.dma_semaphore, #tpu.memory_space<semaphore_mem>>) src(%arg13 : memref<80x128xf32, #tpu.memory_space<vmem>>) dst(%dma_wait3A_122 : memref<80x128xf32, #tpu.memory_space<vmem_shared>>)
        tpu.yield
      }) : () -> ()
    } else {
    }
    %barrier3A = arith.constant 0 : index
    tpu.barrier barrier_id(%barrier3A)
    %dma_wait3A = tpu.memref_slice %arg4[%mul3A_2] : memref<320000xi32, #tpu.memory_space<hbm>> -> memref<10000xi32, #tpu.memory_space<hbm>>
    %dma_wait3A_76 = tpu.memref_slice %arg4[%mul3A_2] : memref<320000xi32, #tpu.memory_space<hbm>> -> memref<10000xi32, #tpu.memory_space<hbm>>
    tpu.wait_dma2 semaphore(%arg18 : memref<!tpu.dma_semaphore, #tpu.memory_space<semaphore_mem>>) src(%dma_wait3A_76 : memref<10000xi32, #tpu.memory_space<hbm>>) dst(%arg7 : memref<10000xi32, #tpu.memory_space<vmem>>)
    %dma_wait3A_77 = tpu.memref_slice %arg3[%mul3A_2] : memref<320000xi32, #tpu.memory_space<hbm>> -> memref<10000xi32, #tpu.memory_space<hbm>>
    %dma_wait3A_78 = tpu.memref_slice %arg3[%mul3A_2] : memref<320000xi32, #tpu.memory_space<hbm>> -> memref<10000xi32, #tpu.memory_space<hbm>>
    tpu.wait_dma2 semaphore(%arg18 : memref<!tpu.dma_semaphore, #tpu.memory_space<semaphore_mem>>) src(%dma_wait3A_78 : memref<10000xi32, #tpu.memory_space<hbm>>) dst(%arg8 : memref<10000xi32, #tpu.memory_space<vmem>>)
    %mul3A_79 = arith.constant 10000 : i32
    %mul3A_80 = arith.muli %add3A, %mul3A_79 : i32
    %add3A_81 = arith.constant 0 : i32
    %add3A_82 = arith.addi %mul3A_80, %add3A_81 : i32
    %dma_wait3A_83 = tpu.memref_slice %arg5[%add3A_82] : memref<320000xf32, #tpu.memory_space<hbm>> -> memref<80xf32, #tpu.memory_space<hbm>>
    %dma_wait3A_84 = tpu.memref_slice %arg5[%add3A_82] : memref<320000xf32, #tpu.memory_space<hbm>> -> memref<80xf32, #tpu.memory_space<hbm>>
    tpu.wait_dma2 semaphore(%arg16 : memref<!tpu.dma_semaphore, #tpu.memory_space<semaphore_mem>>) src(%dma_wait3A_84 : memref<80xf32, #tpu.memory_space<hbm>>) dst(%arg9 : memref<80xf32, #tpu.memory_space<vmem>>)
    %dma_start3A_85 = arith.constant 0 : i32
    %dma_start3A_86 = tpu.memref_slice %arg7[%dma_start3A_85] : memref<10000xi32, #tpu.memory_space<vmem>> -> memref<80xi32, #tpu.memory_space<vmem>>
    %dma_start3A_87 = arith.constant 0 : i32
    %dma_start3A_88 = arith.constant 0 : i32
    %dma_start3A_89 = tpu.memref_slice %arg2[%dma_start3A_87, %dma_start3A_88] : memref<10000x128xf32, #tpu.memory_space<hbm>> -> memref<10000x128xf32, #tpu.memory_space<hbm>>
    tpu.enqueue_indirect_dma source(%dma_start3A_89 : memref<10000x128xf32, #tpu.memory_space<hbm>>) target(%arg13 : memref<80x128xf32, #tpu.memory_space<vmem>>) offsets(%dma_start3A_86 : memref<80xi32, #tpu.memory_space<vmem>>) semaphore(%arg18 : memref<!tpu.dma_semaphore, #tpu.memory_space<semaphore_mem>>)
    %scan3A_90 = arith.constant 0 : i32
    %scan3A_91 = arith.constant 63 : i32
    %scan3A_92 = arith.addi %scan3A_90, %scan3A_91 : i32
    %scan3A_93 = arith.constant 1 : i32
    scf.for %scan3A_113 = %scan3A_90 to %scan3A_92 step %scan3A_93  : i32 {
      %mul3A_114 = arith.constant 2 : i32
      %mul3A_115 = arith.muli %scan3A_113, %mul3A_114 : i32
      %add3A_116 = arith.constant 0 : i32
      %add3A_117 = arith.addi %add3A_116, %mul3A_115 : i32
      %mul3A_118 = arith.constant 80 : i32
      %mul3A_119 = arith.muli %add3A_117, %mul3A_118 : i32
      %dma_wait3A_120 = tpu.memref_slice %arg7[%mul3A_119] : memref<10000xi32, #tpu.memory_space<vmem>> -> memref<80xi32, #tpu.memory_space<vmem>>
      %dma_wait3A_121 = arith.constant 0 : i32
      %dma_wait3A_122 = arith.constant 0 : i32
      %dma_wait3A_123 = tpu.memref_slice %arg2[%dma_wait3A_121, %dma_wait3A_122] : memref<10000x128xf32, #tpu.memory_space<hbm>> -> memref<10000x128xf32, #tpu.memory_space<hbm>>
      tpu.wait_indirect_dma semaphore(%arg18 : memref<!tpu.dma_semaphore, #tpu.memory_space<semaphore_mem>>) src(%dma_wait3A_123 : memref<10000x128xf32, #tpu.memory_space<hbm>>) dst(%arg13 : memref<80x128xf32, #tpu.memory_space<vmem>>)
      %add3A_124 = arith.constant 1 : i32
      %add3A_125 = arith.addi %add3A_117, %add3A_124 : i32
      %lt3A_126 = arith.constant 125 : i32
      %lt3A_127 = arith.cmpi slt, %add3A_125, %lt3A_126 : i32
      %convert_element_type3A_128 = arith.extui %lt3A_127 : i1 to i32
      %cond3A_129 = arith.constant 0 : i32
      %cond3A_130 = arith.cmpi ne, %convert_element_type3A_128, %cond3A_129 : i32
      scf.if %cond3A_130 {
        %add3A_217 = arith.constant 1 : i32
        %add3A_218 = arith.addi %add3A_117, %add3A_217 : i32
        %mul3A_219 = arith.constant 10000 : i32
        %mul3A_220 = arith.muli %add3A, %mul3A_219 : i32
        %mul3A_221 = arith.constant 80 : i32
        %mul3A_222 = arith.muli %add3A_218, %mul3A_221 : i32
        %add3A_223 = arith.addi %mul3A_220, %mul3A_222 : i32
        %dma_wait3A_224 = tpu.memref_slice %arg5[%add3A_223] : memref<320000xf32, #tpu.memory_space<hbm>> -> memref<80xf32, #tpu.memory_space<hbm>>
        %dma_wait3A_225 = tpu.memref_slice %arg5[%add3A_223] : memref<320000xf32, #tpu.memory_space<hbm>> -> memref<80xf32, #tpu.memory_space<hbm>>
        tpu.wait_dma2 semaphore(%arg17 : memref<!tpu.dma_semaphore, #tpu.memory_space<semaphore_mem>>) src(%dma_wait3A_225 : memref<80xf32, #tpu.memory_space<hbm>>) dst(%arg10 : memref<80xf32, #tpu.memory_space<vmem>>)
      } else {
      }
      %gt3A = arith.constant 0 : i32
      %gt3A_131 = arith.cmpi sgt, %add3A_117, %gt3A : i32
      %convert_element_type3A_132 = arith.extui %gt3A_131 : i1 to i32
      %cond3A_133 = arith.constant 0 : i32
      %cond3A_134 = arith.cmpi ne, %convert_element_type3A_132, %cond3A_133 : i32
      scf.if %cond3A_134 {
        %dma_wait3A_217 = arith.constant 0 : i32
        %dma_wait3A_218 = arith.constant 0 : i32
        %dma_wait3A_219 = tpu.memref_slice %arg15[%dma_wait3A_217, %dma_wait3A_218] : memref<10000x128xf32, #tpu.memory_space<vmem_shared>> -> memref<10000x128xf32, #tpu.memory_space<vmem_shared>>
        tpu.wait_indirect_dma semaphore(%arg19 : memref<!tpu.dma_semaphore, #tpu.memory_space<semaphore_mem>>) src(%arg14 : memref<80x128xf32, #tpu.memory_space<vmem>>) dst(%dma_wait3A_219 : memref<10000x128xf32, #tpu.memory_space<vmem_shared>>)
      } else {
      }
      %add3A_135 = arith.constant 1 : i32
      %add3A_136 = arith.addi %add3A_117, %add3A_135 : i32
      %lt3A_137 = arith.constant 125 : i32
      %lt3A_138 = arith.cmpi slt, %add3A_136, %lt3A_137 : i32
      %convert_element_type3A_139 = arith.extui %lt3A_138 : i1 to i32
      %cond3A_140 = arith.constant 0 : i32
      %cond3A_141 = arith.cmpi ne, %convert_element_type3A_139, %cond3A_140 : i32
      scf.if %cond3A_141 {
        %add3A_217 = arith.constant 1 : i32
        %add3A_218 = arith.addi %add3A_117, %add3A_217 : i32
        %mul3A_219 = arith.constant 80 : i32
        %mul3A_220 = arith.muli %add3A_218, %mul3A_219 : i32
        %dma_start3A_221 = tpu.memref_slice %arg7[%mul3A_220] : memref<10000xi32, #tpu.memory_space<vmem>> -> memref<80xi32, #tpu.memory_space<vmem>>
        %dma_start3A_222 = arith.constant 0 : i32
        %dma_start3A_223 = arith.constant 0 : i32
        %dma_start3A_224 = tpu.memref_slice %arg2[%dma_start3A_222, %dma_start3A_223] : memref<10000x128xf32, #tpu.memory_space<hbm>> -> memref<10000x128xf32, #tpu.memory_space<hbm>>
        tpu.enqueue_indirect_dma source(%dma_start3A_224 : memref<10000x128xf32, #tpu.memory_space<hbm>>) target(%arg14 : memref<80x128xf32, #tpu.memory_space<vmem>>) offsets(%dma_start3A_221 : memref<80xi32, #tpu.memory_space<vmem>>) semaphore(%arg18 : memref<!tpu.dma_semaphore, #tpu.memory_space<semaphore_mem>>)
      } else {
      }
      %scan3A_142 = arith.constant 0 : i32
      %scan3A_143 = arith.constant 5 : i32
      %scan3A_144 = arith.addi %scan3A_142, %scan3A_143 : i32
      %scan3A_145 = arith.constant 1 : i32
      scf.for %scan3A_217 = %scan3A_142 to %scan3A_144 step %scan3A_145  : i32 {
        %mul3A_218 = arith.constant 1 : i32
        %mul3A_219 = arith.muli %scan3A_217, %mul3A_218 : i32
        %add3A_220 = arith.constant 0 : i32
        %add3A_221 = arith.addi %add3A_220, %mul3A_219 : i32
        %mul3A_222 = arith.constant 16 : i32
        %mul3A_223 = arith.muli %add3A_221, %mul3A_222 : i32
        %get3A_224 = arith.index_cast %mul3A_223 : i32 to index
        %get3A_225 = tpu.vector_load %arg9[%get3A_224] {strides = array<i32>} : memref<80xf32, #tpu.memory_space<vmem>>, vector<16xf32>,
        %get3A_226 = vector.shape_cast %get3A_225 : vector<16xf32> to vector<16xf32>
        %slice3A = vector.extract_strided_slice %get3A_226 {offsets = [0], sizes = [1], strides = [1]} : vector<16xf32> to vector<1xf32>
        %squeeze3A = vector.extract %slice3A[0] : f32 from vector<1xf32>
        %broadcast_in_dim3A_227 = vector.broadcast %squeeze3A : f32 to vector<16xf32>
        %mul3A_228 = arith.constant 16 : i32
        %mul3A_229 = arith.muli %add3A_221, %mul3A_228 : i32
        %add3A_230 = arith.constant 0 : i32
        %add3A_231 = arith.addi %mul3A_229, %add3A_230 : i32
        %get3A_232 = arith.index_cast %add3A_231 : i32 to index
        %get3A_233 = arith.constant 0 : index
        %get3A_234 = tpu.vector_load %arg13[%get3A_232, %get3A_233] {strides = array<i32>} : memref<80x128xf32, #tpu.memory_space<vmem>>, vector<1x16xf32>,
        %get3A_235 = vector.shape_cast %get3A_234 : vector<1x16xf32> to vector<16xf32>
        %mul3A_236 = arith.mulf %get3A_235, %broadcast_in_dim3A_227 : vector<16xf32>
        %swap3A_237 = arith.index_cast %add3A_231 : i32 to index
        %swap3A_238 = arith.constant 0 : index
        %swap3A_239 = tpu.vector_load %arg13[%swap3A_237, %swap3A_238] {strides = array<i32>} : memref<80x128xf32, #tpu.memory_space<vmem>>, vector<1x16xf32>,
        %swap3A_240 = vector.shape_cast %swap3A_239 : vector<1x16xf32> to vector<16xf32>
        %swap3A_241 = vector.shape_cast %mul3A_236 : vector<16xf32> to vector<1x16xf32>
        tpu.vector_store %arg13[%swap3A_237, %swap3A_238], %swap3A_241 {strides = array<i32>} : memref<80x128xf32, #tpu.memory_space<vmem>>, vector<1x16xf32>,
        %get3A_242 = arith.index_cast %add3A_231 : i32 to index
        %get3A_243 = arith.constant 16 : index
        %get3A_244 = tpu.vector_load %arg13[%get3A_242, %get3A_243] {strides = array<i32>} : memref<80x128xf32, #tpu.memory_space<vmem>>, vector<1x16xf32>,
        %get3A_245 = vector.shape_cast %get3A_244 : vector<1x16xf32> to vector<16xf32>
        %mul3A_246 = arith.mulf %get3A_245, %broadcast_in_dim3A_227 : vector<16xf32>
        %swap3A_247 = arith.index_cast %add3A_231 : i32 to index
        %swap3A_248 = arith.constant 16 : index
        %swap3A_249 = tpu.vector_load %arg13[%swap3A_247, %swap3A_248] {strides = array<i32>} : memref<80x128xf32, #tpu.memory_space<vmem>>, vector<1x16xf32>,
        %swap3A_250 = vector.shape_cast %swap3A_249 : vector<1x16xf32> to vector<16xf32>
        %swap3A_251 = vector.shape_cast %mul3A_246 : vector<16xf32> to vector<1x16xf32>
        tpu.vector_store %arg13[%swap3A_247, %swap3A_248], %swap3A_251 {strides = array<i32>} : memref<80x128xf32, #tpu.memory_space<vmem>>, vector<1x16xf32>,
        %get3A_252 = arith.index_cast %add3A_231 : i32 to index
        %get3A_253 = arith.constant 32 : index
        %get3A_254 = tpu.vector_load %arg13[%get3A_252, %get3A_253] {strides = array<i32>} : memref<80x128xf32, #tpu.memory_space<vmem>>, vector<1x16xf32>,
        %get3A_255 = vector.shape_cast %get3A_254 : vector<1x16xf32> to vector<16xf32>
        %mul3A_256 = arith.mulf %get3A_255, %broadcast_in_dim3A_227 : vector<16xf32>
        %swap3A_257 = arith.index_cast %add3A_231 : i32 to index
        %swap3A_258 = arith.constant 32 : index
        %swap3A_259 = tpu.vector_load %arg13[%swap3A_257, %swap3A_258] {strides = array<i32>} : memref<80x128xf32, #tpu.memory_space<vmem>>, vector<1x16xf32>,
        %swap3A_260 = vector.shape_cast %swap3A_259 : vector<1x16xf32> to vector<16xf32>
        %swap3A_261 = vector.shape_cast %mul3A_256 : vector<16xf32> to vector<1x16xf32>
        tpu.vector_store %arg13[%swap3A_257, %swap3A_258], %swap3A_261 {strides = array<i32>} : memref<80x128xf32, #tpu.memory_space<vmem>>, vector<1x16xf32>,
        %get3A_262 = arith.index_cast %add3A_231 : i32 to index
        %get3A_263 = arith.constant 48 : index
        %get3A_264 = tpu.vector_load %arg13[%get3A_262, %get3A_263] {strides = array<i32>} : memref<80x128xf32, #tpu.memory_space<vmem>>, vector<1x16xf32>,
        %get3A_265 = vector.shape_cast %get3A_264 : vector<1x16xf32> to vector<16xf32>
        %mul3A_266 = arith.mulf %get3A_265, %broadcast_in_dim3A_227 : vector<16xf32>
        %swap3A_267 = arith.index_cast %add3A_231 : i32 to index
        %swap3A_268 = arith.constant 48 : index
        %swap3A_269 = tpu.vector_load %arg13[%swap3A_267, %swap3A_268] {strides = array<i32>} : memref<80x128xf32, #tpu.memory_space<vmem>>, vector<1x16xf32>,
        %swap3A_270 = vector.shape_cast %swap3A_269 : vector<1x16xf32> to vector<16xf32>
        %swap3A_271 = vector.shape_cast %mul3A_266 : vector<16xf32> to vector<1x16xf32>
        tpu.vector_store %arg13[%swap3A_267, %swap3A_268], %swap3A_271 {strides = array<i32>} : memref<80x128xf32, #tpu.memory_space<vmem>>, vector<1x16xf32>,
        %get3A_272 = arith.index_cast %add3A_231 : i32 to index
        %get3A_273 = arith.constant 64 : index
        %get3A_274 = tpu.vector_load %arg13[%get3A_272, %get3A_273] {strides = array<i32>} : memref<80x128xf32, #tpu.memory_space<vmem>>, vector<1x16xf32>,
        %get3A_275 = vector.shape_cast %get3A_274 : vector<1x16xf32> to vector<16xf32>
        %mul3A_276 = arith.mulf %get3A_275, %broadcast_in_dim3A_227 : vector<16xf32>
        %swap3A_277 = arith.index_cast %add3A_231 : i32 to index
        %swap3A_278 = arith.constant 64 : index
        %swap3A_279 = tpu.vector_load %arg13[%swap3A_277, %swap3A_278] {strides = array<i32>} : memref<80x128xf32, #tpu.memory_space<vmem>>, vector<1x16xf32>,
        %swap3A_280 = vector.shape_cast %swap3A_279 : vector<1x16xf32> to vector<16xf32>
        %swap3A_281 = vector.shape_cast %mul3A_276 : vector<16xf32> to vector<1x16xf32>
        tpu.vector_store %arg13[%swap3A_277, %swap3A_278], %swap3A_281 {strides = array<i32>} : memref<80x128xf32, #tpu.memory_space<vmem>>, vector<1x16xf32>,
        %get3A_282 = arith.index_cast %add3A_231 : i32 to index
        %get3A_283 = arith.constant 80 : index
        %get3A_284 = tpu.vector_load %arg13[%get3A_282, %get3A_283] {strides = array<i32>} : memref<80x128xf32, #tpu.memory_space<vmem>>, vector<1x16xf32>,
        %get3A_285 = vector.shape_cast %get3A_284 : vector<1x16xf32> to vector<16xf32>
        %mul3A_286 = arith.mulf %get3A_285, %broadcast_in_dim3A_227 : vector<16xf32>
        %swap3A_287 = arith.index_cast %add3A_231 : i32 to index
        %swap3A_288 = arith.constant 80 : index
        %swap3A_289 = tpu.vector_load %arg13[%swap3A_287, %swap3A_288] {strides = array<i32>} : memref<80x128xf32, #tpu.memory_space<vmem>>, vector<1x16xf32>,
        %swap3A_290 = vector.shape_cast %swap3A_289 : vector<1x16xf32> to vector<16xf32>
        %swap3A_291 = vector.shape_cast %mul3A_286 : vector<16xf32> to vector<1x16xf32>
        tpu.vector_store %arg13[%swap3A_287, %swap3A_288], %swap3A_291 {strides = array<i32>} : memref<80x128xf32, #tpu.memory_space<vmem>>, vector<1x16xf32>,
        %get3A_292 = arith.index_cast %add3A_231 : i32 to index
        %get3A_293 = arith.constant 96 : index
        %get3A_294 = tpu.vector_load %arg13[%get3A_292, %get3A_293] {strides = array<i32>} : memref<80x128xf32, #tpu.memory_space<vmem>>, vector<1x16xf32>,
        %get3A_295 = vector.shape_cast %get3A_294 : vector<1x16xf32> to vector<16xf32>
        %mul3A_296 = arith.mulf %get3A_295, %broadcast_in_dim3A_227 : vector<16xf32>
        %swap3A_297 = arith.index_cast %add3A_231 : i32 to index
        %swap3A_298 = arith.constant 96 : index
        %swap3A_299 = tpu.vector_load %arg13[%swap3A_297, %swap3A_298] {strides = array<i32>} : memref<80x128xf32, #tpu.memory_space<vmem>>, vector<1x16xf32>,
        %swap3A_300 = vector.shape_cast %swap3A_299 : vector<1x16xf32> to vector<16xf32>
        %swap3A_301 = vector.shape_cast %mul3A_296 : vector<16xf32> to vector<1x16xf32>
        tpu.vector_store %arg13[%swap3A_297, %swap3A_298], %swap3A_301 {strides = array<i32>} : memref<80x128xf32, #tpu.memory_space<vmem>>, vector<1x16xf32>,
        %get3A_302 = arith.index_cast %add3A_231 : i32 to index
        %get3A_303 = arith.constant 112 : index
        %get3A_304 = tpu.vector_load %arg13[%get3A_302, %get3A_303] {strides = array<i32>} : memref<80x128xf32, #tpu.memory_space<vmem>>, vector<1x16xf32>,
        %get3A_305 = vector.shape_cast %get3A_304 : vector<1x16xf32> to vector<16xf32>
        %mul3A_306 = arith.mulf %get3A_305, %broadcast_in_dim3A_227 : vector<16xf32>
        %swap3A_307 = arith.index_cast %add3A_231 : i32 to index
        %swap3A_308 = arith.constant 112 : index
        %swap3A_309 = tpu.vector_load %arg13[%swap3A_307, %swap3A_308] {strides = array<i32>} : memref<80x128xf32, #tpu.memory_space<vmem>>, vector<1x16xf32>,
        %swap3A_310 = vector.shape_cast %swap3A_309 : vector<1x16xf32> to vector<16xf32>
        %swap3A_311 = vector.shape_cast %mul3A_306 : vector<16xf32> to vector<1x16xf32>
        tpu.vector_store %arg13[%swap3A_307, %swap3A_308], %swap3A_311 {strides = array<i32>} : memref<80x128xf32, #tpu.memory_space<vmem>>, vector<1x16xf32>,
        %slice3A_312 = vector.extract_strided_slice %get3A_226 {offsets = [1], sizes = [1], strides = [1]} : vector<16xf32> to vector<1xf32>
        %squeeze3A_313 = vector.extract %slice3A_312[0] : f32 from vector<1xf32>
        %broadcast_in_dim3A_314 = vector.broadcast %squeeze3A_313 : f32 to vector<16xf32>
        %mul3A_315 = arith.constant 16 : i32
        %mul3A_316 = arith.muli %add3A_221, %mul3A_315 : i32
        %add3A_317 = arith.constant 1 : i32
        %add3A_318 = arith.addi %mul3A_316, %add3A_317 : i32
        %get3A_319 = arith.index_cast %add3A_318 : i32 to index
        %get3A_320 = arith.constant 0 : index
        %get3A_321 = tpu.vector_load %arg13[%get3A_319, %get3A_320] {strides = array<i32>} : memref<80x128xf32, #tpu.memory_space<vmem>>, vector<1x16xf32>,
        %get3A_322 = vector.shape_cast %get3A_321 : vector<1x16xf32> to vector<16xf32>
        %mul3A_323 = arith.mulf %get3A_322, %broadcast_in_dim3A_314 : vector<16xf32>
        %swap3A_324 = arith.index_cast %add3A_318 : i32 to index
        %swap3A_325 = arith.constant 0 : index
        %swap3A_326 = tpu.vector_load %arg13[%swap3A_324, %swap3A_325] {strides = array<i32>} : memref<80x128xf32, #tpu.memory_space<vmem>>, vector<1x16xf32>,
        %swap3A_327 = vector.shape_cast %swap3A_326 : vector<1x16xf32> to vector<16xf32>
        %swap3A_328 = vector.shape_cast %mul3A_323 : vector<16xf32> to vector<1x16xf32>
        tpu.vector_store %arg13[%swap3A_324, %swap3A_325], %swap3A_328 {strides = array<i32>} : memref<80x128xf32, #tpu.memory_space<vmem>>, vector<1x16xf32>,
        %get3A_329 = arith.index_cast %add3A_318 : i32 to index
        %get3A_330 = arith.constant 16 : index
        %get3A_331 = tpu.vector_load %arg13[%get3A_329, %get3A_330] {strides = array<i32>} : memref<80x128xf32, #tpu.memory_space<vmem>>, vector<1x16xf32>,
        %get3A_332 = vector.shape_cast %get3A_331 : vector<1x16xf32> to vector<16xf32>
        %mul3A_333 = arith.mulf %get3A_332, %broadcast_in_dim3A_314 : vector<16xf32>
        %swap3A_334 = arith.index_cast %add3A_318 : i32 to index
        %swap3A_335 = arith.constant 16 : index
        %swap3A_336 = tpu.vector_load %arg13[%swap3A_334, %swap3A_335] {strides = array<i32>} : memref<80x128xf32, #tpu.memory_space<vmem>>, vector<1x16xf32>,
        %swap3A_337 = vector.shape_cast %swap3A_336 : vector<1x16xf32> to vector<16xf32>
        %swap3A_338 = vector.shape_cast %mul3A_333 : vector<16xf32> to vector<1x16xf32>
        tpu.vector_store %arg13[%swap3A_334, %swap3A_335], %swap3A_338 {strides = array<i32>} : memref<80x128xf32, #tpu.memory_space<vmem>>, vector<1x16xf32>,
        %get3A_339 = arith.index_cast %add3A_318 : i32 to index
        %get3A_340 = arith.constant 32 : index
        %get3A_341 = tpu.vector_load %arg13[%get3A_339, %get3A_340] {strides = array<i32>} : memref<80x128xf32, #tpu.memory_space<vmem>>, vector<1x16xf32>,
        %get3A_342 = vector.shape_cast %get3A_341 : vector<1x16xf32> to vector<16xf32>
        %mul3A_343 = arith.mulf %get3A_342, %broadcast_in_dim3A_314 : vector<16xf32>
        %swap3A_344 = arith.index_cast %add3A_318 : i32 to index
        %swap3A_345 = arith.constant 32 : index
        %swap3A_346 = tpu.vector_load %arg13[%swap3A_344, %swap3A_345] {strides = array<i32>} : memref<80x128xf32, #tpu.memory_space<vmem>>, vector<1x16xf32>,
        %swap3A_347 = vector.shape_cast %swap3A_346 : vector<1x16xf32> to vector<16xf32>
        %swap3A_348 = vector.shape_cast %mul3A_343 : vector<16xf32> to vector<1x16xf32>
        tpu.vector_store %arg13[%swap3A_344, %swap3A_345], %swap3A_348 {strides = array<i32>} : memref<80x128xf32, #tpu.memory_space<vmem>>, vector<1x16xf32>,
        %get3A_349 = arith.index_cast %add3A_318 : i32 to index
        %get3A_350 = arith.constant 48 : index
        %get3A_351 = tpu.vector_load %arg13[%get3A_349, %get3A_350] {strides = array<i32>} : memref<80x128xf32, #tpu.memory_space<vmem>>, vector<1x16xf32>,
        %get3A_352 = vector.shape_cast %get3A_351 : vector<1x16xf32> to vector<16xf32>
        %mul3A_353 = arith.mulf %get3A_352, %broadcast_in_dim3A_314 : vector<16xf32>
        %swap3A_354 = arith.index_cast %add3A_318 : i32 to index
        %swap3A_355 = arith.constant 48 : index
        %swap3A_356 = tpu.vector_load %arg13[%swap3A_354, %swap3A_355] {strides = array<i32>} : memref<80x128xf32, #tpu.memory_space<vmem>>, vector<1x16xf32>,
        %swap3A_357 = vector.shape_cast %swap3A_356 : vector<1x16xf32> to vector<16xf32>
        %swap3A_358 = vector.shape_cast %mul3A_353 : vector<16xf32> to vector<1x16xf32>
        tpu.vector_store %arg13[%swap3A_354, %swap3A_355], %swap3A_358 {strides = array<i32>} : memref<80x128xf32, #tpu.memory_space<vmem>>, vector<1x16xf32>,
        %get3A_359 = arith.index_cast %add3A_318 : i32 to index
        %get3A_360 = arith.constant 64 : index
        %get3A_361 = tpu.vector_load %arg13[%get3A_359, %get3A_360] {strides = array<i32>} : memref<80x128xf32, #tpu.memory_space<vmem>>, vector<1x16xf32>,
        %get3A_362 = vector.shape_cast %get3A_361 : vector<1x16xf32> to vector<16xf32>
        %mul3A_363 = arith.mulf %get3A_362, %broadcast_in_dim3A_314 : vector<16xf32>
        %swap3A_364 = arith.index_cast %add3A_318 : i32 to index
        %swap3A_365 = arith.constant 64 : index
        %swap3A_366 = tpu.vector_load %arg13[%swap3A_364, %swap3A_365] {strides = array<i32>} : memref<80x128xf32, #tpu.memory_space<vmem>>, vector<1x16xf32>,
        %swap3A_367 = vector.shape_cast %swap3A_366 : vector<1x16xf32> to vector<16xf32>
        %swap3A_368 = vector.shape_cast %mul3A_363 : vector<16xf32> to vector<1x16xf32>
        tpu.vector_store %arg13[%swap3A_364, %swap3A_365], %swap3A_368 {strides = array<i32>} : memref<80x128xf32, #tpu.memory_space<vmem>>, vector<1x16xf32>,
        %get3A_369 = arith.index_cast %add3A_318 : i32 to index
        %get3A_370 = arith.constant 80 : index
        %get3A_371 = tpu.vector_load %arg13[%get3A_369, %get3A_370] {strides = array<i32>} : memref<80x128xf32, #tpu.memory_space<vmem>>, vector<1x16xf32>,
        %get3A_372 = vector.shape_cast %get3A_371 : vector<1x16xf32> to vector<16xf32>
        %mul3A_373 = arith.mulf %get3A_372, %broadcast_in_dim3A_314 : vector<16xf32>
        %swap3A_374 = arith.index_cast %add3A_318 : i32 to index
        %swap3A_375 = arith.constant 80 : index
        %swap3A_376 = tpu.vector_load %arg13[%swap3A_374, %swap3A_375] {strides = array<i32>} : memref<80x128xf32, #tpu.memory_space<vmem>>, vector<1x16xf32>,
        %swap3A_377 = vector.shape_cast %swap3A_376 : vector<1x16xf32> to vector<16xf32>
        %swap3A_378 = vector.shape_cast %mul3A_373 : vector<16xf32> to vector<1x16xf32>
        tpu.vector_store %arg13[%swap3A_374, %swap3A_375], %swap3A_378 {strides = array<i32>} : memref<80x128xf32, #tpu.memory_space<vmem>>, vector<1x16xf32>,
        %get3A_379 = arith.index_cast %add3A_318 : i32 to index
        %get3A_380 = arith.constant 96 : index
        %get3A_381 = tpu.vector_load %arg13[%get3A_379, %get3A_380] {strides = array<i32>} : memref<80x128xf32, #tpu.memory_space<vmem>>, vector<1x16xf32>,
        %get3A_382 = vector.shape_cast %get3A_381 : vector<1x16xf32> to vector<16xf32>
        %mul3A_383 = arith.mulf %get3A_382, %broadcast_in_dim3A_314 : vector<16xf32>
        %swap3A_384 = arith.index_cast %add3A_318 : i32 to index
        %swap3A_385 = arith.constant 96 : index
        %swap3A_386 = tpu.vector_load %arg13[%swap3A_384, %swap3A_385] {strides = array<i32>} : memref<80x128xf32, #tpu.memory_space<vmem>>, vector<1x16xf32>,
        %swap3A_387 = vector.shape_cast %swap3A_386 : vector<1x16xf32> to vector<16xf32>
        %swap3A_388 = vector.shape_cast %mul3A_383 : vector<16xf32> to vector<1x16xf32>
        tpu.vector_store %arg13[%swap3A_384, %swap3A_385], %swap3A_388 {strides = array<i32>} : memref<80x128xf32, #tpu.memory_space<vmem>>, vector<1x16xf32>,
        %get3A_389 = arith.index_cast %add3A_318 : i32 to index
        %get3A_390 = arith.constant 112 : index
        %get3A_391 = tpu.vector_load %arg13[%get3A_389, %get3A_390] {strides = array<i32>} : memref<80x128xf32, #tpu.memory_space<vmem>>, vector<1x16xf32>,
        %get3A_392 = vector.shape_cast %get3A_391 : vector<1x16xf32> to vector<16xf32>
        %mul3A_393 = arith.mulf %get3A_392, %broadcast_in_dim3A_314 : vector<16xf32>
        %swap3A_394 = arith.index_cast %add3A_318 : i32 to index
        %swap3A_395 = arith.constant 112 : index
        %swap3A_396 = tpu.vector_load %arg13[%swap3A_394, %swap3A_395] {strides = array<i32>} : memref<80x128xf32, #tpu.memory_space<vmem>>, vector<1x16xf32>,
        %swap3A_397 = vector.shape_cast %swap3A_396 : vector<1x16xf32> to vector<16xf32>
        %swap3A_398 = vector.shape_cast %mul3A_393 : vector<16xf32> to vector<1x16xf32>
        tpu.vector_store %arg13[%swap3A_394, %swap3A_395], %swap3A_398 {strides = array<i32>} : memref<80x128xf32, #tpu.memory_space<vmem>>, vector<1x16xf32>,
        %slice3A_399 = vector.extract_strided_slice %get3A_226 {offsets = [2], sizes = [1], strides = [1]} : vector<16xf32> to vector<1xf32>
        %squeeze3A_400 = vector.extract %slice3A_399[0] : f32 from vector<1xf32>
        %broadcast_in_dim3A_401 = vector.broadcast %squeeze3A_400 : f32 to vector<16xf32>
        %mul3A_402 = arith.constant 16 : i32
        %mul3A_403 = arith.muli %add3A_221, %mul3A_402 : i32
        %add3A_404 = arith.constant 2 : i32
        %add3A_405 = arith.addi %mul3A_403, %add3A_404 : i32
        %get3A_406 = arith.index_cast %add3A_405 : i32 to index
        %get3A_407 = arith.constant 0 : index
        %get3A_408 = tpu.vector_load %arg13[%get3A_406, %get3A_407] {strides = array<i32>} : memref<80x128xf32, #tpu.memory_space<vmem>>, vector<1x16xf32>,
        %get3A_409 = vector.shape_cast %get3A_408 : vector<1x16xf32> to vector<16xf32>
        %mul3A_410 = arith.mulf %get3A_409, %broadcast_in_dim3A_401 : vector<16xf32>
        %swap3A_411 = arith.index_cast %add3A_405 : i32 to index
        %swap3A_412 = arith.constant 0 : index
        %swap3A_413 = tpu.vector_load %arg13[%swap3A_411, %swap3A_412] {strides = array<i32>} : memref<80x128xf32, #tpu.memory_space<vmem>>, vector<1x16xf32>,
        %swap3A_414 = vector.shape_cast %swap3A_413 : vector<1x16xf32> to vector<16xf32>
        %swap3A_415 = vector.shape_cast %mul3A_410 : vector<16xf32> to vector<1x16xf32>
        tpu.vector_store %arg13[%swap3A_411, %swap3A_412], %swap3A_415 {strides = array<i32>} : memref<80x128xf32, #tpu.memory_space<vmem>>, vector<1x16xf32>,
        %get3A_416 = arith.index_cast %add3A_405 : i32 to index
        %get3A_417 = arith.constant 16 : index
        %get3A_418 = tpu.vector_load %arg13[%get3A_416, %get3A_417] {strides = array<i32>} : memref<80x128xf32, #tpu.memory_space<vmem>>, vector<1x16xf32>,
        %get3A_419 = vector.shape_cast %get3A_418 : vector<1x16xf32> to vector<16xf32>
        %mul3A_420 = arith.mulf %get3A_419, %broadcast_in_dim3A_401 : vector<16xf32>
        %swap3A_421 = arith.index_cast %add3A_405 : i32 to index
        %swap3A_422 = arith.constant 16 : index
        %swap3A_423 = tpu.vector_load %arg13[%swap3A_421, %swap3A_422] {strides = array<i32>} : memref<80x128xf32, #tpu.memory_space<vmem>>, vector<1x16xf32>,
        %swap3A_424 = vector.shape_cast %swap3A_423 : vector<1x16xf32> to vector<16xf32>
        %swap3A_425 = vector.shape_cast %mul3A_420 : vector<16xf32> to vector<1x16xf32>
        tpu.vector_store %arg13[%swap3A_421, %swap3A_422], %swap3A_425 {strides = array<i32>} : memref<80x128xf32, #tpu.memory_space<vmem>>, vector<1x16xf32>,
        %get3A_426 = arith.index_cast %add3A_405 : i32 to index
        %get3A_427 = arith.constant 32 : index
        %get3A_428 = tpu.vector_load %arg13[%get3A_426, %get3A_427] {strides = array<i32>} : memref<80x128xf32, #tpu.memory_space<vmem>>, vector<1x16xf32>,
        %get3A_429 = vector.shape_cast %get3A_428 : vector<1x16xf32> to vector<16xf32>
        %mul3A_430 = arith.mulf %get3A_429, %broadcast_in_dim3A_401 : vector<16xf32>
        %swap3A_431 = arith.index_cast %add3A_405 : i32 to index
        %swap3A_432 = arith.constant 32 : index
        %swap3A_433 = tpu.vector_load %arg13[%swap3A_431, %swap3A_432] {strides = array<i32>} : memref<80x128xf32, #tpu.memory_space<vmem>>, vector<1x16xf32>,
        %swap3A_434 = vector.shape_cast %swap3A_433 : vector<1x16xf32> to vector<16xf32>
        %swap3A_435 = vector.shape_cast %mul3A_430 : vector<16xf32> to vector<1x16xf32>
        tpu.vector_store %arg13[%swap3A_431, %swap3A_432], %swap3A_435 {strides = array<i32>} : memref<80x128xf32, #tpu.memory_space<vmem>>, vector<1x16xf32>,
        %get3A_436 = arith.index_cast %add3A_405 : i32 to index
        %get3A_437 = arith.constant 48 : index
        %get3A_438 = tpu.vector_load %arg13[%get3A_436, %get3A_437] {strides = array<i32>} : memref<80x128xf32, #tpu.memory_space<vmem>>, vector<1x16xf32>,
        %get3A_439 = vector.shape_cast %get3A_438 : vector<1x16xf32> to vector<16xf32>
        %mul3A_440 = arith.mulf %get3A_439, %broadcast_in_dim3A_401 : vector<16xf32>
        %swap3A_441 = arith.index_cast %add3A_405 : i32 to index
        %swap3A_442 = arith.constant 48 : index
        %swap3A_443 = tpu.vector_load %arg13[%swap3A_441, %swap3A_442] {strides = array<i32>} : memref<80x128xf32, #tpu.memory_space<vmem>>, vector<1x16xf32>,
        %swap3A_444 = vector.shape_cast %swap3A_443 : vector<1x16xf32> to vector<16xf32>
        %swap3A_445 = vector.shape_cast %mul3A_440 : vector<16xf32> to vector<1x16xf32>
        tpu.vector_store %arg13[%swap3A_441, %swap3A_442], %swap3A_445 {strides = array<i32>} : memref<80x128xf32, #tpu.memory_space<vmem>>, vector<1x16xf32>,
        %get3A_446 = arith.index_cast %add3A_405 : i32 to index
        %get3A_447 = arith.constant 64 : index
        %get3A_448 = tpu.vector_load %arg13[%get3A_446, %get3A_447] {strides = array<i32>} : memref<80x128xf32, #tpu.memory_space<vmem>>, vector<1x16xf32>,
        %get3A_449 = vector.shape_cast %get3A_448 : vector<1x16xf32> to vector<16xf32>
        %mul3A_450 = arith.mulf %get3A_449, %broadcast_in_dim3A_401 : vector<16xf32>
        %swap3A_451 = arith.index_cast %add3A_405 : i32 to index
        %swap3A_452 = arith.constant 64 : index
        %swap3A_453 = tpu.vector_load %arg13[%swap3A_451, %swap3A_452] {strides = array<i32>} : memref<80x128xf32, #tpu.memory_space<vmem>>, vector<1x16xf32>,
        %swap3A_454 = vector.shape_cast %swap3A_453 : vector<1x16xf32> to vector<16xf32>
        %swap3A_455 = vector.shape_cast %mul3A_450 : vector<16xf32> to vector<1x16xf32>
        tpu.vector_store %arg13[%swap3A_451, %swap3A_452], %swap3A_455 {strides = array<i32>} : memref<80x128xf32, #tpu.memory_space<vmem>>, vector<1x16xf32>,
        %get3A_456 = arith.index_cast %add3A_405 : i32 to index
        %get3A_457 = arith.constant 80 : index
        %get3A_458 = tpu.vector_load %arg13[%get3A_456, %get3A_457] {strides = array<i32>} : memref<80x128xf32, #tpu.memory_space<vmem>>, vector<1x16xf32>,
        %get3A_459 = vector.shape_cast %get3A_458 : vector<1x16xf32> to vector<16xf32>
        %mul3A_460 = arith.mulf %get3A_459, %broadcast_in_dim3A_401 : vector<16xf32>
        %swap3A_461 = arith.index_cast %add3A_405 : i32 to index
        %swap3A_462 = arith.constant 80 : index
        %swap3A_463 = tpu.vector_load %arg13[%swap3A_461, %swap3A_462] {strides = array<i32>} : memref<80x128xf32, #tpu.memory_space<vmem>>, vector<1x16xf32>,
        %swap3A_464 = vector.shape_cast %swap3A_463 : vector<1x16xf32> to vector<16xf32>
        %swap3A_465 = vector.shape_cast %mul3A_460 : vector<16xf32> to vector<1x16xf32>
        tpu.vector_store %arg13[%swap3A_461, %swap3A_462], %swap3A_465 {strides = array<i32>} : memref<80x128xf32, #tpu.memory_space<vmem>>, vector<1x16xf32>,
        %get3A_466 = arith.index_cast %add3A_405 : i32 to index
        %get3A_467 = arith.constant 96 : index
        %get3A_468 = tpu.vector_load %arg13[%get3A_466, %get3A_467] {strides = array<i32>} : memref<80x128xf32, #tpu.memory_space<vmem>>, vector<1x16xf32>,
        %get3A_469 = vector.shape_cast %get3A_468 : vector<1x16xf32> to vector<16xf32>
        %mul3A_470 = arith.mulf %get3A_469, %broadcast_in_dim3A_401 : vector<16xf32>
        %swap3A_471 = arith.index_cast %add3A_405 : i32 to index
        %swap3A_472 = arith.constant 96 : index
        %swap3A_473 = tpu.vector_load %arg13[%swap3A_471, %swap3A_472] {strides = array<i32>} : memref<80x128xf32, #tpu.memory_space<vmem>>, vector<1x16xf32>,
        %swap3A_474 = vector.shape_cast %swap3A_473 : vector<1x16xf32> to vector<16xf32>
        %swap3A_475 = vector.shape_cast %mul3A_470 : vector<16xf32> to vector<1x16xf32>
        tpu.vector_store %arg13[%swap3A_471, %swap3A_472], %swap3A_475 {strides = array<i32>} : memref<80x128xf32, #tpu.memory_space<vmem>>, vector<1x16xf32>,
        %get3A_476 = arith.index_cast %add3A_405 : i32 to index
        %get3A_477 = arith.constant 112 : index
        %get3A_478 = tpu.vector_load %arg13[%get3A_476, %get3A_477] {strides = array<i32>} : memref<80x128xf32, #tpu.memory_space<vmem>>, vector<1x16xf32>,
        %get3A_479 = vector.shape_cast %get3A_478 : vector<1x16xf32> to vector<16xf32>
        %mul3A_480 = arith.mulf %get3A_479, %broadcast_in_dim3A_401 : vector<16xf32>
        %swap3A_481 = arith.index_cast %add3A_405 : i32 to index
        %swap3A_482 = arith.constant 112 : index
        %swap3A_483 = tpu.vector_load %arg13[%swap3A_481, %swap3A_482] {strides = array<i32>} : memref<80x128xf32, #tpu.memory_space<vmem>>, vector<1x16xf32>,
        %swap3A_484 = vector.shape_cast %swap3A_483 : vector<1x16xf32> to vector<16xf32>
        %swap3A_485 = vector.shape_cast %mul3A_480 : vector<16xf32> to vector<1x16xf32>
        tpu.vector_store %arg13[%swap3A_481, %swap3A_482], %swap3A_485 {strides = array<i32>} : memref<80x128xf32, #tpu.memory_space<vmem>>, vector<1x16xf32>,
        %slice3A_486 = vector.extract_strided_slice %get3A_226 {offsets = [3], sizes = [1], strides = [1]} : vector<16xf32> to vector<1xf32>
        %squeeze3A_487 = vector.extract %slice3A_486[0] : f32 from vector<1xf32>
        %broadcast_in_dim3A_488 = vector.broadcast %squeeze3A_487 : f32 to vector<16xf32>
        %mul3A_489 = arith.constant 16 : i32
        %mul3A_490 = arith.muli %add3A_221, %mul3A_489 : i32
        %add3A_491 = arith.constant 3 : i32
        %add3A_492 = arith.addi %mul3A_490, %add3A_491 : i32
        %get3A_493 = arith.index_cast %add3A_492 : i32 to index
        %get3A_494 = arith.constant 0 : index
        %get3A_495 = tpu.vector_load %arg13[%get3A_493, %get3A_494] {strides = array<i32>} : memref<80x128xf32, #tpu.memory_space<vmem>>, vector<1x16xf32>,
        %get3A_496 = vector.shape_cast %get3A_495 : vector<1x16xf32> to vector<16xf32>
        %mul3A_497 = arith.mulf %get3A_496, %broadcast_in_dim3A_488 : vector<16xf32>
        %swap3A_498 = arith.index_cast %add3A_492 : i32 to index
        %swap3A_499 = arith.constant 0 : index
        %swap3A_500 = tpu.vector_load %arg13[%swap3A_498, %swap3A_499] {strides = array<i32>} : memref<80x128xf32, #tpu.memory_space<vmem>>, vector<1x16xf32>,
        %swap3A_501 = vector.shape_cast %swap3A_500 : vector<1x16xf32> to vector<16xf32>
        %swap3A_502 = vector.shape_cast %mul3A_497 : vector<16xf32> to vector<1x16xf32>
        tpu.vector_store %arg13[%swap3A_498, %swap3A_499], %swap3A_502 {strides = array<i32>} : memref<80x128xf32, #tpu.memory_space<vmem>>, vector<1x16xf32>,
        %get3A_503 = arith.index_cast %add3A_492 : i32 to index
        %get3A_504 = arith.constant 16 : index
        %get3A_505 = tpu.vector_load %arg13[%get3A_503, %get3A_504] {strides = array<i32>} : memref<80x128xf32, #tpu.memory_space<vmem>>, vector<1x16xf32>,
        %get3A_506 = vector.shape_cast %get3A_505 : vector<1x16xf32> to vector<16xf32>
        %mul3A_507 = arith.mulf %get3A_506, %broadcast_in_dim3A_488 : vector<16xf32>
        %swap3A_508 = arith.index_cast %add3A_492 : i32 to index
        %swap3A_509 = arith.constant 16 : index
        %swap3A_510 = tpu.vector_load %arg13[%swap3A_508, %swap3A_509] {strides = array<i32>} : memref<80x128xf32, #tpu.memory_space<vmem>>, vector<1x16xf32>,
        %swap3A_511 = vector.shape_cast %swap3A_510 : vector<1x16xf32> to vector<16xf32>
        %swap3A_512 = vector.shape_cast %mul3A_507 : vector<16xf32> to vector<1x16xf32>
        tpu.vector_store %arg13[%swap3A_508, %swap3A_509], %swap3A_512 {strides = array<i32>} : memref<80x128xf32, #tpu.memory_space<vmem>>, vector<1x16xf32>,
        %get3A_513 = arith.index_cast %add3A_492 : i32 to index
        %get3A_514 = arith.constant 32 : index
        %get3A_515 = tpu.vector_load %arg13[%get3A_513, %get3A_514] {strides = array<i32>} : memref<80x128xf32, #tpu.memory_space<vmem>>, vector<1x16xf32>,
        %get3A_516 = vector.shape_cast %get3A_515 : vector<1x16xf32> to vector<16xf32>
        %mul3A_517 = arith.mulf %get3A_516, %broadcast_in_dim3A_488 : vector<16xf32>
        %swap3A_518 = arith.index_cast %add3A_492 : i32 to index
        %swap3A_519 = arith.constant 32 : index
        %swap3A_520 = tpu.vector_load %arg13[%swap3A_518, %swap3A_519] {strides = array<i32>} : memref<80x128xf32, #tpu.memory_space<vmem>>, vector<1x16xf32>,
        %swap3A_521 = vector.shape_cast %swap3A_520 : vector<1x16xf32> to vector<16xf32>
        %swap3A_522 = vector.shape_cast %mul3A_517 : vector<16xf32> to vector<1x16xf32>
        tpu.vector_store %arg13[%swap3A_518, %swap3A_519], %swap3A_522 {strides = array<i32>} : memref<80x128xf32, #tpu.memory_space<vmem>>, vector<1x16xf32>,
        %get3A_523 = arith.index_cast %add3A_492 : i32 to index
        %get3A_524 = arith.constant 48 : index
        %get3A_525 = tpu.vector_load %arg13[%get3A_523, %get3A_524] {strides = array<i32>} : memref<80x128xf32, #tpu.memory_space<vmem>>, vector<1x16xf32>,
        %get3A_526 = vector.shape_cast %get3A_525 : vector<1x16xf32> to vector<16xf32>
        %mul3A_527 = arith.mulf %get3A_526, %broadcast_in_dim3A_488 : vector<16xf32>
        %swap3A_528 = arith.index_cast %add3A_492 : i32 to index
        %swap3A_529 = arith.constant 48 : index
        %swap3A_530 = tpu.vector_load %arg13[%swap3A_528, %swap3A_529] {strides = array<i32>} : memref<80x128xf32, #tpu.memory_space<vmem>>, vector<1x16xf32>,
        %swap3A_531 = vector.shape_cast %swap3A_530 : vector<1x16xf32> to vector<16xf32>
        %swap3A_532 = vector.shape_cast %mul3A_527 : vector<16xf32> to vector<1x16xf32>
        tpu.vector_store %arg13[%swap3A_528, %swap3A_529], %swap3A_532 {strides = array<i32>} : memref<80x128xf32, #tpu.memory_space<vmem>>, vector<1x16xf32>,
        %get3A_533 = arith.index_cast %add3A_492 : i32 to index
        %get3A_534 = arith.constant 64 : index
        %get3A_535 = tpu.vector_load %arg13[%get3A_533, %get3A_534] {strides = array<i32>} : memref<80x128xf32, #tpu.memory_space<vmem>>, vector<1x16xf32>,
        %get3A_536 = vector.shape_cast %get3A_535 : vector<1x16xf32> to vector<16xf32>
        %mul3A_537 = arith.mulf %get3A_536, %broadcast_in_dim3A_488 : vector<16xf32>
        %swap3A_538 = arith.index_cast %add3A_492 : i32 to index
        %swap3A_539 = arith.constant 64 : index
        %swap3A_540 = tpu.vector_load %arg13[%swap3A_538, %swap3A_539] {strides = array<i32>} : memref<80x128xf32, #tpu.memory_space<vmem>>, vector<1x16xf32>,
        %swap3A_541 = vector.shape_cast %swap3A_540 : vector<1x16xf32> to vector<16xf32>
        %swap3A_542 = vector.shape_cast %mul3A_537 : vector<16xf32> to vector<1x16xf32>
        tpu.vector_store %arg13[%swap3A_538, %swap3A_539], %swap3A_542 {strides = array<i32>} : memref<80x128xf32, #tpu.memory_space<vmem>>, vector<1x16xf32>,
        %get3A_543 = arith.index_cast %add3A_492 : i32 to index
        %get3A_544 = arith.constant 80 : index
        %get3A_545 = tpu.vector_load %arg13[%get3A_543, %get3A_544] {strides = array<i32>} : memref<80x128xf32, #tpu.memory_space<vmem>>, vector<1x16xf32>,
        %get3A_546 = vector.shape_cast %get3A_545 : vector<1x16xf32> to vector<16xf32>
        %mul3A_547 = arith.mulf %get3A_546, %broadcast_in_dim3A_488 : vector<16xf32>
        %swap3A_548 = arith.index_cast %add3A_492 : i32 to index
        %swap3A_549 = arith.constant 80 : index
        %swap3A_550 = tpu.vector_load %arg13[%swap3A_548, %swap3A_549] {strides = array<i32>} : memref<80x128xf32, #tpu.memory_space<vmem>>, vector<1x16xf32>,
        %swap3A_551 = vector.shape_cast %swap3A_550 : vector<1x16xf32> to vector<16xf32>
        %swap3A_552 = vector.shape_cast %mul3A_547 : vector<16xf32> to vector<1x16xf32>
        tpu.vector_store %arg13[%swap3A_548, %swap3A_549], %swap3A_552 {strides = array<i32>} : memref<80x128xf32, #tpu.memory_space<vmem>>, vector<1x16xf32>,
        %get3A_553 = arith.index_cast %add3A_492 : i32 to index
        %get3A_554 = arith.constant 96 : index
        %get3A_555 = tpu.vector_load %arg13[%get3A_553, %get3A_554] {strides = array<i32>} : memref<80x128xf32, #tpu.memory_space<vmem>>, vector<1x16xf32>,
        %get3A_556 = vector.shape_cast %get3A_555 : vector<1x16xf32> to vector<16xf32>
        %mul3A_557 = arith.mulf %get3A_556, %broadcast_in_dim3A_488 : vector<16xf32>
        %swap3A_558 = arith.index_cast %add3A_492 : i32 to index
        %swap3A_559 = arith.constant 96 : index
        %swap3A_560 = tpu.vector_load %arg13[%swap3A_558, %swap3A_559] {strides = array<i32>} : memref<80x128xf32, #tpu.memory_space<vmem>>, vector<1x16xf32>,
        %swap3A_561 = vector.shape_cast %swap3A_560 : vector<1x16xf32> to vector<16xf32>
        %swap3A_562 = vector.shape_cast %mul3A_557 : vector<16xf32> to vector<1x16xf32>
        tpu.vector_store %arg13[%swap3A_558, %swap3A_559], %swap3A_562 {strides = array<i32>} : memref<80x128xf32, #tpu.memory_space<vmem>>, vector<1x16xf32>,
        %get3A_563 = arith.index_cast %add3A_492 : i32 to index
        %get3A_564 = arith.constant 112 : index
        %get3A_565 = tpu.vector_load %arg13[%get3A_563, %get3A_564] {strides = array<i32>} : memref<80x128xf32, #tpu.memory_space<vmem>>, vector<1x16xf32>,
        %get3A_566 = vector.shape_cast %get3A_565 : vector<1x16xf32> to vector<16xf32>
        %mul3A_567 = arith.mulf %get3A_566, %broadcast_in_dim3A_488 : vector<16xf32>
        %swap3A_568 = arith.index_cast %add3A_492 : i32 to index
        %swap3A_569 = arith.constant 112 : index
        %swap3A_570 = tpu.vector_load %arg13[%swap3A_568, %swap3A_569] {strides = array<i32>} : memref<80x128xf32, #tpu.memory_space<vmem>>, vector<1x16xf32>,
        %swap3A_571 = vector.shape_cast %swap3A_570 : vector<1x16xf32> to vector<16xf32>
        %swap3A_572 = vector.shape_cast %mul3A_567 : vector<16xf32> to vector<1x16xf32>
        tpu.vector_store %arg13[%swap3A_568, %swap3A_569], %swap3A_572 {strides = array<i32>} : memref<80x128xf32, #tpu.memory_space<vmem>>, vector<1x16xf32>,
        %slice3A_573 = vector.extract_strided_slice %get3A_226 {offsets = [4], sizes = [1], strides = [1]} : vector<16xf32> to vector<1xf32>
        %squeeze3A_574 = vector.extract %slice3A_573[0] : f32 from vector<1xf32>
        %broadcast_in_dim3A_575 = vector.broadcast %squeeze3A_574 : f32 to vector<16xf32>
        %mul3A_576 = arith.constant 16 : i32
        %mul3A_577 = arith.muli %add3A_221, %mul3A_576 : i32
        %add3A_578 = arith.constant 4 : i32
        %add3A_579 = arith.addi %mul3A_577, %add3A_578 : i32
        %get3A_580 = arith.index_cast %add3A_579 : i32 to index
        %get3A_581 = arith.constant 0 : index
        %get3A_582 = tpu.vector_load %arg13[%get3A_580, %get3A_581] {strides = array<i32>} : memref<80x128xf32, #tpu.memory_space<vmem>>, vector<1x16xf32>,
        %get3A_583 = vector.shape_cast %get3A_582 : vector<1x16xf32> to vector<16xf32>
        %mul3A_584 = arith.mulf %get3A_583, %broadcast_in_dim3A_575 : vector<16xf32>
        %swap3A_585 = arith.index_cast %add3A_579 : i32 to index
        %swap3A_586 = arith.constant 0 : index
        %swap3A_587 = tpu.vector_load %arg13[%swap3A_585, %swap3A_586] {strides = array<i32>} : memref<80x128xf32, #tpu.memory_space<vmem>>, vector<1x16xf32>,
        %swap3A_588 = vector.shape_cast %swap3A_587 : vector<1x16xf32> to vector<16xf32>
        %swap3A_589 = vector.shape_cast %mul3A_584 : vector<16xf32> to vector<1x16xf32>
        tpu.vector_store %arg13[%swap3A_585, %swap3A_586], %swap3A_589 {strides = array<i32>} : memref<80x128xf32, #tpu.memory_space<vmem>>, vector<1x16xf32>,
        %get3A_590 = arith.index_cast %add3A_579 : i32 to index
        %get3A_591 = arith.constant 16 : index
        %get3A_592 = tpu.vector_load %arg13[%get3A_590, %get3A_591] {strides = array<i32>} : memref<80x128xf32, #tpu.memory_space<vmem>>, vector<1x16xf32>,
        %get3A_593 = vector.shape_cast %get3A_592 : vector<1x16xf32> to vector<16xf32>
        %mul3A_594 = arith.mulf %get3A_593, %broadcast_in_dim3A_575 : vector<16xf32>
        %swap3A_595 = arith.index_cast %add3A_579 : i32 to index
        %swap3A_596 = arith.constant 16 : index
        %swap3A_597 = tpu.vector_load %arg13[%swap3A_595, %swap3A_596] {strides = array<i32>} : memref<80x128xf32, #tpu.memory_space<vmem>>, vector<1x16xf32>,
        %swap3A_598 = vector.shape_cast %swap3A_597 : vector<1x16xf32> to vector<16xf32>
        %swap3A_599 = vector.shape_cast %mul3A_594 : vector<16xf32> to vector<1x16xf32>
        tpu.vector_store %arg13[%swap3A_595, %swap3A_596], %swap3A_599 {strides = array<i32>} : memref<80x128xf32, #tpu.memory_space<vmem>>, vector<1x16xf32>,
        %get3A_600 = arith.index_cast %add3A_579 : i32 to index
        %get3A_601 = arith.constant 32 : index
        %get3A_602 = tpu.vector_load %arg13[%get3A_600, %get3A_601] {strides = array<i32>} : memref<80x128xf32, #tpu.memory_space<vmem>>, vector<1x16xf32>,
        %get3A_603 = vector.shape_cast %get3A_602 : vector<1x16xf32> to vector<16xf32>
        %mul3A_604 = arith.mulf %get3A_603, %broadcast_in_dim3A_575 : vector<16xf32>
        %swap3A_605 = arith.index_cast %add3A_579 : i32 to index
        %swap3A_606 = arith.constant 32 : index
        %swap3A_607 = tpu.vector_load %arg13[%swap3A_605, %swap3A_606] {strides = array<i32>} : memref<80x128xf32, #tpu.memory_space<vmem>>, vector<1x16xf32>,
        %swap3A_608 = vector.shape_cast %swap3A_607 : vector<1x16xf32> to vector<16xf32>
        %swap3A_609 = vector.shape_cast %mul3A_604 : vector<16xf32> to vector<1x16xf32>
        tpu.vector_store %arg13[%swap3A_605, %swap3A_606], %swap3A_609 {strides = array<i32>} : memref<80x128xf32, #tpu.memory_space<vmem>>, vector<1x16xf32>,
        %get3A_610 = arith.index_cast %add3A_579 : i32 to index
        %get3A_611 = arith.constant 48 : index
        %get3A_612 = tpu.vector_load %arg13[%get3A_610, %get3A_611] {strides = array<i32>} : memref<80x128xf32, #tpu.memory_space<vmem>>, vector<1x16xf32>,
        %get3A_613 = vector.shape_cast %get3A_612 : vector<1x16xf32> to vector<16xf32>
        %mul3A_614 = arith.mulf %get3A_613, %broadcast_in_dim3A_575 : vector<16xf32>
        %swap3A_615 = arith.index_cast %add3A_579 : i32 to index
        %swap3A_616 = arith.constant 48 : index
        %swap3A_617 = tpu.vector_load %arg13[%swap3A_615, %swap3A_616] {strides = array<i32>} : memref<80x128xf32, #tpu.memory_space<vmem>>, vector<1x16xf32>,
        %swap3A_618 = vector.shape_cast %swap3A_617 : vector<1x16xf32> to vector<16xf32>
        %swap3A_619 = vector.shape_cast %mul3A_614 : vector<16xf32> to vector<1x16xf32>
        tpu.vector_store %arg13[%swap3A_615, %swap3A_616], %swap3A_619 {strides = array<i32>} : memref<80x128xf32, #tpu.memory_space<vmem>>, vector<1x16xf32>,
        %get3A_620 = arith.index_cast %add3A_579 : i32 to index
        %get3A_621 = arith.constant 64 : index
        %get3A_622 = tpu.vector_load %arg13[%get3A_620, %get3A_621] {strides = array<i32>} : memref<80x128xf32, #tpu.memory_space<vmem>>, vector<1x16xf32>,
        %get3A_623 = vector.shape_cast %get3A_622 : vector<1x16xf32> to vector<16xf32>
        %mul3A_624 = arith.mulf %get3A_623, %broadcast_in_dim3A_575 : vector<16xf32>
        %swap3A_625 = arith.index_cast %add3A_579 : i32 to index
        %swap3A_626 = arith.constant 64 : index
        %swap3A_627 = tpu.vector_load %arg13[%swap3A_625, %swap3A_626] {strides = array<i32>} : memref<80x128xf32, #tpu.memory_space<vmem>>, vector<1x16xf32>,
        %swap3A_628 = vector.shape_cast %swap3A_627 : vector<1x16xf32> to vector<16xf32>
        %swap3A_629 = vector.shape_cast %mul3A_624 : vector<16xf32> to vector<1x16xf32>
        tpu.vector_store %arg13[%swap3A_625, %swap3A_626], %swap3A_629 {strides = array<i32>} : memref<80x128xf32, #tpu.memory_space<vmem>>, vector<1x16xf32>,
        %get3A_630 = arith.index_cast %add3A_579 : i32 to index
        %get3A_631 = arith.constant 80 : index
        %get3A_632 = tpu.vector_load %arg13[%get3A_630, %get3A_631] {strides = array<i32>} : memref<80x128xf32, #tpu.memory_space<vmem>>, vector<1x16xf32>,
        %get3A_633 = vector.shape_cast %get3A_632 : vector<1x16xf32> to vector<16xf32>
        %mul3A_634 = arith.mulf %get3A_633, %broadcast_in_dim3A_575 : vector<16xf32>
        %swap3A_635 = arith.index_cast %add3A_579 : i32 to index
        %swap3A_636 = arith.constant 80 : index
        %swap3A_637 = tpu.vector_load %arg13[%swap3A_635, %swap3A_636] {strides = array<i32>} : memref<80x128xf32, #tpu.memory_space<vmem>>, vector<1x16xf32>,
        %swap3A_638 = vector.shape_cast %swap3A_637 : vector<1x16xf32> to vector<16xf32>
        %swap3A_639 = vector.shape_cast %mul3A_634 : vector<16xf32> to vector<1x16xf32>
        tpu.vector_store %arg13[%swap3A_635, %swap3A_636], %swap3A_639 {strides = array<i32>} : memref<80x128xf32, #tpu.memory_space<vmem>>, vector<1x16xf32>,
        %get3A_640 = arith.index_cast %add3A_579 : i32 to index
        %get3A_641 = arith.constant 96 : index
        %get3A_642 = tpu.vector_load %arg13[%get3A_640, %get3A_641] {strides = array<i32>} : memref<80x128xf32, #tpu.memory_space<vmem>>, vector<1x16xf32>,
        %get3A_643 = vector.shape_cast %get3A_642 : vector<1x16xf32> to vector<16xf32>
        %mul3A_644 = arith.mulf %get3A_643, %broadcast_in_dim3A_575 : vector<16xf32>
        %swap3A_645 = arith.index_cast %add3A_579 : i32 to index
        %swap3A_646 = arith.constant 96 : index
        %swap3A_647 = tpu.vector_load %arg13[%swap3A_645, %swap3A_646] {strides = array<i32>} : memref<80x128xf32, #tpu.memory_space<vmem>>, vector<1x16xf32>,
        %swap3A_648 = vector.shape_cast %swap3A_647 : vector<1x16xf32> to vector<16xf32>
        %swap3A_649 = vector.shape_cast %mul3A_644 : vector<16xf32> to vector<1x16xf32>
        tpu.vector_store %arg13[%swap3A_645, %swap3A_646], %swap3A_649 {strides = array<i32>} : memref<80x128xf32, #tpu.memory_space<vmem>>, vector<1x16xf32>,
        %get3A_650 = arith.index_cast %add3A_579 : i32 to index
        %get3A_651 = arith.constant 112 : index
        %get3A_652 = tpu.vector_load %arg13[%get3A_650, %get3A_651] {strides = array<i32>} : memref<80x128xf32, #tpu.memory_space<vmem>>, vector<1x16xf32>,
        %get3A_653 = vector.shape_cast %get3A_652 : vector<1x16xf32> to vector<16xf32>
        %mul3A_654 = arith.mulf %get3A_653, %broadcast_in_dim3A_575 : vector<16xf32>
        %swap3A_655 = arith.index_cast %add3A_579 : i32 to index
        %swap3A_656 = arith.constant 112 : index
        %swap3A_657 = tpu.vector_load %arg13[%swap3A_655, %swap3A_656] {strides = array<i32>} : memref<80x128xf32, #tpu.memory_space<vmem>>, vector<1x16xf32>,
        %swap3A_658 = vector.shape_cast %swap3A_657 : vector<1x16xf32> to vector<16xf32>
        %swap3A_659 = vector.shape_cast %mul3A_654 : vector<16xf32> to vector<1x16xf32>
        tpu.vector_store %arg13[%swap3A_655, %swap3A_656], %swap3A_659 {strides = array<i32>} : memref<80x128xf32, #tpu.memory_space<vmem>>, vector<1x16xf32>,
        %slice3A_660 = vector.extract_strided_slice %get3A_226 {offsets = [5], sizes = [1], strides = [1]} : vector<16xf32> to vector<1xf32>
        %squeeze3A_661 = vector.extract %slice3A_660[0] : f32 from vector<1xf32>
        %broadcast_in_dim3A_662 = vector.broadcast %squeeze3A_661 : f32 to vector<16xf32>
        %mul3A_663 = arith.constant 16 : i32
        %mul3A_664 = arith.muli %add3A_221, %mul3A_663 : i32
        %add3A_665 = arith.constant 5 : i32
        %add3A_666 = arith.addi %mul3A_664, %add3A_665 : i32
        %get3A_667 = arith.index_cast %add3A_666 : i32 to index
        %get3A_668 = arith.constant 0 : index
        %get3A_669 = tpu.vector_load %arg13[%get3A_667, %get3A_668] {strides = array<i32>} : memref<80x128xf32, #tpu.memory_space<vmem>>, vector<1x16xf32>,
        %get3A_670 = vector.shape_cast %get3A_669 : vector<1x16xf32> to vector<16xf32>
        %mul3A_671 = arith.mulf %get3A_670, %broadcast_in_dim3A_662 : vector<16xf32>
        %swap3A_672 = arith.index_cast %add3A_666 : i32 to index
        %swap3A_673 = arith.constant 0 : index
        %swap3A_674 = tpu.vector_load %arg13[%swap3A_672, %swap3A_673] {strides = array<i32>} : memref<80x128xf32, #tpu.memory_space<vmem>>, vector<1x16xf32>,
        %swap3A_675 = vector.shape_cast %swap3A_674 : vector<1x16xf32> to vector<16xf32>
        %swap3A_676 = vector.shape_cast %mul3A_671 : vector<16xf32> to vector<1x16xf32>
        tpu.vector_store %arg13[%swap3A_672, %swap3A_673], %swap3A_676 {strides = array<i32>} : memref<80x128xf32, #tpu.memory_space<vmem>>, vector<1x16xf32>,
        %get3A_677 = arith.index_cast %add3A_666 : i32 to index
        %get3A_678 = arith.constant 16 : index
        %get3A_679 = tpu.vector_load %arg13[%get3A_677, %get3A_678] {strides = array<i32>} : memref<80x128xf32, #tpu.memory_space<vmem>>, vector<1x16xf32>,
        %get3A_680 = vector.shape_cast %get3A_679 : vector<1x16xf32> to vector<16xf32>
        %mul3A_681 = arith.mulf %get3A_680, %broadcast_in_dim3A_662 : vector<16xf32>
        %swap3A_682 = arith.index_cast %add3A_666 : i32 to index
        %swap3A_683 = arith.constant 16 : index
        %swap3A_684 = tpu.vector_load %arg13[%swap3A_682, %swap3A_683] {strides = array<i32>} : memref<80x128xf32, #tpu.memory_space<vmem>>, vector<1x16xf32>,
        %swap3A_685 = vector.shape_cast %swap3A_684 : vector<1x16xf32> to vector<16xf32>
        %swap3A_686 = vector.shape_cast %mul3A_681 : vector<16xf32> to vector<1x16xf32>
        tpu.vector_store %arg13[%swap3A_682, %swap3A_683], %swap3A_686 {strides = array<i32>} : memref<80x128xf32, #tpu.memory_space<vmem>>, vector<1x16xf32>,
        %get3A_687 = arith.index_cast %add3A_666 : i32 to index
        %get3A_688 = arith.constant 32 : index
        %get3A_689 = tpu.vector_load %arg13[%get3A_687, %get3A_688] {strides = array<i32>} : memref<80x128xf32, #tpu.memory_space<vmem>>, vector<1x16xf32>,
        %get3A_690 = vector.shape_cast %get3A_689 : vector<1x16xf32> to vector<16xf32>
        %mul3A_691 = arith.mulf %get3A_690, %broadcast_in_dim3A_662 : vector<16xf32>
        %swap3A_692 = arith.index_cast %add3A_666 : i32 to index
        %swap3A_693 = arith.constant 32 : index
        %swap3A_694 = tpu.vector_load %arg13[%swap3A_692, %swap3A_693] {strides = array<i32>} : memref<80x128xf32, #tpu.memory_space<vmem>>, vector<1x16xf32>,
        %swap3A_695 = vector.shape_cast %swap3A_694 : vector<1x16xf32> to vector<16xf32>
        %swap3A_696 = vector.shape_cast %mul3A_691 : vector<16xf32> to vector<1x16xf32>
        tpu.vector_store %arg13[%swap3A_692, %swap3A_693], %swap3A_696 {strides = array<i32>} : memref<80x128xf32, #tpu.memory_space<vmem>>, vector<1x16xf32>,
        %get3A_697 = arith.index_cast %add3A_666 : i32 to index
        %get3A_698 = arith.constant 48 : index
        %get3A_699 = tpu.vector_load %arg13[%get3A_697, %get3A_698] {strides = array<i32>} : memref<80x128xf32, #tpu.memory_space<vmem>>, vector<1x16xf32>,
        %get3A_700 = vector.shape_cast %get3A_699 : vector<1x16xf32> to vector<16xf32>
        %mul3A_701 = arith.mulf %get3A_700, %broadcast_in_dim3A_662 : vector<16xf32>
        %swap3A_702 = arith.index_cast %add3A_666 : i32 to index
        %swap3A_703 = arith.constant 48 : index
        %swap3A_704 = tpu.vector_load %arg13[%swap3A_702, %swap3A_703] {strides = array<i32>} : memref<80x128xf32, #tpu.memory_space<vmem>>, vector<1x16xf32>,
        %swap3A_705 = vector.shape_cast %swap3A_704 : vector<1x16xf32> to vector<16xf32>
        %swap3A_706 = vector.shape_cast %mul3A_701 : vector<16xf32> to vector<1x16xf32>
        tpu.vector_store %arg13[%swap3A_702, %swap3A_703], %swap3A_706 {strides = array<i32>} : memref<80x128xf32, #tpu.memory_space<vmem>>, vector<1x16xf32>,
        %get3A_707 = arith.index_cast %add3A_666 : i32 to index
        %get3A_708 = arith.constant 64 : index
        %get3A_709 = tpu.vector_load %arg13[%get3A_707, %get3A_708] {strides = array<i32>} : memref<80x128xf32, #tpu.memory_space<vmem>>, vector<1x16xf32>,
        %get3A_710 = vector.shape_cast %get3A_709 : vector<1x16xf32> to vector<16xf32>
        %mul3A_711 = arith.mulf %get3A_710, %broadcast_in_dim3A_662 : vector<16xf32>
        %swap3A_712 = arith.index_cast %add3A_666 : i32 to index
        %swap3A_713 = arith.constant 64 : index
        %swap3A_714 = tpu.vector_load %arg13[%swap3A_712, %swap3A_713] {strides = array<i32>} : memref<80x128xf32, #tpu.memory_space<vmem>>, vector<1x16xf32>,
        %swap3A_715 = vector.shape_cast %swap3A_714 : vector<1x16xf32> to vector<16xf32>
        %swap3A_716 = vector.shape_cast %mul3A_711 : vector<16xf32> to vector<1x16xf32>
        tpu.vector_store %arg13[%swap3A_712, %swap3A_713], %swap3A_716 {strides = array<i32>} : memref<80x128xf32, #tpu.memory_space<vmem>>, vector<1x16xf32>,
        %get3A_717 = arith.index_cast %add3A_666 : i32 to index
        %get3A_718 = arith.constant 80 : index
        %get3A_719 = tpu.vector_load %arg13[%get3A_717, %get3A_718] {strides = array<i32>} : memref<80x128xf32, #tpu.memory_space<vmem>>, vector<1x16xf32>,
        %get3A_720 = vector.shape_cast %get3A_719 : vector<1x16xf32> to vector<16xf32>
        %mul3A_721 = arith.mulf %get3A_720, %broadcast_in_dim3A_662 : vector<16xf32>
        %swap3A_722 = arith.index_cast %add3A_666 : i32 to index
        %swap3A_723 = arith.constant 80 : index
        %swap3A_724 = tpu.vector_load %arg13[%swap3A_722, %swap3A_723] {strides = array<i32>} : memref<80x128xf32, #tpu.memory_space<vmem>>, vector<1x16xf32>,
        %swap3A_725 = vector.shape_cast %swap3A_724 : vector<1x16xf32> to vector<16xf32>
        %swap3A_726 = vector.shape_cast %mul3A_721 : vector<16xf32> to vector<1x16xf32>
        tpu.vector_store %arg13[%swap3A_722, %swap3A_723], %swap3A_726 {strides = array<i32>} : memref<80x128xf32, #tpu.memory_space<vmem>>, vector<1x16xf32>,
        %get3A_727 = arith.index_cast %add3A_666 : i32 to index
        %get3A_728 = arith.constant 96 : index
        %get3A_729 = tpu.vector_load %arg13[%get3A_727, %get3A_728] {strides = array<i32>} : memref<80x128xf32, #tpu.memory_space<vmem>>, vector<1x16xf32>,
        %get3A_730 = vector.shape_cast %get3A_729 : vector<1x16xf32> to vector<16xf32>
        %mul3A_731 = arith.mulf %get3A_730, %broadcast_in_dim3A_662 : vector<16xf32>
        %swap3A_732 = arith.index_cast %add3A_666 : i32 to index
        %swap3A_733 = arith.constant 96 : index
        %swap3A_734 = tpu.vector_load %arg13[%swap3A_732, %swap3A_733] {strides = array<i32>} : memref<80x128xf32, #tpu.memory_space<vmem>>, vector<1x16xf32>,
        %swap3A_735 = vector.shape_cast %swap3A_734 : vector<1x16xf32> to vector<16xf32>
        %swap3A_736 = vector.shape_cast %mul3A_731 : vector<16xf32> to vector<1x16xf32>
        tpu.vector_store %arg13[%swap3A_732, %swap3A_733], %swap3A_736 {strides = array<i32>} : memref<80x128xf32, #tpu.memory_space<vmem>>, vector<1x16xf32>,
        %get3A_737 = arith.index_cast %add3A_666 : i32 to index
        %get3A_738 = arith.constant 112 : index
        %get3A_739 = tpu.vector_load %arg13[%get3A_737, %get3A_738] {strides = array<i32>} : memref<80x128xf32, #tpu.memory_space<vmem>>, vector<1x16xf32>,
        %get3A_740 = vector.shape_cast %get3A_739 : vector<1x16xf32> to vector<16xf32>
        %mul3A_741 = arith.mulf %get3A_740, %broadcast_in_dim3A_662 : vector<16xf32>
        %swap3A_742 = arith.index_cast %add3A_666 : i32 to index
        %swap3A_743 = arith.constant 112 : index
        %swap3A_744 = tpu.vector_load %arg13[%swap3A_742, %swap3A_743] {strides = array<i32>} : memref<80x128xf32, #tpu.memory_space<vmem>>, vector<1x16xf32>,
        %swap3A_745 = vector.shape_cast %swap3A_744 : vector<1x16xf32> to vector<16xf32>
        %swap3A_746 = vector.shape_cast %mul3A_741 : vector<16xf32> to vector<1x16xf32>
        tpu.vector_store %arg13[%swap3A_742, %swap3A_743], %swap3A_746 {strides = array<i32>} : memref<80x128xf32, #tpu.memory_space<vmem>>, vector<1x16xf32>,
        %slice3A_747 = vector.extract_strided_slice %get3A_226 {offsets = [6], sizes = [1], strides = [1]} : vector<16xf32> to vector<1xf32>
        %squeeze3A_748 = vector.extract %slice3A_747[0] : f32 from vector<1xf32>
        %broadcast_in_dim3A_749 = vector.broadcast %squeeze3A_748 : f32 to vector<16xf32>
        %mul3A_750 = arith.constant 16 : i32
        %mul3A_751 = arith.muli %add3A_221, %mul3A_750 : i32
        %add3A_752 = arith.constant 6 : i32
        %add3A_753 = arith.addi %mul3A_751, %add3A_752 : i32
        %get3A_754 = arith.index_cast %add3A_753 : i32 to index
        %get3A_755 = arith.constant 0 : index
        %get3A_756 = tpu.vector_load %arg13[%get3A_754, %get3A_755] {strides = array<i32>} : memref<80x128xf32, #tpu.memory_space<vmem>>, vector<1x16xf32>,
        %get3A_757 = vector.shape_cast %get3A_756 : vector<1x16xf32> to vector<16xf32>
        %mul3A_758 = arith.mulf %get3A_757, %broadcast_in_dim3A_749 : vector<16xf32>
        %swap3A_759 = arith.index_cast %add3A_753 : i32 to index
        %swap3A_760 = arith.constant 0 : index
        %swap3A_761 = tpu.vector_load %arg13[%swap3A_759, %swap3A_760] {strides = array<i32>} : memref<80x128xf32, #tpu.memory_space<vmem>>, vector<1x16xf32>,
        %swap3A_762 = vector.shape_cast %swap3A_761 : vector<1x16xf32> to vector<16xf32>
        %swap3A_763 = vector.shape_cast %mul3A_758 : vector<16xf32> to vector<1x16xf32>
        tpu.vector_store %arg13[%swap3A_759, %swap3A_760], %swap3A_763 {strides = array<i32>} : memref<80x128xf32, #tpu.memory_space<vmem>>, vector<1x16xf32>,
        %get3A_764 = arith.index_cast %add3A_753 : i32 to index
        %get3A_765 = arith.constant 16 : index
        %get3A_766 = tpu.vector_load %arg13[%get3A_764, %get3A_765] {strides = array<i32>} : memref<80x128xf32, #tpu.memory_space<vmem>>, vector<1x16xf32>,
        %get3A_767 = vector.shape_cast %get3A_766 : vector<1x16xf32> to vector<16xf32>
        %mul3A_768 = arith.mulf %get3A_767, %broadcast_in_dim3A_749 : vector<16xf32>
        %swap3A_769 = arith.index_cast %add3A_753 : i32 to index
        %swap3A_770 = arith.constant 16 : index
        %swap3A_771 = tpu.vector_load %arg13[%swap3A_769, %swap3A_770] {strides = array<i32>} : memref<80x128xf32, #tpu.memory_space<vmem>>, vector<1x16xf32>,
        %swap3A_772 = vector.shape_cast %swap3A_771 : vector<1x16xf32> to vector<16xf32>
        %swap3A_773 = vector.shape_cast %mul3A_768 : vector<16xf32> to vector<1x16xf32>
        tpu.vector_store %arg13[%swap3A_769, %swap3A_770], %swap3A_773 {strides = array<i32>} : memref<80x128xf32, #tpu.memory_space<vmem>>, vector<1x16xf32>,
        %get3A_774 = arith.index_cast %add3A_753 : i32 to index
        %get3A_775 = arith.constant 32 : index
        %get3A_776 = tpu.vector_load %arg13[%get3A_774, %get3A_775] {strides = array<i32>} : memref<80x128xf32, #tpu.memory_space<vmem>>, vector<1x16xf32>,
        %get3A_777 = vector.shape_cast %get3A_776 : vector<1x16xf32> to vector<16xf32>
        %mul3A_778 = arith.mulf %get3A_777, %broadcast_in_dim3A_749 : vector<16xf32>
        %swap3A_779 = arith.index_cast %add3A_753 : i32 to index
        %swap3A_780 = arith.constant 32 : index
        %swap3A_781 = tpu.vector_load %arg13[%swap3A_779, %swap3A_780] {strides = array<i32>} : memref<80x128xf32, #tpu.memory_space<vmem>>, vector<1x16xf32>,
        %swap3A_782 = vector.shape_cast %swap3A_781 : vector<1x16xf32> to vector<16xf32>
        %swap3A_783 = vector.shape_cast %mul3A_778 : vector<16xf32> to vector<1x16xf32>
        tpu.vector_store %arg13[%swap3A_779, %swap3A_780], %swap3A_783 {strides = array<i32>} : memref<80x128xf32, #tpu.memory_space<vmem>>, vector<1x16xf32>,
        %get3A_784 = arith.index_cast %add3A_753 : i32 to index
        %get3A_785 = arith.constant 48 : index
        %get3A_786 = tpu.vector_load %arg13[%get3A_784, %get3A_785] {strides = array<i32>} : memref<80x128xf32, #tpu.memory_space<vmem>>, vector<1x16xf32>,
        %get3A_787 = vector.shape_cast %get3A_786 : vector<1x16xf32> to vector<16xf32>
        %mul3A_788 = arith.mulf %get3A_787, %broadcast_in_dim3A_749 : vector<16xf32>
        %swap3A_789 = arith.index_cast %add3A_753 : i32 to index
        %swap3A_790 = arith.constant 48 : index
        %swap3A_791 = tpu.vector_load %arg13[%swap3A_789, %swap3A_790] {strides = array<i32>} : memref<80x128xf32, #tpu.memory_space<vmem>>, vector<1x16xf32>,
        %swap3A_792 = vector.shape_cast %swap3A_791 : vector<1x16xf32> to vector<16xf32>
        %swap3A_793 = vector.shape_cast %mul3A_788 : vector<16xf32> to vector<1x16xf32>
        tpu.vector_store %arg13[%swap3A_789, %swap3A_790], %swap3A_793 {strides = array<i32>} : memref<80x128xf32, #tpu.memory_space<vmem>>, vector<1x16xf32>,
        %get3A_794 = arith.index_cast %add3A_753 : i32 to index
        %get3A_795 = arith.constant 64 : index
        %get3A_796 = tpu.vector_load %arg13[%get3A_794, %get3A_795] {strides = array<i32>} : memref<80x128xf32, #tpu.memory_space<vmem>>, vector<1x16xf32>,
        %get3A_797 = vector.shape_cast %get3A_796 : vector<1x16xf32> to vector<16xf32>
        %mul3A_798 = arith.mulf %get3A_797, %broadcast_in_dim3A_749 : vector<16xf32>
        %swap3A_799 = arith.index_cast %add3A_753 : i32 to index
        %swap3A_800 = arith.constant 64 : index
        %swap3A_801 = tpu.vector_load %arg13[%swap3A_799, %swap3A_800] {strides = array<i32>} : memref<80x128xf32, #tpu.memory_space<vmem>>, vector<1x16xf32>,
        %swap3A_802 = vector.shape_cast %swap3A_801 : vector<1x16xf32> to vector<16xf32>
        %swap3A_803 = vector.shape_cast %mul3A_798 : vector<16xf32> to vector<1x16xf32>
        tpu.vector_store %arg13[%swap3A_799, %swap3A_800], %swap3A_803 {strides = array<i32>} : memref<80x128xf32, #tpu.memory_space<vmem>>, vector<1x16xf32>,
        %get3A_804 = arith.index_cast %add3A_753 : i32 to index
        %get3A_805 = arith.constant 80 : index
        %get3A_806 = tpu.vector_load %arg13[%get3A_804, %get3A_805] {strides = array<i32>} : memref<80x128xf32, #tpu.memory_space<vmem>>, vector<1x16xf32>,
        %get3A_807 = vector.shape_cast %get3A_806 : vector<1x16xf32> to vector<16xf32>
        %mul3A_808 = arith.mulf %get3A_807, %broadcast_in_dim3A_749 : vector<16xf32>
        %swap3A_809 = arith.index_cast %add3A_753 : i32 to index
        %swap3A_810 = arith.constant 80 : index
        %swap3A_811 = tpu.vector_load %arg13[%swap3A_809, %swap3A_810] {strides = array<i32>} : memref<80x128xf32, #tpu.memory_space<vmem>>, vector<1x16xf32>,
        %swap3A_812 = vector.shape_cast %swap3A_811 : vector<1x16xf32> to vector<16xf32>
        %swap3A_813 = vector.shape_cast %mul3A_808 : vector<16xf32> to vector<1x16xf32>
        tpu.vector_store %arg13[%swap3A_809, %swap3A_810], %swap3A_813 {strides = array<i32>} : memref<80x128xf32, #tpu.memory_space<vmem>>, vector<1x16xf32>,
        %get3A_814 = arith.index_cast %add3A_753 : i32 to index
        %get3A_815 = arith.constant 96 : index
        %get3A_816 = tpu.vector_load %arg13[%get3A_814, %get3A_815] {strides = array<i32>} : memref<80x128xf32, #tpu.memory_space<vmem>>, vector<1x16xf32>,
        %get3A_817 = vector.shape_cast %get3A_816 : vector<1x16xf32> to vector<16xf32>
        %mul3A_818 = arith.mulf %get3A_817, %broadcast_in_dim3A_749 : vector<16xf32>
        %swap3A_819 = arith.index_cast %add3A_753 : i32 to index
        %swap3A_820 = arith.constant 96 : index
        %swap3A_821 = tpu.vector_load %arg13[%swap3A_819, %swap3A_820] {strides = array<i32>} : memref<80x128xf32, #tpu.memory_space<vmem>>, vector<1x16xf32>,
        %swap3A_822 = vector.shape_cast %swap3A_821 : vector<1x16xf32> to vector<16xf32>
        %swap3A_823 = vector.shape_cast %mul3A_818 : vector<16xf32> to vector<1x16xf32>
        tpu.vector_store %arg13[%swap3A_819, %swap3A_820], %swap3A_823 {strides = array<i32>} : memref<80x128xf32, #tpu.memory_space<vmem>>, vector<1x16xf32>,
        %get3A_824 = arith.index_cast %add3A_753 : i32 to index
        %get3A_825 = arith.constant 112 : index
        %get3A_826 = tpu.vector_load %arg13[%get3A_824, %get3A_825] {strides = array<i32>} : memref<80x128xf32, #tpu.memory_space<vmem>>, vector<1x16xf32>,
        %get3A_827 = vector.shape_cast %get3A_826 : vector<1x16xf32> to vector<16xf32>
        %mul3A_828 = arith.mulf %get3A_827, %broadcast_in_dim3A_749 : vector<16xf32>
        %swap3A_829 = arith.index_cast %add3A_753 : i32 to index
        %swap3A_830 = arith.constant 112 : index
        %swap3A_831 = tpu.vector_load %arg13[%swap3A_829, %swap3A_830] {strides = array<i32>} : memref<80x128xf32, #tpu.memory_space<vmem>>, vector<1x16xf32>,
        %swap3A_832 = vector.shape_cast %swap3A_831 : vector<1x16xf32> to vector<16xf32>
        %swap3A_833 = vector.shape_cast %mul3A_828 : vector<16xf32> to vector<1x16xf32>
        tpu.vector_store %arg13[%swap3A_829, %swap3A_830], %swap3A_833 {strides = array<i32>} : memref<80x128xf32, #tpu.memory_space<vmem>>, vector<1x16xf32>,
        %slice3A_834 = vector.extract_strided_slice %get3A_226 {offsets = [7], sizes = [1], strides = [1]} : vector<16xf32> to vector<1xf32>
        %squeeze3A_835 = vector.extract %slice3A_834[0] : f32 from vector<1xf32>
        %broadcast_in_dim3A_836 = vector.broadcast %squeeze3A_835 : f32 to vector<16xf32>
        %mul3A_837 = arith.constant 16 : i32
        %mul3A_838 = arith.muli %add3A_221, %mul3A_837 : i32
        %add3A_839 = arith.constant 7 : i32
        %add3A_840 = arith.addi %mul3A_838, %add3A_839 : i32
        %get3A_841 = arith.index_cast %add3A_840 : i32 to index
        %get3A_842 = arith.constant 0 : index
        %get3A_843 = tpu.vector_load %arg13[%get3A_841, %get3A_842] {strides = array<i32>} : memref<80x128xf32, #tpu.memory_space<vmem>>, vector<1x16xf32>,
        %get3A_844 = vector.shape_cast %get3A_843 : vector<1x16xf32> to vector<16xf32>
        %mul3A_845 = arith.mulf %get3A_844, %broadcast_in_dim3A_836 : vector<16xf32>
        %swap3A_846 = arith.index_cast %add3A_840 : i32 to index
        %swap3A_847 = arith.constant 0 : index
        %swap3A_848 = tpu.vector_load %arg13[%swap3A_846, %swap3A_847] {strides = array<i32>} : memref<80x128xf32, #tpu.memory_space<vmem>>, vector<1x16xf32>,
        %swap3A_849 = vector.shape_cast %swap3A_848 : vector<1x16xf32> to vector<16xf32>
        %swap3A_850 = vector.shape_cast %mul3A_845 : vector<16xf32> to vector<1x16xf32>
        tpu.vector_store %arg13[%swap3A_846, %swap3A_847], %swap3A_850 {strides = array<i32>} : memref<80x128xf32, #tpu.memory_space<vmem>>, vector<1x16xf32>,
        %get3A_851 = arith.index_cast %add3A_840 : i32 to index
        %get3A_852 = arith.constant 16 : index
        %get3A_853 = tpu.vector_load %arg13[%get3A_851, %get3A_852] {strides = array<i32>} : memref<80x128xf32, #tpu.memory_space<vmem>>, vector<1x16xf32>,
        %get3A_854 = vector.shape_cast %get3A_853 : vector<1x16xf32> to vector<16xf32>
        %mul3A_855 = arith.mulf %get3A_854, %broadcast_in_dim3A_836 : vector<16xf32>
        %swap3A_856 = arith.index_cast %add3A_840 : i32 to index
        %swap3A_857 = arith.constant 16 : index
        %swap3A_858 = tpu.vector_load %arg13[%swap3A_856, %swap3A_857] {strides = array<i32>} : memref<80x128xf32, #tpu.memory_space<vmem>>, vector<1x16xf32>,
        %swap3A_859 = vector.shape_cast %swap3A_858 : vector<1x16xf32> to vector<16xf32>
        %swap3A_860 = vector.shape_cast %mul3A_855 : vector<16xf32> to vector<1x16xf32>
        tpu.vector_store %arg13[%swap3A_856, %swap3A_857], %swap3A_860 {strides = array<i32>} : memref<80x128xf32, #tpu.memory_space<vmem>>, vector<1x16xf32>,
        %get3A_861 = arith.index_cast %add3A_840 : i32 to index
        %get3A_862 = arith.constant 32 : index
        %get3A_863 = tpu.vector_load %arg13[%get3A_861, %get3A_862] {strides = array<i32>} : memref<80x128xf32, #tpu.memory_space<vmem>>, vector<1x16xf32>,
        %get3A_864 = vector.shape_cast %get3A_863 : vector<1x16xf32> to vector<16xf32>
        %mul3A_865 = arith.mulf %get3A_864, %broadcast_in_dim3A_836 : vector<16xf32>
        %swap3A_866 = arith.index_cast %add3A_840 : i32 to index
        %swap3A_867 = arith.constant 32 : index
        %swap3A_868 = tpu.vector_load %arg13[%swap3A_866, %swap3A_867] {strides = array<i32>} : memref<80x128xf32, #tpu.memory_space<vmem>>, vector<1x16xf32>,
        %swap3A_869 = vector.shape_cast %swap3A_868 : vector<1x16xf32> to vector<16xf32>
        %swap3A_870 = vector.shape_cast %mul3A_865 : vector<16xf32> to vector<1x16xf32>
        tpu.vector_store %arg13[%swap3A_866, %swap3A_867], %swap3A_870 {strides = array<i32>} : memref<80x128xf32, #tpu.memory_space<vmem>>, vector<1x16xf32>,
        %get3A_871 = arith.index_cast %add3A_840 : i32 to index
        %get3A_872 = arith.constant 48 : index
        %get3A_873 = tpu.vector_load %arg13[%get3A_871, %get3A_872] {strides = array<i32>} : memref<80x128xf32, #tpu.memory_space<vmem>>, vector<1x16xf32>,
        %get3A_874 = vector.shape_cast %get3A_873 : vector<1x16xf32> to vector<16xf32>
        %mul3A_875 = arith.mulf %get3A_874, %broadcast_in_dim3A_836 : vector<16xf32>
        %swap3A_876 = arith.index_cast %add3A_840 : i32 to index
        %swap3A_877 = arith.constant 48 : index
        %swap3A_878 = tpu.vector_load %arg13[%swap3A_876, %swap3A_877] {strides = array<i32>} : memref<80x128xf32, #tpu.memory_space<vmem>>, vector<1x16xf32>,
        %swap3A_879 = vector.shape_cast %swap3A_878 : vector<1x16xf32> to vector<16xf32>
        %swap3A_880 = vector.shape_cast %mul3A_875 : vector<16xf32> to vector<1x16xf32>
        tpu.vector_store %arg13[%swap3A_876, %swap3A_877], %swap3A_880 {strides = array<i32>} : memref<80x128xf32, #tpu.memory_space<vmem>>, vector<1x16xf32>,
        %get3A_881 = arith.index_cast %add3A_840 : i32 to index
        %get3A_882 = arith.constant 64 : index
        %get3A_883 = tpu.vector_load %arg13[%get3A_881, %get3A_882] {strides = array<i32>} : memref<80x128xf32, #tpu.memory_space<vmem>>, vector<1x16xf32>,
        %get3A_884 = vector.shape_cast %get3A_883 : vector<1x16xf32> to vector<16xf32>
        %mul3A_885 = arith.mulf %get3A_884, %broadcast_in_dim3A_836 : vector<16xf32>
        %swap3A_886 = arith.index_cast %add3A_840 : i32 to index
        %swap3A_887 = arith.constant 64 : index
        %swap3A_888 = tpu.vector_load %arg13[%swap3A_886, %swap3A_887] {strides = array<i32>} : memref<80x128xf32, #tpu.memory_space<vmem>>, vector<1x16xf32>,
        %swap3A_889 = vector.shape_cast %swap3A_888 : vector<1x16xf32> to vector<16xf32>
        %swap3A_890 = vector.shape_cast %mul3A_885 : vector<16xf32> to vector<1x16xf32>
        tpu.vector_store %arg13[%swap3A_886, %swap3A_887], %swap3A_890 {strides = array<i32>} : memref<80x128xf32, #tpu.memory_space<vmem>>, vector<1x16xf32>,
        %get3A_891 = arith.index_cast %add3A_840 : i32 to index
        %get3A_892 = arith.constant 80 : index
        %get3A_893 = tpu.vector_load %arg13[%get3A_891, %get3A_892] {strides = array<i32>} : memref<80x128xf32, #tpu.memory_space<vmem>>, vector<1x16xf32>,
        %get3A_894 = vector.shape_cast %get3A_893 : vector<1x16xf32> to vector<16xf32>
        %mul3A_895 = arith.mulf %get3A_894, %broadcast_in_dim3A_836 : vector<16xf32>
        %swap3A_896 = arith.index_cast %add3A_840 : i32 to index
        %swap3A_897 = arith.constant 80 : index
        %swap3A_898 = tpu.vector_load %arg13[%swap3A_896, %swap3A_897] {strides = array<i32>} : memref<80x128xf32, #tpu.memory_space<vmem>>, vector<1x16xf32>,
        %swap3A_899 = vector.shape_cast %swap3A_898 : vector<1x16xf32> to vector<16xf32>
        %swap3A_900 = vector.shape_cast %mul3A_895 : vector<16xf32> to vector<1x16xf32>
        tpu.vector_store %arg13[%swap3A_896, %swap3A_897], %swap3A_900 {strides = array<i32>} : memref<80x128xf32, #tpu.memory_space<vmem>>, vector<1x16xf32>,
        %get3A_901 = arith.index_cast %add3A_840 : i32 to index
        %get3A_902 = arith.constant 96 : index
        %get3A_903 = tpu.vector_load %arg13[%get3A_901, %get3A_902] {strides = array<i32>} : memref<80x128xf32, #tpu.memory_space<vmem>>, vector<1x16xf32>,
        %get3A_904 = vector.shape_cast %get3A_903 : vector<1x16xf32> to vector<16xf32>
        %mul3A_905 = arith.mulf %get3A_904, %broadcast_in_dim3A_836 : vector<16xf32>
        %swap3A_906 = arith.index_cast %add3A_840 : i32 to index
        %swap3A_907 = arith.constant 96 : index
        %swap3A_908 = tpu.vector_load %arg13[%swap3A_906, %swap3A_907] {strides = array<i32>} : memref<80x128xf32, #tpu.memory_space<vmem>>, vector<1x16xf32>,
        %swap3A_909 = vector.shape_cast %swap3A_908 : vector<1x16xf32> to vector<16xf32>
        %swap3A_910 = vector.shape_cast %mul3A_905 : vector<16xf32> to vector<1x16xf32>
        tpu.vector_store %arg13[%swap3A_906, %swap3A_907], %swap3A_910 {strides = array<i32>} : memref<80x128xf32, #tpu.memory_space<vmem>>, vector<1x16xf32>,
        %get3A_911 = arith.index_cast %add3A_840 : i32 to index
        %get3A_912 = arith.constant 112 : index
        %get3A_913 = tpu.vector_load %arg13[%get3A_911, %get3A_912] {strides = array<i32>} : memref<80x128xf32, #tpu.memory_space<vmem>>, vector<1x16xf32>,
        %get3A_914 = vector.shape_cast %get3A_913 : vector<1x16xf32> to vector<16xf32>
        %mul3A_915 = arith.mulf %get3A_914, %broadcast_in_dim3A_836 : vector<16xf32>
        %swap3A_916 = arith.index_cast %add3A_840 : i32 to index
        %swap3A_917 = arith.constant 112 : index
        %swap3A_918 = tpu.vector_load %arg13[%swap3A_916, %swap3A_917] {strides = array<i32>} : memref<80x128xf32, #tpu.memory_space<vmem>>, vector<1x16xf32>,
        %swap3A_919 = vector.shape_cast %swap3A_918 : vector<1x16xf32> to vector<16xf32>
        %swap3A_920 = vector.shape_cast %mul3A_915 : vector<16xf32> to vector<1x16xf32>
        tpu.vector_store %arg13[%swap3A_916, %swap3A_917], %swap3A_920 {strides = array<i32>} : memref<80x128xf32, #tpu.memory_space<vmem>>, vector<1x16xf32>,
        %slice3A_921 = vector.extract_strided_slice %get3A_226 {offsets = [8], sizes = [1], strides = [1]} : vector<16xf32> to vector<1xf32>
        %squeeze3A_922 = vector.extract %slice3A_921[0] : f32 from vector<1xf32>
        %broadcast_in_dim3A_923 = vector.broadcast %squeeze3A_922 : f32 to vector<16xf32>
        %mul3A_924 = arith.constant 16 : i32
        %mul3A_925 = arith.muli %add3A_221, %mul3A_924 : i32
        %add3A_926 = arith.constant 8 : i32
        %add3A_927 = arith.addi %mul3A_925, %add3A_926 : i32
        %get3A_928 = arith.index_cast %add3A_927 : i32 to index
        %get3A_929 = arith.constant 0 : index
        %get3A_930 = tpu.vector_load %arg13[%get3A_928, %get3A_929] {strides = array<i32>} : memref<80x128xf32, #tpu.memory_space<vmem>>, vector<1x16xf32>,
        %get3A_931 = vector.shape_cast %get3A_930 : vector<1x16xf32> to vector<16xf32>
        %mul3A_932 = arith.mulf %get3A_931, %broadcast_in_dim3A_923 : vector<16xf32>
        %swap3A_933 = arith.index_cast %add3A_927 : i32 to index
        %swap3A_934 = arith.constant 0 : index
        %swap3A_935 = tpu.vector_load %arg13[%swap3A_933, %swap3A_934] {strides = array<i32>} : memref<80x128xf32, #tpu.memory_space<vmem>>, vector<1x16xf32>,
        %swap3A_936 = vector.shape_cast %swap3A_935 : vector<1x16xf32> to vector<16xf32>
        %swap3A_937 = vector.shape_cast %mul3A_932 : vector<16xf32> to vector<1x16xf32>
        tpu.vector_store %arg13[%swap3A_933, %swap3A_934], %swap3A_937 {strides = array<i32>} : memref<80x128xf32, #tpu.memory_space<vmem>>, vector<1x16xf32>,
        %get3A_938 = arith.index_cast %add3A_927 : i32 to index
        %get3A_939 = arith.constant 16 : index
        %get3A_940 = tpu.vector_load %arg13[%get3A_938, %get3A_939] {strides = array<i32>} : memref<80x128xf32, #tpu.memory_space<vmem>>, vector<1x16xf32>,
        %get3A_941 = vector.shape_cast %get3A_940 : vector<1x16xf32> to vector<16xf32>
        %mul3A_942 = arith.mulf %get3A_941, %broadcast_in_dim3A_923 : vector<16xf32>
        %swap3A_943 = arith.index_cast %add3A_927 : i32 to index
        %swap3A_944 = arith.constant 16 : index
        %swap3A_945 = tpu.vector_load %arg13[%swap3A_943, %swap3A_944] {strides = array<i32>} : memref<80x128xf32, #tpu.memory_space<vmem>>, vector<1x16xf32>,
        %swap3A_946 = vector.shape_cast %swap3A_945 : vector<1x16xf32> to vector<16xf32>
        %swap3A_947 = vector.shape_cast %mul3A_942 : vector<16xf32> to vector<1x16xf32>
        tpu.vector_store %arg13[%swap3A_943, %swap3A_944], %swap3A_947 {strides = array<i32>} : memref<80x128xf32, #tpu.memory_space<vmem>>, vector<1x16xf32>,
        %get3A_948 = arith.index_cast %add3A_927 : i32 to index
        %get3A_949 = arith.constant 32 : index
        %get3A_950 = tpu.vector_load %arg13[%get3A_948, %get3A_949] {strides = array<i32>} : memref<80x128xf32, #tpu.memory_space<vmem>>, vector<1x16xf32>,
        %get3A_951 = vector.shape_cast %get3A_950 : vector<1x16xf32> to vector<16xf32>
        %mul3A_952 = arith.mulf %get3A_951, %broadcast_in_dim3A_923 : vector<16xf32>
        %swap3A_953 = arith.index_cast %add3A_927 : i32 to index
        %swap3A_954 = arith.constant 32 : index
        %swap3A_955 = tpu.vector_load %arg13[%swap3A_953, %swap3A_954] {strides = array<i32>} : memref<80x128xf32, #tpu.memory_space<vmem>>, vector<1x16xf32>,
        %swap3A_956 = vector.shape_cast %swap3A_955 : vector<1x16xf32> to vector<16xf32>
        %swap3A_957 = vector.shape_cast %mul3A_952 : vector<16xf32> to vector<1x16xf32>
        tpu.vector_store %arg13[%swap3A_953, %swap3A_954], %swap3A_957 {strides = array<i32>} : memref<80x128xf32, #tpu.memory_space<vmem>>, vector<1x16xf32>,
        %get3A_958 = arith.index_cast %add3A_927 : i32 to index
        %get3A_959 = arith.constant 48 : index
        %get3A_960 = tpu.vector_load %arg13[%get3A_958, %get3A_959] {strides = array<i32>} : memref<80x128xf32, #tpu.memory_space<vmem>>, vector<1x16xf32>,
        %get3A_961 = vector.shape_cast %get3A_960 : vector<1x16xf32> to vector<16xf32>
        %mul3A_962 = arith.mulf %get3A_961, %broadcast_in_dim3A_923 : vector<16xf32>
        %swap3A_963 = arith.index_cast %add3A_927 : i32 to index
        %swap3A_964 = arith.constant 48 : index
        %swap3A_965 = tpu.vector_load %arg13[%swap3A_963, %swap3A_964] {strides = array<i32>} : memref<80x128xf32, #tpu.memory_space<vmem>>, vector<1x16xf32>,
        %swap3A_966 = vector.shape_cast %swap3A_965 : vector<1x16xf32> to vector<16xf32>
        %swap3A_967 = vector.shape_cast %mul3A_962 : vector<16xf32> to vector<1x16xf32>
        tpu.vector_store %arg13[%swap3A_963, %swap3A_964], %swap3A_967 {strides = array<i32>} : memref<80x128xf32, #tpu.memory_space<vmem>>, vector<1x16xf32>,
        %get3A_968 = arith.index_cast %add3A_927 : i32 to index
        %get3A_969 = arith.constant 64 : index
        %get3A_970 = tpu.vector_load %arg13[%get3A_968, %get3A_969] {strides = array<i32>} : memref<80x128xf32, #tpu.memory_space<vmem>>, vector<1x16xf32>,
        %get3A_971 = vector.shape_cast %get3A_970 : vector<1x16xf32> to vector<16xf32>
        %mul3A_972 = arith.mulf %get3A_971, %broadcast_in_dim3A_923 : vector<16xf32>
        %swap3A_973 = arith.index_cast %add3A_927 : i32 to index
        %swap3A_974 = arith.constant 64 : index
        %swap3A_975 = tpu.vector_load %arg13[%swap3A_973, %swap3A_974] {strides = array<i32>} : memref<80x128xf32, #tpu.memory_space<vmem>>, vector<1x16xf32>,
        %swap3A_976 = vector.shape_cast %swap3A_975 : vector<1x16xf32> to vector<16xf32>
        %swap3A_977 = vector.shape_cast %mul3A_972 : vector<16xf32> to vector<1x16xf32>
        tpu.vector_store %arg13[%swap3A_973, %swap3A_974], %swap3A_977 {strides = array<i32>} : memref<80x128xf32, #tpu.memory_space<vmem>>, vector<1x16xf32>,
        %get3A_978 = arith.index_cast %add3A_927 : i32 to index
        %get3A_979 = arith.constant 80 : index
        %get3A_980 = tpu.vector_load %arg13[%get3A_978, %get3A_979] {strides = array<i32>} : memref<80x128xf32, #tpu.memory_space<vmem>>, vector<1x16xf32>,
        %get3A_981 = vector.shape_cast %get3A_980 : vector<1x16xf32> to vector<16xf32>
        %mul3A_982 = arith.mulf %get3A_981, %broadcast_in_dim3A_923 : vector<16xf32>
        %swap3A_983 = arith.index_cast %add3A_927 : i32 to index
        %swap3A_984 = arith.constant 80 : index
        %swap3A_985 = tpu.vector_load %arg13[%swap3A_983, %swap3A_984] {strides = array<i32>} : memref<80x128xf32, #tpu.memory_space<vmem>>, vector<1x16xf32>,
        %swap3A_986 = vector.shape_cast %swap3A_985 : vector<1x16xf32> to vector<16xf32>
        %swap3A_987 = vector.shape_cast %mul3A_982 : vector<16xf32> to vector<1x16xf32>
        tpu.vector_store %arg13[%swap3A_983, %swap3A_984], %swap3A_987 {strides = array<i32>} : memref<80x128xf32, #tpu.memory_space<vmem>>, vector<1x16xf32>,
        %get3A_988 = arith.index_cast %add3A_927 : i32 to index
        %get3A_989 = arith.constant 96 : index
        %get3A_990 = tpu.vector_load %arg13[%get3A_988, %get3A_989] {strides = array<i32>} : memref<80x128xf32, #tpu.memory_space<vmem>>, vector<1x16xf32>,
        %get3A_991 = vector.shape_cast %get3A_990 : vector<1x16xf32> to vector<16xf32>
        %mul3A_992 = arith.mulf %get3A_991, %broadcast_in_dim3A_923 : vector<16xf32>
        %swap3A_993 = arith.index_cast %add3A_927 : i32 to index
        %swap3A_994 = arith.constant 96 : index
        %swap3A_995 = tpu.vector_load %arg13[%swap3A_993, %swap3A_994] {strides = array<i32>} : memref<80x128xf32, #tpu.memory_space<vmem>>, vector<1x16xf32>,
        %swap3A_996 = vector.shape_cast %swap3A_995 : vector<1x16xf32> to vector<16xf32>
        %swap3A_997 = vector.shape_cast %mul3A_992 : vector<16xf32> to vector<1x16xf32>
        tpu.vector_store %arg13[%swap3A_993, %swap3A_994], %swap3A_997 {strides = array<i32>} : memref<80x128xf32, #tpu.memory_space<vmem>>, vector<1x16xf32>,
        %get3A_998 = arith.index_cast %add3A_927 : i32 to index
        %get3A_999 = arith.constant 112 : index
        %get3A_1000 = tpu.vector_load %arg13[%get3A_998, %get3A_999] {strides = array<i32>} : memref<80x128xf32, #tpu.memory_space<vmem>>, vector<1x16xf32>,
        %get3A_1001 = vector.shape_cast %get3A_1000 : vector<1x16xf32> to vector<16xf32>
        %mul3A_1002 = arith.mulf %get3A_1001, %broadcast_in_dim3A_923 : vector<16xf32>
        %swap3A_1003 = arith.index_cast %add3A_927 : i32 to index
        %swap3A_1004 = arith.constant 112 : index
        %swap3A_1005 = tpu.vector_load %arg13[%swap3A_1003, %swap3A_1004] {strides = array<i32>} : memref<80x128xf32, #tpu.memory_space<vmem>>, vector<1x16xf32>,
        %swap3A_1006 = vector.shape_cast %swap3A_1005 : vector<1x16xf32> to vector<16xf32>
        %swap3A_1007 = vector.shape_cast %mul3A_1002 : vector<16xf32> to vector<1x16xf32>
        tpu.vector_store %arg13[%swap3A_1003, %swap3A_1004], %swap3A_1007 {strides = array<i32>} : memref<80x128xf32, #tpu.memory_space<vmem>>, vector<1x16xf32>,
        %slice3A_1008 = vector.extract_strided_slice %get3A_226 {offsets = [9], sizes = [1], strides = [1]} : vector<16xf32> to vector<1xf32>
        %squeeze3A_1009 = vector.extract %slice3A_1008[0] : f32 from vector<1xf32>
        %broadcast_in_dim3A_1010 = vector.broadcast %squeeze3A_1009 : f32 to vector<16xf32>
        %mul3A_1011 = arith.constant 16 : i32
        %mul3A_1012 = arith.muli %add3A_221, %mul3A_1011 : i32
        %add3A_1013 = arith.constant 9 : i32
        %add3A_1014 = arith.addi %mul3A_1012, %add3A_1013 : i32
        %get3A_1015 = arith.index_cast %add3A_1014 : i32 to index
        %get3A_1016 = arith.constant 0 : index
        %get3A_1017 = tpu.vector_load %arg13[%get3A_1015, %get3A_1016] {strides = array<i32>} : memref<80x128xf32, #tpu.memory_space<vmem>>, vector<1x16xf32>,
        %get3A_1018 = vector.shape_cast %get3A_1017 : vector<1x16xf32> to vector<16xf32>
        %mul3A_1019 = arith.mulf %get3A_1018, %broadcast_in_dim3A_1010 : vector<16xf32>
        %swap3A_1020 = arith.index_cast %add3A_1014 : i32 to index
        %swap3A_1021 = arith.constant 0 : index
        %swap3A_1022 = tpu.vector_load %arg13[%swap3A_1020, %swap3A_1021] {strides = array<i32>} : memref<80x128xf32, #tpu.memory_space<vmem>>, vector<1x16xf32>,
        %swap3A_1023 = vector.shape_cast %swap3A_1022 : vector<1x16xf32> to vector<16xf32>
        %swap3A_1024 = vector.shape_cast %mul3A_1019 : vector<16xf32> to vector<1x16xf32>
        tpu.vector_store %arg13[%swap3A_1020, %swap3A_1021], %swap3A_1024 {strides = array<i32>} : memref<80x128xf32, #tpu.memory_space<vmem>>, vector<1x16xf32>,
        %get3A_1025 = arith.index_cast %add3A_1014 : i32 to index
        %get3A_1026 = arith.constant 16 : index
        %get3A_1027 = tpu.vector_load %arg13[%get3A_1025, %get3A_1026] {strides = array<i32>} : memref<80x128xf32, #tpu.memory_space<vmem>>, vector<1x16xf32>,
        %get3A_1028 = vector.shape_cast %get3A_1027 : vector<1x16xf32> to vector<16xf32>
        %mul3A_1029 = arith.mulf %get3A_1028, %broadcast_in_dim3A_1010 : vector<16xf32>
        %swap3A_1030 = arith.index_cast %add3A_1014 : i32 to index
        %swap3A_1031 = arith.constant 16 : index
        %swap3A_1032 = tpu.vector_load %arg13[%swap3A_1030, %swap3A_1031] {strides = array<i32>} : memref<80x128xf32, #tpu.memory_space<vmem>>, vector<1x16xf32>,
        %swap3A_1033 = vector.shape_cast %swap3A_1032 : vector<1x16xf32> to vector<16xf32>
        %swap3A_1034 = vector.shape_cast %mul3A_1029 : vector<16xf32> to vector<1x16xf32>
        tpu.vector_store %arg13[%swap3A_1030, %swap3A_1031], %swap3A_1034 {strides = array<i32>} : memref<80x128xf32, #tpu.memory_space<vmem>>, vector<1x16xf32>,
        %get3A_1035 = arith.index_cast %add3A_1014 : i32 to index
        %get3A_1036 = arith.constant 32 : index
        %get3A_1037 = tpu.vector_load %arg13[%get3A_1035, %get3A_1036] {strides = array<i32>} : memref<80x128xf32, #tpu.memory_space<vmem>>, vector<1x16xf32>,
        %get3A_1038 = vector.shape_cast %get3A_1037 : vector<1x16xf32> to vector<16xf32>
        %mul3A_1039 = arith.mulf %get3A_1038, %broadcast_in_dim3A_1010 : vector<16xf32>
        %swap3A_1040 = arith.index_cast %add3A_1014 : i32 to index
        %swap3A_1041 = arith.constant 32 : index
        %swap3A_1042 = tpu.vector_load %arg13[%swap3A_1040, %swap3A_1041] {strides = array<i32>} : memref<80x128xf32, #tpu.memory_space<vmem>>, vector<1x16xf32>,
        %swap3A_1043 = vector.shape_cast %swap3A_1042 : vector<1x16xf32> to vector<16xf32>
        %swap3A_1044 = vector.shape_cast %mul3A_1039 : vector<16xf32> to vector<1x16xf32>
        tpu.vector_store %arg13[%swap3A_1040, %swap3A_1041], %swap3A_1044 {strides = array<i32>} : memref<80x128xf32, #tpu.memory_space<vmem>>, vector<1x16xf32>,
        %get3A_1045 = arith.index_cast %add3A_1014 : i32 to index
        %get3A_1046 = arith.constant 48 : index
        %get3A_1047 = tpu.vector_load %arg13[%get3A_1045, %get3A_1046] {strides = array<i32>} : memref<80x128xf32, #tpu.memory_space<vmem>>, vector<1x16xf32>,
        %get3A_1048 = vector.shape_cast %get3A_1047 : vector<1x16xf32> to vector<16xf32>
        %mul3A_1049 = arith.mulf %get3A_1048, %broadcast_in_dim3A_1010 : vector<16xf32>
        %swap3A_1050 = arith.index_cast %add3A_1014 : i32 to index
        %swap3A_1051 = arith.constant 48 : index
        %swap3A_1052 = tpu.vector_load %arg13[%swap3A_1050, %swap3A_1051] {strides = array<i32>} : memref<80x128xf32, #tpu.memory_space<vmem>>, vector<1x16xf32>,
        %swap3A_1053 = vector.shape_cast %swap3A_1052 : vector<1x16xf32> to vector<16xf32>
        %swap3A_1054 = vector.shape_cast %mul3A_1049 : vector<16xf32> to vector<1x16xf32>
        tpu.vector_store %arg13[%swap3A_1050, %swap3A_1051], %swap3A_1054 {strides = array<i32>} : memref<80x128xf32, #tpu.memory_space<vmem>>, vector<1x16xf32>,
        %get3A_1055 = arith.index_cast %add3A_1014 : i32 to index
        %get3A_1056 = arith.constant 64 : index
        %get3A_1057 = tpu.vector_load %arg13[%get3A_1055, %get3A_1056] {strides = array<i32>} : memref<80x128xf32, #tpu.memory_space<vmem>>, vector<1x16xf32>,
        %get3A_1058 = vector.shape_cast %get3A_1057 : vector<1x16xf32> to vector<16xf32>
        %mul3A_1059 = arith.mulf %get3A_1058, %broadcast_in_dim3A_1010 : vector<16xf32>
        %swap3A_1060 = arith.index_cast %add3A_1014 : i32 to index
        %swap3A_1061 = arith.constant 64 : index
        %swap3A_1062 = tpu.vector_load %arg13[%swap3A_1060, %swap3A_1061] {strides = array<i32>} : memref<80x128xf32, #tpu.memory_space<vmem>>, vector<1x16xf32>,
        %swap3A_1063 = vector.shape_cast %swap3A_1062 : vector<1x16xf32> to vector<16xf32>
        %swap3A_1064 = vector.shape_cast %mul3A_1059 : vector<16xf32> to vector<1x16xf32>
        tpu.vector_store %arg13[%swap3A_1060, %swap3A_1061], %swap3A_1064 {strides = array<i32>} : memref<80x128xf32, #tpu.memory_space<vmem>>, vector<1x16xf32>,
        %get3A_1065 = arith.index_cast %add3A_1014 : i32 to index
        %get3A_1066 = arith.constant 80 : index
        %get3A_1067 = tpu.vector_load %arg13[%get3A_1065, %get3A_1066] {strides = array<i32>} : memref<80x128xf32, #tpu.memory_space<vmem>>, vector<1x16xf32>,
        %get3A_1068 = vector.shape_cast %get3A_1067 : vector<1x16xf32> to vector<16xf32>
        %mul3A_1069 = arith.mulf %get3A_1068, %broadcast_in_dim3A_1010 : vector<16xf32>
        %swap3A_1070 = arith.index_cast %add3A_1014 : i32 to index
        %swap3A_1071 = arith.constant 80 : index
        %swap3A_1072 = tpu.vector_load %arg13[%swap3A_1070, %swap3A_1071] {strides = array<i32>} : memref<80x128xf32, #tpu.memory_space<vmem>>, vector<1x16xf32>,
        %swap3A_1073 = vector.shape_cast %swap3A_1072 : vector<1x16xf32> to vector<16xf32>
        %swap3A_1074 = vector.shape_cast %mul3A_1069 : vector<16xf32> to vector<1x16xf32>
        tpu.vector_store %arg13[%swap3A_1070, %swap3A_1071], %swap3A_1074 {strides = array<i32>} : memref<80x128xf32, #tpu.memory_space<vmem>>, vector<1x16xf32>,
        %get3A_1075 = arith.index_cast %add3A_1014 : i32 to index
        %get3A_1076 = arith.constant 96 : index
        %get3A_1077 = tpu.vector_load %arg13[%get3A_1075, %get3A_1076] {strides = array<i32>} : memref<80x128xf32, #tpu.memory_space<vmem>>, vector<1x16xf32>,
        %get3A_1078 = vector.shape_cast %get3A_1077 : vector<1x16xf32> to vector<16xf32>
        %mul3A_1079 = arith.mulf %get3A_1078, %broadcast_in_dim3A_1010 : vector<16xf32>
        %swap3A_1080 = arith.index_cast %add3A_1014 : i32 to index
        %swap3A_1081 = arith.constant 96 : index
        %swap3A_1082 = tpu.vector_load %arg13[%swap3A_1080, %swap3A_1081] {strides = array<i32>} : memref<80x128xf32, #tpu.memory_space<vmem>>, vector<1x16xf32>,
        %swap3A_1083 = vector.shape_cast %swap3A_1082 : vector<1x16xf32> to vector<16xf32>
        %swap3A_1084 = vector.shape_cast %mul3A_1079 : vector<16xf32> to vector<1x16xf32>
        tpu.vector_store %arg13[%swap3A_1080, %swap3A_1081], %swap3A_1084 {strides = array<i32>} : memref<80x128xf32, #tpu.memory_space<vmem>>, vector<1x16xf32>,
        %get3A_1085 = arith.index_cast %add3A_1014 : i32 to index
        %get3A_1086 = arith.constant 112 : index
        %get3A_1087 = tpu.vector_load %arg13[%get3A_1085, %get3A_1086] {strides = array<i32>} : memref<80x128xf32, #tpu.memory_space<vmem>>, vector<1x16xf32>,
        %get3A_1088 = vector.shape_cast %get3A_1087 : vector<1x16xf32> to vector<16xf32>
        %mul3A_1089 = arith.mulf %get3A_1088, %broadcast_in_dim3A_1010 : vector<16xf32>
        %swap3A_1090 = arith.index_cast %add3A_1014 : i32 to index
        %swap3A_1091 = arith.constant 112 : index
        %swap3A_1092 = tpu.vector_load %arg13[%swap3A_1090, %swap3A_1091] {strides = array<i32>} : memref<80x128xf32, #tpu.memory_space<vmem>>, vector<1x16xf32>,
        %swap3A_1093 = vector.shape_cast %swap3A_1092 : vector<1x16xf32> to vector<16xf32>
        %swap3A_1094 = vector.shape_cast %mul3A_1089 : vector<16xf32> to vector<1x16xf32>
        tpu.vector_store %arg13[%swap3A_1090, %swap3A_1091], %swap3A_1094 {strides = array<i32>} : memref<80x128xf32, #tpu.memory_space<vmem>>, vector<1x16xf32>,
        %slice3A_1095 = vector.extract_strided_slice %get3A_226 {offsets = [10], sizes = [1], strides = [1]} : vector<16xf32> to vector<1xf32>
        %squeeze3A_1096 = vector.extract %slice3A_1095[0] : f32 from vector<1xf32>
        %broadcast_in_dim3A_1097 = vector.broadcast %squeeze3A_1096 : f32 to vector<16xf32>
        %mul3A_1098 = arith.constant 16 : i32
        %mul3A_1099 = arith.muli %add3A_221, %mul3A_1098 : i32
        %add3A_1100 = arith.constant 10 : i32
        %add3A_1101 = arith.addi %mul3A_1099, %add3A_1100 : i32
        %get3A_1102 = arith.index_cast %add3A_1101 : i32 to index
        %get3A_1103 = arith.constant 0 : index
        %get3A_1104 = tpu.vector_load %arg13[%get3A_1102, %get3A_1103] {strides = array<i32>} : memref<80x128xf32, #tpu.memory_space<vmem>>, vector<1x16xf32>,
        %get3A_1105 = vector.shape_cast %get3A_1104 : vector<1x16xf32> to vector<16xf32>
        %mul3A_1106 = arith.mulf %get3A_1105, %broadcast_in_dim3A_1097 : vector<16xf32>
        %swap3A_1107 = arith.index_cast %add3A_1101 : i32 to index
        %swap3A_1108 = arith.constant 0 : index
        %swap3A_1109 = tpu.vector_load %arg13[%swap3A_1107, %swap3A_1108] {strides = array<i32>} : memref<80x128xf32, #tpu.memory_space<vmem>>, vector<1x16xf32>,
        %swap3A_1110 = vector.shape_cast %swap3A_1109 : vector<1x16xf32> to vector<16xf32>
        %swap3A_1111 = vector.shape_cast %mul3A_1106 : vector<16xf32> to vector<1x16xf32>
        tpu.vector_store %arg13[%swap3A_1107, %swap3A_1108], %swap3A_1111 {strides = array<i32>} : memref<80x128xf32, #tpu.memory_space<vmem>>, vector<1x16xf32>,
        %get3A_1112 = arith.index_cast %add3A_1101 : i32 to index
        %get3A_1113 = arith.constant 16 : index
        %get3A_1114 = tpu.vector_load %arg13[%get3A_1112, %get3A_1113] {strides = array<i32>} : memref<80x128xf32, #tpu.memory_space<vmem>>, vector<1x16xf32>,
        %get3A_1115 = vector.shape_cast %get3A_1114 : vector<1x16xf32> to vector<16xf32>
        %mul3A_1116 = arith.mulf %get3A_1115, %broadcast_in_dim3A_1097 : vector<16xf32>
        %swap3A_1117 = arith.index_cast %add3A_1101 : i32 to index
        %swap3A_1118 = arith.constant 16 : index
        %swap3A_1119 = tpu.vector_load %arg13[%swap3A_1117, %swap3A_1118] {strides = array<i32>} : memref<80x128xf32, #tpu.memory_space<vmem>>, vector<1x16xf32>,
        %swap3A_1120 = vector.shape_cast %swap3A_1119 : vector<1x16xf32> to vector<16xf32>
        %swap3A_1121 = vector.shape_cast %mul3A_1116 : vector<16xf32> to vector<1x16xf32>
        tpu.vector_store %arg13[%swap3A_1117, %swap3A_1118], %swap3A_1121 {strides = array<i32>} : memref<80x128xf32, #tpu.memory_space<vmem>>, vector<1x16xf32>,
        %get3A_1122 = arith.index_cast %add3A_1101 : i32 to index
        %get3A_1123 = arith.constant 32 : index
        %get3A_1124 = tpu.vector_load %arg13[%get3A_1122, %get3A_1123] {strides = array<i32>} : memref<80x128xf32, #tpu.memory_space<vmem>>, vector<1x16xf32>,
        %get3A_1125 = vector.shape_cast %get3A_1124 : vector<1x16xf32> to vector<16xf32>
        %mul3A_1126 = arith.mulf %get3A_1125, %broadcast_in_dim3A_1097 : vector<16xf32>
        %swap3A_1127 = arith.index_cast %add3A_1101 : i32 to index
        %swap3A_1128 = arith.constant 32 : index
        %swap3A_1129 = tpu.vector_load %arg13[%swap3A_1127, %swap3A_1128] {strides = array<i32>} : memref<80x128xf32, #tpu.memory_space<vmem>>, vector<1x16xf32>,
        %swap3A_1130 = vector.shape_cast %swap3A_1129 : vector<1x16xf32> to vector<16xf32>
        %swap3A_1131 = vector.shape_cast %mul3A_1126 : vector<16xf32> to vector<1x16xf32>
        tpu.vector_store %arg13[%swap3A_1127, %swap3A_1128], %swap3A_1131 {strides = array<i32>} : memref<80x128xf32, #tpu.memory_space<vmem>>, vector<1x16xf32>,
        %get3A_1132 = arith.index_cast %add3A_1101 : i32 to index
        %get3A_1133 = arith.constant 48 : index
        %get3A_1134 = tpu.vector_load %arg13[%get3A_1132, %get3A_1133] {strides = array<i32>} : memref<80x128xf32, #tpu.memory_space<vmem>>, vector<1x16xf32>,
        %get3A_1135 = vector.shape_cast %get3A_1134 : vector<1x16xf32> to vector<16xf32>
        %mul3A_1136 = arith.mulf %get3A_1135, %broadcast_in_dim3A_1097 : vector<16xf32>
        %swap3A_1137 = arith.index_cast %add3A_1101 : i32 to index
        %swap3A_1138 = arith.constant 48 : index
        %swap3A_1139 = tpu.vector_load %arg13[%swap3A_1137, %swap3A_1138] {strides = array<i32>} : memref<80x128xf32, #tpu.memory_space<vmem>>, vector<1x16xf32>,
        %swap3A_1140 = vector.shape_cast %swap3A_1139 : vector<1x16xf32> to vector<16xf32>
        %swap3A_1141 = vector.shape_cast %mul3A_1136 : vector<16xf32> to vector<1x16xf32>
        tpu.vector_store %arg13[%swap3A_1137, %swap3A_1138], %swap3A_1141 {strides = array<i32>} : memref<80x128xf32, #tpu.memory_space<vmem>>, vector<1x16xf32>,
        %get3A_1142 = arith.index_cast %add3A_1101 : i32 to index
        %get3A_1143 = arith.constant 64 : index
        %get3A_1144 = tpu.vector_load %arg13[%get3A_1142, %get3A_1143] {strides = array<i32>} : memref<80x128xf32, #tpu.memory_space<vmem>>, vector<1x16xf32>,
        %get3A_1145 = vector.shape_cast %get3A_1144 : vector<1x16xf32> to vector<16xf32>
        %mul3A_1146 = arith.mulf %get3A_1145, %broadcast_in_dim3A_1097 : vector<16xf32>
        %swap3A_1147 = arith.index_cast %add3A_1101 : i32 to index
        %swap3A_1148 = arith.constant 64 : index
        %swap3A_1149 = tpu.vector_load %arg13[%swap3A_1147, %swap3A_1148] {strides = array<i32>} : memref<80x128xf32, #tpu.memory_space<vmem>>, vector<1x16xf32>,
        %swap3A_1150 = vector.shape_cast %swap3A_1149 : vector<1x16xf32> to vector<16xf32>
        %swap3A_1151 = vector.shape_cast %mul3A_1146 : vector<16xf32> to vector<1x16xf32>
        tpu.vector_store %arg13[%swap3A_1147, %swap3A_1148], %swap3A_1151 {strides = array<i32>} : memref<80x128xf32, #tpu.memory_space<vmem>>, vector<1x16xf32>,
        %get3A_1152 = arith.index_cast %add3A_1101 : i32 to index
        %get3A_1153 = arith.constant 80 : index
        %get3A_1154 = tpu.vector_load %arg13[%get3A_1152, %get3A_1153] {strides = array<i32>} : memref<80x128xf32, #tpu.memory_space<vmem>>, vector<1x16xf32>,
        %get3A_1155 = vector.shape_cast %get3A_1154 : vector<1x16xf32> to vector<16xf32>
        %mul3A_1156 = arith.mulf %get3A_1155, %broadcast_in_dim3A_1097 : vector<16xf32>
        %swap3A_1157 = arith.index_cast %add3A_1101 : i32 to index
        %swap3A_1158 = arith.constant 80 : index
        %swap3A_1159 = tpu.vector_load %arg13[%swap3A_1157, %swap3A_1158] {strides = array<i32>} : memref<80x128xf32, #tpu.memory_space<vmem>>, vector<1x16xf32>,
        %swap3A_1160 = vector.shape_cast %swap3A_1159 : vector<1x16xf32> to vector<16xf32>
        %swap3A_1161 = vector.shape_cast %mul3A_1156 : vector<16xf32> to vector<1x16xf32>
        tpu.vector_store %arg13[%swap3A_1157, %swap3A_1158], %swap3A_1161 {strides = array<i32>} : memref<80x128xf32, #tpu.memory_space<vmem>>, vector<1x16xf32>,
        %get3A_1162 = arith.index_cast %add3A_1101 : i32 to index
        %get3A_1163 = arith.constant 96 : index
        %get3A_1164 = tpu.vector_load %arg13[%get3A_1162, %get3A_1163] {strides = array<i32>} : memref<80x128xf32, #tpu.memory_space<vmem>>, vector<1x16xf32>,
        %get3A_1165 = vector.shape_cast %get3A_1164 : vector<1x16xf32> to vector<16xf32>
        %mul3A_1166 = arith.mulf %get3A_1165, %broadcast_in_dim3A_1097 : vector<16xf32>
        %swap3A_1167 = arith.index_cast %add3A_1101 : i32 to index
        %swap3A_1168 = arith.constant 96 : index
        %swap3A_1169 = tpu.vector_load %arg13[%swap3A_1167, %swap3A_1168] {strides = array<i32>} : memref<80x128xf32, #tpu.memory_space<vmem>>, vector<1x16xf32>,
        %swap3A_1170 = vector.shape_cast %swap3A_1169 : vector<1x16xf32> to vector<16xf32>
        %swap3A_1171 = vector.shape_cast %mul3A_1166 : vector<16xf32> to vector<1x16xf32>
        tpu.vector_store %arg13[%swap3A_1167, %swap3A_1168], %swap3A_1171 {strides = array<i32>} : memref<80x128xf32, #tpu.memory_space<vmem>>, vector<1x16xf32>,
        %get3A_1172 = arith.index_cast %add3A_1101 : i32 to index
        %get3A_1173 = arith.constant 112 : index
        %get3A_1174 = tpu.vector_load %arg13[%get3A_1172, %get3A_1173] {strides = array<i32>} : memref<80x128xf32, #tpu.memory_space<vmem>>, vector<1x16xf32>,
        %get3A_1175 = vector.shape_cast %get3A_1174 : vector<1x16xf32> to vector<16xf32>
        %mul3A_1176 = arith.mulf %get3A_1175, %broadcast_in_dim3A_1097 : vector<16xf32>
        %swap3A_1177 = arith.index_cast %add3A_1101 : i32 to index
        %swap3A_1178 = arith.constant 112 : index
        %swap3A_1179 = tpu.vector_load %arg13[%swap3A_1177, %swap3A_1178] {strides = array<i32>} : memref<80x128xf32, #tpu.memory_space<vmem>>, vector<1x16xf32>,
        %swap3A_1180 = vector.shape_cast %swap3A_1179 : vector<1x16xf32> to vector<16xf32>
        %swap3A_1181 = vector.shape_cast %mul3A_1176 : vector<16xf32> to vector<1x16xf32>
        tpu.vector_store %arg13[%swap3A_1177, %swap3A_1178], %swap3A_1181 {strides = array<i32>} : memref<80x128xf32, #tpu.memory_space<vmem>>, vector<1x16xf32>,
        %slice3A_1182 = vector.extract_strided_slice %get3A_226 {offsets = [11], sizes = [1], strides = [1]} : vector<16xf32> to vector<1xf32>
        %squeeze3A_1183 = vector.extract %slice3A_1182[0] : f32 from vector<1xf32>
        %broadcast_in_dim3A_1184 = vector.broadcast %squeeze3A_1183 : f32 to vector<16xf32>
        %mul3A_1185 = arith.constant 16 : i32
        %mul3A_1186 = arith.muli %add3A_221, %mul3A_1185 : i32
        %add3A_1187 = arith.constant 11 : i32
        %add3A_1188 = arith.addi %mul3A_1186, %add3A_1187 : i32
        %get3A_1189 = arith.index_cast %add3A_1188 : i32 to index
        %get3A_1190 = arith.constant 0 : index
        %get3A_1191 = tpu.vector_load %arg13[%get3A_1189, %get3A_1190] {strides = array<i32>} : memref<80x128xf32, #tpu.memory_space<vmem>>, vector<1x16xf32>,
        %get3A_1192 = vector.shape_cast %get3A_1191 : vector<1x16xf32> to vector<16xf32>
        %mul3A_1193 = arith.mulf %get3A_1192, %broadcast_in_dim3A_1184 : vector<16xf32>
        %swap3A_1194 = arith.index_cast %add3A_1188 : i32 to index
        %swap3A_1195 = arith.constant 0 : index
        %swap3A_1196 = tpu.vector_load %arg13[%swap3A_1194, %swap3A_1195] {strides = array<i32>} : memref<80x128xf32, #tpu.memory_space<vmem>>, vector<1x16xf32>,
        %swap3A_1197 = vector.shape_cast %swap3A_1196 : vector<1x16xf32> to vector<16xf32>
        %swap3A_1198 = vector.shape_cast %mul3A_1193 : vector<16xf32> to vector<1x16xf32>
        tpu.vector_store %arg13[%swap3A_1194, %swap3A_1195], %swap3A_1198 {strides = array<i32>} : memref<80x128xf32, #tpu.memory_space<vmem>>, vector<1x16xf32>,
        %get3A_1199 = arith.index_cast %add3A_1188 : i32 to index
        %get3A_1200 = arith.constant 16 : index
        %get3A_1201 = tpu.vector_load %arg13[%get3A_1199, %get3A_1200] {strides = array<i32>} : memref<80x128xf32, #tpu.memory_space<vmem>>, vector<1x16xf32>,
        %get3A_1202 = vector.shape_cast %get3A_1201 : vector<1x16xf32> to vector<16xf32>
        %mul3A_1203 = arith.mulf %get3A_1202, %broadcast_in_dim3A_1184 : vector<16xf32>
        %swap3A_1204 = arith.index_cast %add3A_1188 : i32 to index
        %swap3A_1205 = arith.constant 16 : index
        %swap3A_1206 = tpu.vector_load %arg13[%swap3A_1204, %swap3A_1205] {strides = array<i32>} : memref<80x128xf32, #tpu.memory_space<vmem>>, vector<1x16xf32>,
        %swap3A_1207 = vector.shape_cast %swap3A_1206 : vector<1x16xf32> to vector<16xf32>
        %swap3A_1208 = vector.shape_cast %mul3A_1203 : vector<16xf32> to vector<1x16xf32>
        tpu.vector_store %arg13[%swap3A_1204, %swap3A_1205], %swap3A_1208 {strides = array<i32>} : memref<80x128xf32, #tpu.memory_space<vmem>>, vector<1x16xf32>,
        %get3A_1209 = arith.index_cast %add3A_1188 : i32 to index
        %get3A_1210 = arith.constant 32 : index
        %get3A_1211 = tpu.vector_load %arg13[%get3A_1209, %get3A_1210] {strides = array<i32>} : memref<80x128xf32, #tpu.memory_space<vmem>>, vector<1x16xf32>,
        %get3A_1212 = vector.shape_cast %get3A_1211 : vector<1x16xf32> to vector<16xf32>
        %mul3A_1213 = arith.mulf %get3A_1212, %broadcast_in_dim3A_1184 : vector<16xf32>
        %swap3A_1214 = arith.index_cast %add3A_1188 : i32 to index
        %swap3A_1215 = arith.constant 32 : index
        %swap3A_1216 = tpu.vector_load %arg13[%swap3A_1214, %swap3A_1215] {strides = array<i32>} : memref<80x128xf32, #tpu.memory_space<vmem>>, vector<1x16xf32>,
        %swap3A_1217 = vector.shape_cast %swap3A_1216 : vector<1x16xf32> to vector<16xf32>
        %swap3A_1218 = vector.shape_cast %mul3A_1213 : vector<16xf32> to vector<1x16xf32>
        tpu.vector_store %arg13[%swap3A_1214, %swap3A_1215], %swap3A_1218 {strides = array<i32>} : memref<80x128xf32, #tpu.memory_space<vmem>>, vector<1x16xf32>,
        %get3A_1219 = arith.index_cast %add3A_1188 : i32 to index
        %get3A_1220 = arith.constant 48 : index
        %get3A_1221 = tpu.vector_load %arg13[%get3A_1219, %get3A_1220] {strides = array<i32>} : memref<80x128xf32, #tpu.memory_space<vmem>>, vector<1x16xf32>,
        %get3A_1222 = vector.shape_cast %get3A_1221 : vector<1x16xf32> to vector<16xf32>
        %mul3A_1223 = arith.mulf %get3A_1222, %broadcast_in_dim3A_1184 : vector<16xf32>
        %swap3A_1224 = arith.index_cast %add3A_1188 : i32 to index
        %swap3A_1225 = arith.constant 48 : index
        %swap3A_1226 = tpu.vector_load %arg13[%swap3A_1224, %swap3A_1225] {strides = array<i32>} : memref<80x128xf32, #tpu.memory_space<vmem>>, vector<1x16xf32>,
        %swap3A_1227 = vector.shape_cast %swap3A_1226 : vector<1x16xf32> to vector<16xf32>
        %swap3A_1228 = vector.shape_cast %mul3A_1223 : vector<16xf32> to vector<1x16xf32>
        tpu.vector_store %arg13[%swap3A_1224, %swap3A_1225], %swap3A_1228 {strides = array<i32>} : memref<80x128xf32, #tpu.memory_space<vmem>>, vector<1x16xf32>,
        %get3A_1229 = arith.index_cast %add3A_1188 : i32 to index
        %get3A_1230 = arith.constant 64 : index
        %get3A_1231 = tpu.vector_load %arg13[%get3A_1229, %get3A_1230] {strides = array<i32>} : memref<80x128xf32, #tpu.memory_space<vmem>>, vector<1x16xf32>,
        %get3A_1232 = vector.shape_cast %get3A_1231 : vector<1x16xf32> to vector<16xf32>
        %mul3A_1233 = arith.mulf %get3A_1232, %broadcast_in_dim3A_1184 : vector<16xf32>
        %swap3A_1234 = arith.index_cast %add3A_1188 : i32 to index
        %swap3A_1235 = arith.constant 64 : index
        %swap3A_1236 = tpu.vector_load %arg13[%swap3A_1234, %swap3A_1235] {strides = array<i32>} : memref<80x128xf32, #tpu.memory_space<vmem>>, vector<1x16xf32>,
        %swap3A_1237 = vector.shape_cast %swap3A_1236 : vector<1x16xf32> to vector<16xf32>
        %swap3A_1238 = vector.shape_cast %mul3A_1233 : vector<16xf32> to vector<1x16xf32>
        tpu.vector_store %arg13[%swap3A_1234, %swap3A_1235], %swap3A_1238 {strides = array<i32>} : memref<80x128xf32, #tpu.memory_space<vmem>>, vector<1x16xf32>,
        %get3A_1239 = arith.index_cast %add3A_1188 : i32 to index
        %get3A_1240 = arith.constant 80 : index
        %get3A_1241 = tpu.vector_load %arg13[%get3A_1239, %get3A_1240] {strides = array<i32>} : memref<80x128xf32, #tpu.memory_space<vmem>>, vector<1x16xf32>,
        %get3A_1242 = vector.shape_cast %get3A_1241 : vector<1x16xf32> to vector<16xf32>
        %mul3A_1243 = arith.mulf %get3A_1242, %broadcast_in_dim3A_1184 : vector<16xf32>
        %swap3A_1244 = arith.index_cast %add3A_1188 : i32 to index
        %swap3A_1245 = arith.constant 80 : index
        %swap3A_1246 = tpu.vector_load %arg13[%swap3A_1244, %swap3A_1245] {strides = array<i32>} : memref<80x128xf32, #tpu.memory_space<vmem>>, vector<1x16xf32>,
        %swap3A_1247 = vector.shape_cast %swap3A_1246 : vector<1x16xf32> to vector<16xf32>
        %swap3A_1248 = vector.shape_cast %mul3A_1243 : vector<16xf32> to vector<1x16xf32>
        tpu.vector_store %arg13[%swap3A_1244, %swap3A_1245], %swap3A_1248 {strides = array<i32>} : memref<80x128xf32, #tpu.memory_space<vmem>>, vector<1x16xf32>,
        %get3A_1249 = arith.index_cast %add3A_1188 : i32 to index
        %get3A_1250 = arith.constant 96 : index
        %get3A_1251 = tpu.vector_load %arg13[%get3A_1249, %get3A_1250] {strides = array<i32>} : memref<80x128xf32, #tpu.memory_space<vmem>>, vector<1x16xf32>,
        %get3A_1252 = vector.shape_cast %get3A_1251 : vector<1x16xf32> to vector<16xf32>
        %mul3A_1253 = arith.mulf %get3A_1252, %broadcast_in_dim3A_1184 : vector<16xf32>
        %swap3A_1254 = arith.index_cast %add3A_1188 : i32 to index
        %swap3A_1255 = arith.constant 96 : index
        %swap3A_1256 = tpu.vector_load %arg13[%swap3A_1254, %swap3A_1255] {strides = array<i32>} : memref<80x128xf32, #tpu.memory_space<vmem>>, vector<1x16xf32>,
        %swap3A_1257 = vector.shape_cast %swap3A_1256 : vector<1x16xf32> to vector<16xf32>
        %swap3A_1258 = vector.shape_cast %mul3A_1253 : vector<16xf32> to vector<1x16xf32>
        tpu.vector_store %arg13[%swap3A_1254, %swap3A_1255], %swap3A_1258 {strides = array<i32>} : memref<80x128xf32, #tpu.memory_space<vmem>>, vector<1x16xf32>,
        %get3A_1259 = arith.index_cast %add3A_1188 : i32 to index
        %get3A_1260 = arith.constant 112 : index
        %get3A_1261 = tpu.vector_load %arg13[%get3A_1259, %get3A_1260] {strides = array<i32>} : memref<80x128xf32, #tpu.memory_space<vmem>>, vector<1x16xf32>,
        %get3A_1262 = vector.shape_cast %get3A_1261 : vector<1x16xf32> to vector<16xf32>
        %mul3A_1263 = arith.mulf %get3A_1262, %broadcast_in_dim3A_1184 : vector<16xf32>
        %swap3A_1264 = arith.index_cast %add3A_1188 : i32 to index
        %swap3A_1265 = arith.constant 112 : index
        %swap3A_1266 = tpu.vector_load %arg13[%swap3A_1264, %swap3A_1265] {strides = array<i32>} : memref<80x128xf32, #tpu.memory_space<vmem>>, vector<1x16xf32>,
        %swap3A_1267 = vector.shape_cast %swap3A_1266 : vector<1x16xf32> to vector<16xf32>
        %swap3A_1268 = vector.shape_cast %mul3A_1263 : vector<16xf32> to vector<1x16xf32>
        tpu.vector_store %arg13[%swap3A_1264, %swap3A_1265], %swap3A_1268 {strides = array<i32>} : memref<80x128xf32, #tpu.memory_space<vmem>>, vector<1x16xf32>,
        %slice3A_1269 = vector.extract_strided_slice %get3A_226 {offsets = [12], sizes = [1], strides = [1]} : vector<16xf32> to vector<1xf32>
        %squeeze3A_1270 = vector.extract %slice3A_1269[0] : f32 from vector<1xf32>
        %broadcast_in_dim3A_1271 = vector.broadcast %squeeze3A_1270 : f32 to vector<16xf32>
        %mul3A_1272 = arith.constant 16 : i32
        %mul3A_1273 = arith.muli %add3A_221, %mul3A_1272 : i32
        %add3A_1274 = arith.constant 12 : i32
        %add3A_1275 = arith.addi %mul3A_1273, %add3A_1274 : i32
        %get3A_1276 = arith.index_cast %add3A_1275 : i32 to index
        %get3A_1277 = arith.constant 0 : index
        %get3A_1278 = tpu.vector_load %arg13[%get3A_1276, %get3A_1277] {strides = array<i32>} : memref<80x128xf32, #tpu.memory_space<vmem>>, vector<1x16xf32>,
        %get3A_1279 = vector.shape_cast %get3A_1278 : vector<1x16xf32> to vector<16xf32>
        %mul3A_1280 = arith.mulf %get3A_1279, %broadcast_in_dim3A_1271 : vector<16xf32>
        %swap3A_1281 = arith.index_cast %add3A_1275 : i32 to index
        %swap3A_1282 = arith.constant 0 : index
        %swap3A_1283 = tpu.vector_load %arg13[%swap3A_1281, %swap3A_1282] {strides = array<i32>} : memref<80x128xf32, #tpu.memory_space<vmem>>, vector<1x16xf32>,
        %swap3A_1284 = vector.shape_cast %swap3A_1283 : vector<1x16xf32> to vector<16xf32>
        %swap3A_1285 = vector.shape_cast %mul3A_1280 : vector<16xf32> to vector<1x16xf32>
        tpu.vector_store %arg13[%swap3A_1281, %swap3A_1282], %swap3A_1285 {strides = array<i32>} : memref<80x128xf32, #tpu.memory_space<vmem>>, vector<1x16xf32>,
        %get3A_1286 = arith.index_cast %add3A_1275 : i32 to index
        %get3A_1287 = arith.constant 16 : index
        %get3A_1288 = tpu.vector_load %arg13[%get3A_1286, %get3A_1287] {strides = array<i32>} : memref<80x128xf32, #tpu.memory_space<vmem>>, vector<1x16xf32>,
        %get3A_1289 = vector.shape_cast %get3A_1288 : vector<1x16xf32> to vector<16xf32>
        %mul3A_1290 = arith.mulf %get3A_1289, %broadcast_in_dim3A_1271 : vector<16xf32>
        %swap3A_1291 = arith.index_cast %add3A_1275 : i32 to index
        %swap3A_1292 = arith.constant 16 : index
        %swap3A_1293 = tpu.vector_load %arg13[%swap3A_1291, %swap3A_1292] {strides = array<i32>} : memref<80x128xf32, #tpu.memory_space<vmem>>, vector<1x16xf32>,
        %swap3A_1294 = vector.shape_cast %swap3A_1293 : vector<1x16xf32> to vector<16xf32>
        %swap3A_1295 = vector.shape_cast %mul3A_1290 : vector<16xf32> to vector<1x16xf32>
        tpu.vector_store %arg13[%swap3A_1291, %swap3A_1292], %swap3A_1295 {strides = array<i32>} : memref<80x128xf32, #tpu.memory_space<vmem>>, vector<1x16xf32>,
        %get3A_1296 = arith.index_cast %add3A_1275 : i32 to index
        %get3A_1297 = arith.constant 32 : index
        %get3A_1298 = tpu.vector_load %arg13[%get3A_1296, %get3A_1297] {strides = array<i32>} : memref<80x128xf32, #tpu.memory_space<vmem>>, vector<1x16xf32>,
        %get3A_1299 = vector.shape_cast %get3A_1298 : vector<1x16xf32> to vector<16xf32>
        %mul3A_1300 = arith.mulf %get3A_1299, %broadcast_in_dim3A_1271 : vector<16xf32>
        %swap3A_1301 = arith.index_cast %add3A_1275 : i32 to index
        %swap3A_1302 = arith.constant 32 : index
        %swap3A_1303 = tpu.vector_load %arg13[%swap3A_1301, %swap3A_1302] {strides = array<i32>} : memref<80x128xf32, #tpu.memory_space<vmem>>, vector<1x16xf32>,
        %swap3A_1304 = vector.shape_cast %swap3A_1303 : vector<1x16xf32> to vector<16xf32>
        %swap3A_1305 = vector.shape_cast %mul3A_1300 : vector<16xf32> to vector<1x16xf32>
        tpu.vector_store %arg13[%swap3A_1301, %swap3A_1302], %swap3A_1305 {strides = array<i32>} : memref<80x128xf32, #tpu.memory_space<vmem>>, vector<1x16xf32>,
        %get3A_1306 = arith.index_cast %add3A_1275 : i32 to index
        %get3A_1307 = arith.constant 48 : index
        %get3A_1308 = tpu.vector_load %arg13[%get3A_1306, %get3A_1307] {strides = array<i32>} : memref<80x128xf32, #tpu.memory_space<vmem>>, vector<1x16xf32>,
        %get3A_1309 = vector.shape_cast %get3A_1308 : vector<1x16xf32> to vector<16xf32>
        %mul3A_1310 = arith.mulf %get3A_1309, %broadcast_in_dim3A_1271 : vector<16xf32>
        %swap3A_1311 = arith.index_cast %add3A_1275 : i32 to index
        %swap3A_1312 = arith.constant 48 : index
        %swap3A_1313 = tpu.vector_load %arg13[%swap3A_1311, %swap3A_1312] {strides = array<i32>} : memref<80x128xf32, #tpu.memory_space<vmem>>, vector<1x16xf32>,
        %swap3A_1314 = vector.shape_cast %swap3A_1313 : vector<1x16xf32> to vector<16xf32>
        %swap3A_1315 = vector.shape_cast %mul3A_1310 : vector<16xf32> to vector<1x16xf32>
        tpu.vector_store %arg13[%swap3A_1311, %swap3A_1312], %swap3A_1315 {strides = array<i32>} : memref<80x128xf32, #tpu.memory_space<vmem>>, vector<1x16xf32>,
        %get3A_1316 = arith.index_cast %add3A_1275 : i32 to index
        %get3A_1317 = arith.constant 64 : index
        %get3A_1318 = tpu.vector_load %arg13[%get3A_1316, %get3A_1317] {strides = array<i32>} : memref<80x128xf32, #tpu.memory_space<vmem>>, vector<1x16xf32>,
        %get3A_1319 = vector.shape_cast %get3A_1318 : vector<1x16xf32> to vector<16xf32>
        %mul3A_1320 = arith.mulf %get3A_1319, %broadcast_in_dim3A_1271 : vector<16xf32>
        %swap3A_1321 = arith.index_cast %add3A_1275 : i32 to index
        %swap3A_1322 = arith.constant 64 : index
        %swap3A_1323 = tpu.vector_load %arg13[%swap3A_1321, %swap3A_1322] {strides = array<i32>} : memref<80x128xf32, #tpu.memory_space<vmem>>, vector<1x16xf32>,
        %swap3A_1324 = vector.shape_cast %swap3A_1323 : vector<1x16xf32> to vector<16xf32>
        %swap3A_1325 = vector.shape_cast %mul3A_1320 : vector<16xf32> to vector<1x16xf32>
        tpu.vector_store %arg13[%swap3A_1321, %swap3A_1322], %swap3A_1325 {strides = array<i32>} : memref<80x128xf32, #tpu.memory_space<vmem>>, vector<1x16xf32>,
        %get3A_1326 = arith.index_cast %add3A_1275 : i32 to index
        %get3A_1327 = arith.constant 80 : index
        %get3A_1328 = tpu.vector_load %arg13[%get3A_1326, %get3A_1327] {strides = array<i32>} : memref<80x128xf32, #tpu.memory_space<vmem>>, vector<1x16xf32>,
        %get3A_1329 = vector.shape_cast %get3A_1328 : vector<1x16xf32> to vector<16xf32>
        %mul3A_1330 = arith.mulf %get3A_1329, %broadcast_in_dim3A_1271 : vector<16xf32>
        %swap3A_1331 = arith.index_cast %add3A_1275 : i32 to index
        %swap3A_1332 = arith.constant 80 : index
        %swap3A_1333 = tpu.vector_load %arg13[%swap3A_1331, %swap3A_1332] {strides = array<i32>} : memref<80x128xf32, #tpu.memory_space<vmem>>, vector<1x16xf32>,
        %swap3A_1334 = vector.shape_cast %swap3A_1333 : vector<1x16xf32> to vector<16xf32>
        %swap3A_1335 = vector.shape_cast %mul3A_1330 : vector<16xf32> to vector<1x16xf32>
        tpu.vector_store %arg13[%swap3A_1331, %swap3A_1332], %swap3A_1335 {strides = array<i32>} : memref<80x128xf32, #tpu.memory_space<vmem>>, vector<1x16xf32>,
        %get3A_1336 = arith.index_cast %add3A_1275 : i32 to index
        %get3A_1337 = arith.constant 96 : index
        %get3A_1338 = tpu.vector_load %arg13[%get3A_1336, %get3A_1337] {strides = array<i32>} : memref<80x128xf32, #tpu.memory_space<vmem>>, vector<1x16xf32>,
        %get3A_1339 = vector.shape_cast %get3A_1338 : vector<1x16xf32> to vector<16xf32>
        %mul3A_1340 = arith.mulf %get3A_1339, %broadcast_in_dim3A_1271 : vector<16xf32>
        %swap3A_1341 = arith.index_cast %add3A_1275 : i32 to index
        %swap3A_1342 = arith.constant 96 : index
        %swap3A_1343 = tpu.vector_load %arg13[%swap3A_1341, %swap3A_1342] {strides = array<i32>} : memref<80x128xf32, #tpu.memory_space<vmem>>, vector<1x16xf32>,
        %swap3A_1344 = vector.shape_cast %swap3A_1343 : vector<1x16xf32> to vector<16xf32>
        %swap3A_1345 = vector.shape_cast %mul3A_1340 : vector<16xf32> to vector<1x16xf32>
        tpu.vector_store %arg13[%swap3A_1341, %swap3A_1342], %swap3A_1345 {strides = array<i32>} : memref<80x128xf32, #tpu.memory_space<vmem>>, vector<1x16xf32>,
        %get3A_1346 = arith.index_cast %add3A_1275 : i32 to index
        %get3A_1347 = arith.constant 112 : index
        %get3A_1348 = tpu.vector_load %arg13[%get3A_1346, %get3A_1347] {strides = array<i32>} : memref<80x128xf32, #tpu.memory_space<vmem>>, vector<1x16xf32>,
        %get3A_1349 = vector.shape_cast %get3A_1348 : vector<1x16xf32> to vector<16xf32>
        %mul3A_1350 = arith.mulf %get3A_1349, %broadcast_in_dim3A_1271 : vector<16xf32>
        %swap3A_1351 = arith.index_cast %add3A_1275 : i32 to index
        %swap3A_1352 = arith.constant 112 : index
        %swap3A_1353 = tpu.vector_load %arg13[%swap3A_1351, %swap3A_1352] {strides = array<i32>} : memref<80x128xf32, #tpu.memory_space<vmem>>, vector<1x16xf32>,
        %swap3A_1354 = vector.shape_cast %swap3A_1353 : vector<1x16xf32> to vector<16xf32>
        %swap3A_1355 = vector.shape_cast %mul3A_1350 : vector<16xf32> to vector<1x16xf32>
        tpu.vector_store %arg13[%swap3A_1351, %swap3A_1352], %swap3A_1355 {strides = array<i32>} : memref<80x128xf32, #tpu.memory_space<vmem>>, vector<1x16xf32>,
        %slice3A_1356 = vector.extract_strided_slice %get3A_226 {offsets = [13], sizes = [1], strides = [1]} : vector<16xf32> to vector<1xf32>
        %squeeze3A_1357 = vector.extract %slice3A_1356[0] : f32 from vector<1xf32>
        %broadcast_in_dim3A_1358 = vector.broadcast %squeeze3A_1357 : f32 to vector<16xf32>
        %mul3A_1359 = arith.constant 16 : i32
        %mul3A_1360 = arith.muli %add3A_221, %mul3A_1359 : i32
        %add3A_1361 = arith.constant 13 : i32
        %add3A_1362 = arith.addi %mul3A_1360, %add3A_1361 : i32
        %get3A_1363 = arith.index_cast %add3A_1362 : i32 to index
        %get3A_1364 = arith.constant 0 : index
        %get3A_1365 = tpu.vector_load %arg13[%get3A_1363, %get3A_1364] {strides = array<i32>} : memref<80x128xf32, #tpu.memory_space<vmem>>, vector<1x16xf32>,
        %get3A_1366 = vector.shape_cast %get3A_1365 : vector<1x16xf32> to vector<16xf32>
        %mul3A_1367 = arith.mulf %get3A_1366, %broadcast_in_dim3A_1358 : vector<16xf32>
        %swap3A_1368 = arith.index_cast %add3A_1362 : i32 to index
        %swap3A_1369 = arith.constant 0 : index
        %swap3A_1370 = tpu.vector_load %arg13[%swap3A_1368, %swap3A_1369] {strides = array<i32>} : memref<80x128xf32, #tpu.memory_space<vmem>>, vector<1x16xf32>,
        %swap3A_1371 = vector.shape_cast %swap3A_1370 : vector<1x16xf32> to vector<16xf32>
        %swap3A_1372 = vector.shape_cast %mul3A_1367 : vector<16xf32> to vector<1x16xf32>
        tpu.vector_store %arg13[%swap3A_1368, %swap3A_1369], %swap3A_1372 {strides = array<i32>} : memref<80x128xf32, #tpu.memory_space<vmem>>, vector<1x16xf32>,
        %get3A_1373 = arith.index_cast %add3A_1362 : i32 to index
        %get3A_1374 = arith.constant 16 : index
        %get3A_1375 = tpu.vector_load %arg13[%get3A_1373, %get3A_1374] {strides = array<i32>} : memref<80x128xf32, #tpu.memory_space<vmem>>, vector<1x16xf32>,
        %get3A_1376 = vector.shape_cast %get3A_1375 : vector<1x16xf32> to vector<16xf32>
        %mul3A_1377 = arith.mulf %get3A_1376, %broadcast_in_dim3A_1358 : vector<16xf32>
        %swap3A_1378 = arith.index_cast %add3A_1362 : i32 to index
        %swap3A_1379 = arith.constant 16 : index
        %swap3A_1380 = tpu.vector_load %arg13[%swap3A_1378, %swap3A_1379] {strides = array<i32>} : memref<80x128xf32, #tpu.memory_space<vmem>>, vector<1x16xf32>,
        %swap3A_1381 = vector.shape_cast %swap3A_1380 : vector<1x16xf32> to vector<16xf32>
        %swap3A_1382 = vector.shape_cast %mul3A_1377 : vector<16xf32> to vector<1x16xf32>
        tpu.vector_store %arg13[%swap3A_1378, %swap3A_1379], %swap3A_1382 {strides = array<i32>} : memref<80x128xf32, #tpu.memory_space<vmem>>, vector<1x16xf32>,
        %get3A_1383 = arith.index_cast %add3A_1362 : i32 to index
        %get3A_1384 = arith.constant 32 : index
        %get3A_1385 = tpu.vector_load %arg13[%get3A_1383, %get3A_1384] {strides = array<i32>} : memref<80x128xf32, #tpu.memory_space<vmem>>, vector<1x16xf32>,
        %get3A_1386 = vector.shape_cast %get3A_1385 : vector<1x16xf32> to vector<16xf32>
        %mul3A_1387 = arith.mulf %get3A_1386, %broadcast_in_dim3A_1358 : vector<16xf32>
        %swap3A_1388 = arith.index_cast %add3A_1362 : i32 to index
        %swap3A_1389 = arith.constant 32 : index
        %swap3A_1390 = tpu.vector_load %arg13[%swap3A_1388, %swap3A_1389] {strides = array<i32>} : memref<80x128xf32, #tpu.memory_space<vmem>>, vector<1x16xf32>,
        %swap3A_1391 = vector.shape_cast %swap3A_1390 : vector<1x16xf32> to vector<16xf32>
        %swap3A_1392 = vector.shape_cast %mul3A_1387 : vector<16xf32> to vector<1x16xf32>
        tpu.vector_store %arg13[%swap3A_1388, %swap3A_1389], %swap3A_1392 {strides = array<i32>} : memref<80x128xf32, #tpu.memory_space<vmem>>, vector<1x16xf32>,
        %get3A_1393 = arith.index_cast %add3A_1362 : i32 to index
        %get3A_1394 = arith.constant 48 : index
        %get3A_1395 = tpu.vector_load %arg13[%get3A_1393, %get3A_1394] {strides = array<i32>} : memref<80x128xf32, #tpu.memory_space<vmem>>, vector<1x16xf32>,
        %get3A_1396 = vector.shape_cast %get3A_1395 : vector<1x16xf32> to vector<16xf32>
        %mul3A_1397 = arith.mulf %get3A_1396, %broadcast_in_dim3A_1358 : vector<16xf32>
        %swap3A_1398 = arith.index_cast %add3A_1362 : i32 to index
        %swap3A_1399 = arith.constant 48 : index
        %swap3A_1400 = tpu.vector_load %arg13[%swap3A_1398, %swap3A_1399] {strides = array<i32>} : memref<80x128xf32, #tpu.memory_space<vmem>>, vector<1x16xf32>,
        %swap3A_1401 = vector.shape_cast %swap3A_1400 : vector<1x16xf32> to vector<16xf32>
        %swap3A_1402 = vector.shape_cast %mul3A_1397 : vector<16xf32> to vector<1x16xf32>
        tpu.vector_store %arg13[%swap3A_1398, %swap3A_1399], %swap3A_1402 {strides = array<i32>} : memref<80x128xf32, #tpu.memory_space<vmem>>, vector<1x16xf32>,
        %get3A_1403 = arith.index_cast %add3A_1362 : i32 to index
        %get3A_1404 = arith.constant 64 : index
        %get3A_1405 = tpu.vector_load %arg13[%get3A_1403, %get3A_1404] {strides = array<i32>} : memref<80x128xf32, #tpu.memory_space<vmem>>, vector<1x16xf32>,
        %get3A_1406 = vector.shape_cast %get3A_1405 : vector<1x16xf32> to vector<16xf32>
        %mul3A_1407 = arith.mulf %get3A_1406, %broadcast_in_dim3A_1358 : vector<16xf32>
        %swap3A_1408 = arith.index_cast %add3A_1362 : i32 to index
        %swap3A_1409 = arith.constant 64 : index
        %swap3A_1410 = tpu.vector_load %arg13[%swap3A_1408, %swap3A_1409] {strides = array<i32>} : memref<80x128xf32, #tpu.memory_space<vmem>>, vector<1x16xf32>,
        %swap3A_1411 = vector.shape_cast %swap3A_1410 : vector<1x16xf32> to vector<16xf32>
        %swap3A_1412 = vector.shape_cast %mul3A_1407 : vector<16xf32> to vector<1x16xf32>
        tpu.vector_store %arg13[%swap3A_1408, %swap3A_1409], %swap3A_1412 {strides = array<i32>} : memref<80x128xf32, #tpu.memory_space<vmem>>, vector<1x16xf32>,
        %get3A_1413 = arith.index_cast %add3A_1362 : i32 to index
        %get3A_1414 = arith.constant 80 : index
        %get3A_1415 = tpu.vector_load %arg13[%get3A_1413, %get3A_1414] {strides = array<i32>} : memref<80x128xf32, #tpu.memory_space<vmem>>, vector<1x16xf32>,
        %get3A_1416 = vector.shape_cast %get3A_1415 : vector<1x16xf32> to vector<16xf32>
        %mul3A_1417 = arith.mulf %get3A_1416, %broadcast_in_dim3A_1358 : vector<16xf32>
        %swap3A_1418 = arith.index_cast %add3A_1362 : i32 to index
        %swap3A_1419 = arith.constant 80 : index
        %swap3A_1420 = tpu.vector_load %arg13[%swap3A_1418, %swap3A_1419] {strides = array<i32>} : memref<80x128xf32, #tpu.memory_space<vmem>>, vector<1x16xf32>,
        %swap3A_1421 = vector.shape_cast %swap3A_1420 : vector<1x16xf32> to vector<16xf32>
        %swap3A_1422 = vector.shape_cast %mul3A_1417 : vector<16xf32> to vector<1x16xf32>
        tpu.vector_store %arg13[%swap3A_1418, %swap3A_1419], %swap3A_1422 {strides = array<i32>} : memref<80x128xf32, #tpu.memory_space<vmem>>, vector<1x16xf32>,
        %get3A_1423 = arith.index_cast %add3A_1362 : i32 to index
        %get3A_1424 = arith.constant 96 : index
        %get3A_1425 = tpu.vector_load %arg13[%get3A_1423, %get3A_1424] {strides = array<i32>} : memref<80x128xf32, #tpu.memory_space<vmem>>, vector<1x16xf32>,
        %get3A_1426 = vector.shape_cast %get3A_1425 : vector<1x16xf32> to vector<16xf32>
        %mul3A_1427 = arith.mulf %get3A_1426, %broadcast_in_dim3A_1358 : vector<16xf32>
        %swap3A_1428 = arith.index_cast %add3A_1362 : i32 to index
        %swap3A_1429 = arith.constant 96 : index
        %swap3A_1430 = tpu.vector_load %arg13[%swap3A_1428, %swap3A_1429] {strides = array<i32>} : memref<80x128xf32, #tpu.memory_space<vmem>>, vector<1x16xf32>,
        %swap3A_1431 = vector.shape_cast %swap3A_1430 : vector<1x16xf32> to vector<16xf32>
        %swap3A_1432 = vector.shape_cast %mul3A_1427 : vector<16xf32> to vector<1x16xf32>
        tpu.vector_store %arg13[%swap3A_1428, %swap3A_1429], %swap3A_1432 {strides = array<i32>} : memref<80x128xf32, #tpu.memory_space<vmem>>, vector<1x16xf32>,
        %get3A_1433 = arith.index_cast %add3A_1362 : i32 to index
        %get3A_1434 = arith.constant 112 : index
        %get3A_1435 = tpu.vector_load %arg13[%get3A_1433, %get3A_1434] {strides = array<i32>} : memref<80x128xf32, #tpu.memory_space<vmem>>, vector<1x16xf32>,
        %get3A_1436 = vector.shape_cast %get3A_1435 : vector<1x16xf32> to vector<16xf32>
        %mul3A_1437 = arith.mulf %get3A_1436, %broadcast_in_dim3A_1358 : vector<16xf32>
        %swap3A_1438 = arith.index_cast %add3A_1362 : i32 to index
        %swap3A_1439 = arith.constant 112 : index
        %swap3A_1440 = tpu.vector_load %arg13[%swap3A_1438, %swap3A_1439] {strides = array<i32>} : memref<80x128xf32, #tpu.memory_space<vmem>>, vector<1x16xf32>,
        %swap3A_1441 = vector.shape_cast %swap3A_1440 : vector<1x16xf32> to vector<16xf32>
        %swap3A_1442 = vector.shape_cast %mul3A_1437 : vector<16xf32> to vector<1x16xf32>
        tpu.vector_store %arg13[%swap3A_1438, %swap3A_1439], %swap3A_1442 {strides = array<i32>} : memref<80x128xf32, #tpu.memory_space<vmem>>, vector<1x16xf32>,
        %slice3A_1443 = vector.extract_strided_slice %get3A_226 {offsets = [14], sizes = [1], strides = [1]} : vector<16xf32> to vector<1xf32>
        %squeeze3A_1444 = vector.extract %slice3A_1443[0] : f32 from vector<1xf32>
        %broadcast_in_dim3A_1445 = vector.broadcast %squeeze3A_1444 : f32 to vector<16xf32>
        %mul3A_1446 = arith.constant 16 : i32
        %mul3A_1447 = arith.muli %add3A_221, %mul3A_1446 : i32
        %add3A_1448 = arith.constant 14 : i32
        %add3A_1449 = arith.addi %mul3A_1447, %add3A_1448 : i32
        %get3A_1450 = arith.index_cast %add3A_1449 : i32 to index
        %get3A_1451 = arith.constant 0 : index
        %get3A_1452 = tpu.vector_load %arg13[%get3A_1450, %get3A_1451] {strides = array<i32>} : memref<80x128xf32, #tpu.memory_space<vmem>>, vector<1x16xf32>,
        %get3A_1453 = vector.shape_cast %get3A_1452 : vector<1x16xf32> to vector<16xf32>
        %mul3A_1454 = arith.mulf %get3A_1453, %broadcast_in_dim3A_1445 : vector<16xf32>
        %swap3A_1455 = arith.index_cast %add3A_1449 : i32 to index
        %swap3A_1456 = arith.constant 0 : index
        %swap3A_1457 = tpu.vector_load %arg13[%swap3A_1455, %swap3A_1456] {strides = array<i32>} : memref<80x128xf32, #tpu.memory_space<vmem>>, vector<1x16xf32>,
        %swap3A_1458 = vector.shape_cast %swap3A_1457 : vector<1x16xf32> to vector<16xf32>
        %swap3A_1459 = vector.shape_cast %mul3A_1454 : vector<16xf32> to vector<1x16xf32>
        tpu.vector_store %arg13[%swap3A_1455, %swap3A_1456], %swap3A_1459 {strides = array<i32>} : memref<80x128xf32, #tpu.memory_space<vmem>>, vector<1x16xf32>,
        %get3A_1460 = arith.index_cast %add3A_1449 : i32 to index
        %get3A_1461 = arith.constant 16 : index
        %get3A_1462 = tpu.vector_load %arg13[%get3A_1460, %get3A_1461] {strides = array<i32>} : memref<80x128xf32, #tpu.memory_space<vmem>>, vector<1x16xf32>,
        %get3A_1463 = vector.shape_cast %get3A_1462 : vector<1x16xf32> to vector<16xf32>
        %mul3A_1464 = arith.mulf %get3A_1463, %broadcast_in_dim3A_1445 : vector<16xf32>
        %swap3A_1465 = arith.index_cast %add3A_1449 : i32 to index
        %swap3A_1466 = arith.constant 16 : index
        %swap3A_1467 = tpu.vector_load %arg13[%swap3A_1465, %swap3A_1466] {strides = array<i32>} : memref<80x128xf32, #tpu.memory_space<vmem>>, vector<1x16xf32>,
        %swap3A_1468 = vector.shape_cast %swap3A_1467 : vector<1x16xf32> to vector<16xf32>
        %swap3A_1469 = vector.shape_cast %mul3A_1464 : vector<16xf32> to vector<1x16xf32>
        tpu.vector_store %arg13[%swap3A_1465, %swap3A_1466], %swap3A_1469 {strides = array<i32>} : memref<80x128xf32, #tpu.memory_space<vmem>>, vector<1x16xf32>,
        %get3A_1470 = arith.index_cast %add3A_1449 : i32 to index
        %get3A_1471 = arith.constant 32 : index
        %get3A_1472 = tpu.vector_load %arg13[%get3A_1470, %get3A_1471] {strides = array<i32>} : memref<80x128xf32, #tpu.memory_space<vmem>>, vector<1x16xf32>,
        %get3A_1473 = vector.shape_cast %get3A_1472 : vector<1x16xf32> to vector<16xf32>
        %mul3A_1474 = arith.mulf %get3A_1473, %broadcast_in_dim3A_1445 : vector<16xf32>
        %swap3A_1475 = arith.index_cast %add3A_1449 : i32 to index
        %swap3A_1476 = arith.constant 32 : index
        %swap3A_1477 = tpu.vector_load %arg13[%swap3A_1475, %swap3A_1476] {strides = array<i32>} : memref<80x128xf32, #tpu.memory_space<vmem>>, vector<1x16xf32>,
        %swap3A_1478 = vector.shape_cast %swap3A_1477 : vector<1x16xf32> to vector<16xf32>
        %swap3A_1479 = vector.shape_cast %mul3A_1474 : vector<16xf32> to vector<1x16xf32>
        tpu.vector_store %arg13[%swap3A_1475, %swap3A_1476], %swap3A_1479 {strides = array<i32>} : memref<80x128xf32, #tpu.memory_space<vmem>>, vector<1x16xf32>,
        %get3A_1480 = arith.index_cast %add3A_1449 : i32 to index
        %get3A_1481 = arith.constant 48 : index
        %get3A_1482 = tpu.vector_load %arg13[%get3A_1480, %get3A_1481] {strides = array<i32>} : memref<80x128xf32, #tpu.memory_space<vmem>>, vector<1x16xf32>,
        %get3A_1483 = vector.shape_cast %get3A_1482 : vector<1x16xf32> to vector<16xf32>
        %mul3A_1484 = arith.mulf %get3A_1483, %broadcast_in_dim3A_1445 : vector<16xf32>
        %swap3A_1485 = arith.index_cast %add3A_1449 : i32 to index
        %swap3A_1486 = arith.constant 48 : index
        %swap3A_1487 = tpu.vector_load %arg13[%swap3A_1485, %swap3A_1486] {strides = array<i32>} : memref<80x128xf32, #tpu.memory_space<vmem>>, vector<1x16xf32>,
        %swap3A_1488 = vector.shape_cast %swap3A_1487 : vector<1x16xf32> to vector<16xf32>
        %swap3A_1489 = vector.shape_cast %mul3A_1484 : vector<16xf32> to vector<1x16xf32>
        tpu.vector_store %arg13[%swap3A_1485, %swap3A_1486], %swap3A_1489 {strides = array<i32>} : memref<80x128xf32, #tpu.memory_space<vmem>>, vector<1x16xf32>,
        %get3A_1490 = arith.index_cast %add3A_1449 : i32 to index
        %get3A_1491 = arith.constant 64 : index
        %get3A_1492 = tpu.vector_load %arg13[%get3A_1490, %get3A_1491] {strides = array<i32>} : memref<80x128xf32, #tpu.memory_space<vmem>>, vector<1x16xf32>,
        %get3A_1493 = vector.shape_cast %get3A_1492 : vector<1x16xf32> to vector<16xf32>
        %mul3A_1494 = arith.mulf %get3A_1493, %broadcast_in_dim3A_1445 : vector<16xf32>
        %swap3A_1495 = arith.index_cast %add3A_1449 : i32 to index
        %swap3A_1496 = arith.constant 64 : index
        %swap3A_1497 = tpu.vector_load %arg13[%swap3A_1495, %swap3A_1496] {strides = array<i32>} : memref<80x128xf32, #tpu.memory_space<vmem>>, vector<1x16xf32>,
        %swap3A_1498 = vector.shape_cast %swap3A_1497 : vector<1x16xf32> to vector<16xf32>
        %swap3A_1499 = vector.shape_cast %mul3A_1494 : vector<16xf32> to vector<1x16xf32>
        tpu.vector_store %arg13[%swap3A_1495, %swap3A_1496], %swap3A_1499 {strides = array<i32>} : memref<80x128xf32, #tpu.memory_space<vmem>>, vector<1x16xf32>,
        %get3A_1500 = arith.index_cast %add3A_1449 : i32 to index
        %get3A_1501 = arith.constant 80 : index
        %get3A_1502 = tpu.vector_load %arg13[%get3A_1500, %get3A_1501] {strides = array<i32>} : memref<80x128xf32, #tpu.memory_space<vmem>>, vector<1x16xf32>,
        %get3A_1503 = vector.shape_cast %get3A_1502 : vector<1x16xf32> to vector<16xf32>
        %mul3A_1504 = arith.mulf %get3A_1503, %broadcast_in_dim3A_1445 : vector<16xf32>
        %swap3A_1505 = arith.index_cast %add3A_1449 : i32 to index
        %swap3A_1506 = arith.constant 80 : index
        %swap3A_1507 = tpu.vector_load %arg13[%swap3A_1505, %swap3A_1506] {strides = array<i32>} : memref<80x128xf32, #tpu.memory_space<vmem>>, vector<1x16xf32>,
        %swap3A_1508 = vector.shape_cast %swap3A_1507 : vector<1x16xf32> to vector<16xf32>
        %swap3A_1509 = vector.shape_cast %mul3A_1504 : vector<16xf32> to vector<1x16xf32>
        tpu.vector_store %arg13[%swap3A_1505, %swap3A_1506], %swap3A_1509 {strides = array<i32>} : memref<80x128xf32, #tpu.memory_space<vmem>>, vector<1x16xf32>,
        %get3A_1510 = arith.index_cast %add3A_1449 : i32 to index
        %get3A_1511 = arith.constant 96 : index
        %get3A_1512 = tpu.vector_load %arg13[%get3A_1510, %get3A_1511] {strides = array<i32>} : memref<80x128xf32, #tpu.memory_space<vmem>>, vector<1x16xf32>,
        %get3A_1513 = vector.shape_cast %get3A_1512 : vector<1x16xf32> to vector<16xf32>
        %mul3A_1514 = arith.mulf %get3A_1513, %broadcast_in_dim3A_1445 : vector<16xf32>
        %swap3A_1515 = arith.index_cast %add3A_1449 : i32 to index
        %swap3A_1516 = arith.constant 96 : index
        %swap3A_1517 = tpu.vector_load %arg13[%swap3A_1515, %swap3A_1516] {strides = array<i32>} : memref<80x128xf32, #tpu.memory_space<vmem>>, vector<1x16xf32>,
        %swap3A_1518 = vector.shape_cast %swap3A_1517 : vector<1x16xf32> to vector<16xf32>
        %swap3A_1519 = vector.shape_cast %mul3A_1514 : vector<16xf32> to vector<1x16xf32>
        tpu.vector_store %arg13[%swap3A_1515, %swap3A_1516], %swap3A_1519 {strides = array<i32>} : memref<80x128xf32, #tpu.memory_space<vmem>>, vector<1x16xf32>,
        %get3A_1520 = arith.index_cast %add3A_1449 : i32 to index
        %get3A_1521 = arith.constant 112 : index
        %get3A_1522 = tpu.vector_load %arg13[%get3A_1520, %get3A_1521] {strides = array<i32>} : memref<80x128xf32, #tpu.memory_space<vmem>>, vector<1x16xf32>,
        %get3A_1523 = vector.shape_cast %get3A_1522 : vector<1x16xf32> to vector<16xf32>
        %mul3A_1524 = arith.mulf %get3A_1523, %broadcast_in_dim3A_1445 : vector<16xf32>
        %swap3A_1525 = arith.index_cast %add3A_1449 : i32 to index
        %swap3A_1526 = arith.constant 112 : index
        %swap3A_1527 = tpu.vector_load %arg13[%swap3A_1525, %swap3A_1526] {strides = array<i32>} : memref<80x128xf32, #tpu.memory_space<vmem>>, vector<1x16xf32>,
        %swap3A_1528 = vector.shape_cast %swap3A_1527 : vector<1x16xf32> to vector<16xf32>
        %swap3A_1529 = vector.shape_cast %mul3A_1524 : vector<16xf32> to vector<1x16xf32>
        tpu.vector_store %arg13[%swap3A_1525, %swap3A_1526], %swap3A_1529 {strides = array<i32>} : memref<80x128xf32, #tpu.memory_space<vmem>>, vector<1x16xf32>,
        %slice3A_1530 = vector.extract_strided_slice %get3A_226 {offsets = [15], sizes = [1], strides = [1]} : vector<16xf32> to vector<1xf32>
        %squeeze3A_1531 = vector.extract %slice3A_1530[0] : f32 from vector<1xf32>
        %broadcast_in_dim3A_1532 = vector.broadcast %squeeze3A_1531 : f32 to vector<16xf32>
        %mul3A_1533 = arith.constant 16 : i32
        %mul3A_1534 = arith.muli %add3A_221, %mul3A_1533 : i32
        %add3A_1535 = arith.constant 15 : i32
        %add3A_1536 = arith.addi %mul3A_1534, %add3A_1535 : i32
        %get3A_1537 = arith.index_cast %add3A_1536 : i32 to index
        %get3A_1538 = arith.constant 0 : index
        %get3A_1539 = tpu.vector_load %arg13[%get3A_1537, %get3A_1538] {strides = array<i32>} : memref<80x128xf32, #tpu.memory_space<vmem>>, vector<1x16xf32>,
        %get3A_1540 = vector.shape_cast %get3A_1539 : vector<1x16xf32> to vector<16xf32>
        %mul3A_1541 = arith.mulf %get3A_1540, %broadcast_in_dim3A_1532 : vector<16xf32>
        %swap3A_1542 = arith.index_cast %add3A_1536 : i32 to index
        %swap3A_1543 = arith.constant 0 : index
        %swap3A_1544 = tpu.vector_load %arg13[%swap3A_1542, %swap3A_1543] {strides = array<i32>} : memref<80x128xf32, #tpu.memory_space<vmem>>, vector<1x16xf32>,
        %swap3A_1545 = vector.shape_cast %swap3A_1544 : vector<1x16xf32> to vector<16xf32>
        %swap3A_1546 = vector.shape_cast %mul3A_1541 : vector<16xf32> to vector<1x16xf32>
        tpu.vector_store %arg13[%swap3A_1542, %swap3A_1543], %swap3A_1546 {strides = array<i32>} : memref<80x128xf32, #tpu.memory_space<vmem>>, vector<1x16xf32>,
        %get3A_1547 = arith.index_cast %add3A_1536 : i32 to index
        %get3A_1548 = arith.constant 16 : index
        %get3A_1549 = tpu.vector_load %arg13[%get3A_1547, %get3A_1548] {strides = array<i32>} : memref<80x128xf32, #tpu.memory_space<vmem>>, vector<1x16xf32>,
        %get3A_1550 = vector.shape_cast %get3A_1549 : vector<1x16xf32> to vector<16xf32>
        %mul3A_1551 = arith.mulf %get3A_1550, %broadcast_in_dim3A_1532 : vector<16xf32>
        %swap3A_1552 = arith.index_cast %add3A_1536 : i32 to index
        %swap3A_1553 = arith.constant 16 : index
        %swap3A_1554 = tpu.vector_load %arg13[%swap3A_1552, %swap3A_1553] {strides = array<i32>} : memref<80x128xf32, #tpu.memory_space<vmem>>, vector<1x16xf32>,
        %swap3A_1555 = vector.shape_cast %swap3A_1554 : vector<1x16xf32> to vector<16xf32>
        %swap3A_1556 = vector.shape_cast %mul3A_1551 : vector<16xf32> to vector<1x16xf32>
        tpu.vector_store %arg13[%swap3A_1552, %swap3A_1553], %swap3A_1556 {strides = array<i32>} : memref<80x128xf32, #tpu.memory_space<vmem>>, vector<1x16xf32>,
        %get3A_1557 = arith.index_cast %add3A_1536 : i32 to index
        %get3A_1558 = arith.constant 32 : index
        %get3A_1559 = tpu.vector_load %arg13[%get3A_1557, %get3A_1558] {strides = array<i32>} : memref<80x128xf32, #tpu.memory_space<vmem>>, vector<1x16xf32>,
        %get3A_1560 = vector.shape_cast %get3A_1559 : vector<1x16xf32> to vector<16xf32>
        %mul3A_1561 = arith.mulf %get3A_1560, %broadcast_in_dim3A_1532 : vector<16xf32>
        %swap3A_1562 = arith.index_cast %add3A_1536 : i32 to index
        %swap3A_1563 = arith.constant 32 : index
        %swap3A_1564 = tpu.vector_load %arg13[%swap3A_1562, %swap3A_1563] {strides = array<i32>} : memref<80x128xf32, #tpu.memory_space<vmem>>, vector<1x16xf32>,
        %swap3A_1565 = vector.shape_cast %swap3A_1564 : vector<1x16xf32> to vector<16xf32>
        %swap3A_1566 = vector.shape_cast %mul3A_1561 : vector<16xf32> to vector<1x16xf32>
        tpu.vector_store %arg13[%swap3A_1562, %swap3A_1563], %swap3A_1566 {strides = array<i32>} : memref<80x128xf32, #tpu.memory_space<vmem>>, vector<1x16xf32>,
        %get3A_1567 = arith.index_cast %add3A_1536 : i32 to index
        %get3A_1568 = arith.constant 48 : index
        %get3A_1569 = tpu.vector_load %arg13[%get3A_1567, %get3A_1568] {strides = array<i32>} : memref<80x128xf32, #tpu.memory_space<vmem>>, vector<1x16xf32>,
        %get3A_1570 = vector.shape_cast %get3A_1569 : vector<1x16xf32> to vector<16xf32>
        %mul3A_1571 = arith.mulf %get3A_1570, %broadcast_in_dim3A_1532 : vector<16xf32>
        %swap3A_1572 = arith.index_cast %add3A_1536 : i32 to index
        %swap3A_1573 = arith.constant 48 : index
        %swap3A_1574 = tpu.vector_load %arg13[%swap3A_1572, %swap3A_1573] {strides = array<i32>} : memref<80x128xf32, #tpu.memory_space<vmem>>, vector<1x16xf32>,
        %swap3A_1575 = vector.shape_cast %swap3A_1574 : vector<1x16xf32> to vector<16xf32>
        %swap3A_1576 = vector.shape_cast %mul3A_1571 : vector<16xf32> to vector<1x16xf32>
        tpu.vector_store %arg13[%swap3A_1572, %swap3A_1573], %swap3A_1576 {strides = array<i32>} : memref<80x128xf32, #tpu.memory_space<vmem>>, vector<1x16xf32>,
        %get3A_1577 = arith.index_cast %add3A_1536 : i32 to index
        %get3A_1578 = arith.constant 64 : index
        %get3A_1579 = tpu.vector_load %arg13[%get3A_1577, %get3A_1578] {strides = array<i32>} : memref<80x128xf32, #tpu.memory_space<vmem>>, vector<1x16xf32>,
        %get3A_1580 = vector.shape_cast %get3A_1579 : vector<1x16xf32> to vector<16xf32>
        %mul3A_1581 = arith.mulf %get3A_1580, %broadcast_in_dim3A_1532 : vector<16xf32>
        %swap3A_1582 = arith.index_cast %add3A_1536 : i32 to index
        %swap3A_1583 = arith.constant 64 : index
        %swap3A_1584 = tpu.vector_load %arg13[%swap3A_1582, %swap3A_1583] {strides = array<i32>} : memref<80x128xf32, #tpu.memory_space<vmem>>, vector<1x16xf32>,
        %swap3A_1585 = vector.shape_cast %swap3A_1584 : vector<1x16xf32> to vector<16xf32>
        %swap3A_1586 = vector.shape_cast %mul3A_1581 : vector<16xf32> to vector<1x16xf32>
        tpu.vector_store %arg13[%swap3A_1582, %swap3A_1583], %swap3A_1586 {strides = array<i32>} : memref<80x128xf32, #tpu.memory_space<vmem>>, vector<1x16xf32>,
        %get3A_1587 = arith.index_cast %add3A_1536 : i32 to index
        %get3A_1588 = arith.constant 80 : index
        %get3A_1589 = tpu.vector_load %arg13[%get3A_1587, %get3A_1588] {strides = array<i32>} : memref<80x128xf32, #tpu.memory_space<vmem>>, vector<1x16xf32>,
        %get3A_1590 = vector.shape_cast %get3A_1589 : vector<1x16xf32> to vector<16xf32>
        %mul3A_1591 = arith.mulf %get3A_1590, %broadcast_in_dim3A_1532 : vector<16xf32>
        %swap3A_1592 = arith.index_cast %add3A_1536 : i32 to index
        %swap3A_1593 = arith.constant 80 : index
        %swap3A_1594 = tpu.vector_load %arg13[%swap3A_1592, %swap3A_1593] {strides = array<i32>} : memref<80x128xf32, #tpu.memory_space<vmem>>, vector<1x16xf32>,
        %swap3A_1595 = vector.shape_cast %swap3A_1594 : vector<1x16xf32> to vector<16xf32>
        %swap3A_1596 = vector.shape_cast %mul3A_1591 : vector<16xf32> to vector<1x16xf32>
        tpu.vector_store %arg13[%swap3A_1592, %swap3A_1593], %swap3A_1596 {strides = array<i32>} : memref<80x128xf32, #tpu.memory_space<vmem>>, vector<1x16xf32>,
        %get3A_1597 = arith.index_cast %add3A_1536 : i32 to index
        %get3A_1598 = arith.constant 96 : index
        %get3A_1599 = tpu.vector_load %arg13[%get3A_1597, %get3A_1598] {strides = array<i32>} : memref<80x128xf32, #tpu.memory_space<vmem>>, vector<1x16xf32>,
        %get3A_1600 = vector.shape_cast %get3A_1599 : vector<1x16xf32> to vector<16xf32>
        %mul3A_1601 = arith.mulf %get3A_1600, %broadcast_in_dim3A_1532 : vector<16xf32>
        %swap3A_1602 = arith.index_cast %add3A_1536 : i32 to index
        %swap3A_1603 = arith.constant 96 : index
        %swap3A_1604 = tpu.vector_load %arg13[%swap3A_1602, %swap3A_1603] {strides = array<i32>} : memref<80x128xf32, #tpu.memory_space<vmem>>, vector<1x16xf32>,
        %swap3A_1605 = vector.shape_cast %swap3A_1604 : vector<1x16xf32> to vector<16xf32>
        %swap3A_1606 = vector.shape_cast %mul3A_1601 : vector<16xf32> to vector<1x16xf32>
        tpu.vector_store %arg13[%swap3A_1602, %swap3A_1603], %swap3A_1606 {strides = array<i32>} : memref<80x128xf32, #tpu.memory_space<vmem>>, vector<1x16xf32>,
        %get3A_1607 = arith.index_cast %add3A_1536 : i32 to index
        %get3A_1608 = arith.constant 112 : index
        %get3A_1609 = tpu.vector_load %arg13[%get3A_1607, %get3A_1608] {strides = array<i32>} : memref<80x128xf32, #tpu.memory_space<vmem>>, vector<1x16xf32>,
        %get3A_1610 = vector.shape_cast %get3A_1609 : vector<1x16xf32> to vector<16xf32>
        %mul3A_1611 = arith.mulf %get3A_1610, %broadcast_in_dim3A_1532 : vector<16xf32>
        %swap3A_1612 = arith.index_cast %add3A_1536 : i32 to index
        %swap3A_1613 = arith.constant 112 : index
        %swap3A_1614 = tpu.vector_load %arg13[%swap3A_1612, %swap3A_1613] {strides = array<i32>} : memref<80x128xf32, #tpu.memory_space<vmem>>, vector<1x16xf32>,
        %swap3A_1615 = vector.shape_cast %swap3A_1614 : vector<1x16xf32> to vector<16xf32>
        %swap3A_1616 = vector.shape_cast %mul3A_1611 : vector<16xf32> to vector<1x16xf32>
        tpu.vector_store %arg13[%swap3A_1612, %swap3A_1613], %swap3A_1616 {strides = array<i32>} : memref<80x128xf32, #tpu.memory_space<vmem>>, vector<1x16xf32>,
      }
      %scan3A_146 = arith.constant 5 : i32
      %mul3A_147 = arith.constant 80 : i32
      %mul3A_148 = arith.muli %add3A_117, %mul3A_147 : i32
      %add3A_149 = arith.constant 0 : i32
      %add3A_150 = arith.addi %mul3A_148, %add3A_149 : i32
      %get3A = arith.index_cast %add3A_150 : i32 to index
      %get3A_151 = tpu.vector_load %arg8[%get3A] {strides = array<i32>} : memref<10000xi32, #tpu.memory_space<vmem>>, vector<16xi32>,
      %get3A_152 = vector.shape_cast %get3A_151 : vector<16xi32> to vector<16xi32>
      %swap3A = arith.constant 0 : index
      %swap3A_153 = tpu.vector_load %arg11[%swap3A] {strides = array<i32>} : memref<80xi32, #tpu.memory_space<vmem>>, vector<16xi32>,
      %swap3A_154 = vector.shape_cast %swap3A_153 : vector<16xi32> to vector<16xi32>
      %swap3A_155 = vector.shape_cast %get3A_152 : vector<16xi32> to vector<16xi32>
      tpu.vector_store %arg11[%swap3A], %swap3A_155 {strides = array<i32>} : memref<80xi32, #tpu.memory_space<vmem>>, vector<16xi32>,
      %mul3A_156 = arith.constant 80 : i32
      %mul3A_157 = arith.muli %add3A_117, %mul3A_156 : i32
      %add3A_158 = arith.constant 16 : i32
      %add3A_159 = arith.addi %mul3A_157, %add3A_158 : i32
      %get3A_160 = arith.index_cast %add3A_159 : i32 to index
      %get3A_161 = tpu.vector_load %arg8[%get3A_160] {strides = array<i32>} : memref<10000xi32, #tpu.memory_space<vmem>>, vector<16xi32>,
      %get3A_162 = vector.shape_cast %get3A_161 : vector<16xi32> to vector<16xi32>
      %swap3A_163 = arith.constant 16 : index
      %swap3A_164 = tpu.vector_load %arg11[%swap3A_163] {strides = array<i32>} : memref<80xi32, #tpu.memory_space<vmem>>, vector<16xi32>,
      %swap3A_165 = vector.shape_cast %swap3A_164 : vector<16xi32> to vector<16xi32>
      %swap3A_166 = vector.shape_cast %get3A_162 : vector<16xi32> to vector<16xi32>
      tpu.vector_store %arg11[%swap3A_163], %swap3A_166 {strides = array<i32>} : memref<80xi32, #tpu.memory_space<vmem>>, vector<16xi32>,
      %mul3A_167 = arith.constant 80 : i32
      %mul3A_168 = arith.muli %add3A_117, %mul3A_167 : i32
      %add3A_169 = arith.constant 32 : i32
      %add3A_170 = arith.addi %mul3A_168, %add3A_169 : i32
      %get3A_171 = arith.index_cast %add3A_170 : i32 to index
      %get3A_172 = tpu.vector_load %arg8[%get3A_171] {strides = array<i32>} : memref<10000xi32, #tpu.memory_space<vmem>>, vector<16xi32>,
      %get3A_173 = vector.shape_cast %get3A_172 : vector<16xi32> to vector<16xi32>
      %swap3A_174 = arith.constant 32 : index
      %swap3A_175 = tpu.vector_load %arg11[%swap3A_174] {strides = array<i32>} : memref<80xi32, #tpu.memory_space<vmem>>, vector<16xi32>,
      %swap3A_176 = vector.shape_cast %swap3A_175 : vector<16xi32> to vector<16xi32>
      %swap3A_177 = vector.shape_cast %get3A_173 : vector<16xi32> to vector<16xi32>
      tpu.vector_store %arg11[%swap3A_174], %swap3A_177 {strides = array<i32>} : memref<80xi32, #tpu.memory_space<vmem>>, vector<16xi32>,
      %mul3A_178 = arith.constant 80 : i32
      %mul3A_179 = arith.muli %add3A_117, %mul3A_178 : i32
      %add3A_180 = arith.constant 48 : i32
      %add3A_181 = arith.addi %mul3A_179, %add3A_180 : i32
      %get3A_182 = arith.index_cast %add3A_181 : i32 to index
      %get3A_183 = tpu.vector_load %arg8[%get3A_182] {strides = array<i32>} : memref<10000xi32, #tpu.memory_space<vmem>>, vector<16xi32>,
      %get3A_184 = vector.shape_cast %get3A_183 : vector<16xi32> to vector<16xi32>
      %swap3A_185 = arith.constant 48 : index
      %swap3A_186 = tpu.vector_load %arg11[%swap3A_185] {strides = array<i32>} : memref<80xi32, #tpu.memory_space<vmem>>, vector<16xi32>,
      %swap3A_187 = vector.shape_cast %swap3A_186 : vector<16xi32> to vector<16xi32>
      %swap3A_188 = vector.shape_cast %get3A_184 : vector<16xi32> to vector<16xi32>
      tpu.vector_store %arg11[%swap3A_185], %swap3A_188 {strides = array<i32>} : memref<80xi32, #tpu.memory_space<vmem>>, vector<16xi32>,
      %mul3A_189 = arith.constant 80 : i32
      %mul3A_190 = arith.muli %add3A_117, %mul3A_189 : i32
      %add3A_191 = arith.constant 64 : i32
      %add3A_192 = arith.addi %mul3A_190, %add3A_191 : i32
      %get3A_193 = arith.index_cast %add3A_192 : i32 to index
      %get3A_194 = tpu.vector_load %arg8[%get3A_193] {strides = array<i32>} : memref<10000xi32, #tpu.memory_space<vmem>>, vector<16xi32>,
      %get3A_195 = vector.shape_cast %get3A_194 : vector<16xi32> to vector<16xi32>
      %swap3A_196 = arith.constant 64 : index
      %swap3A_197 = tpu.vector_load %arg11[%swap3A_196] {strides = array<i32>} : memref<80xi32, #tpu.memory_space<vmem>>, vector<16xi32>,
      %swap3A_198 = vector.shape_cast %swap3A_197 : vector<16xi32> to vector<16xi32>
      %swap3A_199 = vector.shape_cast %get3A_195 : vector<16xi32> to vector<16xi32>
      tpu.vector_store %arg11[%swap3A_196], %swap3A_199 {strides = array<i32>} : memref<80xi32, #tpu.memory_space<vmem>>, vector<16xi32>,
      %add3A_200 = arith.constant 2 : i32
      %add3A_201 = arith.addi %add3A_117, %add3A_200 : i32
      %lt3A_202 = arith.constant 125 : i32
      %lt3A_203 = arith.cmpi slt, %add3A_201, %lt3A_202 : i32
      %convert_element_type3A_204 = arith.extui %lt3A_203 : i1 to i32
      %cond3A_205 = arith.constant 0 : i32
      %cond3A_206 = arith.cmpi ne, %convert_element_type3A_204, %cond3A_205 : i32
      scf.if %cond3A_206 {
        %add3A_217 = arith.constant 2 : i32
        %add3A_218 = arith.addi %add3A_117, %add3A_217 : i32
        %mul3A_219 = arith.constant 10000 : i32
        %mul3A_220 = arith.muli %add3A, %mul3A_219 : i32
        %mul3A_221 = arith.constant 80 : i32
        %mul3A_222 = arith.muli %add3A_218, %mul3A_221 : i32
        %add3A_223 = arith.addi %mul3A_220, %mul3A_222 : i32
        %dma_start3A_224 = tpu.memref_slice %arg5[%add3A_223] : memref<320000xf32, #tpu.memory_space<hbm>> -> memref<80xf32, #tpu.memory_space<hbm>>
        %dma_start3A_225 = tpu.memref_slice %arg5[%add3A_223] : memref<320000xf32, #tpu.memory_space<hbm>> -> memref<80xf32, #tpu.memory_space<hbm>>
        tpu.enqueue_dma source(%dma_start3A_225 : memref<80xf32, #tpu.memory_space<hbm>>) target(%arg9 : memref<80xf32, #tpu.memory_space<vmem>>) target_semaphore(%arg16 : memref<!tpu.dma_semaphore, #tpu.memory_space<semaphore_mem>>)
      } else {
      }
      %dma_start3A_207 = arith.constant 0 : i32
      %dma_start3A_208 = arith.constant 0 : i32
      %dma_start3A_209 = tpu.memref_slice %arg15[%dma_start3A_207, %dma_start3A_208] : memref<10000x128xf32, #tpu.memory_space<vmem_shared>> -> memref<10000x128xf32, #tpu.memory_space<vmem_shared>>
      tpu.enqueue_indirect_dma source(%arg13 : memref<80x128xf32, #tpu.memory_space<vmem>>) target(%dma_start3A_209 : memref<10000x128xf32, #tpu.memory_space<vmem_shared>>) offsets(%arg11 : memref<80xi32, #tpu.memory_space<vmem>>) semaphore(%arg19 : memref<!tpu.dma_semaphore, #tpu.memory_space<semaphore_mem>>) {add = true}
      %add3A_210 = arith.constant 1 : i32
      %add3A_211 = arith.addi %add3A_117, %add3A_210 : i32
      %lt3A_212 = arith.constant 125 : i32
      %lt3A_213 = arith.cmpi slt, %add3A_211, %lt3A_212 : i32
      %convert_element_type3A_214 = arith.extui %lt3A_213 : i1 to i32
      %cond3A_215 = arith.constant 0 : i32
      %cond3A_216 = arith.cmpi ne, %convert_element_type3A_214, %cond3A_215 : i32
      scf.if %cond3A_216 {
        %add3A_217 = arith.constant 1 : i32
        %add3A_218 = arith.addi %add3A_117, %add3A_217 : i32
        %mul3A_219 = arith.constant 80 : i32
        %mul3A_220 = arith.muli %add3A_218, %mul3A_219 : i32
        %dma_wait3A_221 = tpu.memref_slice %arg7[%mul3A_220] : memref<10000xi32, #tpu.memory_space<vmem>> -> memref<80xi32, #tpu.memory_space<vmem>>
        %dma_wait3A_222 = arith.constant 0 : i32
        %dma_wait3A_223 = arith.constant 0 : i32
        %dma_wait3A_224 = tpu.memref_slice %arg2[%dma_wait3A_222, %dma_wait3A_223] : memref<10000x128xf32, #tpu.memory_space<hbm>> -> memref<10000x128xf32, #tpu.memory_space<hbm>>
        tpu.wait_indirect_dma semaphore(%arg18 : memref<!tpu.dma_semaphore, #tpu.memory_space<semaphore_mem>>) src(%dma_wait3A_224 : memref<10000x128xf32, #tpu.memory_space<hbm>>) dst(%arg14 : memref<80x128xf32, #tpu.memory_space<vmem>>)
        %add3A_225 = arith.constant 1 : i32
        %add3A_226 = arith.addi %add3A_218, %add3A_225 : i32
        %lt3A_227 = arith.constant 125 : i32
        %lt3A_228 = arith.cmpi slt, %add3A_226, %lt3A_227 : i32
        %convert_element_type3A_229 = arith.extui %lt3A_228 : i1 to i32
        %cond3A_230 = arith.constant 0 : i32
        %cond3A_231 = arith.cmpi ne, %convert_element_type3A_229, %cond3A_230 : i32
        scf.if %cond3A_231 {
          %add3A_314 = arith.constant 1 : i32
          %add3A_315 = arith.addi %add3A_218, %add3A_314 : i32
          %mul3A_316 = arith.constant 10000 : i32
          %mul3A_317 = arith.muli %add3A, %mul3A_316 : i32
          %mul3A_318 = arith.constant 80 : i32
          %mul3A_319 = arith.muli %add3A_315, %mul3A_318 : i32
          %add3A_320 = arith.addi %mul3A_317, %mul3A_319 : i32
          %dma_wait3A_321 = tpu.memref_slice %arg5[%add3A_320] : memref<320000xf32, #tpu.memory_space<hbm>> -> memref<80xf32, #tpu.memory_space<hbm>>
          %dma_wait3A_322 = tpu.memref_slice %arg5[%add3A_320] : memref<320000xf32, #tpu.memory_space<hbm>> -> memref<80xf32, #tpu.memory_space<hbm>>
          tpu.wait_dma2 semaphore(%arg16 : memref<!tpu.dma_semaphore, #tpu.memory_space<semaphore_mem>>) src(%dma_wait3A_322 : memref<80xf32, #tpu.memory_space<hbm>>) dst(%arg9 : memref<80xf32, #tpu.memory_space<vmem>>)
        } else {
        }
        %gt3A_232 = arith.constant 0 : i32
        %gt3A_233 = arith.cmpi sgt, %add3A_218, %gt3A_232 : i32
        %convert_element_type3A_234 = arith.extui %gt3A_233 : i1 to i32
        %cond3A_235 = arith.constant 0 : i32
        %cond3A_236 = arith.cmpi ne, %convert_element_type3A_234, %cond3A_235 : i32
        scf.if %cond3A_236 {
          %dma_wait3A_314 = arith.constant 0 : i32
          %dma_wait3A_315 = arith.constant 0 : i32
          %dma_wait3A_316 = tpu.memref_slice %arg15[%dma_wait3A_314, %dma_wait3A_315] : memref<10000x128xf32, #tpu.memory_space<vmem_shared>> -> memref<10000x128xf32, #tpu.memory_space<vmem_shared>>
          tpu.wait_indirect_dma semaphore(%arg19 : memref<!tpu.dma_semaphore, #tpu.memory_space<semaphore_mem>>) src(%arg13 : memref<80x128xf32, #tpu.memory_space<vmem>>) dst(%dma_wait3A_316 : memref<10000x128xf32, #tpu.memory_space<vmem_shared>>)
        } else {
        }
        %add3A_237 = arith.constant 1 : i32
        %add3A_238 = arith.addi %add3A_218, %add3A_237 : i32
        %lt3A_239 = arith.constant 125 : i32
        %lt3A_240 = arith.cmpi slt, %add3A_238, %lt3A_239 : i32
        %convert_element_type3A_241 = arith.extui %lt3A_240 : i1 to i32
        %cond3A_242 = arith.constant 0 : i32
        %cond3A_243 = arith.cmpi ne, %convert_element_type3A_241, %cond3A_242 : i32
        scf.if %cond3A_243 {
          %add3A_314 = arith.constant 1 : i32
          %add3A_315 = arith.addi %add3A_218, %add3A_314 : i32
          %mul3A_316 = arith.constant 80 : i32
          %mul3A_317 = arith.muli %add3A_315, %mul3A_316 : i32
          %dma_start3A_318 = tpu.memref_slice %arg7[%mul3A_317] : memref<10000xi32, #tpu.memory_space<vmem>> -> memref<80xi32, #tpu.memory_space<vmem>>
          %dma_start3A_319 = arith.constant 0 : i32
          %dma_start3A_320 = arith.constant 0 : i32
          %dma_start3A_321 = tpu.memref_slice %arg2[%dma_start3A_319, %dma_start3A_320] : memref<10000x128xf32, #tpu.memory_space<hbm>> -> memref<10000x128xf32, #tpu.memory_space<hbm>>
          tpu.enqueue_indirect_dma source(%dma_start3A_321 : memref<10000x128xf32, #tpu.memory_space<hbm>>) target(%arg13 : memref<80x128xf32, #tpu.memory_space<vmem>>) offsets(%dma_start3A_318 : memref<80xi32, #tpu.memory_space<vmem>>) semaphore(%arg18 : memref<!tpu.dma_semaphore, #tpu.memory_space<semaphore_mem>>)
        } else {
        }
        %scan3A_244 = arith.constant 0 : i32
        %scan3A_245 = arith.constant 5 : i32
        %scan3A_246 = arith.addi %scan3A_244, %scan3A_245 : i32
        %scan3A_247 = arith.constant 1 : i32
        scf.for %scan3A_314 = %scan3A_244 to %scan3A_246 step %scan3A_247  : i32 {
          %mul3A_315 = arith.constant 1 : i32
          %mul3A_316 = arith.muli %scan3A_314, %mul3A_315 : i32
          %add3A_317 = arith.constant 0 : i32
          %add3A_318 = arith.addi %add3A_317, %mul3A_316 : i32
          %mul3A_319 = arith.constant 16 : i32
          %mul3A_320 = arith.muli %add3A_318, %mul3A_319 : i32
          %get3A_321 = arith.index_cast %mul3A_320 : i32 to index
          %get3A_322 = tpu.vector_load %arg10[%get3A_321] {strides = array<i32>} : memref<80xf32, #tpu.memory_space<vmem>>, vector<16xf32>,
          %get3A_323 = vector.shape_cast %get3A_322 : vector<16xf32> to vector<16xf32>
          %slice3A = vector.extract_strided_slice %get3A_323 {offsets = [0], sizes = [1], strides = [1]} : vector<16xf32> to vector<1xf32>
          %squeeze3A = vector.extract %slice3A[0] : f32 from vector<1xf32>
          %broadcast_in_dim3A_324 = vector.broadcast %squeeze3A : f32 to vector<16xf32>
          %mul3A_325 = arith.constant 16 : i32
          %mul3A_326 = arith.muli %add3A_318, %mul3A_325 : i32
          %add3A_327 = arith.constant 0 : i32
          %add3A_328 = arith.addi %mul3A_326, %add3A_327 : i32
          %get3A_329 = arith.index_cast %add3A_328 : i32 to index
          %get3A_330 = arith.constant 0 : index
          %get3A_331 = tpu.vector_load %arg14[%get3A_329, %get3A_330] {strides = array<i32>} : memref<80x128xf32, #tpu.memory_space<vmem>>, vector<1x16xf32>,
          %get3A_332 = vector.shape_cast %get3A_331 : vector<1x16xf32> to vector<16xf32>
          %mul3A_333 = arith.mulf %get3A_332, %broadcast_in_dim3A_324 : vector<16xf32>
          %swap3A_334 = arith.index_cast %add3A_328 : i32 to index
          %swap3A_335 = arith.constant 0 : index
          %swap3A_336 = tpu.vector_load %arg14[%swap3A_334, %swap3A_335] {strides = array<i32>} : memref<80x128xf32, #tpu.memory_space<vmem>>, vector<1x16xf32>,
          %swap3A_337 = vector.shape_cast %swap3A_336 : vector<1x16xf32> to vector<16xf32>
          %swap3A_338 = vector.shape_cast %mul3A_333 : vector<16xf32> to vector<1x16xf32>
          tpu.vector_store %arg14[%swap3A_334, %swap3A_335], %swap3A_338 {strides = array<i32>} : memref<80x128xf32, #tpu.memory_space<vmem>>, vector<1x16xf32>,
          %get3A_339 = arith.index_cast %add3A_328 : i32 to index
          %get3A_340 = arith.constant 16 : index
          %get3A_341 = tpu.vector_load %arg14[%get3A_339, %get3A_340] {strides = array<i32>} : memref<80x128xf32, #tpu.memory_space<vmem>>, vector<1x16xf32>,
          %get3A_342 = vector.shape_cast %get3A_341 : vector<1x16xf32> to vector<16xf32>
          %mul3A_343 = arith.mulf %get3A_342, %broadcast_in_dim3A_324 : vector<16xf32>
          %swap3A_344 = arith.index_cast %add3A_328 : i32 to index
          %swap3A_345 = arith.constant 16 : index
          %swap3A_346 = tpu.vector_load %arg14[%swap3A_344, %swap3A_345] {strides = array<i32>} : memref<80x128xf32, #tpu.memory_space<vmem>>, vector<1x16xf32>,
          %swap3A_347 = vector.shape_cast %swap3A_346 : vector<1x16xf32> to vector<16xf32>
          %swap3A_348 = vector.shape_cast %mul3A_343 : vector<16xf32> to vector<1x16xf32>
          tpu.vector_store %arg14[%swap3A_344, %swap3A_345], %swap3A_348 {strides = array<i32>} : memref<80x128xf32, #tpu.memory_space<vmem>>, vector<1x16xf32>,
          %get3A_349 = arith.index_cast %add3A_328 : i32 to index
          %get3A_350 = arith.constant 32 : index
          %get3A_351 = tpu.vector_load %arg14[%get3A_349, %get3A_350] {strides = array<i32>} : memref<80x128xf32, #tpu.memory_space<vmem>>, vector<1x16xf32>,
          %get3A_352 = vector.shape_cast %get3A_351 : vector<1x16xf32> to vector<16xf32>
          %mul3A_353 = arith.mulf %get3A_352, %broadcast_in_dim3A_324 : vector<16xf32>
          %swap3A_354 = arith.index_cast %add3A_328 : i32 to index
          %swap3A_355 = arith.constant 32 : index
          %swap3A_356 = tpu.vector_load %arg14[%swap3A_354, %swap3A_355] {strides = array<i32>} : memref<80x128xf32, #tpu.memory_space<vmem>>, vector<1x16xf32>,
          %swap3A_357 = vector.shape_cast %swap3A_356 : vector<1x16xf32> to vector<16xf32>
          %swap3A_358 = vector.shape_cast %mul3A_353 : vector<16xf32> to vector<1x16xf32>
          tpu.vector_store %arg14[%swap3A_354, %swap3A_355], %swap3A_358 {strides = array<i32>} : memref<80x128xf32, #tpu.memory_space<vmem>>, vector<1x16xf32>,
          %get3A_359 = arith.index_cast %add3A_328 : i32 to index
          %get3A_360 = arith.constant 48 : index
          %get3A_361 = tpu.vector_load %arg14[%get3A_359, %get3A_360] {strides = array<i32>} : memref<80x128xf32, #tpu.memory_space<vmem>>, vector<1x16xf32>,
          %get3A_362 = vector.shape_cast %get3A_361 : vector<1x16xf32> to vector<16xf32>
          %mul3A_363 = arith.mulf %get3A_362, %broadcast_in_dim3A_324 : vector<16xf32>
          %swap3A_364 = arith.index_cast %add3A_328 : i32 to index
          %swap3A_365 = arith.constant 48 : index
          %swap3A_366 = tpu.vector_load %arg14[%swap3A_364, %swap3A_365] {strides = array<i32>} : memref<80x128xf32, #tpu.memory_space<vmem>>, vector<1x16xf32>,
          %swap3A_367 = vector.shape_cast %swap3A_366 : vector<1x16xf32> to vector<16xf32>
          %swap3A_368 = vector.shape_cast %mul3A_363 : vector<16xf32> to vector<1x16xf32>
          tpu.vector_store %arg14[%swap3A_364, %swap3A_365], %swap3A_368 {strides = array<i32>} : memref<80x128xf32, #tpu.memory_space<vmem>>, vector<1x16xf32>,
          %get3A_369 = arith.index_cast %add3A_328 : i32 to index
          %get3A_370 = arith.constant 64 : index
          %get3A_371 = tpu.vector_load %arg14[%get3A_369, %get3A_370] {strides = array<i32>} : memref<80x128xf32, #tpu.memory_space<vmem>>, vector<1x16xf32>,
          %get3A_372 = vector.shape_cast %get3A_371 : vector<1x16xf32> to vector<16xf32>
          %mul3A_373 = arith.mulf %get3A_372, %broadcast_in_dim3A_324 : vector<16xf32>
          %swap3A_374 = arith.index_cast %add3A_328 : i32 to index
          %swap3A_375 = arith.constant 64 : index
          %swap3A_376 = tpu.vector_load %arg14[%swap3A_374, %swap3A_375] {strides = array<i32>} : memref<80x128xf32, #tpu.memory_space<vmem>>, vector<1x16xf32>,
          %swap3A_377 = vector.shape_cast %swap3A_376 : vector<1x16xf32> to vector<16xf32>
          %swap3A_378 = vector.shape_cast %mul3A_373 : vector<16xf32> to vector<1x16xf32>
          tpu.vector_store %arg14[%swap3A_374, %swap3A_375], %swap3A_378 {strides = array<i32>} : memref<80x128xf32, #tpu.memory_space<vmem>>, vector<1x16xf32>,
          %get3A_379 = arith.index_cast %add3A_328 : i32 to index
          %get3A_380 = arith.constant 80 : index
          %get3A_381 = tpu.vector_load %arg14[%get3A_379, %get3A_380] {strides = array<i32>} : memref<80x128xf32, #tpu.memory_space<vmem>>, vector<1x16xf32>,
          %get3A_382 = vector.shape_cast %get3A_381 : vector<1x16xf32> to vector<16xf32>
          %mul3A_383 = arith.mulf %get3A_382, %broadcast_in_dim3A_324 : vector<16xf32>
          %swap3A_384 = arith.index_cast %add3A_328 : i32 to index
          %swap3A_385 = arith.constant 80 : index
          %swap3A_386 = tpu.vector_load %arg14[%swap3A_384, %swap3A_385] {strides = array<i32>} : memref<80x128xf32, #tpu.memory_space<vmem>>, vector<1x16xf32>,
          %swap3A_387 = vector.shape_cast %swap3A_386 : vector<1x16xf32> to vector<16xf32>
          %swap3A_388 = vector.shape_cast %mul3A_383 : vector<16xf32> to vector<1x16xf32>
          tpu.vector_store %arg14[%swap3A_384, %swap3A_385], %swap3A_388 {strides = array<i32>} : memref<80x128xf32, #tpu.memory_space<vmem>>, vector<1x16xf32>,
          %get3A_389 = arith.index_cast %add3A_328 : i32 to index
          %get3A_390 = arith.constant 96 : index
          %get3A_391 = tpu.vector_load %arg14[%get3A_389, %get3A_390] {strides = array<i32>} : memref<80x128xf32, #tpu.memory_space<vmem>>, vector<1x16xf32>,
          %get3A_392 = vector.shape_cast %get3A_391 : vector<1x16xf32> to vector<16xf32>
          %mul3A_393 = arith.mulf %get3A_392, %broadcast_in_dim3A_324 : vector<16xf32>
          %swap3A_394 = arith.index_cast %add3A_328 : i32 to index
          %swap3A_395 = arith.constant 96 : index
          %swap3A_396 = tpu.vector_load %arg14[%swap3A_394, %swap3A_395] {strides = array<i32>} : memref<80x128xf32, #tpu.memory_space<vmem>>, vector<1x16xf32>,
          %swap3A_397 = vector.shape_cast %swap3A_396 : vector<1x16xf32> to vector<16xf32>
          %swap3A_398 = vector.shape_cast %mul3A_393 : vector<16xf32> to vector<1x16xf32>
          tpu.vector_store %arg14[%swap3A_394, %swap3A_395], %swap3A_398 {strides = array<i32>} : memref<80x128xf32, #tpu.memory_space<vmem>>, vector<1x16xf32>,
          %get3A_399 = arith.index_cast %add3A_328 : i32 to index
          %get3A_400 = arith.constant 112 : index
          %get3A_401 = tpu.vector_load %arg14[%get3A_399, %get3A_400] {strides = array<i32>} : memref<80x128xf32, #tpu.memory_space<vmem>>, vector<1x16xf32>,
          %get3A_402 = vector.shape_cast %get3A_401 : vector<1x16xf32> to vector<16xf32>
          %mul3A_403 = arith.mulf %get3A_402, %broadcast_in_dim3A_324 : vector<16xf32>
          %swap3A_404 = arith.index_cast %add3A_328 : i32 to index
          %swap3A_405 = arith.constant 112 : index
          %swap3A_406 = tpu.vector_load %arg14[%swap3A_404, %swap3A_405] {strides = array<i32>} : memref<80x128xf32, #tpu.memory_space<vmem>>, vector<1x16xf32>,
          %swap3A_407 = vector.shape_cast %swap3A_406 : vector<1x16xf32> to vector<16xf32>
          %swap3A_408 = vector.shape_cast %mul3A_403 : vector<16xf32> to vector<1x16xf32>
          tpu.vector_store %arg14[%swap3A_404, %swap3A_405], %swap3A_408 {strides = array<i32>} : memref<80x128xf32, #tpu.memory_space<vmem>>, vector<1x16xf32>,
          %slice3A_409 = vector.extract_strided_slice %get3A_323 {offsets = [1], sizes = [1], strides = [1]} : vector<16xf32> to vector<1xf32>
          %squeeze3A_410 = vector.extract %slice3A_409[0] : f32 from vector<1xf32>
          %broadcast_in_dim3A_411 = vector.broadcast %squeeze3A_410 : f32 to vector<16xf32>
          %mul3A_412 = arith.constant 16 : i32
          %mul3A_413 = arith.muli %add3A_318, %mul3A_412 : i32
          %add3A_414 = arith.constant 1 : i32
          %add3A_415 = arith.addi %mul3A_413, %add3A_414 : i32
          %get3A_416 = arith.index_cast %add3A_415 : i32 to index
          %get3A_417 = arith.constant 0 : index
          %get3A_418 = tpu.vector_load %arg14[%get3A_416, %get3A_417] {strides = array<i32>} : memref<80x128xf32, #tpu.memory_space<vmem>>, vector<1x16xf32>,
          %get3A_419 = vector.shape_cast %get3A_418 : vector<1x16xf32> to vector<16xf32>
          %mul3A_420 = arith.mulf %get3A_419, %broadcast_in_dim3A_411 : vector<16xf32>
          %swap3A_421 = arith.index_cast %add3A_415 : i32 to index
          %swap3A_422 = arith.constant 0 : index
          %swap3A_423 = tpu.vector_load %arg14[%swap3A_421, %swap3A_422] {strides = array<i32>} : memref<80x128xf32, #tpu.memory_space<vmem>>, vector<1x16xf32>,
          %swap3A_424 = vector.shape_cast %swap3A_423 : vector<1x16xf32> to vector<16xf32>
          %swap3A_425 = vector.shape_cast %mul3A_420 : vector<16xf32> to vector<1x16xf32>
          tpu.vector_store %arg14[%swap3A_421, %swap3A_422], %swap3A_425 {strides = array<i32>} : memref<80x128xf32, #tpu.memory_space<vmem>>, vector<1x16xf32>,
          %get3A_426 = arith.index_cast %add3A_415 : i32 to index
          %get3A_427 = arith.constant 16 : index
          %get3A_428 = tpu.vector_load %arg14[%get3A_426, %get3A_427] {strides = array<i32>} : memref<80x128xf32, #tpu.memory_space<vmem>>, vector<1x16xf32>,
          %get3A_429 = vector.shape_cast %get3A_428 : vector<1x16xf32> to vector<16xf32>
          %mul3A_430 = arith.mulf %get3A_429, %broadcast_in_dim3A_411 : vector<16xf32>
          %swap3A_431 = arith.index_cast %add3A_415 : i32 to index
          %swap3A_432 = arith.constant 16 : index
          %swap3A_433 = tpu.vector_load %arg14[%swap3A_431, %swap3A_432] {strides = array<i32>} : memref<80x128xf32, #tpu.memory_space<vmem>>, vector<1x16xf32>,
          %swap3A_434 = vector.shape_cast %swap3A_433 : vector<1x16xf32> to vector<16xf32>
          %swap3A_435 = vector.shape_cast %mul3A_430 : vector<16xf32> to vector<1x16xf32>
          tpu.vector_store %arg14[%swap3A_431, %swap3A_432], %swap3A_435 {strides = array<i32>} : memref<80x128xf32, #tpu.memory_space<vmem>>, vector<1x16xf32>,
          %get3A_436 = arith.index_cast %add3A_415 : i32 to index
          %get3A_437 = arith.constant 32 : index
          %get3A_438 = tpu.vector_load %arg14[%get3A_436, %get3A_437] {strides = array<i32>} : memref<80x128xf32, #tpu.memory_space<vmem>>, vector<1x16xf32>,
          %get3A_439 = vector.shape_cast %get3A_438 : vector<1x16xf32> to vector<16xf32>
          %mul3A_440 = arith.mulf %get3A_439, %broadcast_in_dim3A_411 : vector<16xf32>
          %swap3A_441 = arith.index_cast %add3A_415 : i32 to index
          %swap3A_442 = arith.constant 32 : index
          %swap3A_443 = tpu.vector_load %arg14[%swap3A_441, %swap3A_442] {strides = array<i32>} : memref<80x128xf32, #tpu.memory_space<vmem>>, vector<1x16xf32>,
          %swap3A_444 = vector.shape_cast %swap3A_443 : vector<1x16xf32> to vector<16xf32>
          %swap3A_445 = vector.shape_cast %mul3A_440 : vector<16xf32> to vector<1x16xf32>
          tpu.vector_store %arg14[%swap3A_441, %swap3A_442], %swap3A_445 {strides = array<i32>} : memref<80x128xf32, #tpu.memory_space<vmem>>, vector<1x16xf32>,
          %get3A_446 = arith.index_cast %add3A_415 : i32 to index
          %get3A_447 = arith.constant 48 : index
          %get3A_448 = tpu.vector_load %arg14[%get3A_446, %get3A_447] {strides = array<i32>} : memref<80x128xf32, #tpu.memory_space<vmem>>, vector<1x16xf32>,
          %get3A_449 = vector.shape_cast %get3A_448 : vector<1x16xf32> to vector<16xf32>
          %mul3A_450 = arith.mulf %get3A_449, %broadcast_in_dim3A_411 : vector<16xf32>
          %swap3A_451 = arith.index_cast %add3A_415 : i32 to index
          %swap3A_452 = arith.constant 48 : index
          %swap3A_453 = tpu.vector_load %arg14[%swap3A_451, %swap3A_452] {strides = array<i32>} : memref<80x128xf32, #tpu.memory_space<vmem>>, vector<1x16xf32>,
          %swap3A_454 = vector.shape_cast %swap3A_453 : vector<1x16xf32> to vector<16xf32>
          %swap3A_455 = vector.shape_cast %mul3A_450 : vector<16xf32> to vector<1x16xf32>
          tpu.vector_store %arg14[%swap3A_451, %swap3A_452], %swap3A_455 {strides = array<i32>} : memref<80x128xf32, #tpu.memory_space<vmem>>, vector<1x16xf32>,
          %get3A_456 = arith.index_cast %add3A_415 : i32 to index
          %get3A_457 = arith.constant 64 : index
          %get3A_458 = tpu.vector_load %arg14[%get3A_456, %get3A_457] {strides = array<i32>} : memref<80x128xf32, #tpu.memory_space<vmem>>, vector<1x16xf32>,
          %get3A_459 = vector.shape_cast %get3A_458 : vector<1x16xf32> to vector<16xf32>
          %mul3A_460 = arith.mulf %get3A_459, %broadcast_in_dim3A_411 : vector<16xf32>
          %swap3A_461 = arith.index_cast %add3A_415 : i32 to index
          %swap3A_462 = arith.constant 64 : index
          %swap3A_463 = tpu.vector_load %arg14[%swap3A_461, %swap3A_462] {strides = array<i32>} : memref<80x128xf32, #tpu.memory_space<vmem>>, vector<1x16xf32>,
          %swap3A_464 = vector.shape_cast %swap3A_463 : vector<1x16xf32> to vector<16xf32>
          %swap3A_465 = vector.shape_cast %mul3A_460 : vector<16xf32> to vector<1x16xf32>
          tpu.vector_store %arg14[%swap3A_461, %swap3A_462], %swap3A_465 {strides = array<i32>} : memref<80x128xf32, #tpu.memory_space<vmem>>, vector<1x16xf32>,
          %get3A_466 = arith.index_cast %add3A_415 : i32 to index
          %get3A_467 = arith.constant 80 : index
          %get3A_468 = tpu.vector_load %arg14[%get3A_466, %get3A_467] {strides = array<i32>} : memref<80x128xf32, #tpu.memory_space<vmem>>, vector<1x16xf32>,
          %get3A_469 = vector.shape_cast %get3A_468 : vector<1x16xf32> to vector<16xf32>
          %mul3A_470 = arith.mulf %get3A_469, %broadcast_in_dim3A_411 : vector<16xf32>
          %swap3A_471 = arith.index_cast %add3A_415 : i32 to index
          %swap3A_472 = arith.constant 80 : index
          %swap3A_473 = tpu.vector_load %arg14[%swap3A_471, %swap3A_472] {strides = array<i32>} : memref<80x128xf32, #tpu.memory_space<vmem>>, vector<1x16xf32>,
          %swap3A_474 = vector.shape_cast %swap3A_473 : vector<1x16xf32> to vector<16xf32>
          %swap3A_475 = vector.shape_cast %mul3A_470 : vector<16xf32> to vector<1x16xf32>
          tpu.vector_store %arg14[%swap3A_471, %swap3A_472], %swap3A_475 {strides = array<i32>} : memref<80x128xf32, #tpu.memory_space<vmem>>, vector<1x16xf32>,
          %get3A_476 = arith.index_cast %add3A_415 : i32 to index
          %get3A_477 = arith.constant 96 : index
          %get3A_478 = tpu.vector_load %arg14[%get3A_476, %get3A_477] {strides = array<i32>} : memref<80x128xf32, #tpu.memory_space<vmem>>, vector<1x16xf32>,
          %get3A_479 = vector.shape_cast %get3A_478 : vector<1x16xf32> to vector<16xf32>
          %mul3A_480 = arith.mulf %get3A_479, %broadcast_in_dim3A_411 : vector<16xf32>
          %swap3A_481 = arith.index_cast %add3A_415 : i32 to index
          %swap3A_482 = arith.constant 96 : index
          %swap3A_483 = tpu.vector_load %arg14[%swap3A_481, %swap3A_482] {strides = array<i32>} : memref<80x128xf32, #tpu.memory_space<vmem>>, vector<1x16xf32>,
          %swap3A_484 = vector.shape_cast %swap3A_483 : vector<1x16xf32> to vector<16xf32>
          %swap3A_485 = vector.shape_cast %mul3A_480 : vector<16xf32> to vector<1x16xf32>
          tpu.vector_store %arg14[%swap3A_481, %swap3A_482], %swap3A_485 {strides = array<i32>} : memref<80x128xf32, #tpu.memory_space<vmem>>, vector<1x16xf32>,
          %get3A_486 = arith.index_cast %add3A_415 : i32 to index
          %get3A_487 = arith.constant 112 : index
          %get3A_488 = tpu.vector_load %arg14[%get3A_486, %get3A_487] {strides = array<i32>} : memref<80x128xf32, #tpu.memory_space<vmem>>, vector<1x16xf32>,
          %get3A_489 = vector.shape_cast %get3A_488 : vector<1x16xf32> to vector<16xf32>
          %mul3A_490 = arith.mulf %get3A_489, %broadcast_in_dim3A_411 : vector<16xf32>
          %swap3A_491 = arith.index_cast %add3A_415 : i32 to index
          %swap3A_492 = arith.constant 112 : index
          %swap3A_493 = tpu.vector_load %arg14[%swap3A_491, %swap3A_492] {strides = array<i32>} : memref<80x128xf32, #tpu.memory_space<vmem>>, vector<1x16xf32>,
          %swap3A_494 = vector.shape_cast %swap3A_493 : vector<1x16xf32> to vector<16xf32>
          %swap3A_495 = vector.shape_cast %mul3A_490 : vector<16xf32> to vector<1x16xf32>
          tpu.vector_store %arg14[%swap3A_491, %swap3A_492], %swap3A_495 {strides = array<i32>} : memref<80x128xf32, #tpu.memory_space<vmem>>, vector<1x16xf32>,
          %slice3A_496 = vector.extract_strided_slice %get3A_323 {offsets = [2], sizes = [1], strides = [1]} : vector<16xf32> to vector<1xf32>
          %squeeze3A_497 = vector.extract %slice3A_496[0] : f32 from vector<1xf32>
          %broadcast_in_dim3A_498 = vector.broadcast %squeeze3A_497 : f32 to vector<16xf32>
          %mul3A_499 = arith.constant 16 : i32
          %mul3A_500 = arith.muli %add3A_318, %mul3A_499 : i32
          %add3A_501 = arith.constant 2 : i32
          %add3A_502 = arith.addi %mul3A_500, %add3A_501 : i32
          %get3A_503 = arith.index_cast %add3A_502 : i32 to index
          %get3A_504 = arith.constant 0 : index
          %get3A_505 = tpu.vector_load %arg14[%get3A_503, %get3A_504] {strides = array<i32>} : memref<80x128xf32, #tpu.memory_space<vmem>>, vector<1x16xf32>,
          %get3A_506 = vector.shape_cast %get3A_505 : vector<1x16xf32> to vector<16xf32>
          %mul3A_507 = arith.mulf %get3A_506, %broadcast_in_dim3A_498 : vector<16xf32>
          %swap3A_508 = arith.index_cast %add3A_502 : i32 to index
          %swap3A_509 = arith.constant 0 : index
          %swap3A_510 = tpu.vector_load %arg14[%swap3A_508, %swap3A_509] {strides = array<i32>} : memref<80x128xf32, #tpu.memory_space<vmem>>, vector<1x16xf32>,
          %swap3A_511 = vector.shape_cast %swap3A_510 : vector<1x16xf32> to vector<16xf32>
          %swap3A_512 = vector.shape_cast %mul3A_507 : vector<16xf32> to vector<1x16xf32>
          tpu.vector_store %arg14[%swap3A_508, %swap3A_509], %swap3A_512 {strides = array<i32>} : memref<80x128xf32, #tpu.memory_space<vmem>>, vector<1x16xf32>,
          %get3A_513 = arith.index_cast %add3A_502 : i32 to index
          %get3A_514 = arith.constant 16 : index
          %get3A_515 = tpu.vector_load %arg14[%get3A_513, %get3A_514] {strides = array<i32>} : memref<80x128xf32, #tpu.memory_space<vmem>>, vector<1x16xf32>,
          %get3A_516 = vector.shape_cast %get3A_515 : vector<1x16xf32> to vector<16xf32>
          %mul3A_517 = arith.mulf %get3A_516, %broadcast_in_dim3A_498 : vector<16xf32>
          %swap3A_518 = arith.index_cast %add3A_502 : i32 to index
          %swap3A_519 = arith.constant 16 : index
          %swap3A_520 = tpu.vector_load %arg14[%swap3A_518, %swap3A_519] {strides = array<i32>} : memref<80x128xf32, #tpu.memory_space<vmem>>, vector<1x16xf32>,
          %swap3A_521 = vector.shape_cast %swap3A_520 : vector<1x16xf32> to vector<16xf32>
          %swap3A_522 = vector.shape_cast %mul3A_517 : vector<16xf32> to vector<1x16xf32>
          tpu.vector_store %arg14[%swap3A_518, %swap3A_519], %swap3A_522 {strides = array<i32>} : memref<80x128xf32, #tpu.memory_space<vmem>>, vector<1x16xf32>,
          %get3A_523 = arith.index_cast %add3A_502 : i32 to index
          %get3A_524 = arith.constant 32 : index
          %get3A_525 = tpu.vector_load %arg14[%get3A_523, %get3A_524] {strides = array<i32>} : memref<80x128xf32, #tpu.memory_space<vmem>>, vector<1x16xf32>,
          %get3A_526 = vector.shape_cast %get3A_525 : vector<1x16xf32> to vector<16xf32>
          %mul3A_527 = arith.mulf %get3A_526, %broadcast_in_dim3A_498 : vector<16xf32>
          %swap3A_528 = arith.index_cast %add3A_502 : i32 to index
          %swap3A_529 = arith.constant 32 : index
          %swap3A_530 = tpu.vector_load %arg14[%swap3A_528, %swap3A_529] {strides = array<i32>} : memref<80x128xf32, #tpu.memory_space<vmem>>, vector<1x16xf32>,
          %swap3A_531 = vector.shape_cast %swap3A_530 : vector<1x16xf32> to vector<16xf32>
          %swap3A_532 = vector.shape_cast %mul3A_527 : vector<16xf32> to vector<1x16xf32>
          tpu.vector_store %arg14[%swap3A_528, %swap3A_529], %swap3A_532 {strides = array<i32>} : memref<80x128xf32, #tpu.memory_space<vmem>>, vector<1x16xf32>,
          %get3A_533 = arith.index_cast %add3A_502 : i32 to index
          %get3A_534 = arith.constant 48 : index
          %get3A_535 = tpu.vector_load %arg14[%get3A_533, %get3A_534] {strides = array<i32>} : memref<80x128xf32, #tpu.memory_space<vmem>>, vector<1x16xf32>,
          %get3A_536 = vector.shape_cast %get3A_535 : vector<1x16xf32> to vector<16xf32>
          %mul3A_537 = arith.mulf %get3A_536, %broadcast_in_dim3A_498 : vector<16xf32>
          %swap3A_538 = arith.index_cast %add3A_502 : i32 to index
          %swap3A_539 = arith.constant 48 : index
          %swap3A_540 = tpu.vector_load %arg14[%swap3A_538, %swap3A_539] {strides = array<i32>} : memref<80x128xf32, #tpu.memory_space<vmem>>, vector<1x16xf32>,
          %swap3A_541 = vector.shape_cast %swap3A_540 : vector<1x16xf32> to vector<16xf32>
          %swap3A_542 = vector.shape_cast %mul3A_537 : vector<16xf32> to vector<1x16xf32>
          tpu.vector_store %arg14[%swap3A_538, %swap3A_539], %swap3A_542 {strides = array<i32>} : memref<80x128xf32, #tpu.memory_space<vmem>>, vector<1x16xf32>,
          %get3A_543 = arith.index_cast %add3A_502 : i32 to index
          %get3A_544 = arith.constant 64 : index
          %get3A_545 = tpu.vector_load %arg14[%get3A_543, %get3A_544] {strides = array<i32>} : memref<80x128xf32, #tpu.memory_space<vmem>>, vector<1x16xf32>,
          %get3A_546 = vector.shape_cast %get3A_545 : vector<1x16xf32> to vector<16xf32>
          %mul3A_547 = arith.mulf %get3A_546, %broadcast_in_dim3A_498 : vector<16xf32>
          %swap3A_548 = arith.index_cast %add3A_502 : i32 to index
          %swap3A_549 = arith.constant 64 : index
          %swap3A_550 = tpu.vector_load %arg14[%swap3A_548, %swap3A_549] {strides = array<i32>} : memref<80x128xf32, #tpu.memory_space<vmem>>, vector<1x16xf32>,
          %swap3A_551 = vector.shape_cast %swap3A_550 : vector<1x16xf32> to vector<16xf32>
          %swap3A_552 = vector.shape_cast %mul3A_547 : vector<16xf32> to vector<1x16xf32>
          tpu.vector_store %arg14[%swap3A_548, %swap3A_549], %swap3A_552 {strides = array<i32>} : memref<80x128xf32, #tpu.memory_space<vmem>>, vector<1x16xf32>,
          %get3A_553 = arith.index_cast %add3A_502 : i32 to index
          %get3A_554 = arith.constant 80 : index
          %get3A_555 = tpu.vector_load %arg14[%get3A_553, %get3A_554] {strides = array<i32>} : memref<80x128xf32, #tpu.memory_space<vmem>>, vector<1x16xf32>,
          %get3A_556 = vector.shape_cast %get3A_555 : vector<1x16xf32> to vector<16xf32>
          %mul3A_557 = arith.mulf %get3A_556, %broadcast_in_dim3A_498 : vector<16xf32>
          %swap3A_558 = arith.index_cast %add3A_502 : i32 to index
          %swap3A_559 = arith.constant 80 : index
          %swap3A_560 = tpu.vector_load %arg14[%swap3A_558, %swap3A_559] {strides = array<i32>} : memref<80x128xf32, #tpu.memory_space<vmem>>, vector<1x16xf32>,
          %swap3A_561 = vector.shape_cast %swap3A_560 : vector<1x16xf32> to vector<16xf32>
          %swap3A_562 = vector.shape_cast %mul3A_557 : vector<16xf32> to vector<1x16xf32>
          tpu.vector_store %arg14[%swap3A_558, %swap3A_559], %swap3A_562 {strides = array<i32>} : memref<80x128xf32, #tpu.memory_space<vmem>>, vector<1x16xf32>,
          %get3A_563 = arith.index_cast %add3A_502 : i32 to index
          %get3A_564 = arith.constant 96 : index
          %get3A_565 = tpu.vector_load %arg14[%get3A_563, %get3A_564] {strides = array<i32>} : memref<80x128xf32, #tpu.memory_space<vmem>>, vector<1x16xf32>,
          %get3A_566 = vector.shape_cast %get3A_565 : vector<1x16xf32> to vector<16xf32>
          %mul3A_567 = arith.mulf %get3A_566, %broadcast_in_dim3A_498 : vector<16xf32>
          %swap3A_568 = arith.index_cast %add3A_502 : i32 to index
          %swap3A_569 = arith.constant 96 : index
          %swap3A_570 = tpu.vector_load %arg14[%swap3A_568, %swap3A_569] {strides = array<i32>} : memref<80x128xf32, #tpu.memory_space<vmem>>, vector<1x16xf32>,
          %swap3A_571 = vector.shape_cast %swap3A_570 : vector<1x16xf32> to vector<16xf32>
          %swap3A_572 = vector.shape_cast %mul3A_567 : vector<16xf32> to vector<1x16xf32>
          tpu.vector_store %arg14[%swap3A_568, %swap3A_569], %swap3A_572 {strides = array<i32>} : memref<80x128xf32, #tpu.memory_space<vmem>>, vector<1x16xf32>,
          %get3A_573 = arith.index_cast %add3A_502 : i32 to index
          %get3A_574 = arith.constant 112 : index
          %get3A_575 = tpu.vector_load %arg14[%get3A_573, %get3A_574] {strides = array<i32>} : memref<80x128xf32, #tpu.memory_space<vmem>>, vector<1x16xf32>,
          %get3A_576 = vector.shape_cast %get3A_575 : vector<1x16xf32> to vector<16xf32>
          %mul3A_577 = arith.mulf %get3A_576, %broadcast_in_dim3A_498 : vector<16xf32>
          %swap3A_578 = arith.index_cast %add3A_502 : i32 to index
          %swap3A_579 = arith.constant 112 : index
          %swap3A_580 = tpu.vector_load %arg14[%swap3A_578, %swap3A_579] {strides = array<i32>} : memref<80x128xf32, #tpu.memory_space<vmem>>, vector<1x16xf32>,
          %swap3A_581 = vector.shape_cast %swap3A_580 : vector<1x16xf32> to vector<16xf32>
          %swap3A_582 = vector.shape_cast %mul3A_577 : vector<16xf32> to vector<1x16xf32>
          tpu.vector_store %arg14[%swap3A_578, %swap3A_579], %swap3A_582 {strides = array<i32>} : memref<80x128xf32, #tpu.memory_space<vmem>>, vector<1x16xf32>,
          %slice3A_583 = vector.extract_strided_slice %get3A_323 {offsets = [3], sizes = [1], strides = [1]} : vector<16xf32> to vector<1xf32>
          %squeeze3A_584 = vector.extract %slice3A_583[0] : f32 from vector<1xf32>
          %broadcast_in_dim3A_585 = vector.broadcast %squeeze3A_584 : f32 to vector<16xf32>
          %mul3A_586 = arith.constant 16 : i32
          %mul3A_587 = arith.muli %add3A_318, %mul3A_586 : i32
          %add3A_588 = arith.constant 3 : i32
          %add3A_589 = arith.addi %mul3A_587, %add3A_588 : i32
          %get3A_590 = arith.index_cast %add3A_589 : i32 to index
          %get3A_591 = arith.constant 0 : index
          %get3A_592 = tpu.vector_load %arg14[%get3A_590, %get3A_591] {strides = array<i32>} : memref<80x128xf32, #tpu.memory_space<vmem>>, vector<1x16xf32>,
          %get3A_593 = vector.shape_cast %get3A_592 : vector<1x16xf32> to vector<16xf32>
          %mul3A_594 = arith.mulf %get3A_593, %broadcast_in_dim3A_585 : vector<16xf32>
          %swap3A_595 = arith.index_cast %add3A_589 : i32 to index
          %swap3A_596 = arith.constant 0 : index
          %swap3A_597 = tpu.vector_load %arg14[%swap3A_595, %swap3A_596] {strides = array<i32>} : memref<80x128xf32, #tpu.memory_space<vmem>>, vector<1x16xf32>,
          %swap3A_598 = vector.shape_cast %swap3A_597 : vector<1x16xf32> to vector<16xf32>
          %swap3A_599 = vector.shape_cast %mul3A_594 : vector<16xf32> to vector<1x16xf32>
          tpu.vector_store %arg14[%swap3A_595, %swap3A_596], %swap3A_599 {strides = array<i32>} : memref<80x128xf32, #tpu.memory_space<vmem>>, vector<1x16xf32>,
          %get3A_600 = arith.index_cast %add3A_589 : i32 to index
          %get3A_601 = arith.constant 16 : index
          %get3A_602 = tpu.vector_load %arg14[%get3A_600, %get3A_601] {strides = array<i32>} : memref<80x128xf32, #tpu.memory_space<vmem>>, vector<1x16xf32>,
          %get3A_603 = vector.shape_cast %get3A_602 : vector<1x16xf32> to vector<16xf32>
          %mul3A_604 = arith.mulf %get3A_603, %broadcast_in_dim3A_585 : vector<16xf32>
          %swap3A_605 = arith.index_cast %add3A_589 : i32 to index
          %swap3A_606 = arith.constant 16 : index
          %swap3A_607 = tpu.vector_load %arg14[%swap3A_605, %swap3A_606] {strides = array<i32>} : memref<80x128xf32, #tpu.memory_space<vmem>>, vector<1x16xf32>,
          %swap3A_608 = vector.shape_cast %swap3A_607 : vector<1x16xf32> to vector<16xf32>
          %swap3A_609 = vector.shape_cast %mul3A_604 : vector<16xf32> to vector<1x16xf32>
          tpu.vector_store %arg14[%swap3A_605, %swap3A_606], %swap3A_609 {strides = array<i32>} : memref<80x128xf32, #tpu.memory_space<vmem>>, vector<1x16xf32>,
          %get3A_610 = arith.index_cast %add3A_589 : i32 to index
          %get3A_611 = arith.constant 32 : index
          %get3A_612 = tpu.vector_load %arg14[%get3A_610, %get3A_611] {strides = array<i32>} : memref<80x128xf32, #tpu.memory_space<vmem>>, vector<1x16xf32>,
          %get3A_613 = vector.shape_cast %get3A_612 : vector<1x16xf32> to vector<16xf32>
          %mul3A_614 = arith.mulf %get3A_613, %broadcast_in_dim3A_585 : vector<16xf32>
          %swap3A_615 = arith.index_cast %add3A_589 : i32 to index
          %swap3A_616 = arith.constant 32 : index
          %swap3A_617 = tpu.vector_load %arg14[%swap3A_615, %swap3A_616] {strides = array<i32>} : memref<80x128xf32, #tpu.memory_space<vmem>>, vector<1x16xf32>,
          %swap3A_618 = vector.shape_cast %swap3A_617 : vector<1x16xf32> to vector<16xf32>
          %swap3A_619 = vector.shape_cast %mul3A_614 : vector<16xf32> to vector<1x16xf32>
          tpu.vector_store %arg14[%swap3A_615, %swap3A_616], %swap3A_619 {strides = array<i32>} : memref<80x128xf32, #tpu.memory_space<vmem>>, vector<1x16xf32>,
          %get3A_620 = arith.index_cast %add3A_589 : i32 to index
          %get3A_621 = arith.constant 48 : index
          %get3A_622 = tpu.vector_load %arg14[%get3A_620, %get3A_621] {strides = array<i32>} : memref<80x128xf32, #tpu.memory_space<vmem>>, vector<1x16xf32>,
          %get3A_623 = vector.shape_cast %get3A_622 : vector<1x16xf32> to vector<16xf32>
          %mul3A_624 = arith.mulf %get3A_623, %broadcast_in_dim3A_585 : vector<16xf32>
          %swap3A_625 = arith.index_cast %add3A_589 : i32 to index
          %swap3A_626 = arith.constant 48 : index
          %swap3A_627 = tpu.vector_load %arg14[%swap3A_625, %swap3A_626] {strides = array<i32>} : memref<80x128xf32, #tpu.memory_space<vmem>>, vector<1x16xf32>,
          %swap3A_628 = vector.shape_cast %swap3A_627 : vector<1x16xf32> to vector<16xf32>
          %swap3A_629 = vector.shape_cast %mul3A_624 : vector<16xf32> to vector<1x16xf32>
          tpu.vector_store %arg14[%swap3A_625, %swap3A_626], %swap3A_629 {strides = array<i32>} : memref<80x128xf32, #tpu.memory_space<vmem>>, vector<1x16xf32>,
          %get3A_630 = arith.index_cast %add3A_589 : i32 to index
          %get3A_631 = arith.constant 64 : index
          %get3A_632 = tpu.vector_load %arg14[%get3A_630, %get3A_631] {strides = array<i32>} : memref<80x128xf32, #tpu.memory_space<vmem>>, vector<1x16xf32>,
          %get3A_633 = vector.shape_cast %get3A_632 : vector<1x16xf32> to vector<16xf32>
          %mul3A_634 = arith.mulf %get3A_633, %broadcast_in_dim3A_585 : vector<16xf32>
          %swap3A_635 = arith.index_cast %add3A_589 : i32 to index
          %swap3A_636 = arith.constant 64 : index
          %swap3A_637 = tpu.vector_load %arg14[%swap3A_635, %swap3A_636] {strides = array<i32>} : memref<80x128xf32, #tpu.memory_space<vmem>>, vector<1x16xf32>,
          %swap3A_638 = vector.shape_cast %swap3A_637 : vector<1x16xf32> to vector<16xf32>
          %swap3A_639 = vector.shape_cast %mul3A_634 : vector<16xf32> to vector<1x16xf32>
          tpu.vector_store %arg14[%swap3A_635, %swap3A_636], %swap3A_639 {strides = array<i32>} : memref<80x128xf32, #tpu.memory_space<vmem>>, vector<1x16xf32>,
          %get3A_640 = arith.index_cast %add3A_589 : i32 to index
          %get3A_641 = arith.constant 80 : index
          %get3A_642 = tpu.vector_load %arg14[%get3A_640, %get3A_641] {strides = array<i32>} : memref<80x128xf32, #tpu.memory_space<vmem>>, vector<1x16xf32>,
          %get3A_643 = vector.shape_cast %get3A_642 : vector<1x16xf32> to vector<16xf32>
          %mul3A_644 = arith.mulf %get3A_643, %broadcast_in_dim3A_585 : vector<16xf32>
          %swap3A_645 = arith.index_cast %add3A_589 : i32 to index
          %swap3A_646 = arith.constant 80 : index
          %swap3A_647 = tpu.vector_load %arg14[%swap3A_645, %swap3A_646] {strides = array<i32>} : memref<80x128xf32, #tpu.memory_space<vmem>>, vector<1x16xf32>,
          %swap3A_648 = vector.shape_cast %swap3A_647 : vector<1x16xf32> to vector<16xf32>
          %swap3A_649 = vector.shape_cast %mul3A_644 : vector<16xf32> to vector<1x16xf32>
          tpu.vector_store %arg14[%swap3A_645, %swap3A_646], %swap3A_649 {strides = array<i32>} : memref<80x128xf32, #tpu.memory_space<vmem>>, vector<1x16xf32>,
          %get3A_650 = arith.index_cast %add3A_589 : i32 to index
          %get3A_651 = arith.constant 96 : index
          %get3A_652 = tpu.vector_load %arg14[%get3A_650, %get3A_651] {strides = array<i32>} : memref<80x128xf32, #tpu.memory_space<vmem>>, vector<1x16xf32>,
          %get3A_653 = vector.shape_cast %get3A_652 : vector<1x16xf32> to vector<16xf32>
          %mul3A_654 = arith.mulf %get3A_653, %broadcast_in_dim3A_585 : vector<16xf32>
          %swap3A_655 = arith.index_cast %add3A_589 : i32 to index
          %swap3A_656 = arith.constant 96 : index
          %swap3A_657 = tpu.vector_load %arg14[%swap3A_655, %swap3A_656] {strides = array<i32>} : memref<80x128xf32, #tpu.memory_space<vmem>>, vector<1x16xf32>,
          %swap3A_658 = vector.shape_cast %swap3A_657 : vector<1x16xf32> to vector<16xf32>
          %swap3A_659 = vector.shape_cast %mul3A_654 : vector<16xf32> to vector<1x16xf32>
          tpu.vector_store %arg14[%swap3A_655, %swap3A_656], %swap3A_659 {strides = array<i32>} : memref<80x128xf32, #tpu.memory_space<vmem>>, vector<1x16xf32>,
          %get3A_660 = arith.index_cast %add3A_589 : i32 to index
          %get3A_661 = arith.constant 112 : index
          %get3A_662 = tpu.vector_load %arg14[%get3A_660, %get3A_661] {strides = array<i32>} : memref<80x128xf32, #tpu.memory_space<vmem>>, vector<1x16xf32>,
          %get3A_663 = vector.shape_cast %get3A_662 : vector<1x16xf32> to vector<16xf32>
          %mul3A_664 = arith.mulf %get3A_663, %broadcast_in_dim3A_585 : vector<16xf32>
          %swap3A_665 = arith.index_cast %add3A_589 : i32 to index
          %swap3A_666 = arith.constant 112 : index
          %swap3A_667 = tpu.vector_load %arg14[%swap3A_665, %swap3A_666] {strides = array<i32>} : memref<80x128xf32, #tpu.memory_space<vmem>>, vector<1x16xf32>,
          %swap3A_668 = vector.shape_cast %swap3A_667 : vector<1x16xf32> to vector<16xf32>
          %swap3A_669 = vector.shape_cast %mul3A_664 : vector<16xf32> to vector<1x16xf32>
          tpu.vector_store %arg14[%swap3A_665, %swap3A_666], %swap3A_669 {strides = array<i32>} : memref<80x128xf32, #tpu.memory_space<vmem>>, vector<1x16xf32>,
          %slice3A_670 = vector.extract_strided_slice %get3A_323 {offsets = [4], sizes = [1], strides = [1]} : vector<16xf32> to vector<1xf32>
          %squeeze3A_671 = vector.extract %slice3A_670[0] : f32 from vector<1xf32>
          %broadcast_in_dim3A_672 = vector.broadcast %squeeze3A_671 : f32 to vector<16xf32>
          %mul3A_673 = arith.constant 16 : i32
          %mul3A_674 = arith.muli %add3A_318, %mul3A_673 : i32
          %add3A_675 = arith.constant 4 : i32
          %add3A_676 = arith.addi %mul3A_674, %add3A_675 : i32
          %get3A_677 = arith.index_cast %add3A_676 : i32 to index
          %get3A_678 = arith.constant 0 : index
          %get3A_679 = tpu.vector_load %arg14[%get3A_677, %get3A_678] {strides = array<i32>} : memref<80x128xf32, #tpu.memory_space<vmem>>, vector<1x16xf32>,
          %get3A_680 = vector.shape_cast %get3A_679 : vector<1x16xf32> to vector<16xf32>
          %mul3A_681 = arith.mulf %get3A_680, %broadcast_in_dim3A_672 : vector<16xf32>
          %swap3A_682 = arith.index_cast %add3A_676 : i32 to index
          %swap3A_683 = arith.constant 0 : index
          %swap3A_684 = tpu.vector_load %arg14[%swap3A_682, %swap3A_683] {strides = array<i32>} : memref<80x128xf32, #tpu.memory_space<vmem>>, vector<1x16xf32>,
          %swap3A_685 = vector.shape_cast %swap3A_684 : vector<1x16xf32> to vector<16xf32>
          %swap3A_686 = vector.shape_cast %mul3A_681 : vector<16xf32> to vector<1x16xf32>
          tpu.vector_store %arg14[%swap3A_682, %swap3A_683], %swap3A_686 {strides = array<i32>} : memref<80x128xf32, #tpu.memory_space<vmem>>, vector<1x16xf32>,
          %get3A_687 = arith.index_cast %add3A_676 : i32 to index
          %get3A_688 = arith.constant 16 : index
          %get3A_689 = tpu.vector_load %arg14[%get3A_687, %get3A_688] {strides = array<i32>} : memref<80x128xf32, #tpu.memory_space<vmem>>, vector<1x16xf32>,
          %get3A_690 = vector.shape_cast %get3A_689 : vector<1x16xf32> to vector<16xf32>
          %mul3A_691 = arith.mulf %get3A_690, %broadcast_in_dim3A_672 : vector<16xf32>
          %swap3A_692 = arith.index_cast %add3A_676 : i32 to index
          %swap3A_693 = arith.constant 16 : index
          %swap3A_694 = tpu.vector_load %arg14[%swap3A_692, %swap3A_693] {strides = array<i32>} : memref<80x128xf32, #tpu.memory_space<vmem>>, vector<1x16xf32>,
          %swap3A_695 = vector.shape_cast %swap3A_694 : vector<1x16xf32> to vector<16xf32>
          %swap3A_696 = vector.shape_cast %mul3A_691 : vector<16xf32> to vector<1x16xf32>
          tpu.vector_store %arg14[%swap3A_692, %swap3A_693], %swap3A_696 {strides = array<i32>} : memref<80x128xf32, #tpu.memory_space<vmem>>, vector<1x16xf32>,
          %get3A_697 = arith.index_cast %add3A_676 : i32 to index
          %get3A_698 = arith.constant 32 : index
          %get3A_699 = tpu.vector_load %arg14[%get3A_697, %get3A_698] {strides = array<i32>} : memref<80x128xf32, #tpu.memory_space<vmem>>, vector<1x16xf32>,
          %get3A_700 = vector.shape_cast %get3A_699 : vector<1x16xf32> to vector<16xf32>
          %mul3A_701 = arith.mulf %get3A_700, %broadcast_in_dim3A_672 : vector<16xf32>
          %swap3A_702 = arith.index_cast %add3A_676 : i32 to index
          %swap3A_703 = arith.constant 32 : index
          %swap3A_704 = tpu.vector_load %arg14[%swap3A_702, %swap3A_703] {strides = array<i32>} : memref<80x128xf32, #tpu.memory_space<vmem>>, vector<1x16xf32>,
          %swap3A_705 = vector.shape_cast %swap3A_704 : vector<1x16xf32> to vector<16xf32>
          %swap3A_706 = vector.shape_cast %mul3A_701 : vector<16xf32> to vector<1x16xf32>
          tpu.vector_store %arg14[%swap3A_702, %swap3A_703], %swap3A_706 {strides = array<i32>} : memref<80x128xf32, #tpu.memory_space<vmem>>, vector<1x16xf32>,
          %get3A_707 = arith.index_cast %add3A_676 : i32 to index
          %get3A_708 = arith.constant 48 : index
          %get3A_709 = tpu.vector_load %arg14[%get3A_707, %get3A_708] {strides = array<i32>} : memref<80x128xf32, #tpu.memory_space<vmem>>, vector<1x16xf32>,
          %get3A_710 = vector.shape_cast %get3A_709 : vector<1x16xf32> to vector<16xf32>
          %mul3A_711 = arith.mulf %get3A_710, %broadcast_in_dim3A_672 : vector<16xf32>
          %swap3A_712 = arith.index_cast %add3A_676 : i32 to index
          %swap3A_713 = arith.constant 48 : index
          %swap3A_714 = tpu.vector_load %arg14[%swap3A_712, %swap3A_713] {strides = array<i32>} : memref<80x128xf32, #tpu.memory_space<vmem>>, vector<1x16xf32>,
          %swap3A_715 = vector.shape_cast %swap3A_714 : vector<1x16xf32> to vector<16xf32>
          %swap3A_716 = vector.shape_cast %mul3A_711 : vector<16xf32> to vector<1x16xf32>
          tpu.vector_store %arg14[%swap3A_712, %swap3A_713], %swap3A_716 {strides = array<i32>} : memref<80x128xf32, #tpu.memory_space<vmem>>, vector<1x16xf32>,
          %get3A_717 = arith.index_cast %add3A_676 : i32 to index
          %get3A_718 = arith.constant 64 : index
          %get3A_719 = tpu.vector_load %arg14[%get3A_717, %get3A_718] {strides = array<i32>} : memref<80x128xf32, #tpu.memory_space<vmem>>, vector<1x16xf32>,
          %get3A_720 = vector.shape_cast %get3A_719 : vector<1x16xf32> to vector<16xf32>
          %mul3A_721 = arith.mulf %get3A_720, %broadcast_in_dim3A_672 : vector<16xf32>
          %swap3A_722 = arith.index_cast %add3A_676 : i32 to index
          %swap3A_723 = arith.constant 64 : index
          %swap3A_724 = tpu.vector_load %arg14[%swap3A_722, %swap3A_723] {strides = array<i32>} : memref<80x128xf32, #tpu.memory_space<vmem>>, vector<1x16xf32>,
          %swap3A_725 = vector.shape_cast %swap3A_724 : vector<1x16xf32> to vector<16xf32>
          %swap3A_726 = vector.shape_cast %mul3A_721 : vector<16xf32> to vector<1x16xf32>
          tpu.vector_store %arg14[%swap3A_722, %swap3A_723], %swap3A_726 {strides = array<i32>} : memref<80x128xf32, #tpu.memory_space<vmem>>, vector<1x16xf32>,
          %get3A_727 = arith.index_cast %add3A_676 : i32 to index
          %get3A_728 = arith.constant 80 : index
          %get3A_729 = tpu.vector_load %arg14[%get3A_727, %get3A_728] {strides = array<i32>} : memref<80x128xf32, #tpu.memory_space<vmem>>, vector<1x16xf32>,
          %get3A_730 = vector.shape_cast %get3A_729 : vector<1x16xf32> to vector<16xf32>
          %mul3A_731 = arith.mulf %get3A_730, %broadcast_in_dim3A_672 : vector<16xf32>
          %swap3A_732 = arith.index_cast %add3A_676 : i32 to index
          %swap3A_733 = arith.constant 80 : index
          %swap3A_734 = tpu.vector_load %arg14[%swap3A_732, %swap3A_733] {strides = array<i32>} : memref<80x128xf32, #tpu.memory_space<vmem>>, vector<1x16xf32>,
          %swap3A_735 = vector.shape_cast %swap3A_734 : vector<1x16xf32> to vector<16xf32>
          %swap3A_736 = vector.shape_cast %mul3A_731 : vector<16xf32> to vector<1x16xf32>
          tpu.vector_store %arg14[%swap3A_732, %swap3A_733], %swap3A_736 {strides = array<i32>} : memref<80x128xf32, #tpu.memory_space<vmem>>, vector<1x16xf32>,
          %get3A_737 = arith.index_cast %add3A_676 : i32 to index
          %get3A_738 = arith.constant 96 : index
          %get3A_739 = tpu.vector_load %arg14[%get3A_737, %get3A_738] {strides = array<i32>} : memref<80x128xf32, #tpu.memory_space<vmem>>, vector<1x16xf32>,
          %get3A_740 = vector.shape_cast %get3A_739 : vector<1x16xf32> to vector<16xf32>
          %mul3A_741 = arith.mulf %get3A_740, %broadcast_in_dim3A_672 : vector<16xf32>
          %swap3A_742 = arith.index_cast %add3A_676 : i32 to index
          %swap3A_743 = arith.constant 96 : index
          %swap3A_744 = tpu.vector_load %arg14[%swap3A_742, %swap3A_743] {strides = array<i32>} : memref<80x128xf32, #tpu.memory_space<vmem>>, vector<1x16xf32>,
          %swap3A_745 = vector.shape_cast %swap3A_744 : vector<1x16xf32> to vector<16xf32>
          %swap3A_746 = vector.shape_cast %mul3A_741 : vector<16xf32> to vector<1x16xf32>
          tpu.vector_store %arg14[%swap3A_742, %swap3A_743], %swap3A_746 {strides = array<i32>} : memref<80x128xf32, #tpu.memory_space<vmem>>, vector<1x16xf32>,
          %get3A_747 = arith.index_cast %add3A_676 : i32 to index
          %get3A_748 = arith.constant 112 : index
          %get3A_749 = tpu.vector_load %arg14[%get3A_747, %get3A_748] {strides = array<i32>} : memref<80x128xf32, #tpu.memory_space<vmem>>, vector<1x16xf32>,
          %get3A_750 = vector.shape_cast %get3A_749 : vector<1x16xf32> to vector<16xf32>
          %mul3A_751 = arith.mulf %get3A_750, %broadcast_in_dim3A_672 : vector<16xf32>
          %swap3A_752 = arith.index_cast %add3A_676 : i32 to index
          %swap3A_753 = arith.constant 112 : index
          %swap3A_754 = tpu.vector_load %arg14[%swap3A_752, %swap3A_753] {strides = array<i32>} : memref<80x128xf32, #tpu.memory_space<vmem>>, vector<1x16xf32>,
          %swap3A_755 = vector.shape_cast %swap3A_754 : vector<1x16xf32> to vector<16xf32>
          %swap3A_756 = vector.shape_cast %mul3A_751 : vector<16xf32> to vector<1x16xf32>
          tpu.vector_store %arg14[%swap3A_752, %swap3A_753], %swap3A_756 {strides = array<i32>} : memref<80x128xf32, #tpu.memory_space<vmem>>, vector<1x16xf32>,
          %slice3A_757 = vector.extract_strided_slice %get3A_323 {offsets = [5], sizes = [1], strides = [1]} : vector<16xf32> to vector<1xf32>
          %squeeze3A_758 = vector.extract %slice3A_757[0] : f32 from vector<1xf32>
          %broadcast_in_dim3A_759 = vector.broadcast %squeeze3A_758 : f32 to vector<16xf32>
          %mul3A_760 = arith.constant 16 : i32
          %mul3A_761 = arith.muli %add3A_318, %mul3A_760 : i32
          %add3A_762 = arith.constant 5 : i32
          %add3A_763 = arith.addi %mul3A_761, %add3A_762 : i32
          %get3A_764 = arith.index_cast %add3A_763 : i32 to index
          %get3A_765 = arith.constant 0 : index
          %get3A_766 = tpu.vector_load %arg14[%get3A_764, %get3A_765] {strides = array<i32>} : memref<80x128xf32, #tpu.memory_space<vmem>>, vector<1x16xf32>,
          %get3A_767 = vector.shape_cast %get3A_766 : vector<1x16xf32> to vector<16xf32>
          %mul3A_768 = arith.mulf %get3A_767, %broadcast_in_dim3A_759 : vector<16xf32>
          %swap3A_769 = arith.index_cast %add3A_763 : i32 to index
          %swap3A_770 = arith.constant 0 : index
          %swap3A_771 = tpu.vector_load %arg14[%swap3A_769, %swap3A_770] {strides = array<i32>} : memref<80x128xf32, #tpu.memory_space<vmem>>, vector<1x16xf32>,
          %swap3A_772 = vector.shape_cast %swap3A_771 : vector<1x16xf32> to vector<16xf32>
          %swap3A_773 = vector.shape_cast %mul3A_768 : vector<16xf32> to vector<1x16xf32>
          tpu.vector_store %arg14[%swap3A_769, %swap3A_770], %swap3A_773 {strides = array<i32>} : memref<80x128xf32, #tpu.memory_space<vmem>>, vector<1x16xf32>,
          %get3A_774 = arith.index_cast %add3A_763 : i32 to index
          %get3A_775 = arith.constant 16 : index
          %get3A_776 = tpu.vector_load %arg14[%get3A_774, %get3A_775] {strides = array<i32>} : memref<80x128xf32, #tpu.memory_space<vmem>>, vector<1x16xf32>,
          %get3A_777 = vector.shape_cast %get3A_776 : vector<1x16xf32> to vector<16xf32>
          %mul3A_778 = arith.mulf %get3A_777, %broadcast_in_dim3A_759 : vector<16xf32>
          %swap3A_779 = arith.index_cast %add3A_763 : i32 to index
          %swap3A_780 = arith.constant 16 : index
          %swap3A_781 = tpu.vector_load %arg14[%swap3A_779, %swap3A_780] {strides = array<i32>} : memref<80x128xf32, #tpu.memory_space<vmem>>, vector<1x16xf32>,
          %swap3A_782 = vector.shape_cast %swap3A_781 : vector<1x16xf32> to vector<16xf32>
          %swap3A_783 = vector.shape_cast %mul3A_778 : vector<16xf32> to vector<1x16xf32>
          tpu.vector_store %arg14[%swap3A_779, %swap3A_780], %swap3A_783 {strides = array<i32>} : memref<80x128xf32, #tpu.memory_space<vmem>>, vector<1x16xf32>,
          %get3A_784 = arith.index_cast %add3A_763 : i32 to index
          %get3A_785 = arith.constant 32 : index
          %get3A_786 = tpu.vector_load %arg14[%get3A_784, %get3A_785] {strides = array<i32>} : memref<80x128xf32, #tpu.memory_space<vmem>>, vector<1x16xf32>,
          %get3A_787 = vector.shape_cast %get3A_786 : vector<1x16xf32> to vector<16xf32>
          %mul3A_788 = arith.mulf %get3A_787, %broadcast_in_dim3A_759 : vector<16xf32>
          %swap3A_789 = arith.index_cast %add3A_763 : i32 to index
          %swap3A_790 = arith.constant 32 : index
          %swap3A_791 = tpu.vector_load %arg14[%swap3A_789, %swap3A_790] {strides = array<i32>} : memref<80x128xf32, #tpu.memory_space<vmem>>, vector<1x16xf32>,
          %swap3A_792 = vector.shape_cast %swap3A_791 : vector<1x16xf32> to vector<16xf32>
          %swap3A_793 = vector.shape_cast %mul3A_788 : vector<16xf32> to vector<1x16xf32>
          tpu.vector_store %arg14[%swap3A_789, %swap3A_790], %swap3A_793 {strides = array<i32>} : memref<80x128xf32, #tpu.memory_space<vmem>>, vector<1x16xf32>,
          %get3A_794 = arith.index_cast %add3A_763 : i32 to index
          %get3A_795 = arith.constant 48 : index
          %get3A_796 = tpu.vector_load %arg14[%get3A_794, %get3A_795] {strides = array<i32>} : memref<80x128xf32, #tpu.memory_space<vmem>>, vector<1x16xf32>,
          %get3A_797 = vector.shape_cast %get3A_796 : vector<1x16xf32> to vector<16xf32>
          %mul3A_798 = arith.mulf %get3A_797, %broadcast_in_dim3A_759 : vector<16xf32>
          %swap3A_799 = arith.index_cast %add3A_763 : i32 to index
          %swap3A_800 = arith.constant 48 : index
          %swap3A_801 = tpu.vector_load %arg14[%swap3A_799, %swap3A_800] {strides = array<i32>} : memref<80x128xf32, #tpu.memory_space<vmem>>, vector<1x16xf32>,
          %swap3A_802 = vector.shape_cast %swap3A_801 : vector<1x16xf32> to vector<16xf32>
          %swap3A_803 = vector.shape_cast %mul3A_798 : vector<16xf32> to vector<1x16xf32>
          tpu.vector_store %arg14[%swap3A_799, %swap3A_800], %swap3A_803 {strides = array<i32>} : memref<80x128xf32, #tpu.memory_space<vmem>>, vector<1x16xf32>,
          %get3A_804 = arith.index_cast %add3A_763 : i32 to index
          %get3A_805 = arith.constant 64 : index
          %get3A_806 = tpu.vector_load %arg14[%get3A_804, %get3A_805] {strides = array<i32>} : memref<80x128xf32, #tpu.memory_space<vmem>>, vector<1x16xf32>,
          %get3A_807 = vector.shape_cast %get3A_806 : vector<1x16xf32> to vector<16xf32>
          %mul3A_808 = arith.mulf %get3A_807, %broadcast_in_dim3A_759 : vector<16xf32>
          %swap3A_809 = arith.index_cast %add3A_763 : i32 to index
          %swap3A_810 = arith.constant 64 : index
          %swap3A_811 = tpu.vector_load %arg14[%swap3A_809, %swap3A_810] {strides = array<i32>} : memref<80x128xf32, #tpu.memory_space<vmem>>, vector<1x16xf32>,
          %swap3A_812 = vector.shape_cast %swap3A_811 : vector<1x16xf32> to vector<16xf32>
          %swap3A_813 = vector.shape_cast %mul3A_808 : vector<16xf32> to vector<1x16xf32>
          tpu.vector_store %arg14[%swap3A_809, %swap3A_810], %swap3A_813 {strides = array<i32>} : memref<80x128xf32, #tpu.memory_space<vmem>>, vector<1x16xf32>,
          %get3A_814 = arith.index_cast %add3A_763 : i32 to index
          %get3A_815 = arith.constant 80 : index
          %get3A_816 = tpu.vector_load %arg14[%get3A_814, %get3A_815] {strides = array<i32>} : memref<80x128xf32, #tpu.memory_space<vmem>>, vector<1x16xf32>,
          %get3A_817 = vector.shape_cast %get3A_816 : vector<1x16xf32> to vector<16xf32>
          %mul3A_818 = arith.mulf %get3A_817, %broadcast_in_dim3A_759 : vector<16xf32>
          %swap3A_819 = arith.index_cast %add3A_763 : i32 to index
          %swap3A_820 = arith.constant 80 : index
          %swap3A_821 = tpu.vector_load %arg14[%swap3A_819, %swap3A_820] {strides = array<i32>} : memref<80x128xf32, #tpu.memory_space<vmem>>, vector<1x16xf32>,
          %swap3A_822 = vector.shape_cast %swap3A_821 : vector<1x16xf32> to vector<16xf32>
          %swap3A_823 = vector.shape_cast %mul3A_818 : vector<16xf32> to vector<1x16xf32>
          tpu.vector_store %arg14[%swap3A_819, %swap3A_820], %swap3A_823 {strides = array<i32>} : memref<80x128xf32, #tpu.memory_space<vmem>>, vector<1x16xf32>,
          %get3A_824 = arith.index_cast %add3A_763 : i32 to index
          %get3A_825 = arith.constant 96 : index
          %get3A_826 = tpu.vector_load %arg14[%get3A_824, %get3A_825] {strides = array<i32>} : memref<80x128xf32, #tpu.memory_space<vmem>>, vector<1x16xf32>,
          %get3A_827 = vector.shape_cast %get3A_826 : vector<1x16xf32> to vector<16xf32>
          %mul3A_828 = arith.mulf %get3A_827, %broadcast_in_dim3A_759 : vector<16xf32>
          %swap3A_829 = arith.index_cast %add3A_763 : i32 to index
          %swap3A_830 = arith.constant 96 : index
          %swap3A_831 = tpu.vector_load %arg14[%swap3A_829, %swap3A_830] {strides = array<i32>} : memref<80x128xf32, #tpu.memory_space<vmem>>, vector<1x16xf32>,
          %swap3A_832 = vector.shape_cast %swap3A_831 : vector<1x16xf32> to vector<16xf32>
          %swap3A_833 = vector.shape_cast %mul3A_828 : vector<16xf32> to vector<1x16xf32>
          tpu.vector_store %arg14[%swap3A_829, %swap3A_830], %swap3A_833 {strides = array<i32>} : memref<80x128xf32, #tpu.memory_space<vmem>>, vector<1x16xf32>,
          %get3A_834 = arith.index_cast %add3A_763 : i32 to index
          %get3A_835 = arith.constant 112 : index
          %get3A_836 = tpu.vector_load %arg14[%get3A_834, %get3A_835] {strides = array<i32>} : memref<80x128xf32, #tpu.memory_space<vmem>>, vector<1x16xf32>,
          %get3A_837 = vector.shape_cast %get3A_836 : vector<1x16xf32> to vector<16xf32>
          %mul3A_838 = arith.mulf %get3A_837, %broadcast_in_dim3A_759 : vector<16xf32>
          %swap3A_839 = arith.index_cast %add3A_763 : i32 to index
          %swap3A_840 = arith.constant 112 : index
          %swap3A_841 = tpu.vector_load %arg14[%swap3A_839, %swap3A_840] {strides = array<i32>} : memref<80x128xf32, #tpu.memory_space<vmem>>, vector<1x16xf32>,
          %swap3A_842 = vector.shape_cast %swap3A_841 : vector<1x16xf32> to vector<16xf32>
          %swap3A_843 = vector.shape_cast %mul3A_838 : vector<16xf32> to vector<1x16xf32>
          tpu.vector_store %arg14[%swap3A_839, %swap3A_840], %swap3A_843 {strides = array<i32>} : memref<80x128xf32, #tpu.memory_space<vmem>>, vector<1x16xf32>,
          %slice3A_844 = vector.extract_strided_slice %get3A_323 {offsets = [6], sizes = [1], strides = [1]} : vector<16xf32> to vector<1xf32>
          %squeeze3A_845 = vector.extract %slice3A_844[0] : f32 from vector<1xf32>
          %broadcast_in_dim3A_846 = vector.broadcast %squeeze3A_845 : f32 to vector<16xf32>
          %mul3A_847 = arith.constant 16 : i32
          %mul3A_848 = arith.muli %add3A_318, %mul3A_847 : i32
          %add3A_849 = arith.constant 6 : i32
          %add3A_850 = arith.addi %mul3A_848, %add3A_849 : i32
          %get3A_851 = arith.index_cast %add3A_850 : i32 to index
          %get3A_852 = arith.constant 0 : index
          %get3A_853 = tpu.vector_load %arg14[%get3A_851, %get3A_852] {strides = array<i32>} : memref<80x128xf32, #tpu.memory_space<vmem>>, vector<1x16xf32>,
          %get3A_854 = vector.shape_cast %get3A_853 : vector<1x16xf32> to vector<16xf32>
          %mul3A_855 = arith.mulf %get3A_854, %broadcast_in_dim3A_846 : vector<16xf32>
          %swap3A_856 = arith.index_cast %add3A_850 : i32 to index
          %swap3A_857 = arith.constant 0 : index
          %swap3A_858 = tpu.vector_load %arg14[%swap3A_856, %swap3A_857] {strides = array<i32>} : memref<80x128xf32, #tpu.memory_space<vmem>>, vector<1x16xf32>,
          %swap3A_859 = vector.shape_cast %swap3A_858 : vector<1x16xf32> to vector<16xf32>
          %swap3A_860 = vector.shape_cast %mul3A_855 : vector<16xf32> to vector<1x16xf32>
          tpu.vector_store %arg14[%swap3A_856, %swap3A_857], %swap3A_860 {strides = array<i32>} : memref<80x128xf32, #tpu.memory_space<vmem>>, vector<1x16xf32>,
          %get3A_861 = arith.index_cast %add3A_850 : i32 to index
          %get3A_862 = arith.constant 16 : index
          %get3A_863 = tpu.vector_load %arg14[%get3A_861, %get3A_862] {strides = array<i32>} : memref<80x128xf32, #tpu.memory_space<vmem>>, vector<1x16xf32>,
          %get3A_864 = vector.shape_cast %get3A_863 : vector<1x16xf32> to vector<16xf32>
          %mul3A_865 = arith.mulf %get3A_864, %broadcast_in_dim3A_846 : vector<16xf32>
          %swap3A_866 = arith.index_cast %add3A_850 : i32 to index
          %swap3A_867 = arith.constant 16 : index
          %swap3A_868 = tpu.vector_load %arg14[%swap3A_866, %swap3A_867] {strides = array<i32>} : memref<80x128xf32, #tpu.memory_space<vmem>>, vector<1x16xf32>,
          %swap3A_869 = vector.shape_cast %swap3A_868 : vector<1x16xf32> to vector<16xf32>
          %swap3A_870 = vector.shape_cast %mul3A_865 : vector<16xf32> to vector<1x16xf32>
          tpu.vector_store %arg14[%swap3A_866, %swap3A_867], %swap3A_870 {strides = array<i32>} : memref<80x128xf32, #tpu.memory_space<vmem>>, vector<1x16xf32>,
          %get3A_871 = arith.index_cast %add3A_850 : i32 to index
          %get3A_872 = arith.constant 32 : index
          %get3A_873 = tpu.vector_load %arg14[%get3A_871, %get3A_872] {strides = array<i32>} : memref<80x128xf32, #tpu.memory_space<vmem>>, vector<1x16xf32>,
          %get3A_874 = vector.shape_cast %get3A_873 : vector<1x16xf32> to vector<16xf32>
          %mul3A_875 = arith.mulf %get3A_874, %broadcast_in_dim3A_846 : vector<16xf32>
          %swap3A_876 = arith.index_cast %add3A_850 : i32 to index
          %swap3A_877 = arith.constant 32 : index
          %swap3A_878 = tpu.vector_load %arg14[%swap3A_876, %swap3A_877] {strides = array<i32>} : memref<80x128xf32, #tpu.memory_space<vmem>>, vector<1x16xf32>,
          %swap3A_879 = vector.shape_cast %swap3A_878 : vector<1x16xf32> to vector<16xf32>
          %swap3A_880 = vector.shape_cast %mul3A_875 : vector<16xf32> to vector<1x16xf32>
          tpu.vector_store %arg14[%swap3A_876, %swap3A_877], %swap3A_880 {strides = array<i32>} : memref<80x128xf32, #tpu.memory_space<vmem>>, vector<1x16xf32>,
          %get3A_881 = arith.index_cast %add3A_850 : i32 to index
          %get3A_882 = arith.constant 48 : index
          %get3A_883 = tpu.vector_load %arg14[%get3A_881, %get3A_882] {strides = array<i32>} : memref<80x128xf32, #tpu.memory_space<vmem>>, vector<1x16xf32>,
          %get3A_884 = vector.shape_cast %get3A_883 : vector<1x16xf32> to vector<16xf32>
          %mul3A_885 = arith.mulf %get3A_884, %broadcast_in_dim3A_846 : vector<16xf32>
          %swap3A_886 = arith.index_cast %add3A_850 : i32 to index
          %swap3A_887 = arith.constant 48 : index
          %swap3A_888 = tpu.vector_load %arg14[%swap3A_886, %swap3A_887] {strides = array<i32>} : memref<80x128xf32, #tpu.memory_space<vmem>>, vector<1x16xf32>,
          %swap3A_889 = vector.shape_cast %swap3A_888 : vector<1x16xf32> to vector<16xf32>
          %swap3A_890 = vector.shape_cast %mul3A_885 : vector<16xf32> to vector<1x16xf32>
          tpu.vector_store %arg14[%swap3A_886, %swap3A_887], %swap3A_890 {strides = array<i32>} : memref<80x128xf32, #tpu.memory_space<vmem>>, vector<1x16xf32>,
          %get3A_891 = arith.index_cast %add3A_850 : i32 to index
          %get3A_892 = arith.constant 64 : index
          %get3A_893 = tpu.vector_load %arg14[%get3A_891, %get3A_892] {strides = array<i32>} : memref<80x128xf32, #tpu.memory_space<vmem>>, vector<1x16xf32>,
          %get3A_894 = vector.shape_cast %get3A_893 : vector<1x16xf32> to vector<16xf32>
          %mul3A_895 = arith.mulf %get3A_894, %broadcast_in_dim3A_846 : vector<16xf32>
          %swap3A_896 = arith.index_cast %add3A_850 : i32 to index
          %swap3A_897 = arith.constant 64 : index
          %swap3A_898 = tpu.vector_load %arg14[%swap3A_896, %swap3A_897] {strides = array<i32>} : memref<80x128xf32, #tpu.memory_space<vmem>>, vector<1x16xf32>,
          %swap3A_899 = vector.shape_cast %swap3A_898 : vector<1x16xf32> to vector<16xf32>
          %swap3A_900 = vector.shape_cast %mul3A_895 : vector<16xf32> to vector<1x16xf32>
          tpu.vector_store %arg14[%swap3A_896, %swap3A_897], %swap3A_900 {strides = array<i32>} : memref<80x128xf32, #tpu.memory_space<vmem>>, vector<1x16xf32>,
          %get3A_901 = arith.index_cast %add3A_850 : i32 to index
          %get3A_902 = arith.constant 80 : index
          %get3A_903 = tpu.vector_load %arg14[%get3A_901, %get3A_902] {strides = array<i32>} : memref<80x128xf32, #tpu.memory_space<vmem>>, vector<1x16xf32>,
          %get3A_904 = vector.shape_cast %get3A_903 : vector<1x16xf32> to vector<16xf32>
          %mul3A_905 = arith.mulf %get3A_904, %broadcast_in_dim3A_846 : vector<16xf32>
          %swap3A_906 = arith.index_cast %add3A_850 : i32 to index
          %swap3A_907 = arith.constant 80 : index
          %swap3A_908 = tpu.vector_load %arg14[%swap3A_906, %swap3A_907] {strides = array<i32>} : memref<80x128xf32, #tpu.memory_space<vmem>>, vector<1x16xf32>,
          %swap3A_909 = vector.shape_cast %swap3A_908 : vector<1x16xf32> to vector<16xf32>
          %swap3A_910 = vector.shape_cast %mul3A_905 : vector<16xf32> to vector<1x16xf32>
          tpu.vector_store %arg14[%swap3A_906, %swap3A_907], %swap3A_910 {strides = array<i32>} : memref<80x128xf32, #tpu.memory_space<vmem>>, vector<1x16xf32>,
          %get3A_911 = arith.index_cast %add3A_850 : i32 to index
          %get3A_912 = arith.constant 96 : index
          %get3A_913 = tpu.vector_load %arg14[%get3A_911, %get3A_912] {strides = array<i32>} : memref<80x128xf32, #tpu.memory_space<vmem>>, vector<1x16xf32>,
          %get3A_914 = vector.shape_cast %get3A_913 : vector<1x16xf32> to vector<16xf32>
          %mul3A_915 = arith.mulf %get3A_914, %broadcast_in_dim3A_846 : vector<16xf32>
          %swap3A_916 = arith.index_cast %add3A_850 : i32 to index
          %swap3A_917 = arith.constant 96 : index
          %swap3A_918 = tpu.vector_load %arg14[%swap3A_916, %swap3A_917] {strides = array<i32>} : memref<80x128xf32, #tpu.memory_space<vmem>>, vector<1x16xf32>,
          %swap3A_919 = vector.shape_cast %swap3A_918 : vector<1x16xf32> to vector<16xf32>
          %swap3A_920 = vector.shape_cast %mul3A_915 : vector<16xf32> to vector<1x16xf32>
          tpu.vector_store %arg14[%swap3A_916, %swap3A_917], %swap3A_920 {strides = array<i32>} : memref<80x128xf32, #tpu.memory_space<vmem>>, vector<1x16xf32>,
          %get3A_921 = arith.index_cast %add3A_850 : i32 to index
          %get3A_922 = arith.constant 112 : index
          %get3A_923 = tpu.vector_load %arg14[%get3A_921, %get3A_922] {strides = array<i32>} : memref<80x128xf32, #tpu.memory_space<vmem>>, vector<1x16xf32>,
          %get3A_924 = vector.shape_cast %get3A_923 : vector<1x16xf32> to vector<16xf32>
          %mul3A_925 = arith.mulf %get3A_924, %broadcast_in_dim3A_846 : vector<16xf32>
          %swap3A_926 = arith.index_cast %add3A_850 : i32 to index
          %swap3A_927 = arith.constant 112 : index
          %swap3A_928 = tpu.vector_load %arg14[%swap3A_926, %swap3A_927] {strides = array<i32>} : memref<80x128xf32, #tpu.memory_space<vmem>>, vector<1x16xf32>,
          %swap3A_929 = vector.shape_cast %swap3A_928 : vector<1x16xf32> to vector<16xf32>
          %swap3A_930 = vector.shape_cast %mul3A_925 : vector<16xf32> to vector<1x16xf32>
          tpu.vector_store %arg14[%swap3A_926, %swap3A_927], %swap3A_930 {strides = array<i32>} : memref<80x128xf32, #tpu.memory_space<vmem>>, vector<1x16xf32>,
          %slice3A_931 = vector.extract_strided_slice %get3A_323 {offsets = [7], sizes = [1], strides = [1]} : vector<16xf32> to vector<1xf32>
          %squeeze3A_932 = vector.extract %slice3A_931[0] : f32 from vector<1xf32>
          %broadcast_in_dim3A_933 = vector.broadcast %squeeze3A_932 : f32 to vector<16xf32>
          %mul3A_934 = arith.constant 16 : i32
          %mul3A_935 = arith.muli %add3A_318, %mul3A_934 : i32
          %add3A_936 = arith.constant 7 : i32
          %add3A_937 = arith.addi %mul3A_935, %add3A_936 : i32
          %get3A_938 = arith.index_cast %add3A_937 : i32 to index
          %get3A_939 = arith.constant 0 : index
          %get3A_940 = tpu.vector_load %arg14[%get3A_938, %get3A_939] {strides = array<i32>} : memref<80x128xf32, #tpu.memory_space<vmem>>, vector<1x16xf32>,
          %get3A_941 = vector.shape_cast %get3A_940 : vector<1x16xf32> to vector<16xf32>
          %mul3A_942 = arith.mulf %get3A_941, %broadcast_in_dim3A_933 : vector<16xf32>
          %swap3A_943 = arith.index_cast %add3A_937 : i32 to index
          %swap3A_944 = arith.constant 0 : index
          %swap3A_945 = tpu.vector_load %arg14[%swap3A_943, %swap3A_944] {strides = array<i32>} : memref<80x128xf32, #tpu.memory_space<vmem>>, vector<1x16xf32>,
          %swap3A_946 = vector.shape_cast %swap3A_945 : vector<1x16xf32> to vector<16xf32>
          %swap3A_947 = vector.shape_cast %mul3A_942 : vector<16xf32> to vector<1x16xf32>
          tpu.vector_store %arg14[%swap3A_943, %swap3A_944], %swap3A_947 {strides = array<i32>} : memref<80x128xf32, #tpu.memory_space<vmem>>, vector<1x16xf32>,
          %get3A_948 = arith.index_cast %add3A_937 : i32 to index
          %get3A_949 = arith.constant 16 : index
          %get3A_950 = tpu.vector_load %arg14[%get3A_948, %get3A_949] {strides = array<i32>} : memref<80x128xf32, #tpu.memory_space<vmem>>, vector<1x16xf32>,
          %get3A_951 = vector.shape_cast %get3A_950 : vector<1x16xf32> to vector<16xf32>
          %mul3A_952 = arith.mulf %get3A_951, %broadcast_in_dim3A_933 : vector<16xf32>
          %swap3A_953 = arith.index_cast %add3A_937 : i32 to index
          %swap3A_954 = arith.constant 16 : index
          %swap3A_955 = tpu.vector_load %arg14[%swap3A_953, %swap3A_954] {strides = array<i32>} : memref<80x128xf32, #tpu.memory_space<vmem>>, vector<1x16xf32>,
          %swap3A_956 = vector.shape_cast %swap3A_955 : vector<1x16xf32> to vector<16xf32>
          %swap3A_957 = vector.shape_cast %mul3A_952 : vector<16xf32> to vector<1x16xf32>
          tpu.vector_store %arg14[%swap3A_953, %swap3A_954], %swap3A_957 {strides = array<i32>} : memref<80x128xf32, #tpu.memory_space<vmem>>, vector<1x16xf32>,
          %get3A_958 = arith.index_cast %add3A_937 : i32 to index
          %get3A_959 = arith.constant 32 : index
          %get3A_960 = tpu.vector_load %arg14[%get3A_958, %get3A_959] {strides = array<i32>} : memref<80x128xf32, #tpu.memory_space<vmem>>, vector<1x16xf32>,
          %get3A_961 = vector.shape_cast %get3A_960 : vector<1x16xf32> to vector<16xf32>
          %mul3A_962 = arith.mulf %get3A_961, %broadcast_in_dim3A_933 : vector<16xf32>
          %swap3A_963 = arith.index_cast %add3A_937 : i32 to index
          %swap3A_964 = arith.constant 32 : index
          %swap3A_965 = tpu.vector_load %arg14[%swap3A_963, %swap3A_964] {strides = array<i32>} : memref<80x128xf32, #tpu.memory_space<vmem>>, vector<1x16xf32>,
          %swap3A_966 = vector.shape_cast %swap3A_965 : vector<1x16xf32> to vector<16xf32>
          %swap3A_967 = vector.shape_cast %mul3A_962 : vector<16xf32> to vector<1x16xf32>
          tpu.vector_store %arg14[%swap3A_963, %swap3A_964], %swap3A_967 {strides = array<i32>} : memref<80x128xf32, #tpu.memory_space<vmem>>, vector<1x16xf32>,
          %get3A_968 = arith.index_cast %add3A_937 : i32 to index
          %get3A_969 = arith.constant 48 : index
          %get3A_970 = tpu.vector_load %arg14[%get3A_968, %get3A_969] {strides = array<i32>} : memref<80x128xf32, #tpu.memory_space<vmem>>, vector<1x16xf32>,
          %get3A_971 = vector.shape_cast %get3A_970 : vector<1x16xf32> to vector<16xf32>
          %mul3A_972 = arith.mulf %get3A_971, %broadcast_in_dim3A_933 : vector<16xf32>
          %swap3A_973 = arith.index_cast %add3A_937 : i32 to index
          %swap3A_974 = arith.constant 48 : index
          %swap3A_975 = tpu.vector_load %arg14[%swap3A_973, %swap3A_974] {strides = array<i32>} : memref<80x128xf32, #tpu.memory_space<vmem>>, vector<1x16xf32>,
          %swap3A_976 = vector.shape_cast %swap3A_975 : vector<1x16xf32> to vector<16xf32>
          %swap3A_977 = vector.shape_cast %mul3A_972 : vector<16xf32> to vector<1x16xf32>
          tpu.vector_store %arg14[%swap3A_973, %swap3A_974], %swap3A_977 {strides = array<i32>} : memref<80x128xf32, #tpu.memory_space<vmem>>, vector<1x16xf32>,
          %get3A_978 = arith.index_cast %add3A_937 : i32 to index
          %get3A_979 = arith.constant 64 : index
          %get3A_980 = tpu.vector_load %arg14[%get3A_978, %get3A_979] {strides = array<i32>} : memref<80x128xf32, #tpu.memory_space<vmem>>, vector<1x16xf32>,
          %get3A_981 = vector.shape_cast %get3A_980 : vector<1x16xf32> to vector<16xf32>
          %mul3A_982 = arith.mulf %get3A_981, %broadcast_in_dim3A_933 : vector<16xf32>
          %swap3A_983 = arith.index_cast %add3A_937 : i32 to index
          %swap3A_984 = arith.constant 64 : index
          %swap3A_985 = tpu.vector_load %arg14[%swap3A_983, %swap3A_984] {strides = array<i32>} : memref<80x128xf32, #tpu.memory_space<vmem>>, vector<1x16xf32>,
          %swap3A_986 = vector.shape_cast %swap3A_985 : vector<1x16xf32> to vector<16xf32>
          %swap3A_987 = vector.shape_cast %mul3A_982 : vector<16xf32> to vector<1x16xf32>
          tpu.vector_store %arg14[%swap3A_983, %swap3A_984], %swap3A_987 {strides = array<i32>} : memref<80x128xf32, #tpu.memory_space<vmem>>, vector<1x16xf32>,
          %get3A_988 = arith.index_cast %add3A_937 : i32 to index
          %get3A_989 = arith.constant 80 : index
          %get3A_990 = tpu.vector_load %arg14[%get3A_988, %get3A_989] {strides = array<i32>} : memref<80x128xf32, #tpu.memory_space<vmem>>, vector<1x16xf32>,
          %get3A_991 = vector.shape_cast %get3A_990 : vector<1x16xf32> to vector<16xf32>
          %mul3A_992 = arith.mulf %get3A_991, %broadcast_in_dim3A_933 : vector<16xf32>
          %swap3A_993 = arith.index_cast %add3A_937 : i32 to index
          %swap3A_994 = arith.constant 80 : index
          %swap3A_995 = tpu.vector_load %arg14[%swap3A_993, %swap3A_994] {strides = array<i32>} : memref<80x128xf32, #tpu.memory_space<vmem>>, vector<1x16xf32>,
          %swap3A_996 = vector.shape_cast %swap3A_995 : vector<1x16xf32> to vector<16xf32>
          %swap3A_997 = vector.shape_cast %mul3A_992 : vector<16xf32> to vector<1x16xf32>
          tpu.vector_store %arg14[%swap3A_993, %swap3A_994], %swap3A_997 {strides = array<i32>} : memref<80x128xf32, #tpu.memory_space<vmem>>, vector<1x16xf32>,
          %get3A_998 = arith.index_cast %add3A_937 : i32 to index
          %get3A_999 = arith.constant 96 : index
          %get3A_1000 = tpu.vector_load %arg14[%get3A_998, %get3A_999] {strides = array<i32>} : memref<80x128xf32, #tpu.memory_space<vmem>>, vector<1x16xf32>,
          %get3A_1001 = vector.shape_cast %get3A_1000 : vector<1x16xf32> to vector<16xf32>
          %mul3A_1002 = arith.mulf %get3A_1001, %broadcast_in_dim3A_933 : vector<16xf32>
          %swap3A_1003 = arith.index_cast %add3A_937 : i32 to index
          %swap3A_1004 = arith.constant 96 : index
          %swap3A_1005 = tpu.vector_load %arg14[%swap3A_1003, %swap3A_1004] {strides = array<i32>} : memref<80x128xf32, #tpu.memory_space<vmem>>, vector<1x16xf32>,
          %swap3A_1006 = vector.shape_cast %swap3A_1005 : vector<1x16xf32> to vector<16xf32>
          %swap3A_1007 = vector.shape_cast %mul3A_1002 : vector<16xf32> to vector<1x16xf32>
          tpu.vector_store %arg14[%swap3A_1003, %swap3A_1004], %swap3A_1007 {strides = array<i32>} : memref<80x128xf32, #tpu.memory_space<vmem>>, vector<1x16xf32>,
          %get3A_1008 = arith.index_cast %add3A_937 : i32 to index
          %get3A_1009 = arith.constant 112 : index
          %get3A_1010 = tpu.vector_load %arg14[%get3A_1008, %get3A_1009] {strides = array<i32>} : memref<80x128xf32, #tpu.memory_space<vmem>>, vector<1x16xf32>,
          %get3A_1011 = vector.shape_cast %get3A_1010 : vector<1x16xf32> to vector<16xf32>
          %mul3A_1012 = arith.mulf %get3A_1011, %broadcast_in_dim3A_933 : vector<16xf32>
          %swap3A_1013 = arith.index_cast %add3A_937 : i32 to index
          %swap3A_1014 = arith.constant 112 : index
          %swap3A_1015 = tpu.vector_load %arg14[%swap3A_1013, %swap3A_1014] {strides = array<i32>} : memref<80x128xf32, #tpu.memory_space<vmem>>, vector<1x16xf32>,
          %swap3A_1016 = vector.shape_cast %swap3A_1015 : vector<1x16xf32> to vector<16xf32>
          %swap3A_1017 = vector.shape_cast %mul3A_1012 : vector<16xf32> to vector<1x16xf32>
          tpu.vector_store %arg14[%swap3A_1013, %swap3A_1014], %swap3A_1017 {strides = array<i32>} : memref<80x128xf32, #tpu.memory_space<vmem>>, vector<1x16xf32>,
          %slice3A_1018 = vector.extract_strided_slice %get3A_323 {offsets = [8], sizes = [1], strides = [1]} : vector<16xf32> to vector<1xf32>
          %squeeze3A_1019 = vector.extract %slice3A_1018[0] : f32 from vector<1xf32>
          %broadcast_in_dim3A_1020 = vector.broadcast %squeeze3A_1019 : f32 to vector<16xf32>
          %mul3A_1021 = arith.constant 16 : i32
          %mul3A_1022 = arith.muli %add3A_318, %mul3A_1021 : i32
          %add3A_1023 = arith.constant 8 : i32
          %add3A_1024 = arith.addi %mul3A_1022, %add3A_1023 : i32
          %get3A_1025 = arith.index_cast %add3A_1024 : i32 to index
          %get3A_1026 = arith.constant 0 : index
          %get3A_1027 = tpu.vector_load %arg14[%get3A_1025, %get3A_1026] {strides = array<i32>} : memref<80x128xf32, #tpu.memory_space<vmem>>, vector<1x16xf32>,
          %get3A_1028 = vector.shape_cast %get3A_1027 : vector<1x16xf32> to vector<16xf32>
          %mul3A_1029 = arith.mulf %get3A_1028, %broadcast_in_dim3A_1020 : vector<16xf32>
          %swap3A_1030 = arith.index_cast %add3A_1024 : i32 to index
          %swap3A_1031 = arith.constant 0 : index
          %swap3A_1032 = tpu.vector_load %arg14[%swap3A_1030, %swap3A_1031] {strides = array<i32>} : memref<80x128xf32, #tpu.memory_space<vmem>>, vector<1x16xf32>,
          %swap3A_1033 = vector.shape_cast %swap3A_1032 : vector<1x16xf32> to vector<16xf32>
          %swap3A_1034 = vector.shape_cast %mul3A_1029 : vector<16xf32> to vector<1x16xf32>
          tpu.vector_store %arg14[%swap3A_1030, %swap3A_1031], %swap3A_1034 {strides = array<i32>} : memref<80x128xf32, #tpu.memory_space<vmem>>, vector<1x16xf32>,
          %get3A_1035 = arith.index_cast %add3A_1024 : i32 to index
          %get3A_1036 = arith.constant 16 : index
          %get3A_1037 = tpu.vector_load %arg14[%get3A_1035, %get3A_1036] {strides = array<i32>} : memref<80x128xf32, #tpu.memory_space<vmem>>, vector<1x16xf32>,
          %get3A_1038 = vector.shape_cast %get3A_1037 : vector<1x16xf32> to vector<16xf32>
          %mul3A_1039 = arith.mulf %get3A_1038, %broadcast_in_dim3A_1020 : vector<16xf32>
          %swap3A_1040 = arith.index_cast %add3A_1024 : i32 to index
          %swap3A_1041 = arith.constant 16 : index
          %swap3A_1042 = tpu.vector_load %arg14[%swap3A_1040, %swap3A_1041] {strides = array<i32>} : memref<80x128xf32, #tpu.memory_space<vmem>>, vector<1x16xf32>,
          %swap3A_1043 = vector.shape_cast %swap3A_1042 : vector<1x16xf32> to vector<16xf32>
          %swap3A_1044 = vector.shape_cast %mul3A_1039 : vector<16xf32> to vector<1x16xf32>
          tpu.vector_store %arg14[%swap3A_1040, %swap3A_1041], %swap3A_1044 {strides = array<i32>} : memref<80x128xf32, #tpu.memory_space<vmem>>, vector<1x16xf32>,
          %get3A_1045 = arith.index_cast %add3A_1024 : i32 to index
          %get3A_1046 = arith.constant 32 : index
          %get3A_1047 = tpu.vector_load %arg14[%get3A_1045, %get3A_1046] {strides = array<i32>} : memref<80x128xf32, #tpu.memory_space<vmem>>, vector<1x16xf32>,
          %get3A_1048 = vector.shape_cast %get3A_1047 : vector<1x16xf32> to vector<16xf32>
          %mul3A_1049 = arith.mulf %get3A_1048, %broadcast_in_dim3A_1020 : vector<16xf32>
          %swap3A_1050 = arith.index_cast %add3A_1024 : i32 to index
          %swap3A_1051 = arith.constant 32 : index
          %swap3A_1052 = tpu.vector_load %arg14[%swap3A_1050, %swap3A_1051] {strides = array<i32>} : memref<80x128xf32, #tpu.memory_space<vmem>>, vector<1x16xf32>,
          %swap3A_1053 = vector.shape_cast %swap3A_1052 : vector<1x16xf32> to vector<16xf32>
          %swap3A_1054 = vector.shape_cast %mul3A_1049 : vector<16xf32> to vector<1x16xf32>
          tpu.vector_store %arg14[%swap3A_1050, %swap3A_1051], %swap3A_1054 {strides = array<i32>} : memref<80x128xf32, #tpu.memory_space<vmem>>, vector<1x16xf32>,
          %get3A_1055 = arith.index_cast %add3A_1024 : i32 to index
          %get3A_1056 = arith.constant 48 : index
          %get3A_1057 = tpu.vector_load %arg14[%get3A_1055, %get3A_1056] {strides = array<i32>} : memref<80x128xf32, #tpu.memory_space<vmem>>, vector<1x16xf32>,
          %get3A_1058 = vector.shape_cast %get3A_1057 : vector<1x16xf32> to vector<16xf32>
          %mul3A_1059 = arith.mulf %get3A_1058, %broadcast_in_dim3A_1020 : vector<16xf32>
          %swap3A_1060 = arith.index_cast %add3A_1024 : i32 to index
          %swap3A_1061 = arith.constant 48 : index
          %swap3A_1062 = tpu.vector_load %arg14[%swap3A_1060, %swap3A_1061] {strides = array<i32>} : memref<80x128xf32, #tpu.memory_space<vmem>>, vector<1x16xf32>,
          %swap3A_1063 = vector.shape_cast %swap3A_1062 : vector<1x16xf32> to vector<16xf32>
          %swap3A_1064 = vector.shape_cast %mul3A_1059 : vector<16xf32> to vector<1x16xf32>
          tpu.vector_store %arg14[%swap3A_1060, %swap3A_1061], %swap3A_1064 {strides = array<i32>} : memref<80x128xf32, #tpu.memory_space<vmem>>, vector<1x16xf32>,
          %get3A_1065 = arith.index_cast %add3A_1024 : i32 to index
          %get3A_1066 = arith.constant 64 : index
          %get3A_1067 = tpu.vector_load %arg14[%get3A_1065, %get3A_1066] {strides = array<i32>} : memref<80x128xf32, #tpu.memory_space<vmem>>, vector<1x16xf32>,
          %get3A_1068 = vector.shape_cast %get3A_1067 : vector<1x16xf32> to vector<16xf32>
          %mul3A_1069 = arith.mulf %get3A_1068, %broadcast_in_dim3A_1020 : vector<16xf32>
          %swap3A_1070 = arith.index_cast %add3A_1024 : i32 to index
          %swap3A_1071 = arith.constant 64 : index
          %swap3A_1072 = tpu.vector_load %arg14[%swap3A_1070, %swap3A_1071] {strides = array<i32>} : memref<80x128xf32, #tpu.memory_space<vmem>>, vector<1x16xf32>,
          %swap3A_1073 = vector.shape_cast %swap3A_1072 : vector<1x16xf32> to vector<16xf32>
          %swap3A_1074 = vector.shape_cast %mul3A_1069 : vector<16xf32> to vector<1x16xf32>
          tpu.vector_store %arg14[%swap3A_1070, %swap3A_1071], %swap3A_1074 {strides = array<i32>} : memref<80x128xf32, #tpu.memory_space<vmem>>, vector<1x16xf32>,
          %get3A_1075 = arith.index_cast %add3A_1024 : i32 to index
          %get3A_1076 = arith.constant 80 : index
          %get3A_1077 = tpu.vector_load %arg14[%get3A_1075, %get3A_1076] {strides = array<i32>} : memref<80x128xf32, #tpu.memory_space<vmem>>, vector<1x16xf32>,
          %get3A_1078 = vector.shape_cast %get3A_1077 : vector<1x16xf32> to vector<16xf32>
          %mul3A_1079 = arith.mulf %get3A_1078, %broadcast_in_dim3A_1020 : vector<16xf32>
          %swap3A_1080 = arith.index_cast %add3A_1024 : i32 to index
          %swap3A_1081 = arith.constant 80 : index
          %swap3A_1082 = tpu.vector_load %arg14[%swap3A_1080, %swap3A_1081] {strides = array<i32>} : memref<80x128xf32, #tpu.memory_space<vmem>>, vector<1x16xf32>,
          %swap3A_1083 = vector.shape_cast %swap3A_1082 : vector<1x16xf32> to vector<16xf32>
          %swap3A_1084 = vector.shape_cast %mul3A_1079 : vector<16xf32> to vector<1x16xf32>
          tpu.vector_store %arg14[%swap3A_1080, %swap3A_1081], %swap3A_1084 {strides = array<i32>} : memref<80x128xf32, #tpu.memory_space<vmem>>, vector<1x16xf32>,
          %get3A_1085 = arith.index_cast %add3A_1024 : i32 to index
          %get3A_1086 = arith.constant 96 : index
          %get3A_1087 = tpu.vector_load %arg14[%get3A_1085, %get3A_1086] {strides = array<i32>} : memref<80x128xf32, #tpu.memory_space<vmem>>, vector<1x16xf32>,
          %get3A_1088 = vector.shape_cast %get3A_1087 : vector<1x16xf32> to vector<16xf32>
          %mul3A_1089 = arith.mulf %get3A_1088, %broadcast_in_dim3A_1020 : vector<16xf32>
          %swap3A_1090 = arith.index_cast %add3A_1024 : i32 to index
          %swap3A_1091 = arith.constant 96 : index
          %swap3A_1092 = tpu.vector_load %arg14[%swap3A_1090, %swap3A_1091] {strides = array<i32>} : memref<80x128xf32, #tpu.memory_space<vmem>>, vector<1x16xf32>,
          %swap3A_1093 = vector.shape_cast %swap3A_1092 : vector<1x16xf32> to vector<16xf32>
          %swap3A_1094 = vector.shape_cast %mul3A_1089 : vector<16xf32> to vector<1x16xf32>
          tpu.vector_store %arg14[%swap3A_1090, %swap3A_1091], %swap3A_1094 {strides = array<i32>} : memref<80x128xf32, #tpu.memory_space<vmem>>, vector<1x16xf32>,
          %get3A_1095 = arith.index_cast %add3A_1024 : i32 to index
          %get3A_1096 = arith.constant 112 : index
          %get3A_1097 = tpu.vector_load %arg14[%get3A_1095, %get3A_1096] {strides = array<i32>} : memref<80x128xf32, #tpu.memory_space<vmem>>, vector<1x16xf32>,
          %get3A_1098 = vector.shape_cast %get3A_1097 : vector<1x16xf32> to vector<16xf32>
          %mul3A_1099 = arith.mulf %get3A_1098, %broadcast_in_dim3A_1020 : vector<16xf32>
          %swap3A_1100 = arith.index_cast %add3A_1024 : i32 to index
          %swap3A_1101 = arith.constant 112 : index
          %swap3A_1102 = tpu.vector_load %arg14[%swap3A_1100, %swap3A_1101] {strides = array<i32>} : memref<80x128xf32, #tpu.memory_space<vmem>>, vector<1x16xf32>,
          %swap3A_1103 = vector.shape_cast %swap3A_1102 : vector<1x16xf32> to vector<16xf32>
          %swap3A_1104 = vector.shape_cast %mul3A_1099 : vector<16xf32> to vector<1x16xf32>
          tpu.vector_store %arg14[%swap3A_1100, %swap3A_1101], %swap3A_1104 {strides = array<i32>} : memref<80x128xf32, #tpu.memory_space<vmem>>, vector<1x16xf32>,
          %slice3A_1105 = vector.extract_strided_slice %get3A_323 {offsets = [9], sizes = [1], strides = [1]} : vector<16xf32> to vector<1xf32>
          %squeeze3A_1106 = vector.extract %slice3A_1105[0] : f32 from vector<1xf32>
          %broadcast_in_dim3A_1107 = vector.broadcast %squeeze3A_1106 : f32 to vector<16xf32>
          %mul3A_1108 = arith.constant 16 : i32
          %mul3A_1109 = arith.muli %add3A_318, %mul3A_1108 : i32
          %add3A_1110 = arith.constant 9 : i32
          %add3A_1111 = arith.addi %mul3A_1109, %add3A_1110 : i32
          %get3A_1112 = arith.index_cast %add3A_1111 : i32 to index
          %get3A_1113 = arith.constant 0 : index
          %get3A_1114 = tpu.vector_load %arg14[%get3A_1112, %get3A_1113] {strides = array<i32>} : memref<80x128xf32, #tpu.memory_space<vmem>>, vector<1x16xf32>,
          %get3A_1115 = vector.shape_cast %get3A_1114 : vector<1x16xf32> to vector<16xf32>
          %mul3A_1116 = arith.mulf %get3A_1115, %broadcast_in_dim3A_1107 : vector<16xf32>
          %swap3A_1117 = arith.index_cast %add3A_1111 : i32 to index
          %swap3A_1118 = arith.constant 0 : index
          %swap3A_1119 = tpu.vector_load %arg14[%swap3A_1117, %swap3A_1118] {strides = array<i32>} : memref<80x128xf32, #tpu.memory_space<vmem>>, vector<1x16xf32>,
          %swap3A_1120 = vector.shape_cast %swap3A_1119 : vector<1x16xf32> to vector<16xf32>
          %swap3A_1121 = vector.shape_cast %mul3A_1116 : vector<16xf32> to vector<1x16xf32>
          tpu.vector_store %arg14[%swap3A_1117, %swap3A_1118], %swap3A_1121 {strides = array<i32>} : memref<80x128xf32, #tpu.memory_space<vmem>>, vector<1x16xf32>,
          %get3A_1122 = arith.index_cast %add3A_1111 : i32 to index
          %get3A_1123 = arith.constant 16 : index
          %get3A_1124 = tpu.vector_load %arg14[%get3A_1122, %get3A_1123] {strides = array<i32>} : memref<80x128xf32, #tpu.memory_space<vmem>>, vector<1x16xf32>,
          %get3A_1125 = vector.shape_cast %get3A_1124 : vector<1x16xf32> to vector<16xf32>
          %mul3A_1126 = arith.mulf %get3A_1125, %broadcast_in_dim3A_1107 : vector<16xf32>
          %swap3A_1127 = arith.index_cast %add3A_1111 : i32 to index
          %swap3A_1128 = arith.constant 16 : index
          %swap3A_1129 = tpu.vector_load %arg14[%swap3A_1127, %swap3A_1128] {strides = array<i32>} : memref<80x128xf32, #tpu.memory_space<vmem>>, vector<1x16xf32>,
          %swap3A_1130 = vector.shape_cast %swap3A_1129 : vector<1x16xf32> to vector<16xf32>
          %swap3A_1131 = vector.shape_cast %mul3A_1126 : vector<16xf32> to vector<1x16xf32>
          tpu.vector_store %arg14[%swap3A_1127, %swap3A_1128], %swap3A_1131 {strides = array<i32>} : memref<80x128xf32, #tpu.memory_space<vmem>>, vector<1x16xf32>,
          %get3A_1132 = arith.index_cast %add3A_1111 : i32 to index
          %get3A_1133 = arith.constant 32 : index
          %get3A_1134 = tpu.vector_load %arg14[%get3A_1132, %get3A_1133] {strides = array<i32>} : memref<80x128xf32, #tpu.memory_space<vmem>>, vector<1x16xf32>,
          %get3A_1135 = vector.shape_cast %get3A_1134 : vector<1x16xf32> to vector<16xf32>
          %mul3A_1136 = arith.mulf %get3A_1135, %broadcast_in_dim3A_1107 : vector<16xf32>
          %swap3A_1137 = arith.index_cast %add3A_1111 : i32 to index
          %swap3A_1138 = arith.constant 32 : index
          %swap3A_1139 = tpu.vector_load %arg14[%swap3A_1137, %swap3A_1138] {strides = array<i32>} : memref<80x128xf32, #tpu.memory_space<vmem>>, vector<1x16xf32>,
          %swap3A_1140 = vector.shape_cast %swap3A_1139 : vector<1x16xf32> to vector<16xf32>
          %swap3A_1141 = vector.shape_cast %mul3A_1136 : vector<16xf32> to vector<1x16xf32>
          tpu.vector_store %arg14[%swap3A_1137, %swap3A_1138], %swap3A_1141 {strides = array<i32>} : memref<80x128xf32, #tpu.memory_space<vmem>>, vector<1x16xf32>,
          %get3A_1142 = arith.index_cast %add3A_1111 : i32 to index
          %get3A_1143 = arith.constant 48 : index
          %get3A_1144 = tpu.vector_load %arg14[%get3A_1142, %get3A_1143] {strides = array<i32>} : memref<80x128xf32, #tpu.memory_space<vmem>>, vector<1x16xf32>,
          %get3A_1145 = vector.shape_cast %get3A_1144 : vector<1x16xf32> to vector<16xf32>
          %mul3A_1146 = arith.mulf %get3A_1145, %broadcast_in_dim3A_1107 : vector<16xf32>
          %swap3A_1147 = arith.index_cast %add3A_1111 : i32 to index
          %swap3A_1148 = arith.constant 48 : index
          %swap3A_1149 = tpu.vector_load %arg14[%swap3A_1147, %swap3A_1148] {strides = array<i32>} : memref<80x128xf32, #tpu.memory_space<vmem>>, vector<1x16xf32>,
          %swap3A_1150 = vector.shape_cast %swap3A_1149 : vector<1x16xf32> to vector<16xf32>
          %swap3A_1151 = vector.shape_cast %mul3A_1146 : vector<16xf32> to vector<1x16xf32>
          tpu.vector_store %arg14[%swap3A_1147, %swap3A_1148], %swap3A_1151 {strides = array<i32>} : memref<80x128xf32, #tpu.memory_space<vmem>>, vector<1x16xf32>,
          %get3A_1152 = arith.index_cast %add3A_1111 : i32 to index
          %get3A_1153 = arith.constant 64 : index
          %get3A_1154 = tpu.vector_load %arg14[%get3A_1152, %get3A_1153] {strides = array<i32>} : memref<80x128xf32, #tpu.memory_space<vmem>>, vector<1x16xf32>,
          %get3A_1155 = vector.shape_cast %get3A_1154 : vector<1x16xf32> to vector<16xf32>
          %mul3A_1156 = arith.mulf %get3A_1155, %broadcast_in_dim3A_1107 : vector<16xf32>
          %swap3A_1157 = arith.index_cast %add3A_1111 : i32 to index
          %swap3A_1158 = arith.constant 64 : index
          %swap3A_1159 = tpu.vector_load %arg14[%swap3A_1157, %swap3A_1158] {strides = array<i32>} : memref<80x128xf32, #tpu.memory_space<vmem>>, vector<1x16xf32>,
          %swap3A_1160 = vector.shape_cast %swap3A_1159 : vector<1x16xf32> to vector<16xf32>
          %swap3A_1161 = vector.shape_cast %mul3A_1156 : vector<16xf32> to vector<1x16xf32>
          tpu.vector_store %arg14[%swap3A_1157, %swap3A_1158], %swap3A_1161 {strides = array<i32>} : memref<80x128xf32, #tpu.memory_space<vmem>>, vector<1x16xf32>,
          %get3A_1162 = arith.index_cast %add3A_1111 : i32 to index
          %get3A_1163 = arith.constant 80 : index
          %get3A_1164 = tpu.vector_load %arg14[%get3A_1162, %get3A_1163] {strides = array<i32>} : memref<80x128xf32, #tpu.memory_space<vmem>>, vector<1x16xf32>,
          %get3A_1165 = vector.shape_cast %get3A_1164 : vector<1x16xf32> to vector<16xf32>
          %mul3A_1166 = arith.mulf %get3A_1165, %broadcast_in_dim3A_1107 : vector<16xf32>
          %swap3A_1167 = arith.index_cast %add3A_1111 : i32 to index
          %swap3A_1168 = arith.constant 80 : index
          %swap3A_1169 = tpu.vector_load %arg14[%swap3A_1167, %swap3A_1168] {strides = array<i32>} : memref<80x128xf32, #tpu.memory_space<vmem>>, vector<1x16xf32>,
          %swap3A_1170 = vector.shape_cast %swap3A_1169 : vector<1x16xf32> to vector<16xf32>
          %swap3A_1171 = vector.shape_cast %mul3A_1166 : vector<16xf32> to vector<1x16xf32>
          tpu.vector_store %arg14[%swap3A_1167, %swap3A_1168], %swap3A_1171 {strides = array<i32>} : memref<80x128xf32, #tpu.memory_space<vmem>>, vector<1x16xf32>,
          %get3A_1172 = arith.index_cast %add3A_1111 : i32 to index
          %get3A_1173 = arith.constant 96 : index
          %get3A_1174 = tpu.vector_load %arg14[%get3A_1172, %get3A_1173] {strides = array<i32>} : memref<80x128xf32, #tpu.memory_space<vmem>>, vector<1x16xf32>,
          %get3A_1175 = vector.shape_cast %get3A_1174 : vector<1x16xf32> to vector<16xf32>
          %mul3A_1176 = arith.mulf %get3A_1175, %broadcast_in_dim3A_1107 : vector<16xf32>
          %swap3A_1177 = arith.index_cast %add3A_1111 : i32 to index
          %swap3A_1178 = arith.constant 96 : index
          %swap3A_1179 = tpu.vector_load %arg14[%swap3A_1177, %swap3A_1178] {strides = array<i32>} : memref<80x128xf32, #tpu.memory_space<vmem>>, vector<1x16xf32>,
          %swap3A_1180 = vector.shape_cast %swap3A_1179 : vector<1x16xf32> to vector<16xf32>
          %swap3A_1181 = vector.shape_cast %mul3A_1176 : vector<16xf32> to vector<1x16xf32>
          tpu.vector_store %arg14[%swap3A_1177, %swap3A_1178], %swap3A_1181 {strides = array<i32>} : memref<80x128xf32, #tpu.memory_space<vmem>>, vector<1x16xf32>,
          %get3A_1182 = arith.index_cast %add3A_1111 : i32 to index
          %get3A_1183 = arith.constant 112 : index
          %get3A_1184 = tpu.vector_load %arg14[%get3A_1182, %get3A_1183] {strides = array<i32>} : memref<80x128xf32, #tpu.memory_space<vmem>>, vector<1x16xf32>,
          %get3A_1185 = vector.shape_cast %get3A_1184 : vector<1x16xf32> to vector<16xf32>
          %mul3A_1186 = arith.mulf %get3A_1185, %broadcast_in_dim3A_1107 : vector<16xf32>
          %swap3A_1187 = arith.index_cast %add3A_1111 : i32 to index
          %swap3A_1188 = arith.constant 112 : index
          %swap3A_1189 = tpu.vector_load %arg14[%swap3A_1187, %swap3A_1188] {strides = array<i32>} : memref<80x128xf32, #tpu.memory_space<vmem>>, vector<1x16xf32>,
          %swap3A_1190 = vector.shape_cast %swap3A_1189 : vector<1x16xf32> to vector<16xf32>
          %swap3A_1191 = vector.shape_cast %mul3A_1186 : vector<16xf32> to vector<1x16xf32>
          tpu.vector_store %arg14[%swap3A_1187, %swap3A_1188], %swap3A_1191 {strides = array<i32>} : memref<80x128xf32, #tpu.memory_space<vmem>>, vector<1x16xf32>,
          %slice3A_1192 = vector.extract_strided_slice %get3A_323 {offsets = [10], sizes = [1], strides = [1]} : vector<16xf32> to vector<1xf32>
          %squeeze3A_1193 = vector.extract %slice3A_1192[0] : f32 from vector<1xf32>
          %broadcast_in_dim3A_1194 = vector.broadcast %squeeze3A_1193 : f32 to vector<16xf32>
          %mul3A_1195 = arith.constant 16 : i32
          %mul3A_1196 = arith.muli %add3A_318, %mul3A_1195 : i32
          %add3A_1197 = arith.constant 10 : i32
          %add3A_1198 = arith.addi %mul3A_1196, %add3A_1197 : i32
          %get3A_1199 = arith.index_cast %add3A_1198 : i32 to index
          %get3A_1200 = arith.constant 0 : index
          %get3A_1201 = tpu.vector_load %arg14[%get3A_1199, %get3A_1200] {strides = array<i32>} : memref<80x128xf32, #tpu.memory_space<vmem>>, vector<1x16xf32>,
          %get3A_1202 = vector.shape_cast %get3A_1201 : vector<1x16xf32> to vector<16xf32>
          %mul3A_1203 = arith.mulf %get3A_1202, %broadcast_in_dim3A_1194 : vector<16xf32>
          %swap3A_1204 = arith.index_cast %add3A_1198 : i32 to index
          %swap3A_1205 = arith.constant 0 : index
          %swap3A_1206 = tpu.vector_load %arg14[%swap3A_1204, %swap3A_1205] {strides = array<i32>} : memref<80x128xf32, #tpu.memory_space<vmem>>, vector<1x16xf32>,
          %swap3A_1207 = vector.shape_cast %swap3A_1206 : vector<1x16xf32> to vector<16xf32>
          %swap3A_1208 = vector.shape_cast %mul3A_1203 : vector<16xf32> to vector<1x16xf32>
          tpu.vector_store %arg14[%swap3A_1204, %swap3A_1205], %swap3A_1208 {strides = array<i32>} : memref<80x128xf32, #tpu.memory_space<vmem>>, vector<1x16xf32>,
          %get3A_1209 = arith.index_cast %add3A_1198 : i32 to index
          %get3A_1210 = arith.constant 16 : index
          %get3A_1211 = tpu.vector_load %arg14[%get3A_1209, %get3A_1210] {strides = array<i32>} : memref<80x128xf32, #tpu.memory_space<vmem>>, vector<1x16xf32>,
          %get3A_1212 = vector.shape_cast %get3A_1211 : vector<1x16xf32> to vector<16xf32>
          %mul3A_1213 = arith.mulf %get3A_1212, %broadcast_in_dim3A_1194 : vector<16xf32>
          %swap3A_1214 = arith.index_cast %add3A_1198 : i32 to index
          %swap3A_1215 = arith.constant 16 : index
          %swap3A_1216 = tpu.vector_load %arg14[%swap3A_1214, %swap3A_1215] {strides = array<i32>} : memref<80x128xf32, #tpu.memory_space<vmem>>, vector<1x16xf32>,
          %swap3A_1217 = vector.shape_cast %swap3A_1216 : vector<1x16xf32> to vector<16xf32>
          %swap3A_1218 = vector.shape_cast %mul3A_1213 : vector<16xf32> to vector<1x16xf32>
          tpu.vector_store %arg14[%swap3A_1214, %swap3A_1215], %swap3A_1218 {strides = array<i32>} : memref<80x128xf32, #tpu.memory_space<vmem>>, vector<1x16xf32>,
          %get3A_1219 = arith.index_cast %add3A_1198 : i32 to index
          %get3A_1220 = arith.constant 32 : index
          %get3A_1221 = tpu.vector_load %arg14[%get3A_1219, %get3A_1220] {strides = array<i32>} : memref<80x128xf32, #tpu.memory_space<vmem>>, vector<1x16xf32>,
          %get3A_1222 = vector.shape_cast %get3A_1221 : vector<1x16xf32> to vector<16xf32>
          %mul3A_1223 = arith.mulf %get3A_1222, %broadcast_in_dim3A_1194 : vector<16xf32>
          %swap3A_1224 = arith.index_cast %add3A_1198 : i32 to index
          %swap3A_1225 = arith.constant 32 : index
          %swap3A_1226 = tpu.vector_load %arg14[%swap3A_1224, %swap3A_1225] {strides = array<i32>} : memref<80x128xf32, #tpu.memory_space<vmem>>, vector<1x16xf32>,
          %swap3A_1227 = vector.shape_cast %swap3A_1226 : vector<1x16xf32> to vector<16xf32>
          %swap3A_1228 = vector.shape_cast %mul3A_1223 : vector<16xf32> to vector<1x16xf32>
          tpu.vector_store %arg14[%swap3A_1224, %swap3A_1225], %swap3A_1228 {strides = array<i32>} : memref<80x128xf32, #tpu.memory_space<vmem>>, vector<1x16xf32>,
          %get3A_1229 = arith.index_cast %add3A_1198 : i32 to index
          %get3A_1230 = arith.constant 48 : index
          %get3A_1231 = tpu.vector_load %arg14[%get3A_1229, %get3A_1230] {strides = array<i32>} : memref<80x128xf32, #tpu.memory_space<vmem>>, vector<1x16xf32>,
          %get3A_1232 = vector.shape_cast %get3A_1231 : vector<1x16xf32> to vector<16xf32>
          %mul3A_1233 = arith.mulf %get3A_1232, %broadcast_in_dim3A_1194 : vector<16xf32>
          %swap3A_1234 = arith.index_cast %add3A_1198 : i32 to index
          %swap3A_1235 = arith.constant 48 : index
          %swap3A_1236 = tpu.vector_load %arg14[%swap3A_1234, %swap3A_1235] {strides = array<i32>} : memref<80x128xf32, #tpu.memory_space<vmem>>, vector<1x16xf32>,
          %swap3A_1237 = vector.shape_cast %swap3A_1236 : vector<1x16xf32> to vector<16xf32>
          %swap3A_1238 = vector.shape_cast %mul3A_1233 : vector<16xf32> to vector<1x16xf32>
          tpu.vector_store %arg14[%swap3A_1234, %swap3A_1235], %swap3A_1238 {strides = array<i32>} : memref<80x128xf32, #tpu.memory_space<vmem>>, vector<1x16xf32>,
          %get3A_1239 = arith.index_cast %add3A_1198 : i32 to index
          %get3A_1240 = arith.constant 64 : index
          %get3A_1241 = tpu.vector_load %arg14[%get3A_1239, %get3A_1240] {strides = array<i32>} : memref<80x128xf32, #tpu.memory_space<vmem>>, vector<1x16xf32>,
          %get3A_1242 = vector.shape_cast %get3A_1241 : vector<1x16xf32> to vector<16xf32>
          %mul3A_1243 = arith.mulf %get3A_1242, %broadcast_in_dim3A_1194 : vector<16xf32>
          %swap3A_1244 = arith.index_cast %add3A_1198 : i32 to index
          %swap3A_1245 = arith.constant 64 : index
          %swap3A_1246 = tpu.vector_load %arg14[%swap3A_1244, %swap3A_1245] {strides = array<i32>} : memref<80x128xf32, #tpu.memory_space<vmem>>, vector<1x16xf32>,
          %swap3A_1247 = vector.shape_cast %swap3A_1246 : vector<1x16xf32> to vector<16xf32>
          %swap3A_1248 = vector.shape_cast %mul3A_1243 : vector<16xf32> to vector<1x16xf32>
          tpu.vector_store %arg14[%swap3A_1244, %swap3A_1245], %swap3A_1248 {strides = array<i32>} : memref<80x128xf32, #tpu.memory_space<vmem>>, vector<1x16xf32>,
          %get3A_1249 = arith.index_cast %add3A_1198 : i32 to index
          %get3A_1250 = arith.constant 80 : index
          %get3A_1251 = tpu.vector_load %arg14[%get3A_1249, %get3A_1250] {strides = array<i32>} : memref<80x128xf32, #tpu.memory_space<vmem>>, vector<1x16xf32>,
          %get3A_1252 = vector.shape_cast %get3A_1251 : vector<1x16xf32> to vector<16xf32>
          %mul3A_1253 = arith.mulf %get3A_1252, %broadcast_in_dim3A_1194 : vector<16xf32>
          %swap3A_1254 = arith.index_cast %add3A_1198 : i32 to index
          %swap3A_1255 = arith.constant 80 : index
          %swap3A_1256 = tpu.vector_load %arg14[%swap3A_1254, %swap3A_1255] {strides = array<i32>} : memref<80x128xf32, #tpu.memory_space<vmem>>, vector<1x16xf32>,
          %swap3A_1257 = vector.shape_cast %swap3A_1256 : vector<1x16xf32> to vector<16xf32>
          %swap3A_1258 = vector.shape_cast %mul3A_1253 : vector<16xf32> to vector<1x16xf32>
          tpu.vector_store %arg14[%swap3A_1254, %swap3A_1255], %swap3A_1258 {strides = array<i32>} : memref<80x128xf32, #tpu.memory_space<vmem>>, vector<1x16xf32>,
          %get3A_1259 = arith.index_cast %add3A_1198 : i32 to index
          %get3A_1260 = arith.constant 96 : index
          %get3A_1261 = tpu.vector_load %arg14[%get3A_1259, %get3A_1260] {strides = array<i32>} : memref<80x128xf32, #tpu.memory_space<vmem>>, vector<1x16xf32>,
          %get3A_1262 = vector.shape_cast %get3A_1261 : vector<1x16xf32> to vector<16xf32>
          %mul3A_1263 = arith.mulf %get3A_1262, %broadcast_in_dim3A_1194 : vector<16xf32>
          %swap3A_1264 = arith.index_cast %add3A_1198 : i32 to index
          %swap3A_1265 = arith.constant 96 : index
          %swap3A_1266 = tpu.vector_load %arg14[%swap3A_1264, %swap3A_1265] {strides = array<i32>} : memref<80x128xf32, #tpu.memory_space<vmem>>, vector<1x16xf32>,
          %swap3A_1267 = vector.shape_cast %swap3A_1266 : vector<1x16xf32> to vector<16xf32>
          %swap3A_1268 = vector.shape_cast %mul3A_1263 : vector<16xf32> to vector<1x16xf32>
          tpu.vector_store %arg14[%swap3A_1264, %swap3A_1265], %swap3A_1268 {strides = array<i32>} : memref<80x128xf32, #tpu.memory_space<vmem>>, vector<1x16xf32>,
          %get3A_1269 = arith.index_cast %add3A_1198 : i32 to index
          %get3A_1270 = arith.constant 112 : index
          %get3A_1271 = tpu.vector_load %arg14[%get3A_1269, %get3A_1270] {strides = array<i32>} : memref<80x128xf32, #tpu.memory_space<vmem>>, vector<1x16xf32>,
          %get3A_1272 = vector.shape_cast %get3A_1271 : vector<1x16xf32> to vector<16xf32>
          %mul3A_1273 = arith.mulf %get3A_1272, %broadcast_in_dim3A_1194 : vector<16xf32>
          %swap3A_1274 = arith.index_cast %add3A_1198 : i32 to index
          %swap3A_1275 = arith.constant 112 : index
          %swap3A_1276 = tpu.vector_load %arg14[%swap3A_1274, %swap3A_1275] {strides = array<i32>} : memref<80x128xf32, #tpu.memory_space<vmem>>, vector<1x16xf32>,
          %swap3A_1277 = vector.shape_cast %swap3A_1276 : vector<1x16xf32> to vector<16xf32>
          %swap3A_1278 = vector.shape_cast %mul3A_1273 : vector<16xf32> to vector<1x16xf32>
          tpu.vector_store %arg14[%swap3A_1274, %swap3A_1275], %swap3A_1278 {strides = array<i32>} : memref<80x128xf32, #tpu.memory_space<vmem>>, vector<1x16xf32>,
          %slice3A_1279 = vector.extract_strided_slice %get3A_323 {offsets = [11], sizes = [1], strides = [1]} : vector<16xf32> to vector<1xf32>
          %squeeze3A_1280 = vector.extract %slice3A_1279[0] : f32 from vector<1xf32>
          %broadcast_in_dim3A_1281 = vector.broadcast %squeeze3A_1280 : f32 to vector<16xf32>
          %mul3A_1282 = arith.constant 16 : i32
          %mul3A_1283 = arith.muli %add3A_318, %mul3A_1282 : i32
          %add3A_1284 = arith.constant 11 : i32
          %add3A_1285 = arith.addi %mul3A_1283, %add3A_1284 : i32
          %get3A_1286 = arith.index_cast %add3A_1285 : i32 to index
          %get3A_1287 = arith.constant 0 : index
          %get3A_1288 = tpu.vector_load %arg14[%get3A_1286, %get3A_1287] {strides = array<i32>} : memref<80x128xf32, #tpu.memory_space<vmem>>, vector<1x16xf32>,
          %get3A_1289 = vector.shape_cast %get3A_1288 : vector<1x16xf32> to vector<16xf32>
          %mul3A_1290 = arith.mulf %get3A_1289, %broadcast_in_dim3A_1281 : vector<16xf32>
          %swap3A_1291 = arith.index_cast %add3A_1285 : i32 to index
          %swap3A_1292 = arith.constant 0 : index
          %swap3A_1293 = tpu.vector_load %arg14[%swap3A_1291, %swap3A_1292] {strides = array<i32>} : memref<80x128xf32, #tpu.memory_space<vmem>>, vector<1x16xf32>,
          %swap3A_1294 = vector.shape_cast %swap3A_1293 : vector<1x16xf32> to vector<16xf32>
          %swap3A_1295 = vector.shape_cast %mul3A_1290 : vector<16xf32> to vector<1x16xf32>
          tpu.vector_store %arg14[%swap3A_1291, %swap3A_1292], %swap3A_1295 {strides = array<i32>} : memref<80x128xf32, #tpu.memory_space<vmem>>, vector<1x16xf32>,
          %get3A_1296 = arith.index_cast %add3A_1285 : i32 to index
          %get3A_1297 = arith.constant 16 : index
          %get3A_1298 = tpu.vector_load %arg14[%get3A_1296, %get3A_1297] {strides = array<i32>} : memref<80x128xf32, #tpu.memory_space<vmem>>, vector<1x16xf32>,
          %get3A_1299 = vector.shape_cast %get3A_1298 : vector<1x16xf32> to vector<16xf32>
          %mul3A_1300 = arith.mulf %get3A_1299, %broadcast_in_dim3A_1281 : vector<16xf32>
          %swap3A_1301 = arith.index_cast %add3A_1285 : i32 to index
          %swap3A_1302 = arith.constant 16 : index
          %swap3A_1303 = tpu.vector_load %arg14[%swap3A_1301, %swap3A_1302] {strides = array<i32>} : memref<80x128xf32, #tpu.memory_space<vmem>>, vector<1x16xf32>,
          %swap3A_1304 = vector.shape_cast %swap3A_1303 : vector<1x16xf32> to vector<16xf32>
          %swap3A_1305 = vector.shape_cast %mul3A_1300 : vector<16xf32> to vector<1x16xf32>
          tpu.vector_store %arg14[%swap3A_1301, %swap3A_1302], %swap3A_1305 {strides = array<i32>} : memref<80x128xf32, #tpu.memory_space<vmem>>, vector<1x16xf32>,
          %get3A_1306 = arith.index_cast %add3A_1285 : i32 to index
          %get3A_1307 = arith.constant 32 : index
          %get3A_1308 = tpu.vector_load %arg14[%get3A_1306, %get3A_1307] {strides = array<i32>} : memref<80x128xf32, #tpu.memory_space<vmem>>, vector<1x16xf32>,
          %get3A_1309 = vector.shape_cast %get3A_1308 : vector<1x16xf32> to vector<16xf32>
          %mul3A_1310 = arith.mulf %get3A_1309, %broadcast_in_dim3A_1281 : vector<16xf32>
          %swap3A_1311 = arith.index_cast %add3A_1285 : i32 to index
          %swap3A_1312 = arith.constant 32 : index
          %swap3A_1313 = tpu.vector_load %arg14[%swap3A_1311, %swap3A_1312] {strides = array<i32>} : memref<80x128xf32, #tpu.memory_space<vmem>>, vector<1x16xf32>,
          %swap3A_1314 = vector.shape_cast %swap3A_1313 : vector<1x16xf32> to vector<16xf32>
          %swap3A_1315 = vector.shape_cast %mul3A_1310 : vector<16xf32> to vector<1x16xf32>
          tpu.vector_store %arg14[%swap3A_1311, %swap3A_1312], %swap3A_1315 {strides = array<i32>} : memref<80x128xf32, #tpu.memory_space<vmem>>, vector<1x16xf32>,
          %get3A_1316 = arith.index_cast %add3A_1285 : i32 to index
          %get3A_1317 = arith.constant 48 : index
          %get3A_1318 = tpu.vector_load %arg14[%get3A_1316, %get3A_1317] {strides = array<i32>} : memref<80x128xf32, #tpu.memory_space<vmem>>, vector<1x16xf32>,
          %get3A_1319 = vector.shape_cast %get3A_1318 : vector<1x16xf32> to vector<16xf32>
          %mul3A_1320 = arith.mulf %get3A_1319, %broadcast_in_dim3A_1281 : vector<16xf32>
          %swap3A_1321 = arith.index_cast %add3A_1285 : i32 to index
          %swap3A_1322 = arith.constant 48 : index
          %swap3A_1323 = tpu.vector_load %arg14[%swap3A_1321, %swap3A_1322] {strides = array<i32>} : memref<80x128xf32, #tpu.memory_space<vmem>>, vector<1x16xf32>,
          %swap3A_1324 = vector.shape_cast %swap3A_1323 : vector<1x16xf32> to vector<16xf32>
          %swap3A_1325 = vector.shape_cast %mul3A_1320 : vector<16xf32> to vector<1x16xf32>
          tpu.vector_store %arg14[%swap3A_1321, %swap3A_1322], %swap3A_1325 {strides = array<i32>} : memref<80x128xf32, #tpu.memory_space<vmem>>, vector<1x16xf32>,
          %get3A_1326 = arith.index_cast %add3A_1285 : i32 to index
          %get3A_1327 = arith.constant 64 : index
          %get3A_1328 = tpu.vector_load %arg14[%get3A_1326, %get3A_1327] {strides = array<i32>} : memref<80x128xf32, #tpu.memory_space<vmem>>, vector<1x16xf32>,
          %get3A_1329 = vector.shape_cast %get3A_1328 : vector<1x16xf32> to vector<16xf32>
          %mul3A_1330 = arith.mulf %get3A_1329, %broadcast_in_dim3A_1281 : vector<16xf32>
          %swap3A_1331 = arith.index_cast %add3A_1285 : i32 to index
          %swap3A_1332 = arith.constant 64 : index
          %swap3A_1333 = tpu.vector_load %arg14[%swap3A_1331, %swap3A_1332] {strides = array<i32>} : memref<80x128xf32, #tpu.memory_space<vmem>>, vector<1x16xf32>,
          %swap3A_1334 = vector.shape_cast %swap3A_1333 : vector<1x16xf32> to vector<16xf32>
          %swap3A_1335 = vector.shape_cast %mul3A_1330 : vector<16xf32> to vector<1x16xf32>
          tpu.vector_store %arg14[%swap3A_1331, %swap3A_1332], %swap3A_1335 {strides = array<i32>} : memref<80x128xf32, #tpu.memory_space<vmem>>, vector<1x16xf32>,
          %get3A_1336 = arith.index_cast %add3A_1285 : i32 to index
          %get3A_1337 = arith.constant 80 : index
          %get3A_1338 = tpu.vector_load %arg14[%get3A_1336, %get3A_1337] {strides = array<i32>} : memref<80x128xf32, #tpu.memory_space<vmem>>, vector<1x16xf32>,
          %get3A_1339 = vector.shape_cast %get3A_1338 : vector<1x16xf32> to vector<16xf32>
          %mul3A_1340 = arith.mulf %get3A_1339, %broadcast_in_dim3A_1281 : vector<16xf32>
          %swap3A_1341 = arith.index_cast %add3A_1285 : i32 to index
          %swap3A_1342 = arith.constant 80 : index
          %swap3A_1343 = tpu.vector_load %arg14[%swap3A_1341, %swap3A_1342] {strides = array<i32>} : memref<80x128xf32, #tpu.memory_space<vmem>>, vector<1x16xf32>,
          %swap3A_1344 = vector.shape_cast %swap3A_1343 : vector<1x16xf32> to vector<16xf32>
          %swap3A_1345 = vector.shape_cast %mul3A_1340 : vector<16xf32> to vector<1x16xf32>
          tpu.vector_store %arg14[%swap3A_1341, %swap3A_1342], %swap3A_1345 {strides = array<i32>} : memref<80x128xf32, #tpu.memory_space<vmem>>, vector<1x16xf32>,
          %get3A_1346 = arith.index_cast %add3A_1285 : i32 to index
          %get3A_1347 = arith.constant 96 : index
          %get3A_1348 = tpu.vector_load %arg14[%get3A_1346, %get3A_1347] {strides = array<i32>} : memref<80x128xf32, #tpu.memory_space<vmem>>, vector<1x16xf32>,
          %get3A_1349 = vector.shape_cast %get3A_1348 : vector<1x16xf32> to vector<16xf32>
          %mul3A_1350 = arith.mulf %get3A_1349, %broadcast_in_dim3A_1281 : vector<16xf32>
          %swap3A_1351 = arith.index_cast %add3A_1285 : i32 to index
          %swap3A_1352 = arith.constant 96 : index
          %swap3A_1353 = tpu.vector_load %arg14[%swap3A_1351, %swap3A_1352] {strides = array<i32>} : memref<80x128xf32, #tpu.memory_space<vmem>>, vector<1x16xf32>,
          %swap3A_1354 = vector.shape_cast %swap3A_1353 : vector<1x16xf32> to vector<16xf32>
          %swap3A_1355 = vector.shape_cast %mul3A_1350 : vector<16xf32> to vector<1x16xf32>
          tpu.vector_store %arg14[%swap3A_1351, %swap3A_1352], %swap3A_1355 {strides = array<i32>} : memref<80x128xf32, #tpu.memory_space<vmem>>, vector<1x16xf32>,
          %get3A_1356 = arith.index_cast %add3A_1285 : i32 to index
          %get3A_1357 = arith.constant 112 : index
          %get3A_1358 = tpu.vector_load %arg14[%get3A_1356, %get3A_1357] {strides = array<i32>} : memref<80x128xf32, #tpu.memory_space<vmem>>, vector<1x16xf32>,
          %get3A_1359 = vector.shape_cast %get3A_1358 : vector<1x16xf32> to vector<16xf32>
          %mul3A_1360 = arith.mulf %get3A_1359, %broadcast_in_dim3A_1281 : vector<16xf32>
          %swap3A_1361 = arith.index_cast %add3A_1285 : i32 to index
          %swap3A_1362 = arith.constant 112 : index
          %swap3A_1363 = tpu.vector_load %arg14[%swap3A_1361, %swap3A_1362] {strides = array<i32>} : memref<80x128xf32, #tpu.memory_space<vmem>>, vector<1x16xf32>,
          %swap3A_1364 = vector.shape_cast %swap3A_1363 : vector<1x16xf32> to vector<16xf32>
          %swap3A_1365 = vector.shape_cast %mul3A_1360 : vector<16xf32> to vector<1x16xf32>
          tpu.vector_store %arg14[%swap3A_1361, %swap3A_1362], %swap3A_1365 {strides = array<i32>} : memref<80x128xf32, #tpu.memory_space<vmem>>, vector<1x16xf32>,
          %slice3A_1366 = vector.extract_strided_slice %get3A_323 {offsets = [12], sizes = [1], strides = [1]} : vector<16xf32> to vector<1xf32>
          %squeeze3A_1367 = vector.extract %slice3A_1366[0] : f32 from vector<1xf32>
          %broadcast_in_dim3A_1368 = vector.broadcast %squeeze3A_1367 : f32 to vector<16xf32>
          %mul3A_1369 = arith.constant 16 : i32
          %mul3A_1370 = arith.muli %add3A_318, %mul3A_1369 : i32
          %add3A_1371 = arith.constant 12 : i32
          %add3A_1372 = arith.addi %mul3A_1370, %add3A_1371 : i32
          %get3A_1373 = arith.index_cast %add3A_1372 : i32 to index
          %get3A_1374 = arith.constant 0 : index
          %get3A_1375 = tpu.vector_load %arg14[%get3A_1373, %get3A_1374] {strides = array<i32>} : memref<80x128xf32, #tpu.memory_space<vmem>>, vector<1x16xf32>,
          %get3A_1376 = vector.shape_cast %get3A_1375 : vector<1x16xf32> to vector<16xf32>
          %mul3A_1377 = arith.mulf %get3A_1376, %broadcast_in_dim3A_1368 : vector<16xf32>
          %swap3A_1378 = arith.index_cast %add3A_1372 : i32 to index
          %swap3A_1379 = arith.constant 0 : index
          %swap3A_1380 = tpu.vector_load %arg14[%swap3A_1378, %swap3A_1379] {strides = array<i32>} : memref<80x128xf32, #tpu.memory_space<vmem>>, vector<1x16xf32>,
          %swap3A_1381 = vector.shape_cast %swap3A_1380 : vector<1x16xf32> to vector<16xf32>
          %swap3A_1382 = vector.shape_cast %mul3A_1377 : vector<16xf32> to vector<1x16xf32>
          tpu.vector_store %arg14[%swap3A_1378, %swap3A_1379], %swap3A_1382 {strides = array<i32>} : memref<80x128xf32, #tpu.memory_space<vmem>>, vector<1x16xf32>,
          %get3A_1383 = arith.index_cast %add3A_1372 : i32 to index
          %get3A_1384 = arith.constant 16 : index
          %get3A_1385 = tpu.vector_load %arg14[%get3A_1383, %get3A_1384] {strides = array<i32>} : memref<80x128xf32, #tpu.memory_space<vmem>>, vector<1x16xf32>,
          %get3A_1386 = vector.shape_cast %get3A_1385 : vector<1x16xf32> to vector<16xf32>
          %mul3A_1387 = arith.mulf %get3A_1386, %broadcast_in_dim3A_1368 : vector<16xf32>
          %swap3A_1388 = arith.index_cast %add3A_1372 : i32 to index
          %swap3A_1389 = arith.constant 16 : index
          %swap3A_1390 = tpu.vector_load %arg14[%swap3A_1388, %swap3A_1389] {strides = array<i32>} : memref<80x128xf32, #tpu.memory_space<vmem>>, vector<1x16xf32>,
          %swap3A_1391 = vector.shape_cast %swap3A_1390 : vector<1x16xf32> to vector<16xf32>
          %swap3A_1392 = vector.shape_cast %mul3A_1387 : vector<16xf32> to vector<1x16xf32>
          tpu.vector_store %arg14[%swap3A_1388, %swap3A_1389], %swap3A_1392 {strides = array<i32>} : memref<80x128xf32, #tpu.memory_space<vmem>>, vector<1x16xf32>,
          %get3A_1393 = arith.index_cast %add3A_1372 : i32 to index
          %get3A_1394 = arith.constant 32 : index
          %get3A_1395 = tpu.vector_load %arg14[%get3A_1393, %get3A_1394] {strides = array<i32>} : memref<80x128xf32, #tpu.memory_space<vmem>>, vector<1x16xf32>,
          %get3A_1396 = vector.shape_cast %get3A_1395 : vector<1x16xf32> to vector<16xf32>
          %mul3A_1397 = arith.mulf %get3A_1396, %broadcast_in_dim3A_1368 : vector<16xf32>
          %swap3A_1398 = arith.index_cast %add3A_1372 : i32 to index
          %swap3A_1399 = arith.constant 32 : index
          %swap3A_1400 = tpu.vector_load %arg14[%swap3A_1398, %swap3A_1399] {strides = array<i32>} : memref<80x128xf32, #tpu.memory_space<vmem>>, vector<1x16xf32>,
          %swap3A_1401 = vector.shape_cast %swap3A_1400 : vector<1x16xf32> to vector<16xf32>
          %swap3A_1402 = vector.shape_cast %mul3A_1397 : vector<16xf32> to vector<1x16xf32>
          tpu.vector_store %arg14[%swap3A_1398, %swap3A_1399], %swap3A_1402 {strides = array<i32>} : memref<80x128xf32, #tpu.memory_space<vmem>>, vector<1x16xf32>,
          %get3A_1403 = arith.index_cast %add3A_1372 : i32 to index
          %get3A_1404 = arith.constant 48 : index
          %get3A_1405 = tpu.vector_load %arg14[%get3A_1403, %get3A_1404] {strides = array<i32>} : memref<80x128xf32, #tpu.memory_space<vmem>>, vector<1x16xf32>,
          %get3A_1406 = vector.shape_cast %get3A_1405 : vector<1x16xf32> to vector<16xf32>
          %mul3A_1407 = arith.mulf %get3A_1406, %broadcast_in_dim3A_1368 : vector<16xf32>
          %swap3A_1408 = arith.index_cast %add3A_1372 : i32 to index
          %swap3A_1409 = arith.constant 48 : index
          %swap3A_1410 = tpu.vector_load %arg14[%swap3A_1408, %swap3A_1409] {strides = array<i32>} : memref<80x128xf32, #tpu.memory_space<vmem>>, vector<1x16xf32>,
          %swap3A_1411 = vector.shape_cast %swap3A_1410 : vector<1x16xf32> to vector<16xf32>
          %swap3A_1412 = vector.shape_cast %mul3A_1407 : vector<16xf32> to vector<1x16xf32>
          tpu.vector_store %arg14[%swap3A_1408, %swap3A_1409], %swap3A_1412 {strides = array<i32>} : memref<80x128xf32, #tpu.memory_space<vmem>>, vector<1x16xf32>,
          %get3A_1413 = arith.index_cast %add3A_1372 : i32 to index
          %get3A_1414 = arith.constant 64 : index
          %get3A_1415 = tpu.vector_load %arg14[%get3A_1413, %get3A_1414] {strides = array<i32>} : memref<80x128xf32, #tpu.memory_space<vmem>>, vector<1x16xf32>,
          %get3A_1416 = vector.shape_cast %get3A_1415 : vector<1x16xf32> to vector<16xf32>
          %mul3A_1417 = arith.mulf %get3A_1416, %broadcast_in_dim3A_1368 : vector<16xf32>
          %swap3A_1418 = arith.index_cast %add3A_1372 : i32 to index
          %swap3A_1419 = arith.constant 64 : index
          %swap3A_1420 = tpu.vector_load %arg14[%swap3A_1418, %swap3A_1419] {strides = array<i32>} : memref<80x128xf32, #tpu.memory_space<vmem>>, vector<1x16xf32>,
          %swap3A_1421 = vector.shape_cast %swap3A_1420 : vector<1x16xf32> to vector<16xf32>
          %swap3A_1422 = vector.shape_cast %mul3A_1417 : vector<16xf32> to vector<1x16xf32>
          tpu.vector_store %arg14[%swap3A_1418, %swap3A_1419], %swap3A_1422 {strides = array<i32>} : memref<80x128xf32, #tpu.memory_space<vmem>>, vector<1x16xf32>,
          %get3A_1423 = arith.index_cast %add3A_1372 : i32 to index
          %get3A_1424 = arith.constant 80 : index
          %get3A_1425 = tpu.vector_load %arg14[%get3A_1423, %get3A_1424] {strides = array<i32>} : memref<80x128xf32, #tpu.memory_space<vmem>>, vector<1x16xf32>,
          %get3A_1426 = vector.shape_cast %get3A_1425 : vector<1x16xf32> to vector<16xf32>
          %mul3A_1427 = arith.mulf %get3A_1426, %broadcast_in_dim3A_1368 : vector<16xf32>
          %swap3A_1428 = arith.index_cast %add3A_1372 : i32 to index
          %swap3A_1429 = arith.constant 80 : index
          %swap3A_1430 = tpu.vector_load %arg14[%swap3A_1428, %swap3A_1429] {strides = array<i32>} : memref<80x128xf32, #tpu.memory_space<vmem>>, vector<1x16xf32>,
          %swap3A_1431 = vector.shape_cast %swap3A_1430 : vector<1x16xf32> to vector<16xf32>
          %swap3A_1432 = vector.shape_cast %mul3A_1427 : vector<16xf32> to vector<1x16xf32>
          tpu.vector_store %arg14[%swap3A_1428, %swap3A_1429], %swap3A_1432 {strides = array<i32>} : memref<80x128xf32, #tpu.memory_space<vmem>>, vector<1x16xf32>,
          %get3A_1433 = arith.index_cast %add3A_1372 : i32 to index
          %get3A_1434 = arith.constant 96 : index
          %get3A_1435 = tpu.vector_load %arg14[%get3A_1433, %get3A_1434] {strides = array<i32>} : memref<80x128xf32, #tpu.memory_space<vmem>>, vector<1x16xf32>,
          %get3A_1436 = vector.shape_cast %get3A_1435 : vector<1x16xf32> to vector<16xf32>
          %mul3A_1437 = arith.mulf %get3A_1436, %broadcast_in_dim3A_1368 : vector<16xf32>
          %swap3A_1438 = arith.index_cast %add3A_1372 : i32 to index
          %swap3A_1439 = arith.constant 96 : index
          %swap3A_1440 = tpu.vector_load %arg14[%swap3A_1438, %swap3A_1439] {strides = array<i32>} : memref<80x128xf32, #tpu.memory_space<vmem>>, vector<1x16xf32>,
          %swap3A_1441 = vector.shape_cast %swap3A_1440 : vector<1x16xf32> to vector<16xf32>
          %swap3A_1442 = vector.shape_cast %mul3A_1437 : vector<16xf32> to vector<1x16xf32>
          tpu.vector_store %arg14[%swap3A_1438, %swap3A_1439], %swap3A_1442 {strides = array<i32>} : memref<80x128xf32, #tpu.memory_space<vmem>>, vector<1x16xf32>,
          %get3A_1443 = arith.index_cast %add3A_1372 : i32 to index
          %get3A_1444 = arith.constant 112 : index
          %get3A_1445 = tpu.vector_load %arg14[%get3A_1443, %get3A_1444] {strides = array<i32>} : memref<80x128xf32, #tpu.memory_space<vmem>>, vector<1x16xf32>,
          %get3A_1446 = vector.shape_cast %get3A_1445 : vector<1x16xf32> to vector<16xf32>
          %mul3A_1447 = arith.mulf %get3A_1446, %broadcast_in_dim3A_1368 : vector<16xf32>
          %swap3A_1448 = arith.index_cast %add3A_1372 : i32 to index
          %swap3A_1449 = arith.constant 112 : index
          %swap3A_1450 = tpu.vector_load %arg14[%swap3A_1448, %swap3A_1449] {strides = array<i32>} : memref<80x128xf32, #tpu.memory_space<vmem>>, vector<1x16xf32>,
          %swap3A_1451 = vector.shape_cast %swap3A_1450 : vector<1x16xf32> to vector<16xf32>
          %swap3A_1452 = vector.shape_cast %mul3A_1447 : vector<16xf32> to vector<1x16xf32>
          tpu.vector_store %arg14[%swap3A_1448, %swap3A_1449], %swap3A_1452 {strides = array<i32>} : memref<80x128xf32, #tpu.memory_space<vmem>>, vector<1x16xf32>,
          %slice3A_1453 = vector.extract_strided_slice %get3A_323 {offsets = [13], sizes = [1], strides = [1]} : vector<16xf32> to vector<1xf32>
          %squeeze3A_1454 = vector.extract %slice3A_1453[0] : f32 from vector<1xf32>
          %broadcast_in_dim3A_1455 = vector.broadcast %squeeze3A_1454 : f32 to vector<16xf32>
          %mul3A_1456 = arith.constant 16 : i32
          %mul3A_1457 = arith.muli %add3A_318, %mul3A_1456 : i32
          %add3A_1458 = arith.constant 13 : i32
          %add3A_1459 = arith.addi %mul3A_1457, %add3A_1458 : i32
          %get3A_1460 = arith.index_cast %add3A_1459 : i32 to index
          %get3A_1461 = arith.constant 0 : index
          %get3A_1462 = tpu.vector_load %arg14[%get3A_1460, %get3A_1461] {strides = array<i32>} : memref<80x128xf32, #tpu.memory_space<vmem>>, vector<1x16xf32>,
          %get3A_1463 = vector.shape_cast %get3A_1462 : vector<1x16xf32> to vector<16xf32>
          %mul3A_1464 = arith.mulf %get3A_1463, %broadcast_in_dim3A_1455 : vector<16xf32>
          %swap3A_1465 = arith.index_cast %add3A_1459 : i32 to index
          %swap3A_1466 = arith.constant 0 : index
          %swap3A_1467 = tpu.vector_load %arg14[%swap3A_1465, %swap3A_1466] {strides = array<i32>} : memref<80x128xf32, #tpu.memory_space<vmem>>, vector<1x16xf32>,
          %swap3A_1468 = vector.shape_cast %swap3A_1467 : vector<1x16xf32> to vector<16xf32>
          %swap3A_1469 = vector.shape_cast %mul3A_1464 : vector<16xf32> to vector<1x16xf32>
          tpu.vector_store %arg14[%swap3A_1465, %swap3A_1466], %swap3A_1469 {strides = array<i32>} : memref<80x128xf32, #tpu.memory_space<vmem>>, vector<1x16xf32>,
          %get3A_1470 = arith.index_cast %add3A_1459 : i32 to index
          %get3A_1471 = arith.constant 16 : index
          %get3A_1472 = tpu.vector_load %arg14[%get3A_1470, %get3A_1471] {strides = array<i32>} : memref<80x128xf32, #tpu.memory_space<vmem>>, vector<1x16xf32>,
          %get3A_1473 = vector.shape_cast %get3A_1472 : vector<1x16xf32> to vector<16xf32>
          %mul3A_1474 = arith.mulf %get3A_1473, %broadcast_in_dim3A_1455 : vector<16xf32>
          %swap3A_1475 = arith.index_cast %add3A_1459 : i32 to index
          %swap3A_1476 = arith.constant 16 : index
          %swap3A_1477 = tpu.vector_load %arg14[%swap3A_1475, %swap3A_1476] {strides = array<i32>} : memref<80x128xf32, #tpu.memory_space<vmem>>, vector<1x16xf32>,
          %swap3A_1478 = vector.shape_cast %swap3A_1477 : vector<1x16xf32> to vector<16xf32>
          %swap3A_1479 = vector.shape_cast %mul3A_1474 : vector<16xf32> to vector<1x16xf32>
          tpu.vector_store %arg14[%swap3A_1475, %swap3A_1476], %swap3A_1479 {strides = array<i32>} : memref<80x128xf32, #tpu.memory_space<vmem>>, vector<1x16xf32>,
          %get3A_1480 = arith.index_cast %add3A_1459 : i32 to index
          %get3A_1481 = arith.constant 32 : index
          %get3A_1482 = tpu.vector_load %arg14[%get3A_1480, %get3A_1481] {strides = array<i32>} : memref<80x128xf32, #tpu.memory_space<vmem>>, vector<1x16xf32>,
          %get3A_1483 = vector.shape_cast %get3A_1482 : vector<1x16xf32> to vector<16xf32>
          %mul3A_1484 = arith.mulf %get3A_1483, %broadcast_in_dim3A_1455 : vector<16xf32>
          %swap3A_1485 = arith.index_cast %add3A_1459 : i32 to index
          %swap3A_1486 = arith.constant 32 : index
          %swap3A_1487 = tpu.vector_load %arg14[%swap3A_1485, %swap3A_1486] {strides = array<i32>} : memref<80x128xf32, #tpu.memory_space<vmem>>, vector<1x16xf32>,
          %swap3A_1488 = vector.shape_cast %swap3A_1487 : vector<1x16xf32> to vector<16xf32>
          %swap3A_1489 = vector.shape_cast %mul3A_1484 : vector<16xf32> to vector<1x16xf32>
          tpu.vector_store %arg14[%swap3A_1485, %swap3A_1486], %swap3A_1489 {strides = array<i32>} : memref<80x128xf32, #tpu.memory_space<vmem>>, vector<1x16xf32>,
          %get3A_1490 = arith.index_cast %add3A_1459 : i32 to index
          %get3A_1491 = arith.constant 48 : index
          %get3A_1492 = tpu.vector_load %arg14[%get3A_1490, %get3A_1491] {strides = array<i32>} : memref<80x128xf32, #tpu.memory_space<vmem>>, vector<1x16xf32>,
          %get3A_1493 = vector.shape_cast %get3A_1492 : vector<1x16xf32> to vector<16xf32>
          %mul3A_1494 = arith.mulf %get3A_1493, %broadcast_in_dim3A_1455 : vector<16xf32>
          %swap3A_1495 = arith.index_cast %add3A_1459 : i32 to index
          %swap3A_1496 = arith.constant 48 : index
          %swap3A_1497 = tpu.vector_load %arg14[%swap3A_1495, %swap3A_1496] {strides = array<i32>} : memref<80x128xf32, #tpu.memory_space<vmem>>, vector<1x16xf32>,
          %swap3A_1498 = vector.shape_cast %swap3A_1497 : vector<1x16xf32> to vector<16xf32>
          %swap3A_1499 = vector.shape_cast %mul3A_1494 : vector<16xf32> to vector<1x16xf32>
          tpu.vector_store %arg14[%swap3A_1495, %swap3A_1496], %swap3A_1499 {strides = array<i32>} : memref<80x128xf32, #tpu.memory_space<vmem>>, vector<1x16xf32>,
          %get3A_1500 = arith.index_cast %add3A_1459 : i32 to index
          %get3A_1501 = arith.constant 64 : index
          %get3A_1502 = tpu.vector_load %arg14[%get3A_1500, %get3A_1501] {strides = array<i32>} : memref<80x128xf32, #tpu.memory_space<vmem>>, vector<1x16xf32>,
          %get3A_1503 = vector.shape_cast %get3A_1502 : vector<1x16xf32> to vector<16xf32>
          %mul3A_1504 = arith.mulf %get3A_1503, %broadcast_in_dim3A_1455 : vector<16xf32>
          %swap3A_1505 = arith.index_cast %add3A_1459 : i32 to index
          %swap3A_1506 = arith.constant 64 : index
          %swap3A_1507 = tpu.vector_load %arg14[%swap3A_1505, %swap3A_1506] {strides = array<i32>} : memref<80x128xf32, #tpu.memory_space<vmem>>, vector<1x16xf32>,
          %swap3A_1508 = vector.shape_cast %swap3A_1507 : vector<1x16xf32> to vector<16xf32>
          %swap3A_1509 = vector.shape_cast %mul3A_1504 : vector<16xf32> to vector<1x16xf32>
          tpu.vector_store %arg14[%swap3A_1505, %swap3A_1506], %swap3A_1509 {strides = array<i32>} : memref<80x128xf32, #tpu.memory_space<vmem>>, vector<1x16xf32>,
          %get3A_1510 = arith.index_cast %add3A_1459 : i32 to index
          %get3A_1511 = arith.constant 80 : index
          %get3A_1512 = tpu.vector_load %arg14[%get3A_1510, %get3A_1511] {strides = array<i32>} : memref<80x128xf32, #tpu.memory_space<vmem>>, vector<1x16xf32>,
          %get3A_1513 = vector.shape_cast %get3A_1512 : vector<1x16xf32> to vector<16xf32>
          %mul3A_1514 = arith.mulf %get3A_1513, %broadcast_in_dim3A_1455 : vector<16xf32>
          %swap3A_1515 = arith.index_cast %add3A_1459 : i32 to index
          %swap3A_1516 = arith.constant 80 : index
          %swap3A_1517 = tpu.vector_load %arg14[%swap3A_1515, %swap3A_1516] {strides = array<i32>} : memref<80x128xf32, #tpu.memory_space<vmem>>, vector<1x16xf32>,
          %swap3A_1518 = vector.shape_cast %swap3A_1517 : vector<1x16xf32> to vector<16xf32>
          %swap3A_1519 = vector.shape_cast %mul3A_1514 : vector<16xf32> to vector<1x16xf32>
          tpu.vector_store %arg14[%swap3A_1515, %swap3A_1516], %swap3A_1519 {strides = array<i32>} : memref<80x128xf32, #tpu.memory_space<vmem>>, vector<1x16xf32>,
          %get3A_1520 = arith.index_cast %add3A_1459 : i32 to index
          %get3A_1521 = arith.constant 96 : index
          %get3A_1522 = tpu.vector_load %arg14[%get3A_1520, %get3A_1521] {strides = array<i32>} : memref<80x128xf32, #tpu.memory_space<vmem>>, vector<1x16xf32>,
          %get3A_1523 = vector.shape_cast %get3A_1522 : vector<1x16xf32> to vector<16xf32>
          %mul3A_1524 = arith.mulf %get3A_1523, %broadcast_in_dim3A_1455 : vector<16xf32>
          %swap3A_1525 = arith.index_cast %add3A_1459 : i32 to index
          %swap3A_1526 = arith.constant 96 : index
          %swap3A_1527 = tpu.vector_load %arg14[%swap3A_1525, %swap3A_1526] {strides = array<i32>} : memref<80x128xf32, #tpu.memory_space<vmem>>, vector<1x16xf32>,
          %swap3A_1528 = vector.shape_cast %swap3A_1527 : vector<1x16xf32> to vector<16xf32>
          %swap3A_1529 = vector.shape_cast %mul3A_1524 : vector<16xf32> to vector<1x16xf32>
          tpu.vector_store %arg14[%swap3A_1525, %swap3A_1526], %swap3A_1529 {strides = array<i32>} : memref<80x128xf32, #tpu.memory_space<vmem>>, vector<1x16xf32>,
          %get3A_1530 = arith.index_cast %add3A_1459 : i32 to index
          %get3A_1531 = arith.constant 112 : index
          %get3A_1532 = tpu.vector_load %arg14[%get3A_1530, %get3A_1531] {strides = array<i32>} : memref<80x128xf32, #tpu.memory_space<vmem>>, vector<1x16xf32>,
          %get3A_1533 = vector.shape_cast %get3A_1532 : vector<1x16xf32> to vector<16xf32>
          %mul3A_1534 = arith.mulf %get3A_1533, %broadcast_in_dim3A_1455 : vector<16xf32>
          %swap3A_1535 = arith.index_cast %add3A_1459 : i32 to index
          %swap3A_1536 = arith.constant 112 : index
          %swap3A_1537 = tpu.vector_load %arg14[%swap3A_1535, %swap3A_1536] {strides = array<i32>} : memref<80x128xf32, #tpu.memory_space<vmem>>, vector<1x16xf32>,
          %swap3A_1538 = vector.shape_cast %swap3A_1537 : vector<1x16xf32> to vector<16xf32>
          %swap3A_1539 = vector.shape_cast %mul3A_1534 : vector<16xf32> to vector<1x16xf32>
          tpu.vector_store %arg14[%swap3A_1535, %swap3A_1536], %swap3A_1539 {strides = array<i32>} : memref<80x128xf32, #tpu.memory_space<vmem>>, vector<1x16xf32>,
          %slice3A_1540 = vector.extract_strided_slice %get3A_323 {offsets = [14], sizes = [1], strides = [1]} : vector<16xf32> to vector<1xf32>
          %squeeze3A_1541 = vector.extract %slice3A_1540[0] : f32 from vector<1xf32>
          %broadcast_in_dim3A_1542 = vector.broadcast %squeeze3A_1541 : f32 to vector<16xf32>
          %mul3A_1543 = arith.constant 16 : i32
          %mul3A_1544 = arith.muli %add3A_318, %mul3A_1543 : i32
          %add3A_1545 = arith.constant 14 : i32
          %add3A_1546 = arith.addi %mul3A_1544, %add3A_1545 : i32
          %get3A_1547 = arith.index_cast %add3A_1546 : i32 to index
          %get3A_1548 = arith.constant 0 : index
          %get3A_1549 = tpu.vector_load %arg14[%get3A_1547, %get3A_1548] {strides = array<i32>} : memref<80x128xf32, #tpu.memory_space<vmem>>, vector<1x16xf32>,
          %get3A_1550 = vector.shape_cast %get3A_1549 : vector<1x16xf32> to vector<16xf32>
          %mul3A_1551 = arith.mulf %get3A_1550, %broadcast_in_dim3A_1542 : vector<16xf32>
          %swap3A_1552 = arith.index_cast %add3A_1546 : i32 to index
          %swap3A_1553 = arith.constant 0 : index
          %swap3A_1554 = tpu.vector_load %arg14[%swap3A_1552, %swap3A_1553] {strides = array<i32>} : memref<80x128xf32, #tpu.memory_space<vmem>>, vector<1x16xf32>,
          %swap3A_1555 = vector.shape_cast %swap3A_1554 : vector<1x16xf32> to vector<16xf32>
          %swap3A_1556 = vector.shape_cast %mul3A_1551 : vector<16xf32> to vector<1x16xf32>
          tpu.vector_store %arg14[%swap3A_1552, %swap3A_1553], %swap3A_1556 {strides = array<i32>} : memref<80x128xf32, #tpu.memory_space<vmem>>, vector<1x16xf32>,
          %get3A_1557 = arith.index_cast %add3A_1546 : i32 to index
          %get3A_1558 = arith.constant 16 : index
          %get3A_1559 = tpu.vector_load %arg14[%get3A_1557, %get3A_1558] {strides = array<i32>} : memref<80x128xf32, #tpu.memory_space<vmem>>, vector<1x16xf32>,
          %get3A_1560 = vector.shape_cast %get3A_1559 : vector<1x16xf32> to vector<16xf32>
          %mul3A_1561 = arith.mulf %get3A_1560, %broadcast_in_dim3A_1542 : vector<16xf32>
          %swap3A_1562 = arith.index_cast %add3A_1546 : i32 to index
          %swap3A_1563 = arith.constant 16 : index
          %swap3A_1564 = tpu.vector_load %arg14[%swap3A_1562, %swap3A_1563] {strides = array<i32>} : memref<80x128xf32, #tpu.memory_space<vmem>>, vector<1x16xf32>,
          %swap3A_1565 = vector.shape_cast %swap3A_1564 : vector<1x16xf32> to vector<16xf32>
          %swap3A_1566 = vector.shape_cast %mul3A_1561 : vector<16xf32> to vector<1x16xf32>
          tpu.vector_store %arg14[%swap3A_1562, %swap3A_1563], %swap3A_1566 {strides = array<i32>} : memref<80x128xf32, #tpu.memory_space<vmem>>, vector<1x16xf32>,
          %get3A_1567 = arith.index_cast %add3A_1546 : i32 to index
          %get3A_1568 = arith.constant 32 : index
          %get3A_1569 = tpu.vector_load %arg14[%get3A_1567, %get3A_1568] {strides = array<i32>} : memref<80x128xf32, #tpu.memory_space<vmem>>, vector<1x16xf32>,
          %get3A_1570 = vector.shape_cast %get3A_1569 : vector<1x16xf32> to vector<16xf32>
          %mul3A_1571 = arith.mulf %get3A_1570, %broadcast_in_dim3A_1542 : vector<16xf32>
          %swap3A_1572 = arith.index_cast %add3A_1546 : i32 to index
          %swap3A_1573 = arith.constant 32 : index
          %swap3A_1574 = tpu.vector_load %arg14[%swap3A_1572, %swap3A_1573] {strides = array<i32>} : memref<80x128xf32, #tpu.memory_space<vmem>>, vector<1x16xf32>,
          %swap3A_1575 = vector.shape_cast %swap3A_1574 : vector<1x16xf32> to vector<16xf32>
          %swap3A_1576 = vector.shape_cast %mul3A_1571 : vector<16xf32> to vector<1x16xf32>
          tpu.vector_store %arg14[%swap3A_1572, %swap3A_1573], %swap3A_1576 {strides = array<i32>} : memref<80x128xf32, #tpu.memory_space<vmem>>, vector<1x16xf32>,
          %get3A_1577 = arith.index_cast %add3A_1546 : i32 to index
          %get3A_1578 = arith.constant 48 : index
          %get3A_1579 = tpu.vector_load %arg14[%get3A_1577, %get3A_1578] {strides = array<i32>} : memref<80x128xf32, #tpu.memory_space<vmem>>, vector<1x16xf32>,
          %get3A_1580 = vector.shape_cast %get3A_1579 : vector<1x16xf32> to vector<16xf32>
          %mul3A_1581 = arith.mulf %get3A_1580, %broadcast_in_dim3A_1542 : vector<16xf32>
          %swap3A_1582 = arith.index_cast %add3A_1546 : i32 to index
          %swap3A_1583 = arith.constant 48 : index
          %swap3A_1584 = tpu.vector_load %arg14[%swap3A_1582, %swap3A_1583] {strides = array<i32>} : memref<80x128xf32, #tpu.memory_space<vmem>>, vector<1x16xf32>,
          %swap3A_1585 = vector.shape_cast %swap3A_1584 : vector<1x16xf32> to vector<16xf32>
          %swap3A_1586 = vector.shape_cast %mul3A_1581 : vector<16xf32> to vector<1x16xf32>
          tpu.vector_store %arg14[%swap3A_1582, %swap3A_1583], %swap3A_1586 {strides = array<i32>} : memref<80x128xf32, #tpu.memory_space<vmem>>, vector<1x16xf32>,
          %get3A_1587 = arith.index_cast %add3A_1546 : i32 to index
          %get3A_1588 = arith.constant 64 : index
          %get3A_1589 = tpu.vector_load %arg14[%get3A_1587, %get3A_1588] {strides = array<i32>} : memref<80x128xf32, #tpu.memory_space<vmem>>, vector<1x16xf32>,
          %get3A_1590 = vector.shape_cast %get3A_1589 : vector<1x16xf32> to vector<16xf32>
          %mul3A_1591 = arith.mulf %get3A_1590, %broadcast_in_dim3A_1542 : vector<16xf32>
          %swap3A_1592 = arith.index_cast %add3A_1546 : i32 to index
          %swap3A_1593 = arith.constant 64 : index
          %swap3A_1594 = tpu.vector_load %arg14[%swap3A_1592, %swap3A_1593] {strides = array<i32>} : memref<80x128xf32, #tpu.memory_space<vmem>>, vector<1x16xf32>,
          %swap3A_1595 = vector.shape_cast %swap3A_1594 : vector<1x16xf32> to vector<16xf32>
          %swap3A_1596 = vector.shape_cast %mul3A_1591 : vector<16xf32> to vector<1x16xf32>
          tpu.vector_store %arg14[%swap3A_1592, %swap3A_1593], %swap3A_1596 {strides = array<i32>} : memref<80x128xf32, #tpu.memory_space<vmem>>, vector<1x16xf32>,
          %get3A_1597 = arith.index_cast %add3A_1546 : i32 to index
          %get3A_1598 = arith.constant 80 : index
          %get3A_1599 = tpu.vector_load %arg14[%get3A_1597, %get3A_1598] {strides = array<i32>} : memref<80x128xf32, #tpu.memory_space<vmem>>, vector<1x16xf32>,
          %get3A_1600 = vector.shape_cast %get3A_1599 : vector<1x16xf32> to vector<16xf32>
          %mul3A_1601 = arith.mulf %get3A_1600, %broadcast_in_dim3A_1542 : vector<16xf32>
          %swap3A_1602 = arith.index_cast %add3A_1546 : i32 to index
          %swap3A_1603 = arith.constant 80 : index
          %swap3A_1604 = tpu.vector_load %arg14[%swap3A_1602, %swap3A_1603] {strides = array<i32>} : memref<80x128xf32, #tpu.memory_space<vmem>>, vector<1x16xf32>,
          %swap3A_1605 = vector.shape_cast %swap3A_1604 : vector<1x16xf32> to vector<16xf32>
          %swap3A_1606 = vector.shape_cast %mul3A_1601 : vector<16xf32> to vector<1x16xf32>
          tpu.vector_store %arg14[%swap3A_1602, %swap3A_1603], %swap3A_1606 {strides = array<i32>} : memref<80x128xf32, #tpu.memory_space<vmem>>, vector<1x16xf32>,
          %get3A_1607 = arith.index_cast %add3A_1546 : i32 to index
          %get3A_1608 = arith.constant 96 : index
          %get3A_1609 = tpu.vector_load %arg14[%get3A_1607, %get3A_1608] {strides = array<i32>} : memref<80x128xf32, #tpu.memory_space<vmem>>, vector<1x16xf32>,
          %get3A_1610 = vector.shape_cast %get3A_1609 : vector<1x16xf32> to vector<16xf32>
          %mul3A_1611 = arith.mulf %get3A_1610, %broadcast_in_dim3A_1542 : vector<16xf32>
          %swap3A_1612 = arith.index_cast %add3A_1546 : i32 to index
          %swap3A_1613 = arith.constant 96 : index
          %swap3A_1614 = tpu.vector_load %arg14[%swap3A_1612, %swap3A_1613] {strides = array<i32>} : memref<80x128xf32, #tpu.memory_space<vmem>>, vector<1x16xf32>,
          %swap3A_1615 = vector.shape_cast %swap3A_1614 : vector<1x16xf32> to vector<16xf32>
          %swap3A_1616 = vector.shape_cast %mul3A_1611 : vector<16xf32> to vector<1x16xf32>
          tpu.vector_store %arg14[%swap3A_1612, %swap3A_1613], %swap3A_1616 {strides = array<i32>} : memref<80x128xf32, #tpu.memory_space<vmem>>, vector<1x16xf32>,
          %get3A_1617 = arith.index_cast %add3A_1546 : i32 to index
          %get3A_1618 = arith.constant 112 : index
          %get3A_1619 = tpu.vector_load %arg14[%get3A_1617, %get3A_1618] {strides = array<i32>} : memref<80x128xf32, #tpu.memory_space<vmem>>, vector<1x16xf32>,
          %get3A_1620 = vector.shape_cast %get3A_1619 : vector<1x16xf32> to vector<16xf32>
          %mul3A_1621 = arith.mulf %get3A_1620, %broadcast_in_dim3A_1542 : vector<16xf32>
          %swap3A_1622 = arith.index_cast %add3A_1546 : i32 to index
          %swap3A_1623 = arith.constant 112 : index
          %swap3A_1624 = tpu.vector_load %arg14[%swap3A_1622, %swap3A_1623] {strides = array<i32>} : memref<80x128xf32, #tpu.memory_space<vmem>>, vector<1x16xf32>,
          %swap3A_1625 = vector.shape_cast %swap3A_1624 : vector<1x16xf32> to vector<16xf32>
          %swap3A_1626 = vector.shape_cast %mul3A_1621 : vector<16xf32> to vector<1x16xf32>
          tpu.vector_store %arg14[%swap3A_1622, %swap3A_1623], %swap3A_1626 {strides = array<i32>} : memref<80x128xf32, #tpu.memory_space<vmem>>, vector<1x16xf32>,
          %slice3A_1627 = vector.extract_strided_slice %get3A_323 {offsets = [15], sizes = [1], strides = [1]} : vector<16xf32> to vector<1xf32>
          %squeeze3A_1628 = vector.extract %slice3A_1627[0] : f32 from vector<1xf32>
          %broadcast_in_dim3A_1629 = vector.broadcast %squeeze3A_1628 : f32 to vector<16xf32>
          %mul3A_1630 = arith.constant 16 : i32
          %mul3A_1631 = arith.muli %add3A_318, %mul3A_1630 : i32
          %add3A_1632 = arith.constant 15 : i32
          %add3A_1633 = arith.addi %mul3A_1631, %add3A_1632 : i32
          %get3A_1634 = arith.index_cast %add3A_1633 : i32 to index
          %get3A_1635 = arith.constant 0 : index
          %get3A_1636 = tpu.vector_load %arg14[%get3A_1634, %get3A_1635] {strides = array<i32>} : memref<80x128xf32, #tpu.memory_space<vmem>>, vector<1x16xf32>,
          %get3A_1637 = vector.shape_cast %get3A_1636 : vector<1x16xf32> to vector<16xf32>
          %mul3A_1638 = arith.mulf %get3A_1637, %broadcast_in_dim3A_1629 : vector<16xf32>
          %swap3A_1639 = arith.index_cast %add3A_1633 : i32 to index
          %swap3A_1640 = arith.constant 0 : index
          %swap3A_1641 = tpu.vector_load %arg14[%swap3A_1639, %swap3A_1640] {strides = array<i32>} : memref<80x128xf32, #tpu.memory_space<vmem>>, vector<1x16xf32>,
          %swap3A_1642 = vector.shape_cast %swap3A_1641 : vector<1x16xf32> to vector<16xf32>
          %swap3A_1643 = vector.shape_cast %mul3A_1638 : vector<16xf32> to vector<1x16xf32>
          tpu.vector_store %arg14[%swap3A_1639, %swap3A_1640], %swap3A_1643 {strides = array<i32>} : memref<80x128xf32, #tpu.memory_space<vmem>>, vector<1x16xf32>,
          %get3A_1644 = arith.index_cast %add3A_1633 : i32 to index
          %get3A_1645 = arith.constant 16 : index
          %get3A_1646 = tpu.vector_load %arg14[%get3A_1644, %get3A_1645] {strides = array<i32>} : memref<80x128xf32, #tpu.memory_space<vmem>>, vector<1x16xf32>,
          %get3A_1647 = vector.shape_cast %get3A_1646 : vector<1x16xf32> to vector<16xf32>
          %mul3A_1648 = arith.mulf %get3A_1647, %broadcast_in_dim3A_1629 : vector<16xf32>
          %swap3A_1649 = arith.index_cast %add3A_1633 : i32 to index
          %swap3A_1650 = arith.constant 16 : index
          %swap3A_1651 = tpu.vector_load %arg14[%swap3A_1649, %swap3A_1650] {strides = array<i32>} : memref<80x128xf32, #tpu.memory_space<vmem>>, vector<1x16xf32>,
          %swap3A_1652 = vector.shape_cast %swap3A_1651 : vector<1x16xf32> to vector<16xf32>
          %swap3A_1653 = vector.shape_cast %mul3A_1648 : vector<16xf32> to vector<1x16xf32>
          tpu.vector_store %arg14[%swap3A_1649, %swap3A_1650], %swap3A_1653 {strides = array<i32>} : memref<80x128xf32, #tpu.memory_space<vmem>>, vector<1x16xf32>,
          %get3A_1654 = arith.index_cast %add3A_1633 : i32 to index
          %get3A_1655 = arith.constant 32 : index
          %get3A_1656 = tpu.vector_load %arg14[%get3A_1654, %get3A_1655] {strides = array<i32>} : memref<80x128xf32, #tpu.memory_space<vmem>>, vector<1x16xf32>,
          %get3A_1657 = vector.shape_cast %get3A_1656 : vector<1x16xf32> to vector<16xf32>
          %mul3A_1658 = arith.mulf %get3A_1657, %broadcast_in_dim3A_1629 : vector<16xf32>
          %swap3A_1659 = arith.index_cast %add3A_1633 : i32 to index
          %swap3A_1660 = arith.constant 32 : index
          %swap3A_1661 = tpu.vector_load %arg14[%swap3A_1659, %swap3A_1660] {strides = array<i32>} : memref<80x128xf32, #tpu.memory_space<vmem>>, vector<1x16xf32>,
          %swap3A_1662 = vector.shape_cast %swap3A_1661 : vector<1x16xf32> to vector<16xf32>
          %swap3A_1663 = vector.shape_cast %mul3A_1658 : vector<16xf32> to vector<1x16xf32>
          tpu.vector_store %arg14[%swap3A_1659, %swap3A_1660], %swap3A_1663 {strides = array<i32>} : memref<80x128xf32, #tpu.memory_space<vmem>>, vector<1x16xf32>,
          %get3A_1664 = arith.index_cast %add3A_1633 : i32 to index
          %get3A_1665 = arith.constant 48 : index
          %get3A_1666 = tpu.vector_load %arg14[%get3A_1664, %get3A_1665] {strides = array<i32>} : memref<80x128xf32, #tpu.memory_space<vmem>>, vector<1x16xf32>,
          %get3A_1667 = vector.shape_cast %get3A_1666 : vector<1x16xf32> to vector<16xf32>
          %mul3A_1668 = arith.mulf %get3A_1667, %broadcast_in_dim3A_1629 : vector<16xf32>
          %swap3A_1669 = arith.index_cast %add3A_1633 : i32 to index
          %swap3A_1670 = arith.constant 48 : index
          %swap3A_1671 = tpu.vector_load %arg14[%swap3A_1669, %swap3A_1670] {strides = array<i32>} : memref<80x128xf32, #tpu.memory_space<vmem>>, vector<1x16xf32>,
          %swap3A_1672 = vector.shape_cast %swap3A_1671 : vector<1x16xf32> to vector<16xf32>
          %swap3A_1673 = vector.shape_cast %mul3A_1668 : vector<16xf32> to vector<1x16xf32>
          tpu.vector_store %arg14[%swap3A_1669, %swap3A_1670], %swap3A_1673 {strides = array<i32>} : memref<80x128xf32, #tpu.memory_space<vmem>>, vector<1x16xf32>,
          %get3A_1674 = arith.index_cast %add3A_1633 : i32 to index
          %get3A_1675 = arith.constant 64 : index
          %get3A_1676 = tpu.vector_load %arg14[%get3A_1674, %get3A_1675] {strides = array<i32>} : memref<80x128xf32, #tpu.memory_space<vmem>>, vector<1x16xf32>,
          %get3A_1677 = vector.shape_cast %get3A_1676 : vector<1x16xf32> to vector<16xf32>
          %mul3A_1678 = arith.mulf %get3A_1677, %broadcast_in_dim3A_1629 : vector<16xf32>
          %swap3A_1679 = arith.index_cast %add3A_1633 : i32 to index
          %swap3A_1680 = arith.constant 64 : index
          %swap3A_1681 = tpu.vector_load %arg14[%swap3A_1679, %swap3A_1680] {strides = array<i32>} : memref<80x128xf32, #tpu.memory_space<vmem>>, vector<1x16xf32>,
          %swap3A_1682 = vector.shape_cast %swap3A_1681 : vector<1x16xf32> to vector<16xf32>
          %swap3A_1683 = vector.shape_cast %mul3A_1678 : vector<16xf32> to vector<1x16xf32>
          tpu.vector_store %arg14[%swap3A_1679, %swap3A_1680], %swap3A_1683 {strides = array<i32>} : memref<80x128xf32, #tpu.memory_space<vmem>>, vector<1x16xf32>,
          %get3A_1684 = arith.index_cast %add3A_1633 : i32 to index
          %get3A_1685 = arith.constant 80 : index
          %get3A_1686 = tpu.vector_load %arg14[%get3A_1684, %get3A_1685] {strides = array<i32>} : memref<80x128xf32, #tpu.memory_space<vmem>>, vector<1x16xf32>,
          %get3A_1687 = vector.shape_cast %get3A_1686 : vector<1x16xf32> to vector<16xf32>
          %mul3A_1688 = arith.mulf %get3A_1687, %broadcast_in_dim3A_1629 : vector<16xf32>
          %swap3A_1689 = arith.index_cast %add3A_1633 : i32 to index
          %swap3A_1690 = arith.constant 80 : index
          %swap3A_1691 = tpu.vector_load %arg14[%swap3A_1689, %swap3A_1690] {strides = array<i32>} : memref<80x128xf32, #tpu.memory_space<vmem>>, vector<1x16xf32>,
          %swap3A_1692 = vector.shape_cast %swap3A_1691 : vector<1x16xf32> to vector<16xf32>
          %swap3A_1693 = vector.shape_cast %mul3A_1688 : vector<16xf32> to vector<1x16xf32>
          tpu.vector_store %arg14[%swap3A_1689, %swap3A_1690], %swap3A_1693 {strides = array<i32>} : memref<80x128xf32, #tpu.memory_space<vmem>>, vector<1x16xf32>,
          %get3A_1694 = arith.index_cast %add3A_1633 : i32 to index
          %get3A_1695 = arith.constant 96 : index
          %get3A_1696 = tpu.vector_load %arg14[%get3A_1694, %get3A_1695] {strides = array<i32>} : memref<80x128xf32, #tpu.memory_space<vmem>>, vector<1x16xf32>,
          %get3A_1697 = vector.shape_cast %get3A_1696 : vector<1x16xf32> to vector<16xf32>
          %mul3A_1698 = arith.mulf %get3A_1697, %broadcast_in_dim3A_1629 : vector<16xf32>
          %swap3A_1699 = arith.index_cast %add3A_1633 : i32 to index
          %swap3A_1700 = arith.constant 96 : index
          %swap3A_1701 = tpu.vector_load %arg14[%swap3A_1699, %swap3A_1700] {strides = array<i32>} : memref<80x128xf32, #tpu.memory_space<vmem>>, vector<1x16xf32>,
          %swap3A_1702 = vector.shape_cast %swap3A_1701 : vector<1x16xf32> to vector<16xf32>
          %swap3A_1703 = vector.shape_cast %mul3A_1698 : vector<16xf32> to vector<1x16xf32>
          tpu.vector_store %arg14[%swap3A_1699, %swap3A_1700], %swap3A_1703 {strides = array<i32>} : memref<80x128xf32, #tpu.memory_space<vmem>>, vector<1x16xf32>,
          %get3A_1704 = arith.index_cast %add3A_1633 : i32 to index
          %get3A_1705 = arith.constant 112 : index
          %get3A_1706 = tpu.vector_load %arg14[%get3A_1704, %get3A_1705] {strides = array<i32>} : memref<80x128xf32, #tpu.memory_space<vmem>>, vector<1x16xf32>,
          %get3A_1707 = vector.shape_cast %get3A_1706 : vector<1x16xf32> to vector<16xf32>
          %mul3A_1708 = arith.mulf %get3A_1707, %broadcast_in_dim3A_1629 : vector<16xf32>
          %swap3A_1709 = arith.index_cast %add3A_1633 : i32 to index
          %swap3A_1710 = arith.constant 112 : index
          %swap3A_1711 = tpu.vector_load %arg14[%swap3A_1709, %swap3A_1710] {strides = array<i32>} : memref<80x128xf32, #tpu.memory_space<vmem>>, vector<1x16xf32>,
          %swap3A_1712 = vector.shape_cast %swap3A_1711 : vector<1x16xf32> to vector<16xf32>
          %swap3A_1713 = vector.shape_cast %mul3A_1708 : vector<16xf32> to vector<1x16xf32>
          tpu.vector_store %arg14[%swap3A_1709, %swap3A_1710], %swap3A_1713 {strides = array<i32>} : memref<80x128xf32, #tpu.memory_space<vmem>>, vector<1x16xf32>,
        }
        %scan3A_248 = arith.constant 5 : i32
        %mul3A_249 = arith.constant 80 : i32
        %mul3A_250 = arith.muli %add3A_218, %mul3A_249 : i32
        %add3A_251 = arith.constant 0 : i32
        %add3A_252 = arith.addi %mul3A_250, %add3A_251 : i32
        %get3A_253 = arith.index_cast %add3A_252 : i32 to index
        %get3A_254 = tpu.vector_load %arg8[%get3A_253] {strides = array<i32>} : memref<10000xi32, #tpu.memory_space<vmem>>, vector<16xi32>,
        %get3A_255 = vector.shape_cast %get3A_254 : vector<16xi32> to vector<16xi32>
        %swap3A_256 = arith.constant 0 : index
        %swap3A_257 = tpu.vector_load %arg12[%swap3A_256] {strides = array<i32>} : memref<80xi32, #tpu.memory_space<vmem>>, vector<16xi32>,
        %swap3A_258 = vector.shape_cast %swap3A_257 : vector<16xi32> to vector<16xi32>
        %swap3A_259 = vector.shape_cast %get3A_255 : vector<16xi32> to vector<16xi32>
        tpu.vector_store %arg12[%swap3A_256], %swap3A_259 {strides = array<i32>} : memref<80xi32, #tpu.memory_space<vmem>>, vector<16xi32>,
        %mul3A_260 = arith.constant 80 : i32
        %mul3A_261 = arith.muli %add3A_218, %mul3A_260 : i32
        %add3A_262 = arith.constant 16 : i32
        %add3A_263 = arith.addi %mul3A_261, %add3A_262 : i32
        %get3A_264 = arith.index_cast %add3A_263 : i32 to index
        %get3A_265 = tpu.vector_load %arg8[%get3A_264] {strides = array<i32>} : memref<10000xi32, #tpu.memory_space<vmem>>, vector<16xi32>,
        %get3A_266 = vector.shape_cast %get3A_265 : vector<16xi32> to vector<16xi32>
        %swap3A_267 = arith.constant 16 : index
        %swap3A_268 = tpu.vector_load %arg12[%swap3A_267] {strides = array<i32>} : memref<80xi32, #tpu.memory_space<vmem>>, vector<16xi32>,
        %swap3A_269 = vector.shape_cast %swap3A_268 : vector<16xi32> to vector<16xi32>
        %swap3A_270 = vector.shape_cast %get3A_266 : vector<16xi32> to vector<16xi32>
        tpu.vector_store %arg12[%swap3A_267], %swap3A_270 {strides = array<i32>} : memref<80xi32, #tpu.memory_space<vmem>>, vector<16xi32>,
        %mul3A_271 = arith.constant 80 : i32
        %mul3A_272 = arith.muli %add3A_218, %mul3A_271 : i32
        %add3A_273 = arith.constant 32 : i32
        %add3A_274 = arith.addi %mul3A_272, %add3A_273 : i32
        %get3A_275 = arith.index_cast %add3A_274 : i32 to index
        %get3A_276 = tpu.vector_load %arg8[%get3A_275] {strides = array<i32>} : memref<10000xi32, #tpu.memory_space<vmem>>, vector<16xi32>,
        %get3A_277 = vector.shape_cast %get3A_276 : vector<16xi32> to vector<16xi32>
        %swap3A_278 = arith.constant 32 : index
        %swap3A_279 = tpu.vector_load %arg12[%swap3A_278] {strides = array<i32>} : memref<80xi32, #tpu.memory_space<vmem>>, vector<16xi32>,
        %swap3A_280 = vector.shape_cast %swap3A_279 : vector<16xi32> to vector<16xi32>
        %swap3A_281 = vector.shape_cast %get3A_277 : vector<16xi32> to vector<16xi32>
        tpu.vector_store %arg12[%swap3A_278], %swap3A_281 {strides = array<i32>} : memref<80xi32, #tpu.memory_space<vmem>>, vector<16xi32>,
        %mul3A_282 = arith.constant 80 : i32
        %mul3A_283 = arith.muli %add3A_218, %mul3A_282 : i32
        %add3A_284 = arith.constant 48 : i32
        %add3A_285 = arith.addi %mul3A_283, %add3A_284 : i32
        %get3A_286 = arith.index_cast %add3A_285 : i32 to index
        %get3A_287 = tpu.vector_load %arg8[%get3A_286] {strides = array<i32>} : memref<10000xi32, #tpu.memory_space<vmem>>, vector<16xi32>,
        %get3A_288 = vector.shape_cast %get3A_287 : vector<16xi32> to vector<16xi32>
        %swap3A_289 = arith.constant 48 : index
        %swap3A_290 = tpu.vector_load %arg12[%swap3A_289] {strides = array<i32>} : memref<80xi32, #tpu.memory_space<vmem>>, vector<16xi32>,
        %swap3A_291 = vector.shape_cast %swap3A_290 : vector<16xi32> to vector<16xi32>
        %swap3A_292 = vector.shape_cast %get3A_288 : vector<16xi32> to vector<16xi32>
        tpu.vector_store %arg12[%swap3A_289], %swap3A_292 {strides = array<i32>} : memref<80xi32, #tpu.memory_space<vmem>>, vector<16xi32>,
        %mul3A_293 = arith.constant 80 : i32
        %mul3A_294 = arith.muli %add3A_218, %mul3A_293 : i32
        %add3A_295 = arith.constant 64 : i32
        %add3A_296 = arith.addi %mul3A_294, %add3A_295 : i32
        %get3A_297 = arith.index_cast %add3A_296 : i32 to index
        %get3A_298 = tpu.vector_load %arg8[%get3A_297] {strides = array<i32>} : memref<10000xi32, #tpu.memory_space<vmem>>, vector<16xi32>,
        %get3A_299 = vector.shape_cast %get3A_298 : vector<16xi32> to vector<16xi32>
        %swap3A_300 = arith.constant 64 : index
        %swap3A_301 = tpu.vector_load %arg12[%swap3A_300] {strides = array<i32>} : memref<80xi32, #tpu.memory_space<vmem>>, vector<16xi32>,
        %swap3A_302 = vector.shape_cast %swap3A_301 : vector<16xi32> to vector<16xi32>
        %swap3A_303 = vector.shape_cast %get3A_299 : vector<16xi32> to vector<16xi32>
        tpu.vector_store %arg12[%swap3A_300], %swap3A_303 {strides = array<i32>} : memref<80xi32, #tpu.memory_space<vmem>>, vector<16xi32>,
        %add3A_304 = arith.constant 2 : i32
        %add3A_305 = arith.addi %add3A_218, %add3A_304 : i32
        %lt3A_306 = arith.constant 125 : i32
        %lt3A_307 = arith.cmpi slt, %add3A_305, %lt3A_306 : i32
        %convert_element_type3A_308 = arith.extui %lt3A_307 : i1 to i32
        %cond3A_309 = arith.constant 0 : i32
        %cond3A_310 = arith.cmpi ne, %convert_element_type3A_308, %cond3A_309 : i32
        scf.if %cond3A_310 {
          %add3A_314 = arith.constant 2 : i32
          %add3A_315 = arith.addi %add3A_218, %add3A_314 : i32
          %mul3A_316 = arith.constant 10000 : i32
          %mul3A_317 = arith.muli %add3A, %mul3A_316 : i32
          %mul3A_318 = arith.constant 80 : i32
          %mul3A_319 = arith.muli %add3A_315, %mul3A_318 : i32
          %add3A_320 = arith.addi %mul3A_317, %mul3A_319 : i32
          %dma_start3A_321 = tpu.memref_slice %arg5[%add3A_320] : memref<320000xf32, #tpu.memory_space<hbm>> -> memref<80xf32, #tpu.memory_space<hbm>>
          %dma_start3A_322 = tpu.memref_slice %arg5[%add3A_320] : memref<320000xf32, #tpu.memory_space<hbm>> -> memref<80xf32, #tpu.memory_space<hbm>>
          tpu.enqueue_dma source(%dma_start3A_322 : memref<80xf32, #tpu.memory_space<hbm>>) target(%arg10 : memref<80xf32, #tpu.memory_space<vmem>>) target_semaphore(%arg17 : memref<!tpu.dma_semaphore, #tpu.memory_space<semaphore_mem>>)
        } else {
        }
        %dma_start3A_311 = arith.constant 0 : i32
        %dma_start3A_312 = arith.constant 0 : i32
        %dma_start3A_313 = tpu.memref_slice %arg15[%dma_start3A_311, %dma_start3A_312] : memref<10000x128xf32, #tpu.memory_space<vmem_shared>> -> memref<10000x128xf32, #tpu.memory_space<vmem_shared>>
        tpu.enqueue_indirect_dma source(%arg14 : memref<80x128xf32, #tpu.memory_space<vmem>>) target(%dma_start3A_313 : memref<10000x128xf32, #tpu.memory_space<vmem_shared>>) offsets(%arg12 : memref<80xi32, #tpu.memory_space<vmem>>) semaphore(%arg19 : memref<!tpu.dma_semaphore, #tpu.memory_space<semaphore_mem>>) {add = true}
      } else {
      }
    }
    %scan3A_94 = arith.constant 63 : i32
    %dma_wait3A_95 = arith.constant 0 : i32
    %dma_wait3A_96 = arith.constant 0 : i32
    %dma_wait3A_97 = tpu.memref_slice %arg15[%dma_wait3A_95, %dma_wait3A_96] : memref<10000x128xf32, #tpu.memory_space<vmem_shared>> -> memref<10000x128xf32, #tpu.memory_space<vmem_shared>>
    tpu.wait_indirect_dma semaphore(%arg19 : memref<!tpu.dma_semaphore, #tpu.memory_space<semaphore_mem>>) src(%arg13 : memref<80x128xf32, #tpu.memory_space<vmem>>) dst(%dma_wait3A_97 : memref<10000x128xf32, #tpu.memory_space<vmem_shared>>)
    %barrier3A_98 = arith.constant 0 : index
    tpu.barrier barrier_id(%barrier3A_98)
    %add3A_99 = arith.constant 0 : i32
    %add3A_100 = arith.addi %arg1, %add3A_99 : i32
    %lt3A_101 = arith.constant 25 : i32
    %lt3A_102 = arith.cmpi slt, %add3A_100, %lt3A_101 : i32
    %convert_element_type3A_103 = arith.extui %lt3A_102 : i1 to i32
    %cond3A_104 = arith.constant 0 : i32
    %cond3A_105 = arith.cmpi ne, %convert_element_type3A_103, %cond3A_104 : i32
    scf.if %cond3A_105 {
      %mul3A_113 = arith.constant 400 : i32
      %mul3A_114 = arith.muli %add3A_100, %mul3A_113 : i32
      %mul3A_115 = arith.constant 400 : i32
      %mul3A_116 = arith.muli %add3A_100, %mul3A_115 : i32
      "tpu.region"() ({
        %run_scoped3A = tpu.sem_alloc : memref<!tpu.dma_semaphore, #tpu.memory_space<semaphore_mem>>
        %dma_start3A_117 = arith.constant 0 : i32
        %dma_start3A_118 = tpu.memref_slice %arg6[%arg0, %mul3A_116, %dma_start3A_117] : memref<2x10000x128xf32, #tpu.memory_space<hbm>> -> memref<1x400x128xf32, #tpu.memory_space<hbm>>
        %dma_start3A_119 = tpu.memref_squeeze %dma_start3A_118 : memref<1x400x128xf32, #tpu.memory_space<hbm>> -> memref<400x128xf32, #tpu.memory_space<hbm>>
        %dma_start3A_120 = arith.constant 0 : i32
        %dma_start3A_121 = tpu.memref_slice %arg15[%mul3A_114, %dma_start3A_120] : memref<10000x128xf32, #tpu.memory_space<vmem_shared>> -> memref<400x128xf32, #tpu.memory_space<vmem_shared>>
        tpu.enqueue_dma source(%dma_start3A_121 : memref<400x128xf32, #tpu.memory_space<vmem_shared>>) target(%dma_start3A_119 : memref<400x128xf32, #tpu.memory_space<hbm>>) target_semaphore(%run_scoped3A : memref<!tpu.dma_semaphore, #tpu.memory_space<semaphore_mem>>)
        %dma_wait3A_122 = arith.constant 0 : i32
        %dma_wait3A_123 = tpu.memref_slice %arg6[%arg0, %mul3A_116, %dma_wait3A_122] : memref<2x10000x128xf32, #tpu.memory_space<hbm>> -> memref<1x400x128xf32, #tpu.memory_space<hbm>>
        %dma_wait3A_124 = tpu.memref_squeeze %dma_wait3A_123 : memref<1x400x128xf32, #tpu.memory_space<hbm>> -> memref<400x128xf32, #tpu.memory_space<hbm>>
        %dma_wait3A_125 = arith.constant 0 : i32
        %dma_wait3A_126 = tpu.memref_slice %arg15[%mul3A_114, %dma_wait3A_125] : memref<10000x128xf32, #tpu.memory_space<vmem_shared>> -> memref<400x128xf32, #tpu.memory_space<vmem_shared>>
        tpu.wait_dma2 semaphore(%run_scoped3A : memref<!tpu.dma_semaphore, #tpu.memory_space<semaphore_mem>>) src(%dma_wait3A_126 : memref<400x128xf32, #tpu.memory_space<vmem_shared>>) dst(%dma_wait3A_124 : memref<400x128xf32, #tpu.memory_space<hbm>>)
        tpu.yield
      }) : () -> ()
    } else {
    }
    %add3A_106 = arith.constant 16 : i32
    %add3A_107 = arith.addi %arg1, %add3A_106 : i32
    %lt3A_108 = arith.constant 25 : i32
    %lt3A_109 = arith.cmpi slt, %add3A_107, %lt3A_108 : i32
    %convert_element_type3A_110 = arith.extui %lt3A_109 : i1 to i32
    %cond3A_111 = arith.constant 0 : i32
    %cond3A_112 = arith.cmpi ne, %convert_element_type3A_110, %cond3A_111 : i32
    scf.if %cond3A_112 {
      %mul3A_113 = arith.constant 400 : i32
      %mul3A_114 = arith.muli %add3A_107, %mul3A_113 : i32
      %mul3A_115 = arith.constant 400 : i32
      %mul3A_116 = arith.muli %add3A_107, %mul3A_115 : i32
      "tpu.region"() ({
        %run_scoped3A = tpu.sem_alloc : memref<!tpu.dma_semaphore, #tpu.memory_space<semaphore_mem>>
        %dma_start3A_117 = arith.constant 0 : i32
        %dma_start3A_118 = tpu.memref_slice %arg6[%arg0, %mul3A_116, %dma_start3A_117] : memref<2x10000x128xf32, #tpu.memory_space<hbm>> -> memref<1x400x128xf32, #tpu.memory_space<hbm>>
        %dma_start3A_119 = tpu.memref_squeeze %dma_start3A_118 : memref<1x400x128xf32, #tpu.memory_space<hbm>> -> memref<400x128xf32, #tpu.memory_space<hbm>>
        %dma_start3A_120 = arith.constant 0 : i32
        %dma_start3A_121 = tpu.memref_slice %arg15[%mul3A_114, %dma_start3A_120] : memref<10000x128xf32, #tpu.memory_space<vmem_shared>> -> memref<400x128xf32, #tpu.memory_space<vmem_shared>>
        tpu.enqueue_dma source(%dma_start3A_121 : memref<400x128xf32, #tpu.memory_space<vmem_shared>>) target(%dma_start3A_119 : memref<400x128xf32, #tpu.memory_space<hbm>>) target_semaphore(%run_scoped3A : memref<!tpu.dma_semaphore, #tpu.memory_space<semaphore_mem>>)
        %dma_wait3A_122 = arith.constant 0 : i32
        %dma_wait3A_123 = tpu.memref_slice %arg6[%arg0, %mul3A_116, %dma_wait3A_122] : memref<2x10000x128xf32, #tpu.memory_space<hbm>> -> memref<1x400x128xf32, #tpu.memory_space<hbm>>
        %dma_wait3A_124 = tpu.memref_squeeze %dma_wait3A_123 : memref<1x400x128xf32, #tpu.memory_space<hbm>> -> memref<400x128xf32, #tpu.memory_space<hbm>>
        %dma_wait3A_125 = arith.constant 0 : i32
        %dma_wait3A_126 = tpu.memref_slice %arg15[%mul3A_114, %dma_wait3A_125] : memref<10000x128xf32, #tpu.memory_space<vmem_shared>> -> memref<400x128xf32, #tpu.memory_space<vmem_shared>>
        tpu.wait_dma2 semaphore(%run_scoped3A : memref<!tpu.dma_semaphore, #tpu.memory_space<semaphore_mem>>) src(%dma_wait3A_126 : memref<400x128xf32, #tpu.memory_space<vmem_shared>>) dst(%dma_wait3A_124 : memref<400x128xf32, #tpu.memory_space<hbm>>)
        tpu.yield
      }) : () -> ()
    } else {
    }
    return
  }
}

module attributes {stable_mosaic.version = 14 : i64} {
  func.func @_mm_body(%arg0: memref<10000x128xf32, #tpu.memory_space<vmem>>, %arg1: memref<128x128xf32, #tpu.memory_space<vmem>>, %arg2: memref<10000x128xf32, #tpu.memory_space<vmem>>) attributes {dimension_semantics = [], scalar_prefetch = 0 : i64, scratch_operands = 0 : i64, tpu.core_type = #tpu.core_type<tc>} {
    %get3A = arith.constant 0 : index
    %get3A_0 = arith.constant 0 : index
    %get3A_1 = vector.load %arg0[%get3A, %get3A_0] : memref<10000x128xf32, #tpu.memory_space<vmem>>, vector<10000x128xf32>
    %get3A_2 = arith.constant 0 : index
    %get3A_3 = arith.constant 0 : index
    %get3A_4 = vector.load %arg1[%get3A_2, %get3A_3] : memref<128x128xf32, #tpu.memory_space<vmem>>, vector<128x128xf32>
    %dot_general3A = arith.constant dense<0.000000e+00> : vector<10000x128xf32>
    %dot_general3A_5 = tpu.matmul %get3A_1, %get3A_4, %dot_general3A {dimension_numbers = #tpu.dot_dimension_numbers<[1], [0], [0], [1], [0, 0, 1, 1], [], []>, transpose_lhs_hint = false} : vector<10000x128xf32>, vector<128x128xf32>, vector<10000x128xf32> -> vector<10000x128xf32>
    %swap3A = arith.constant 0 : index
    %swap3A_6 = arith.constant 0 : index
    %swap3A_7 = vector.load %arg2[%swap3A, %swap3A_6] : memref<10000x128xf32, #tpu.memory_space<vmem>>, vector<10000x128xf32>
    tpu.vector_store %arg2[%swap3A, %swap3A_6], %dot_general3A_5 {strides = array<i32>} : memref<10000x128xf32, #tpu.memory_space<vmem>>, vector<10000x128xf32>,
    return
  }
}

module attributes {stable_mosaic.version = 14 : i64} {
  func.func @_combine_body(%arg0: memref<2x10000x128xf32, #tpu.memory_space<vmem>>, %arg1: memref<1x128xf32, #tpu.memory_space<vmem>>, %arg2: memref<10000x128xf32, #tpu.memory_space<vmem>>) attributes {dimension_semantics = [], scalar_prefetch = 0 : i64, scratch_operands = 0 : i64, tpu.core_type = #tpu.core_type<tc>} {
    %get3A = arith.constant 0 : index
    %get3A_0 = arith.constant 0 : index
    %get3A_1 = arith.constant 0 : index
    %get3A_2 = vector.load %arg0[%get3A, %get3A_0, %get3A_1] : memref<2x10000x128xf32, #tpu.memory_space<vmem>>, vector<1x10000x128xf32>
    %get3A_3 = vector.shape_cast %get3A_2 : vector<1x10000x128xf32> to vector<10000x128xf32>
    %get3A_4 = arith.constant 1 : index
    %get3A_5 = arith.constant 0 : index
    %get3A_6 = arith.constant 0 : index
    %get3A_7 = vector.load %arg0[%get3A_4, %get3A_5, %get3A_6] : memref<2x10000x128xf32, #tpu.memory_space<vmem>>, vector<1x10000x128xf32>
    %get3A_8 = vector.shape_cast %get3A_7 : vector<1x10000x128xf32> to vector<10000x128xf32>
    %add3A = arith.addf %get3A_3, %get3A_8 : vector<10000x128xf32>
    %get3A_9 = arith.constant 0 : index
    %get3A_10 = arith.constant 0 : index
    %get3A_11 = vector.load %arg1[%get3A_9, %get3A_10] : memref<1x128xf32, #tpu.memory_space<vmem>>, vector<1x128xf32>
    %add3A_12 = vector.broadcast %get3A_11 : vector<1x128xf32> to vector<10000x128xf32>
    %add3A_13 = arith.addf %add3A, %add3A_12 : vector<10000x128xf32>
    %swap3A = arith.constant 0 : index
    %swap3A_14 = arith.constant 0 : index
    %swap3A_15 = vector.load %arg2[%swap3A, %swap3A_14] : memref<10000x128xf32, #tpu.memory_space<vmem>>, vector<10000x128xf32>
    tpu.vector_store %arg2[%swap3A, %swap3A_14], %add3A_13 {strides = array<i32>} : memref<10000x128xf32, #tpu.memory_space<vmem>>, vector<10000x128xf32>,
    return
  }
}

</mosaic_0001>

<sc_bundles>
// kernel: kernel.5.cloned.1.call-start
scs
__scs_entry_jumppad:
0x0: {  	(pc) =	sbr.rel $0x88, $3  }
0x1: {  	(tag) =	ssettag $0x0;
	lr =	simm.s32 $0x1  }
0x2: {  	[smem:$0x3F9C] =	sst lr;
	_ =	strace $0xD0000000  }
0x3: {  	_ = 	snop  }
0x4: {  	_ = 	snop  }
0x5: {  	_ = 	snop  }
0x6: {  	_ = 	snop  }
0x7: {  	_ = 	snop  }
__scs_overlays_trampoline_lowered:
0x8: {  	[smem:$0x3FAB] =	sst s0  }
0x9: {  	[smem:$0x3FAC] =	sst s1  }
0xa: {  	[smem:$0x3FAD] =	sst s2  }
0xb: {  	[smem:$0x3FAE] =	sst s3  }
0xc: {  	[smem:$0x3FAF] =	sst s4  }
0xd: {  	[smem:$0x3FB0] =	sst s5  }
0xe: {  	[smem:$0x3FB1] =	sst s6  }
0xf: {  	[smem:$0x3FB2] =	sst s7  }
0x10: {  	[smem:$0x3FB3] =	sst s8  }
0x11: {  	[smem:$0x3FB4] =	sst s9;
	s0 =	simm.s32 @!p0 $0x0  }
0x12: {  	s1 =	sld [smem:$0x3F9A];
	s0 =	simm.s32 @p0 $0x1  }
0x13: {  	[smem:$0x3FB5] =	sst s0;
	s0 =	simm.s32 @!p1 $0x0  }
0x14: {  	s2 =	sld [smem:$0x3F99];
	s0 =	simm.s32 @p1 $0x1  }
0x15: {  	[smem:$0x3FB6] =	sst s0;
	s0 =	simm.s32 @!p2 $0x0  }
0x16: {  	s3 =	sld [smem:$0x3FDB];
	s0 =	simm.s32 @p2 $0x1  }
0x17: {  	s4 =	simm.s32 $0x1BF5;
	[smem:$0x3FB8] =	sst s0  }
0x18: {  	s0 =	sld [smem:$0x3F9B];
	_ =	swait.ge [sflag:s4], $0x0  }
0x19: {  	s7 =	sld [smem:$0x3F9C]  }
0x1a: {  	s8 =	sadd.s32 $0xFFFFE003, lr  }
0x1b: {  	s9 =	sadd.s32 $0xFFFFFEF7, lr;
	s5 =	simm.s32 $0xFFFFFFFF;
	p2 =	slt.u32 s8, $0xFFFFF086  }
0x1c: {  	p1 =	slt.u32 s9, $0xF7A;
	s5 =	simm.s32 @!p2 $0x0  }
0x1d: {  	s5 =	simm.s32 @p1 $0x1;
	p0 =	seq.s32 s7, s2  }
0x1e: {  	s7 =	smul.u32 @!p0 $0xF7A, s2;
	p2 =	seq.s32 @!p0 s5, $0x0  }
0x1f: {  	s9 =	smul.u32 $0xF7A, s1;
	s8 =	simm.s32 @!p0 $0x1BF5;
	p2 =	por !p2, p0  }
0x20: {  	[sflag:s8] =	ssyncset.s32 @!p0 $0xFFFFF086;
	s6 =	sadd.s32 @!p0 s3, s7;
	s7 =	simm.s32 @!p0 $0x108  }
0x21: {  	s3 =	sadd.s32 s3, s9;
	s6 =	sadd.s32 @!p0 $0x88, s6;
	s7 =	simm.s32 @p2 $0x1082  }
0x22: {  	[simem:s7], [sflag:s8] =	dma.local @!p0 [hbm:s6], $0xF7A  }
0x23: {  	s9 =	sor.u32 $0xD0000000, s2;
	s6 =	simm.s32 $0x108;
	_ =	swait.ge @!p0 [sflag:s8], $0x0  }
0x24: {  	s3 =	sadd.s32 $0x88, s3;
	s6 =	simm.s32 @!p1 $0x1082;
	[sflag:s4] =	ssyncset.s32 $0xFFFFF086  }
0x25: {  	[simem:s6], [sflag:s4] =	dma.local [hbm:s3], $0xF7A  }
0x26: {  	[smem:$0x3F9C] =	sst s1;
	(tag) =	ssettag s2;
	_ =	strace s9  }
0x27: {  	s1 =	sld [smem:$0x3FAC]  }
0x28: {  	s2 =	sld [smem:$0x3FAD]  }
0x29: {  	s4 =	sld [smem:$0x3FAF]  }
0x2a: {  	p0 =	seq.s32 s5, $0x0;
	s5 =	sld [smem:$0x3FB0]  }
0x2b: {  	s6 =	sld [smem:$0x3FB1]  }
0x2c: {  	s7 =	sld [smem:$0x3FB2]  }
0x2d: {  	s3 =	simm.s32 $0x108;
	s8 =	sld [smem:$0x3FB3]  }
0x2e: {  	s3 =	simm.s32 @!p0 $0x1082;
	s9 =	sld [smem:$0x3FB4]  }
0x2f: {  	lr =	sadd.s32 s0, s3;
	s0 =	sld [smem:$0x3FAB]  }
0x30: {  	s3 =	sld [smem:$0x3FAE]  }
0x31: {  	[smem:$0x3FB7] =	sst s10  }
0x32: {  	s10 =	sld [smem:$0x3FB5];
	_ =	sdelay $0x3  }
0x33: {  	p0 =	seq.s32 s10, $0x1;
	s10 =	sld [smem:$0x3FB7];
	_ =	sdelay $0x3  }
0x34: {  	[smem:$0x3FB7] =	sst s10  }
0x35: {  	s10 =	sld [smem:$0x3FB6];
	_ =	sdelay $0x3  }
0x36: {  	p1 =	seq.s32 s10, $0x1;
	s10 =	sld [smem:$0x3FB7];
	_ =	sdelay $0x3  }
0x37: {  	[smem:$0x3FB7] =	sst s10  }
0x38: {  	s10 =	sld [smem:$0x3FB8]  }
0x39: {  	_ = 	snop;
	(pc) =	sbr.ind lr, $3  }
0x3a: {  	_ = 	snop  }
0x3b: {  	_ = 	snop  }
0x3c: {  	p2 =	seq.s32 s10, $0x1;
	s10 =	sld [smem:$0x3FB7]  }
0x3d: {  	_ =	shalt  }
0x3e: {  	_ =	shalt  }
0x3f: {  	_ =	shalt  }
0x40: {  	_ =	shalt  }
0x41: {  	_ =	shalt  }
0x42: {  	_ =	shalt  }
0x43: {  	_ =	shalt  }
0x44: {  	_ =	shalt  }
0x45: {  	_ =	shalt  }
0x46: {  	_ =	shalt  }
0x47: {  	_ =	shalt  }
0x48: {  	_ =	shalt  }
0x49: {  	_ =	shalt  }
0x4a: {  	_ =	shalt  }
0x4b: {  	_ =	shalt  }
0x4c: {  	_ =	shalt  }
0x4d: {  	_ =	shalt  }
0x4e: {  	_ =	shalt  }
0x4f: {  	_ =	shalt  }
0x50: {  	_ =	shalt  }
0x51: {  	_ =	shalt  }
0x52: {  	_ =	shalt  }
0x53: {  	_ =	shalt  }
0x54: {  	_ =	shalt  }
0x55: {  	_ =	shalt  }
0x56: {  	_ =	shalt  }
0x57: {  	_ =	shalt  }
0x58: {  	_ =	shalt  }
0x59: {  	_ =	shalt  }
0x5a: {  	_ =	shalt  }
0x5b: {  	_ =	shalt  }
0x5c: {  	_ =	shalt  }
0x5d: {  	_ =	shalt  }
0x5e: {  	_ =	shalt  }
0x5f: {  	_ =	shalt  }
0x60: {  	_ =	shalt  }
0x61: {  	_ =	shalt  }
0x62: {  	_ =	shalt  }
0x63: {  	_ =	shalt  }
0x64: {  	_ =	shalt  }
0x65: {  	_ =	shalt  }
0x66: {  	_ =	shalt  }
0x67: {  	_ =	shalt  }
0x68: {  	_ =	shalt  }
0x69: {  	_ =	shalt  }
0x6a: {  	_ =	shalt  }
0x6b: {  	_ =	shalt  }
0x6c: {  	_ =	shalt  }
0x6d: {  	_ =	shalt  }
0x6e: {  	_ =	shalt  }
0x6f: {  	_ =	shalt  }
0x70: {  	_ =	shalt  }
0x71: {  	_ =	shalt  }
0x72: {  	_ =	shalt  }
0x73: {  	_ =	shalt  }
0x74: {  	_ =	shalt  }
0x75: {  	_ =	shalt  }
0x76: {  	_ =	shalt  }
0x77: {  	_ =	shalt  }
0x78: {  	_ =	shalt  }
0x79: {  	_ =	shalt  }
0x7a: {  	_ =	shalt  }
0x7b: {  	_ =	shalt  }
0x7c: {  	_ =	shalt  }
0x7d: {  	_ =	shalt  }
0x7e: {  	_ =	shalt  }
0x7f: {  	_ =	shalt  }
0x80: {  	_ =	shalt  }
0x81: {  	_ =	shalt  }
0x82: {  	_ =	shalt  }
0x83: {  	_ =	shalt  }
0x84: {  	_ =	shalt  }
0x85: {  	_ =	shalt  }
0x86: {  	_ =	shalt  }
0x87: {  	_ =	shalt  }
.Lfunc_end0:
.L_simem_size_0:
called_computation_lowered:
.L_overlay_start_0:
0x88: {  	s2 =	sld [smem:$0x3FD9]  }
0x89: {  	s3 =	sld [smem:$0x3FFE];
	_ =	sdelay $0x1  }
0x8a: {  	s1 =	srdreg.scid  }
0x8b: {  	s0 =	sand.u32 $0x1, s1  }
0x8c: {  	s17 =	sshll.u32 s0, $0xA;
	s2 =	sadd.s32 s3, s2  }
0x8d: {  	s2 =	sadd.s32 s2, s17  }
0x8e: {  	[smem:$0x3FC3] =	sst s2  }
0x8f: {  	_ = 	snop  }
0x90: {  	s2 =	sld [smem:$0x3FC7]  }
0x91: {  	s18 =	sld [smem:$0x3FD0];
	(tm) =	ssettm $0x1  }
0x92: {  	s4 =	sld [smem:$0x3FFB];
	_ =	sdelay $0x3  }
0x93: {  	_ =	strace s4  }
0x94: {  	s4 =	sld [smem:$0x3FFC];
	_ =	sdelay $0x3  }
0x95: {  	_ =	strace s4  }
0x96: {  	s4 =	sld [smem:$0x3FFD];
	_ =	sdelay $0x3  }
0x97: {  	_ =	strace s4  }
0x98: {  	_ =	strace $0x8FFFFFFF  }
0x99: {  	s19 =	sld [smem:$0x3FDB];
	_ =	sdelay $0x1  }
0x9a: {  	s5 =	simm.s32 $_scs_section_size  }
0x9b: {  	s6 =	simm.s32 $_size__tile_overlayer_lowered;
	s7 =	simm.s32 $_tile_overlayer_lowered  }
0x9c: {  	s22 =	simm.s32 $0x1BFF;
	s21 =	sshll.u32 s7, $0x1;
	s4 =	sadd.s32 s5, s19  }
0x9d: {  	s8 =	simm.s32 $0x0;
	s20 =	sshll.u32 s6, $0x1;
	s6 =	sadd.s32 s21, s4  }
0x9e: {  	[timem:s8], [sflag:s22] =	dma.local [hbm:s6], s20  }
0x9f: {  	_ =	swait.ge [sflag:s22], s20  }
0xa0: {  	s5 =	ssub.s32 $0x0, s20;
	[sflag:s22] =	ssyncset.done $0x0  }
0xa1: {  	[sflag:s22] =	ssyncadd.s32 s5;
	_ =	sdelay $0x1  }
0xa2: {  	s23 =	simm.s32 $0x1B8B  }
0xa3: {  	_ =	swait.ge [sflag:s23], $0x1  }
0xa4: {  	[sflag:s23] =	ssyncset.done $0x0  }
0xa5: {  	s25 =	simm.s32 $0x1B8E;
	s24 =	sld [smem:$0x3FFE];
	[sflag:s23] =	ssyncadd.s32 $0xFFFFFFFF  }
0xa6: {  	s26 =	simm.s32 $execute0_lowered;
	[smem:$0x3FD2] =	sst s25  }
0xa7: {  	s6 =	sshll.u32 s26, $0x1;
	_ =	strace $0x80000046;
	[dreg:$0x1] =	wrdreg $0xFFFFFFFF  }
0xa8: {  	s28 =	simm.s32 $_size_execute0_lowered;
	s4 =	sadd.s32 s4, s6;
	[dreg:$0x0] =	wrdreg $0x0  }
0xa9: {  	s6 =	sshll.u32 s28, $0x1;
	[dreg:$0x2] =	wrdreg s4  }
0xaa: {  	[dreg:$0x3] =	wrdreg s6  }
0xab: {  	[dreg:$0x4] =	wrdreg $0xC0  }
0xac: {  	_ =	task [dreg:s8], $0x5FFFF  }
0xad: {  	[dreg:$0x1] =	wrdreg $0xFFFFFFFF  }
0xae: {  	[dreg:$0x0] =	wrdreg $0x60  }
0xaf: {  	[dreg:$0x2] =	wrdreg s18  }
0xb0: {  	[dreg:$0x3] =	wrdreg s24  }
0xb1: {  	[dreg:$0x4] =	wrdreg s2  }
0xb2: {  	[dreg:$0x5] =	wrdreg $0xA1000  }
0xb3: {  	[dreg:$0x6] =	wrdreg $0x9  }
0xb4: {  	_ =	task.clear_ibuf [dreg:s8], $0x7FFFF;
	_ =	strace $0x90000046  }
0xb5: {  	s29 =	simm.s32 $0x9;
	_ =	strace $0x80000048  }
0xb6: {  	_ =	swait.ge [sflag:s29], $0x1  }
0xb7: {  	[sflag:s29] =	ssyncadd.s32 $0xFFFFFFFF  }
0xb8: {  	_ =	strace $0x90000048  }
0xb9: {  	_ =	sfence  }
0xba: {  	s30 =	sld [smem:$0x0];
	_ =	sdelay $0x2  }
0xbb: {  	s31 =	sshll.u32 s1, $0xD;
	s1 =	sshrl.u32 s1, $0x2  }
0xbc: {  	s3 =	sand.u32 $0x4000, s31;
	s1 =	sadd.s32 s1, s30  }
0xbd: {  	s0 =	sor.u32 s3, s0;
	s1 =	sshll.u32 s1, $0x11  }
0xbe: {  	s0 =	sor.u32 s1, s0  }
0xbf: {  	s0 =	sadd.s32 $0x8F2B, s0  }
0xc0: {  	[sflag:s0] =	ssyncadd.remote.s32 $0x1  }
0xc1: {  	_ =	sfence.sel $0xFFFF  }
0xc2: {  	[dreg:$0x0] =	wrdreg $0xFFFFFFFF;
	(pc) =	sbr.abs _section_cstart, $3  }
0xc3: {  	[dreg:$0x1] =	wrdreg $0xFFFFFFFF  }
0xc4: {  	_ =	task.clear_ibuf [dreg:s8], $0x2FFFF;
	_ =	strace $0x9FFFFFFF  }
0xc5: {  	(tm) =	ssettm $0x7FFFFFFF  }
tec
execute0_lowered:
.L_overlay_start_1:
0x0: {  	(tag) =	ssettag $0x1  }
0x1: {  	s1 =	rddreg [dreg:$0x0]  }
0x2: {  	s0 =	srdreg.scid;
	s2 =	rddreg [dreg:$0x1]  }
0x3: {  	s14 =	stileid.u32;
	s3 =	rddreg [dreg:$0x2]  }
0x4: {  	s6 =	simm.s32 $0x0;
	s29 =	simm.s32 $0x5100;
	s11 =	smul.u32 $0xA000, s14  }
0x5: {  	s30 =	simm.s32 $0x5;
	s31 =	simm.s32 $0x3;
	s19 =	smul.u32 $0xC800, s14  }
0x6: {  	s28 =	simm.s32 $0x4;
	s12 =	sor.u32 $0x10, s14;
	s22 =	smul.u32 $0x32000, s14  }
0x7: {  	s0 =	sand.u32 $0x1, s0;
	[smem:$0x7FF] =	sst s6;
	s13 =	smul.u32 $0xA000, s12  }
0x8: {  	s4 =	sshll.u32 s0, $0x4;
	s9 =	ssub.s32 $0x2, s0;
	s0 =	smul.u32 $0x138800, s0  }
0x9: {  	p0 =	sgt.u32 s14, $0x8;
	p1 =	sgt.u32 s14, $0xC;
	s24 =	smul.u32 $0xC800, s12  }
0xa: {  	s12 =	smul.u32 $0x32000, s12;
	s5 =	sor.u32 s14, s4;
	s4 =	rddreg [dreg:$0x3]  }
0xb: {  	_ =	strace $0x80000047;
	s11 =	sshrl.u32 s11, $0x2;
	s15 =	sshrl.u32 s13, $0x2  }
0xc: {  	s10 =	sshrl.u32 s9, $0x1;
	s11 =	sadd.s32 s11, s4;
	s16 =	sadd.s32 s15, s4  }
0xd: {  	s25 =	sshrl.u32 s22, $0x2;
	s17 =	sadd.s32 $0x50000, s11;
	[dreg:$0x8] =	wrdreg s16  }
0xe: {  	s5 =	smul.u32 $0x2710, s5;
	s18 =	sadd.s32 $0x78000, s11;
	[dreg:$0x9] =	wrdreg s17  }
0xf: {  	s10 =	ssub.s32 s9, s10;
	s20 =	sadd.s32 $0xA0000, s11;
	[dreg:$0xa] =	wrdreg s18  }
0x10: {  	s21 =	sadd.s32 $0xC8000, s11;
	s7 =	sshrl.u32 s5, $0x3;
	[dreg:$0xb] =	wrdreg s20  }
0x11: {  	s23 =	sadd.s32 $0xF0000, s11;
	[dreg:$0xc] =	wrdreg s21;
	s8 =	sadd.s32 s7, s2  }
0x12: {  	s22 =	smax.u32 s10, $0x1;
	[dreg:$0xd] =	wrdreg s23;
	s26 =	sadd.s32 $0x600, s8  }
0x13: {  	s9 =	sadd.s32 s3, s7;
	s8 =	sadd.s32 $0xA400, s8;
	[dreg:$0x5] =	wrdreg s26  }
0x14: {  	s18 =	sadd.s32 $0x118000, s11;
	s7 =	sadd.s32 $0xA, s9;
	[dreg:$0x6] =	wrdreg s8  }
0x15: {  	s23 =	simm.s32 $0x50;
	s2 =	sadd.s32 $0x14200, s2;
	[dreg:$0x7] =	wrdreg s7  }
0x16: {  	s7 =	sadd.s32 s19, s0;
	s0 =	sadd.s32 s0, s24;
	s19 =	sadd.s32 $0xF0, s5  }
.Ltmp0:
0x17: {  	s26 =	sshrl.u32 s12, $0x2;
	s7 =	sshrl.u32 s7, $0x3;
	(pc) =	sbr.rel .LBB2_1-.Ltmp0, $4  }
0x18: {  	s8 =	simm.s32 $0x0;
	s0 =	sshrl.u32 s0, $0x3;
	s20 =	sadd.s32 s2, s7  }
0x19: {  	s7 =	sadd.s32 s25, s4;
	s21 =	sadd.s32 s2, s0;
	s0 =	sadd.s32 s26, s4  }
0x1a: {  	s2 =	simm.s32 $0x1;
	s26 =	simm.s32 $0x5000;
	s24 =	sshrl.u32 s7, $0x3  }
0x1b: {  	v0 =	vimm.f32 $0.0e+00;
	s25 =	sshrl.u32 @!p0 s0, $0x3;
	s0 =	simm.s32 $0x5080;
	s7 =	simm.s32 $0x7900  }
.LBB2_11:
0x1c: {  	_ =	swait.ge [sflag:s28], $0x2800  }
0x1d: {  	s10 =	stileid.u32;
	[sflag:s28] =	ssyncset.done $0x0  }
0x1e: {  	s10 =	sshll.u32 s10, $0x6;
	[sflag:s28] =	ssyncadd.s32 $0xFFFFD800  }
0x1f: {  	s10 =	sor.u32 $0x1C05, s10;
	[bflag:$0x0] =	sbarrier.arrive $0xFFFF  }
0x20: {  	[hbm:s20], [sflag:s10] =	dma.local [spmem:s24], $0x1900  }
0x21: {  	_ =	swait.ge [sflag:s30], $0x1900  }
0x22: {  	s8 =	sadd.s32 $0x1, s8;
	[sflag:s30] =	ssyncset.done $0x0  }
0x23: {  	p2 =	sne.s32 s8, s22;
	[sflag:s30] =	ssyncadd.s32 $0xFFFFE700  }
0x24: {  	[hbm:s21], [sflag:s10] =	dma.local @!p0 [spmem:s25], $0x1900  }
.Ltmp1:
0x25: {  	_ = 	snop;
	(pc) =	sbr.rel @!p2 .LBB2_12-.Ltmp1, $4  }
0x26: {  	s10 =	simm.s32 @!p0 $0x5  }
0x27: {  	_ =	swait.ge @!p0 [sflag:s10], $0x1900  }
0x28: {  	[sflag:s10] =	ssyncset.done @!p0 $0x0  }
0x29: {  	[sflag:s10] =	ssyncadd.s32 @!p0 $0xFFFFE700  }
.LBB2_1:
0x2a: {  	s10 =	rddreg [dreg:$0x5]  }
0x2b: {  	[tilespmem:s6], [sflag:$0x3] =	stream.linear.gather [hbm4b:s10+s6], $0x2710, $0x38;
	[tilespmem:$0x1D980] =	vst v63  }
0x2c: {  	s14 =	rddreg [dreg:$0x6];
	s12 =	simm.s32 $0x2780  }
0x2d: {  	[tilespmem:s12], [sflag:$0x3] =	stream.linear.gather [hbm4b:s14+s6], $0x2710, $0x38;
	[tilespmem:$0x1D980] =	vst v63  }
0x2e: {  	s15 =	simm.s32 $0x4F00;
	s16 =	rddreg [dreg:$0x7]  }
0x2f: {  	[tilespmem:s15], [sflag:$0x1] =	stream.linear.gather [hbm4b:s9+s6], $0x50, $0x38;
	[tilespmem:$0x1D980] =	vst v63  }
0x30: {  	s17 =	simm.s32 $0x4F80;
	s10 =	simm.s32 $0x0;
	s12 =	simm.s32 $0x200  }
0x31: {  	[tilespmem:s17], [sflag:$0x2] =	stream.linear.gather [hbm4b:s16+s6], $0x50, $0x38;
	[tilespmem:$0x1D980] =	vst v63  }
.LBB2_2:
0x32: {  	p2 =	sne.s32 s12, $0x9E00;
	[tilespmem:s10+$0x5170] =	vst v0  }
0x33: {  	[tilespmem:s10+$0x5100] =	vst v0  }
0x34: {  	[tilespmem:s10+$0x5110] =	vst v0  }
.Ltmp2:
0x35: {  	[tilespmem:s10+$0x5120] =	vst v0;
	(pc) =	sbr.rel @p2 .LBB2_2-.Ltmp2, $4  }
0x36: {  	[tilespmem:s10+$0x5130] =	vst v0  }
0x37: {  	[tilespmem:s10+$0x5140] =	vst v0  }
0x38: {  	[tilespmem:s10+$0x5150] =	vst v0  }
0x39: {  	[tilespmem:s10+$0x5160] =	vst v0;
	s10 =	sshra.s32 s12, $0x2;
	s12 =	sadd.s32 $0x200, s12  }
0x3a: {  	[tilespmem:s10+$0x5170] =	vst v0  }
0x3b: {  	[tilespmem:s10+$0x5100] =	vst v0  }
0x3c: {  	[tilespmem:s10+$0x5110] =	vst v0  }
0x3d: {  	[tilespmem:s10+$0x5120] =	vst v0  }
0x3e: {  	[tilespmem:s10+$0x5130] =	vst v0  }
0x3f: {  	[tilespmem:s10+$0x5140] =	vst v0  }
0x40: {  	[tilespmem:s10+$0x5150] =	vst v0  }
0x41: {  	[tilespmem:s10+$0x5160] =	vst v0  }
0x42: {  	[spmem:s11] =	stream.linear.scatter [tilespmem:s29], [sflag:$0x5], $0x2800, $0x38;
	[tilespmem:$0x1D980] =	vst v63  }
0x43: {  	_ =	swait.ge [sflag:s30], $0x2800  }
0x44: {  	[sflag:s30] =	ssyncset.done $0x0  }
0x45: {  	s12 =	rddreg [dreg:$0x8];
	[sflag:s30] =	ssyncadd.s32 $0xFFFFD800  }
0x46: {  	[spmem:s12] =	stream.linear.scatter [tilespmem:s29], [sflag:$0x5], $0x2800, $0x38;
	[tilespmem:$0x1D980] =	vst v63  }
0x47: {  	_ =	swait.ge [sflag:s30], $0x2800  }
0x48: {  	[sflag:s30] =	ssyncset.done $0x0  }
0x49: {  	s13 =	rddreg [dreg:$0x9];
	[sflag:s30] =	ssyncadd.s32 $0xFFFFD800  }
0x4a: {  	[spmem:s13] =	stream.linear.scatter [tilespmem:s29], [sflag:$0x5], $0x2800, $0x38;
	[tilespmem:$0x1D980] =	vst v63  }
0x4b: {  	_ =	swait.ge [sflag:s30], $0x2800  }
0x4c: {  	[sflag:s30] =	ssyncset.done $0x0  }
0x4d: {  	s14 =	rddreg [dreg:$0xa];
	[sflag:s30] =	ssyncadd.s32 $0xFFFFD800  }
0x4e: {  	[spmem:s14] =	stream.linear.scatter [tilespmem:s29], [sflag:$0x5], $0x2800, $0x38;
	[tilespmem:$0x1D980] =	vst v63  }
0x4f: {  	_ =	swait.ge [sflag:s30], $0x2800  }
0x50: {  	[sflag:s30] =	ssyncset.done $0x0  }
0x51: {  	s15 =	rddreg [dreg:$0xb];
	[sflag:s30] =	ssyncadd.s32 $0xFFFFD800  }
0x52: {  	[spmem:s15] =	stream.linear.scatter [tilespmem:s29], [sflag:$0x5], $0x2800, $0x38;
	[tilespmem:$0x1D980] =	vst v63  }
0x53: {  	_ =	swait.ge [sflag:s30], $0x2800  }
0x54: {  	[sflag:s30] =	ssyncset.done $0x0  }
0x55: {  	s16 =	rddreg [dreg:$0xc];
	[sflag:s30] =	ssyncadd.s32 $0xFFFFD800  }
0x56: {  	[spmem:s16] =	stream.linear.scatter [tilespmem:s29], [sflag:$0x5], $0x2800, $0x38;
	[tilespmem:$0x1D980] =	vst v63  }
0x57: {  	_ =	swait.ge [sflag:s30], $0x2800  }
0x58: {  	[sflag:s30] =	ssyncset.done $0x0  }
0x59: {  	s17 =	rddreg [dreg:$0xd];
	[sflag:s30] =	ssyncadd.s32 $0xFFFFD800  }
0x5a: {  	[spmem:s17] =	stream.linear.scatter [tilespmem:s29], [sflag:$0x5], $0x2800, $0x38;
	[tilespmem:$0x1D980] =	vst v63  }
0x5b: {  	_ =	swait.ge [sflag:s30], $0x2800  }
0x5c: {  	[sflag:s30] =	ssyncset.done $0x0  }
0x5d: {  	s10 =	simm.s32 @!p1 $0x5100;
	[sflag:s30] =	ssyncadd.s32 $0xFFFFD800  }
0x5e: {  	[spmem:s18] =	stream.linear.scatter @!p1 [tilespmem:s10], [sflag:$0x5], $0x2800, $0x38;
	[tilespmem:$0x1D980] =	vst v63  }
0x5f: {  	s10 =	simm.s32 @!p1 $0x5  }
0x60: {  	_ =	swait.ge @!p1 [sflag:s10], $0x2800  }
0x61: {  	[sflag:s10] =	ssyncset.done @!p1 $0x0  }
0x62: {  	[sflag:s10] =	ssyncadd.s32 @!p1 $0xFFFFD800  }
0x63: {  	[bflag:$0x0] =	sbarrier.arrive $0xFFFF  }
0x64: {  	_ =	swait.ge [sflag:s31], $0x2710  }
0x65: {  	[sflag:s31] =	ssyncset.done $0x0  }
0x66: {  	[sflag:s31] =	ssyncadd.s32 $0xFFFFD8F0  }
0x67: {  	_ =	swait.ge [sflag:s31], $0x2710  }
0x68: {  	[sflag:s31] =	ssyncset.done $0x0  }
.Ltmp3:
0x69: {  	[sflag:s31] =	ssyncadd.s32 $0xFFFFD8F0;
	(pc) =	sbr.rel .LBB2_4-.Ltmp3, $4  }
0x6a: {  	_ =	swait.ge [sflag:s2], $0x50  }
0x6b: {  	[sflag:s2] =	ssyncset.done $0x0  }
0x6c: {  	s10 =	simm.s32 $0x0;
	[sflag:s2] =	ssyncadd.s32 $0xFFFFFFB0  }
0x6d: {  	[tilespmem:s29], [sflag:$0x3] =	stream.indirect.gather [hbm4b:s1+s23], $0x80, s10, s23, $0xb8;
	[tilespmem:$0x1D980] =	vst v63  }
.LBB2_10:
0x6e: {  	s10 =	sadd.s32 $0x1, s10  }
0x6f: {  	p2 =	sne.s32 s10, $0x3F  }
.Ltmp4:
0x70: {  	_ = 	snop;
	(pc) =	sbr.rel @!p2 .LBB2_11-.Ltmp4, $1  }
0x71: {  	_ =	sdelay $0x3  }
.LBB2_4:
0x72: {  	_ =	swait.ge [sflag:s31], $0x2800;
	s12 =	sshllo.u32 s10, $0x1  }
0x73: {  	[sflag:s31] =	ssyncset.done $0x0;
	p2 =	sgt.u32 s12, $0x7C  }
0x74: {  	[sflag:s31] =	ssyncadd.s32 $0xFFFFD800;
	s13 =	simm.s32 @!p2 $0x2  }
0x75: {  	_ =	swait.ge @!p2 [sflag:s13], $0x50  }
0x76: {  	p3 =	seq.s32 s10, $0x0;
	[sflag:s13] =	ssyncset.done @!p2 $0x0  }
0x77: {  	[sflag:s13] =	ssyncadd.s32 @!p2 $0xFFFFFFB0;
	s13 =	simm.s32 @!p3 $0x4  }
0x78: {  	s14 =	smul.u32 @!p2 $0x140, s12;
	_ =	swait.ge @!p3 [sflag:s13], $0x2800  }
0x79: {  	s15 =	simm.s32 @!p2 $0x7900;
	[sflag:s13] =	ssyncset.done @!p3 $0x0  }
0x7a: {  	[sflag:s13] =	ssyncadd.s32 @!p3 $0xFFFFD800;
	s13 =	sshra.s32 @!p2 s14, $0x2;
	s14 =	simm.s32 @!p2 $0x50  }
0x7b: {  	[tilespmem:s15], [sflag:$0x3] =	stream.indirect.gather @!p2 [hbm4b:s1+s14], $0x80, s13, s14, $0xb8;
	[tilespmem:$0x1D980] =	vst v63  }
0x7c: {  	s14 =	sshll.u32 s10, $0x1;
	s13 =	simm.s32 $0x0  }
.LBB2_5:
0x7d: {  	s15 =	sshll.u32 s13, $0x4  }
0x7e: {  	s15 =	sand.u32 $0x3FFFFFF0, s15  }
0x7f: {  	s17 =	sshll.u32 s13, $0xB;
	v1 =	vld [tilespmem:s15+$0x4F00]  }
0x80: {  	s15 =	sand.u32 $0x3FFFF800, s17  }
0x81: {  	v2 =	vld [tilespmem:s15+$0x5100]  }
0x82: {  	v3 =	vld [tilespmem:s15+$0x5110]  }
0x83: {  	v4 =	vld [tilespmem:s15+$0x5120]  }
0x84: {  	v6 =	vld [tilespmem:s15+$0x5130];
	v5 =	vbroadcast v1, $0x0  }
0x85: {  	v7 =	vld [tilespmem:s15+$0x5140]  }
0x86: {  	v8 =	vld [tilespmem:s15+$0x5150];
	v2 =	vmul.f32 v5, v2  }
0x87: {  	v9 =	vld [tilespmem:s15+$0x5160];
	v3 =	vmul.f32 v3, v5  }
0x88: {  	v34 =	vld [tilespmem:s15+$0x5170];
	[tilespmem:s15+$0x5100] =	vst v2;
	v2 =	vmul.f32 v4, v5  }
0x89: {  	v35 =	vld [tilespmem:s15+$0x5180];
	[tilespmem:s15+$0x5110] =	vst v3;
	v3 =	vmul.f32 v6, v5  }
0x8a: {  	v36 =	vld [tilespmem:s15+$0x5190];
	[tilespmem:s15+$0x5120] =	vst v2;
	v2 =	vmul.f32 v7, v5  }
0x8b: {  	v37 =	vld [tilespmem:s15+$0x51A0];
	[tilespmem:s15+$0x5130] =	vst v3;
	v3 =	vmul.f32 v8, v5  }
0x8c: {  	v10 =	vld [tilespmem:s15+$0x51B0];
	v38 =	vbroadcast v1, $0x1;
	[tilespmem:s15+$0x5140] =	vst v2;
	v2 =	vmul.f32 v9, v5  }
0x8d: {  	v39 =	vld [tilespmem:s15+$0x51C0];
	[tilespmem:s15+$0x5150] =	vst v3;
	v3 =	vmul.f32 v34, v5  }
0x8e: {  	v40 =	vld [tilespmem:s15+$0x51D0];
	[tilespmem:s15+$0x5160] =	vst v2;
	v2 =	vmul.f32 v35, v38  }
0x8f: {  	v41 =	vld [tilespmem:s15+$0x51E0];
	[tilespmem:s15+$0x5170] =	vst v3;
	v3 =	vmul.f32 v36, v38  }
0x90: {  	v42 =	vld [tilespmem:s15+$0x51F0];
	[tilespmem:s15+$0x5180] =	vst v2;
	v2 =	vmul.f32 v37, v38  }
0x91: {  	v43 =	vld [tilespmem:s15+$0x5200];
	[tilespmem:s15+$0x5190] =	vst v3;
	v3 =	vmul.f32 v10, v38  }
0x92: {  	v44 =	vld [tilespmem:s15+$0x5210];
	[tilespmem:s15+$0x51A0] =	vst v2;
	v2 =	vmul.f32 v39, v38  }
0x93: {  	v45 =	vld [tilespmem:s15+$0x5220];
	[tilespmem:s15+$0x51B0] =	vst v3;
	v3 =	vmul.f32 v40, v38  }
0x94: {  	v47 =	vld [tilespmem:s15+$0x5230];
	v46 =	vbroadcast v1, $0x2;
	[tilespmem:s15+$0x51C0] =	vst v2;
	v2 =	vmul.f32 v41, v38  }
0x95: {  	v48 =	vld [tilespmem:s15+$0x5240];
	[tilespmem:s15+$0x51D0] =	vst v3;
	v3 =	vmul.f32 v42, v38  }
0x96: {  	v49 =	vld [tilespmem:s15+$0x5250];
	[tilespmem:s15+$0x51E0] =	vst v2;
	v2 =	vmul.f32 v43, v46  }
0x97: {  	v50 =	vld [tilespmem:s15+$0x5260];
	[tilespmem:s15+$0x51F0] =	vst v3;
	v3 =	vmul.f32 v44, v46  }
0x98: {  	v51 =	vld [tilespmem:s15+$0x5270];
	[tilespmem:s15+$0x5200] =	vst v2;
	v2 =	vmul.f32 v45, v46  }
0x99: {  	v52 =	vld [tilespmem:s15+$0x5280];
	[tilespmem:s15+$0x5210] =	vst v3;
	v3 =	vmul.f32 v47, v46  }
0x9a: {  	v53 =	vld [tilespmem:s15+$0x5290];
	[tilespmem:s15+$0x5220] =	vst v2;
	v2 =	vmul.f32 v48, v46  }
0x9b: {  	v54 =	vld [tilespmem:s15+$0x52A0];
	[tilespmem:s15+$0x5230] =	vst v3;
	v3 =	vmul.f32 v49, v46  }
0x9c: {  	v56 =	vld [tilespmem:s15+$0x52B0];
	v55 =	vbroadcast v1, $0x3;
	[tilespmem:s15+$0x5240] =	vst v2;
	v2 =	vmul.f32 v50, v46  }
0x9d: {  	v57 =	vld [tilespmem:s15+$0x52C0];
	[tilespmem:s15+$0x5250] =	vst v3;
	v3 =	vmul.f32 v51, v46  }
0x9e: {  	v58 =	vld [tilespmem:s15+$0x52D0];
	[tilespmem:s15+$0x5260] =	vst v2;
	v2 =	vmul.f32 v52, v55  }
0x9f: {  	v59 =	vld [tilespmem:s15+$0x52E0];
	[tilespmem:s15+$0x5270] =	vst v3;
	v3 =	vmul.f32 v53, v55  }
0xa0: {  	v60 =	vld [tilespmem:s15+$0x52F0];
	[tilespmem:s15+$0x5280] =	vst v2;
	v2 =	vmul.f32 v54, v55  }
0xa1: {  	v61 =	vld [tilespmem:s15+$0x5300];
	[tilespmem:s15+$0x5290] =	vst v3;
	v3 =	vmul.f32 v56, v55  }
0xa2: {  	v62 =	vld [tilespmem:s15+$0x5310];
	[tilespmem:s15+$0x52A0] =	vst v2;
	v2 =	vmul.f32 v57, v55  }
0xa3: {  	v63 =	vld [tilespmem:s15+$0x5320];
	[tilespmem:s15+$0x52B0] =	vst v3;
	v3 =	vmul.f32 v58, v55  }
0xa4: {  	v13 =	vld [tilespmem:s15+$0x5330];
	v12 =	vbroadcast v1, $0x4;
	[tilespmem:s15+$0x52C0] =	vst v2;
	v2 =	vmul.f32 v59, v55  }
0xa5: {  	v14 =	vld [tilespmem:s15+$0x5340];
	[tilespmem:s15+$0x52D0] =	vst v3;
	v3 =	vmul.f32 v60, v55  }
0xa6: {  	v15 =	vld [tilespmem:s15+$0x5350];
	[tilespmem:s15+$0x52E0] =	vst v2;
	v2 =	vmul.f32 v61, v12  }
0xa7: {  	v16 =	vld [tilespmem:s15+$0x5360];
	[tilespmem:s15+$0x52F0] =	vst v3;
	v3 =	vmul.f32 v62, v12  }
0xa8: {  	v17 =	vld [tilespmem:s15+$0x5370];
	[tilespmem:s15+$0x5300] =	vst v2;
	v2 =	vmul.f32 v63, v12  }
0xa9: {  	v18 =	vld [tilespmem:s15+$0x5380];
	[tilespmem:s15+$0x5310] =	vst v3;
	v3 =	vmul.f32 v13, v12  }
0xaa: {  	v19 =	vld [tilespmem:s15+$0x5390];
	[tilespmem:s15+$0x5320] =	vst v2;
	v2 =	vmul.f32 v14, v12  }
0xab: {  	v20 =	vld [tilespmem:s15+$0x53A0];
	[tilespmem:s15+$0x5330] =	vst v3;
	v3 =	vmul.f32 v15, v12  }
0xac: {  	v22 =	vld [tilespmem:s15+$0x53B0];
	v21 =	vbroadcast v1, $0x5;
	[tilespmem:s15+$0x5340] =	vst v2;
	v2 =	vmul.f32 v16, v12  }
0xad: {  	v23 =	vld [tilespmem:s15+$0x53C0];
	[tilespmem:s15+$0x5350] =	vst v3;
	v3 =	vmul.f32 v17, v12  }
0xae: {  	v24 =	vld [tilespmem:s15+$0x53D0];
	[tilespmem:s15+$0x5360] =	vst v2;
	v2 =	vmul.f32 v18, v21  }
0xaf: {  	v25 =	vld [tilespmem:s15+$0x53E0];
	[tilespmem:s15+$0x5370] =	vst v3;
	v3 =	vmul.f32 v19, v21  }
0xb0: {  	v26 =	vld [tilespmem:s15+$0x53F0];
	[tilespmem:s15+$0x5380] =	vst v2;
	v2 =	vmul.f32 v20, v21  }
0xb1: {  	v27 =	vld [tilespmem:s15+$0x5400];
	[tilespmem:s15+$0x5390] =	vst v3;
	v3 =	vmul.f32 v22, v21  }
0xb2: {  	v28 =	vld [tilespmem:s15+$0x5410];
	[tilespmem:s15+$0x53A0] =	vst v2;
	v2 =	vmul.f32 v23, v21  }
0xb3: {  	v29 =	vld [tilespmem:s15+$0x5420];
	[tilespmem:s15+$0x53B0] =	vst v3;
	v3 =	vmul.f32 v24, v21  }
0xb4: {  	v31 =	vld [tilespmem:s15+$0x5430];
	v30 =	vbroadcast v1, $0x6;
	[tilespmem:s15+$0x53C0] =	vst v2;
	v2 =	vmul.f32 v25, v21  }
0xb5: {  	v32 =	vld [tilespmem:s15+$0x5440];
	[tilespmem:s15+$0x53D0] =	vst v3;
	v3 =	vmul.f32 v26, v21  }
0xb6: {  	v33 =	vld [tilespmem:s15+$0x5450];
	[tilespmem:s15+$0x53E0] =	vst v2;
	v2 =	vmul.f32 v27, v30  }
0xb7: {  	v34 =	vld [tilespmem:s15+$0x5460];
	[tilespmem:s15+$0x53F0] =	vst v3;
	v3 =	vmul.f32 v28, v30  }
0xb8: {  	v35 =	vld [tilespmem:s15+$0x5470];
	[tilespmem:s15+$0x5400] =	vst v2;
	v2 =	vmul.f32 v29, v30  }
0xb9: {  	v36 =	vld [tilespmem:s15+$0x5480];
	[tilespmem:s15+$0x5410] =	vst v3;
	v3 =	vmul.f32 v31, v30  }
0xba: {  	v37 =	vld [tilespmem:s15+$0x5490];
	[tilespmem:s15+$0x5420] =	vst v2;
	v2 =	vmul.f32 v32, v30  }
0xbb: {  	v38 =	vld [tilespmem:s15+$0x54A0];
	[tilespmem:s15+$0x5430] =	vst v3;
	v3 =	vmul.f32 v33, v30  }
0xbc: {  	v39 =	vbroadcast v1, $0x7;
	v40 =	vld [tilespmem:s15+$0x54B0];
	[tilespmem:s15+$0x5440] =	vst v2;
	v2 =	vmul.f32 v34, v30  }
0xbd: {  	v41 =	vld [tilespmem:s15+$0x54C0];
	[tilespmem:s15+$0x5450] =	vst v3;
	v3 =	vmul.f32 v35, v30  }
0xbe: {  	v42 =	vld [tilespmem:s15+$0x54D0];
	[tilespmem:s15+$0x5460] =	vst v2;
	v2 =	vmul.f32 v36, v39  }
0xbf: {  	v43 =	vld [tilespmem:s15+$0x54E0];
	[tilespmem:s15+$0x5470] =	vst v3;
	v3 =	vmul.f32 v37, v39  }
0xc0: {  	v44 =	vld [tilespmem:s15+$0x54F0];
	[tilespmem:s15+$0x5480] =	vst v2;
	v2 =	vmul.f32 v38, v39  }
0xc1: {  	v45 =	vld [tilespmem:s15+$0x5500];
	[tilespmem:s15+$0x5490] =	vst v3;
	v3 =	vmul.f32 v40, v39  }
0xc2: {  	v46 =	vld [tilespmem:s15+$0x5510];
	[tilespmem:s15+$0x54A0] =	vst v2;
	v2 =	vmul.f32 v41, v39  }
0xc3: {  	v47 =	vld [tilespmem:s15+$0x5520];
	[tilespmem:s15+$0x54B0] =	vst v3;
	v3 =	vmul.f32 v42, v39  }
0xc4: {  	v48 =	vbroadcast v1, $0x8;
	v49 =	vld [tilespmem:s15+$0x5530];
	[tilespmem:s15+$0x54C0] =	vst v2;
	v2 =	vmul.f32 v43, v39  }
0xc5: {  	v50 =	vld [tilespmem:s15+$0x5540];
	[tilespmem:s15+$0x54D0] =	vst v3;
	v3 =	vmul.f32 v44, v39  }
0xc6: {  	v51 =	vld [tilespmem:s15+$0x5550];
	[tilespmem:s15+$0x54E0] =	vst v2;
	v2 =	vmul.f32 v45, v48  }
0xc7: {  	v52 =	vld [tilespmem:s15+$0x5560];
	[tilespmem:s15+$0x54F0] =	vst v3;
	v3 =	vmul.f32 v46, v48  }
0xc8: {  	v53 =	vld [tilespmem:s15+$0x5570];
	[tilespmem:s15+$0x5500] =	vst v2;
	v2 =	vmul.f32 v47, v48  }
0xc9: {  	v54 =	vld [tilespmem:s15+$0x5580];
	[tilespmem:s15+$0x5510] =	vst v3;
	v3 =	vmul.f32 v49, v48  }
0xca: {  	v55 =	vld [tilespmem:s15+$0x5590];
	[tilespmem:s15+$0x5520] =	vst v2;
	v2 =	vmul.f32 v50, v48  }
0xcb: {  	v56 =	vld [tilespmem:s15+$0x55A0];
	[tilespmem:s15+$0x5530] =	vst v3;
	v3 =	vmul.f32 v51, v48  }
0xcc: {  	v57 =	vbroadcast v1, $0x9;
	v58 =	vld [tilespmem:s15+$0x55B0];
	[tilespmem:s15+$0x5540] =	vst v2;
	v2 =	vmul.f32 v52, v48  }
0xcd: {  	v59 =	vld [tilespmem:s15+$0x55C0];
	[tilespmem:s15+$0x5550] =	vst v3;
	v3 =	vmul.f32 v53, v48  }
0xce: {  	v60 =	vld [tilespmem:s15+$0x55D0];
	[tilespmem:s15+$0x5560] =	vst v2;
	v2 =	vmul.f32 v54, v57  }
0xcf: {  	v61 =	vld [tilespmem:s15+$0x55E0];
	[tilespmem:s15+$0x5570] =	vst v3;
	v3 =	vmul.f32 v55, v57  }
0xd0: {  	v62 =	vld [tilespmem:s15+$0x55F0];
	[tilespmem:s15+$0x5580] =	vst v2;
	v2 =	vmul.f32 v56, v57  }
0xd1: {  	v63 =	vld [tilespmem:s15+$0x5600];
	[tilespmem:s15+$0x5590] =	vst v3;
	v3 =	vmul.f32 v58, v57  }
0xd2: {  	v12 =	vld [tilespmem:s15+$0x5610];
	[tilespmem:s15+$0x55A0] =	vst v2;
	v2 =	vmul.f32 v59, v57  }
0xd3: {  	v13 =	vld [tilespmem:s15+$0x5620];
	[tilespmem:s15+$0x55B0] =	vst v3;
	v3 =	vmul.f32 v60, v57  }
0xd4: {  	v14 =	vbroadcast v1, $0xA;
	v15 =	vld [tilespmem:s15+$0x5630];
	[tilespmem:s15+$0x55C0] =	vst v2;
	v2 =	vmul.f32 v61, v57  }
0xd5: {  	v16 =	vld [tilespmem:s15+$0x5640];
	[tilespmem:s15+$0x55D0] =	vst v3;
	v3 =	vmul.f32 v62, v57  }
0xd6: {  	v17 =	vld [tilespmem:s15+$0x5650];
	[tilespmem:s15+$0x55E0] =	vst v2;
	v2 =	vmul.f32 v63, v14  }
0xd7: {  	v18 =	vld [tilespmem:s15+$0x5660];
	[tilespmem:s15+$0x55F0] =	vst v3;
	v3 =	vmul.f32 v12, v14  }
0xd8: {  	v19 =	vld [tilespmem:s15+$0x5670];
	[tilespmem:s15+$0x5600] =	vst v2;
	v2 =	vmul.f32 v13, v14  }
0xd9: {  	v20 =	vld [tilespmem:s15+$0x5680];
	[tilespmem:s15+$0x5610] =	vst v3;
	v3 =	vmul.f32 v15, v14  }
0xda: {  	v21 =	vld [tilespmem:s15+$0x5690];
	[tilespmem:s15+$0x5620] =	vst v2;
	v2 =	vmul.f32 v16, v14  }
0xdb: {  	v22 =	vld [tilespmem:s15+$0x56A0];
	[tilespmem:s15+$0x5630] =	vst v3;
	v3 =	vmul.f32 v17, v14  }
0xdc: {  	v23 =	vbroadcast v1, $0xB;
	v24 =	vld [tilespmem:s15+$0x56B0];
	[tilespmem:s15+$0x5640] =	vst v2;
	v2 =	vmul.f32 v18, v14  }
0xdd: {  	v25 =	vld [tilespmem:s15+$0x56C0];
	[tilespmem:s15+$0x5650] =	vst v3;
	v3 =	vmul.f32 v19, v14  }
0xde: {  	v26 =	vld [tilespmem:s15+$0x56D0];
	[tilespmem:s15+$0x5660] =	vst v2;
	v2 =	vmul.f32 v20, v23  }
0xdf: {  	v27 =	vld [tilespmem:s15+$0x56E0];
	[tilespmem:s15+$0x5670] =	vst v3;
	v3 =	vmul.f32 v21, v23  }
0xe0: {  	v28 =	vld [tilespmem:s15+$0x56F0];
	[tilespmem:s15+$0x5680] =	vst v2;
	v2 =	vmul.f32 v22, v23  }
0xe1: {  	v29 =	vld [tilespmem:s15+$0x5700];
	[tilespmem:s15+$0x5690] =	vst v3;
	v3 =	vmul.f32 v24, v23  }
0xe2: {  	v30 =	vld [tilespmem:s15+$0x5710];
	[tilespmem:s15+$0x56A0] =	vst v2;
	v2 =	vmul.f32 v25, v23  }
0xe3: {  	v31 =	vld [tilespmem:s15+$0x5720];
	[tilespmem:s15+$0x56B0] =	vst v3;
	v3 =	vmul.f32 v26, v23  }
0xe4: {  	v32 =	vbroadcast v1, $0xC;
	v33 =	vld [tilespmem:s15+$0x5730];
	[tilespmem:s15+$0x56C0] =	vst v2;
	v2 =	vmul.f32 v27, v23  }
0xe5: {  	v34 =	vld [tilespmem:s15+$0x5740];
	[tilespmem:s15+$0x56D0] =	vst v3;
	v3 =	vmul.f32 v28, v23  }
0xe6: {  	v35 =	vld [tilespmem:s15+$0x5750];
	[tilespmem:s15+$0x56E0] =	vst v2;
	v2 =	vmul.f32 v29, v32  }
0xe7: {  	v36 =	vld [tilespmem:s15+$0x5760];
	[tilespmem:s15+$0x56F0] =	vst v3;
	v3 =	vmul.f32 v30, v32  }
0xe8: {  	v37 =	vld [tilespmem:s15+$0x5770];
	[tilespmem:s15+$0x5700] =	vst v2;
	v2 =	vmul.f32 v31, v32  }
0xe9: {  	v38 =	vld [tilespmem:s15+$0x5780];
	[tilespmem:s15+$0x5710] =	vst v3;
	v3 =	vmul.f32 v33, v32  }
0xea: {  	v39 =	vld [tilespmem:s15+$0x5790];
	[tilespmem:s15+$0x5720] =	vst v2;
	v2 =	vmul.f32 v34, v32  }
0xeb: {  	v40 =	vld [tilespmem:s15+$0x57A0];
	[tilespmem:s15+$0x5730] =	vst v3;
	v3 =	vmul.f32 v35, v32  }
0xec: {  	v41 =	vbroadcast v1, $0xD;
	v42 =	vld [tilespmem:s15+$0x57B0];
	[tilespmem:s15+$0x5740] =	vst v2;
	v2 =	vmul.f32 v36, v32  }
0xed: {  	v43 =	vld [tilespmem:s15+$0x57C0];
	[tilespmem:s15+$0x5750] =	vst v3;
	v3 =	vmul.f32 v37, v32  }
0xee: {  	v44 =	vld [tilespmem:s15+$0x57D0];
	[tilespmem:s15+$0x5760] =	vst v2;
	v2 =	vmul.f32 v38, v41  }
0xef: {  	v45 =	vld [tilespmem:s15+$0x57E0];
	[tilespmem:s15+$0x5770] =	vst v3;
	v3 =	vmul.f32 v39, v41  }
0xf0: {  	v46 =	vld [tilespmem:s15+$0x57F0];
	[tilespmem:s15+$0x5780] =	vst v2;
	v2 =	vmul.f32 v40, v41  }
0xf1: {  	v47 =	vld [tilespmem:s15+$0x5800];
	[tilespmem:s15+$0x5790] =	vst v3;
	v3 =	vmul.f32 v42, v41  }
0xf2: {  	v48 =	vld [tilespmem:s15+$0x5810];
	[tilespmem:s15+$0x57A0] =	vst v2;
	v2 =	vmul.f32 v43, v41  }
0xf3: {  	v49 =	vld [tilespmem:s15+$0x5820];
	[tilespmem:s15+$0x57B0] =	vst v3;
	v3 =	vmul.f32 v44, v41  }
0xf4: {  	v50 =	vbroadcast v1, $0xE;
	v51 =	vld [tilespmem:s15+$0x5830];
	[tilespmem:s15+$0x57C0] =	vst v2;
	v2 =	vmul.f32 v45, v41  }
0xf5: {  	v52 =	vld [tilespmem:s15+$0x5840];
	[tilespmem:s15+$0x57D0] =	vst v3;
	v3 =	vmul.f32 v46, v41  }
0xf6: {  	v53 =	vld [tilespmem:s15+$0x5850];
	[tilespmem:s15+$0x57E0] =	vst v2;
	v2 =	vmul.f32 v47, v50  }
0xf7: {  	v54 =	vld [tilespmem:s15+$0x5860];
	[tilespmem:s15+$0x57F0] =	vst v3;
	v3 =	vmul.f32 v48, v50  }
0xf8: {  	v55 =	vld [tilespmem:s15+$0x5870];
	[tilespmem:s15+$0x5800] =	vst v2;
	v2 =	vmul.f32 v49, v50  }
0xf9: {  	v56 =	vld [tilespmem:s15+$0x5880];
	[tilespmem:s15+$0x5810] =	vst v3;
	v3 =	vmul.f32 v51, v50  }
0xfa: {  	v57 =	vld [tilespmem:s15+$0x5890];
	[tilespmem:s15+$0x5820] =	vst v2;
	v2 =	vmul.f32 v52, v50  }
0xfb: {  	v58 =	vld [tilespmem:s15+$0x58A0];
	[tilespmem:s15+$0x5830] =	vst v3;
	v3 =	vmul.f32 v53, v50  }
0xfc: {  	v1 =	vbroadcast v1, $0xF;
	v59 =	vld [tilespmem:s15+$0x58B0];
	[tilespmem:s15+$0x5840] =	vst v2;
	v2 =	vmul.f32 v54, v50  }
0xfd: {  	v60 =	vld [tilespmem:s15+$0x58C0];
	[tilespmem:s15+$0x5850] =	vst v3;
	v3 =	vmul.f32 v55, v50  }
0xfe: {  	v61 =	vld [tilespmem:s15+$0x58D0];
	[tilespmem:s15+$0x5860] =	vst v2;
	v2 =	vmul.f32 v56, v1  }
0xff: {  	v62 =	vld [tilespmem:s15+$0x58E0];
	[tilespmem:s15+$0x5870] =	vst v3;
	v3 =	vmul.f32 v57, v1  }
0x100: {  	v63 =	vld [tilespmem:s15+$0x58F0];
	[tilespmem:s15+$0x5880] =	vst v2;
	v2 =	vmul.f32 v58, v1  }
0x101: {  	[tilespmem:s15+$0x5890] =	vst v3;
	v3 =	vmul.f32 v59, v1  }
0x102: {  	p3 =	sne.s32 s13, $0x4;
	[tilespmem:s15+$0x58A0] =	vst v2;
	v2 =	vmul.f32 v60, v1  }
.Ltmp5:
0x103: {  	[tilespmem:s15+$0x58B0] =	vst v3;
	v3 =	vmul.f32 v61, v1;
	(pc) =	sbr.rel @p3 .LBB2_5-.Ltmp5, $4  }
0x104: {  	[tilespmem:s15+$0x58C0] =	vst v2;
	v2 =	vmul.f32 v62, v1  }
0x105: {  	[tilespmem:s15+$0x58D0] =	vst v3;
	v1 =	vmul.f32 v63, v1  }
0x106: {  	[tilespmem:s15+$0x58E0] =	vst v2  }
0x107: {  	s13 =	sadd.s32 $0x1, s13;
	[tilespmem:s15+$0x58F0] =	vst v1  }
0x108: {  	s13 =	smul.u32 $0xA0, s10;
	_ =	sdelay $0x1  }
0x109: {  	v1 =	vld [tilespmem:s13+$0x2780];
	_ =	sdelay $0x4  }
0x10a: {  	[tilespmem:$0x5000] =	vst v1  }
0x10b: {  	v1 =	vld [tilespmem:s13+$0x2790];
	_ =	sdelay $0x4  }
0x10c: {  	[tilespmem:$0x5010] =	vst v1  }
0x10d: {  	v1 =	vld [tilespmem:s13+$0x27A0];
	_ =	sdelay $0x4  }
0x10e: {  	[tilespmem:$0x5020] =	vst v1  }
0x10f: {  	v1 =	vld [tilespmem:s13+$0x27B0];
	_ =	sdelay $0x4  }
0x110: {  	[tilespmem:$0x5030] =	vst v1  }
0x111: {  	s14 =	sadd.s32 $0x2, s14;
	p3 =	seq.s32 s10, $0x3E;
	v1 =	vld [tilespmem:s13+$0x27C0]  }
0x112: {  	s15 =	smul.u32 @!p3 $0x50, s14;
	_ =	sdelay $0x1  }
0x113: {  	s15 =	sadd.s32 @!p3 s5, s15  }
.Ltmp6:
0x114: {  	s15 =	sshrl.u32 @!p3 s15, $0x3;
	(pc) =	sbr.rel @p2 .LBB2_10-.Ltmp6, $4  }
0x115: {  	s16 =	simm.s32 @!p3 $0x0;
	s17 =	simm.s32 @!p3 $0x4F00;
	s15 =	sadd.s32 @!p3 s3, s15;
	[tilespmem:$0x5040] =	vst v1  }
0x116: {  	[tilespmem:s17], [sflag:$0x1] =	stream.linear.gather @!p3 [hbm4b:s15+s16], $0x50, $0x38;
	[tilespmem:$0x1D980] =	vst v63  }
0x117: {  	_ = 	snop  }
0x118: {  	[spmem:s4] =	stream.indirect.scatter.add.f32 [tilespmem:s29], [sflag:$0x4], $0x80, s26, s23, $0xb8;
	[tilespmem:$0x1D980] =	vst v63  }
0x119: {  	_ =	swait.ge [sflag:s31], $0x2800  }
0x11a: {  	[sflag:s31] =	ssyncset.done $0x0  }
0x11b: {  	[sflag:s31] =	ssyncadd.s32 $0xFFFFD800  }
0x11c: {  	_ =	swait.ge [sflag:s2], $0x50  }
0x11d: {  	[sflag:s2] =	ssyncset.done $0x0  }
0x11e: {  	[sflag:s2] =	ssyncadd.s32 $0xFFFFFFB0  }
0x11f: {  	s14 =	smul.u32 $0x140, s14;
	_ =	swait.ge [sflag:s28], $0x2800  }
0x120: {  	[sflag:s28] =	ssyncset.done $0x0  }
0x121: {  	s14 =	sshra.s32 s14, $0x2;
	[sflag:s28] =	ssyncadd.s32 $0xFFFFD800  }
0x122: {  	[tilespmem:s29], [sflag:$0x3] =	stream.indirect.gather [hbm4b:s1+s23], $0x80, s14, s23, $0xb8;
	[tilespmem:$0x1D980] =	vst v63  }
0x123: {  	s14 =	simm.s32 $0x0  }
.LBB2_8:
0x124: {  	s15 =	sshll.u32 s14, $0x4  }
0x125: {  	s15 =	sand.u32 $0x3FFFFFF0, s15  }
0x126: {  	s17 =	sshll.u32 s14, $0xB;
	v1 =	vld [tilespmem:s15+$0x4F80]  }
0x127: {  	s15 =	sand.u32 $0x3FFFF800, s17  }
0x128: {  	v2 =	vld [tilespmem:s15+$0x7900]  }
0x129: {  	v3 =	vld [tilespmem:s15+$0x7910]  }
0x12a: {  	v4 =	vld [tilespmem:s15+$0x7920]  }
0x12b: {  	v6 =	vld [tilespmem:s15+$0x7930];
	v5 =	vbroadcast v1, $0x0  }
0x12c: {  	v7 =	vld [tilespmem:s15+$0x7940]  }
0x12d: {  	v8 =	vld [tilespmem:s15+$0x7950];
	v2 =	vmul.f32 v5, v2  }
0x12e: {  	v9 =	vld [tilespmem:s15+$0x7960];
	v3 =	vmul.f32 v3, v5  }
0x12f: {  	v34 =	vld [tilespmem:s15+$0x7970];
	[tilespmem:s15+$0x7900] =	vst v2;
	v2 =	vmul.f32 v4, v5  }
0x130: {  	v35 =	vld [tilespmem:s15+$0x7980];
	[tilespmem:s15+$0x7910] =	vst v3;
	v3 =	vmul.f32 v6, v5  }
0x131: {  	v36 =	vld [tilespmem:s15+$0x7990];
	[tilespmem:s15+$0x7920] =	vst v2;
	v2 =	vmul.f32 v7, v5  }
0x132: {  	v37 =	vld [tilespmem:s15+$0x79A0];
	[tilespmem:s15+$0x7930] =	vst v3;
	v3 =	vmul.f32 v8, v5  }
0x133: {  	v10 =	vld [tilespmem:s15+$0x79B0];
	v38 =	vbroadcast v1, $0x1;
	[tilespmem:s15+$0x7940] =	vst v2;
	v2 =	vmul.f32 v9, v5  }
0x134: {  	v39 =	vld [tilespmem:s15+$0x79C0];
	[tilespmem:s15+$0x7950] =	vst v3;
	v3 =	vmul.f32 v34, v5  }
0x135: {  	v40 =	vld [tilespmem:s15+$0x79D0];
	[tilespmem:s15+$0x7960] =	vst v2;
	v2 =	vmul.f32 v35, v38  }
0x136: {  	v41 =	vld [tilespmem:s15+$0x79E0];
	[tilespmem:s15+$0x7970] =	vst v3;
	v3 =	vmul.f32 v36, v38  }
0x137: {  	v42 =	vld [tilespmem:s15+$0x79F0];
	[tilespmem:s15+$0x7980] =	vst v2;
	v2 =	vmul.f32 v37, v38  }
0x138: {  	v43 =	vld [tilespmem:s15+$0x7A00];
	[tilespmem:s15+$0x7990] =	vst v3;
	v3 =	vmul.f32 v10, v38  }
0x139: {  	v44 =	vld [tilespmem:s15+$0x7A10];
	[tilespmem:s15+$0x79A0] =	vst v2;
	v2 =	vmul.f32 v39, v38  }
0x13a: {  	v45 =	vld [tilespmem:s15+$0x7A20];
	[tilespmem:s15+$0x79B0] =	vst v3;
	v3 =	vmul.f32 v40, v38  }
0x13b: {  	v47 =	vld [tilespmem:s15+$0x7A30];
	v46 =	vbroadcast v1, $0x2;
	[tilespmem:s15+$0x79C0] =	vst v2;
	v2 =	vmul.f32 v41, v38  }
0x13c: {  	v48 =	vld [tilespmem:s15+$0x7A40];
	[tilespmem:s15+$0x79D0] =	vst v3;
	v3 =	vmul.f32 v42, v38  }
0x13d: {  	v49 =	vld [tilespmem:s15+$0x7A50];
	[tilespmem:s15+$0x79E0] =	vst v2;
	v2 =	vmul.f32 v43, v46  }
0x13e: {  	v50 =	vld [tilespmem:s15+$0x7A60];
	[tilespmem:s15+$0x79F0] =	vst v3;
	v3 =	vmul.f32 v44, v46  }
0x13f: {  	v51 =	vld [tilespmem:s15+$0x7A70];
	[tilespmem:s15+$0x7A00] =	vst v2;
	v2 =	vmul.f32 v45, v46  }
0x140: {  	v52 =	vld [tilespmem:s15+$0x7A80];
	[tilespmem:s15+$0x7A10] =	vst v3;
	v3 =	vmul.f32 v47, v46  }
0x141: {  	v53 =	vld [tilespmem:s15+$0x7A90];
	[tilespmem:s15+$0x7A20] =	vst v2;
	v2 =	vmul.f32 v48, v46  }
0x142: {  	v54 =	vld [tilespmem:s15+$0x7AA0];
	[tilespmem:s15+$0x7A30] =	vst v3;
	v3 =	vmul.f32 v49, v46  }
0x143: {  	v56 =	vld [tilespmem:s15+$0x7AB0];
	v55 =	vbroadcast v1, $0x3;
	[tilespmem:s15+$0x7A40] =	vst v2;
	v2 =	vmul.f32 v50, v46  }
0x144: {  	v57 =	vld [tilespmem:s15+$0x7AC0];
	[tilespmem:s15+$0x7A50] =	vst v3;
	v3 =	vmul.f32 v51, v46  }
0x145: {  	v58 =	vld [tilespmem:s15+$0x7AD0];
	[tilespmem:s15+$0x7A60] =	vst v2;
	v2 =	vmul.f32 v52, v55  }
0x146: {  	v59 =	vld [tilespmem:s15+$0x7AE0];
	[tilespmem:s15+$0x7A70] =	vst v3;
	v3 =	vmul.f32 v53, v55  }
0x147: {  	v60 =	vld [tilespmem:s15+$0x7AF0];
	[tilespmem:s15+$0x7A80] =	vst v2;
	v2 =	vmul.f32 v54, v55  }
0x148: {  	v61 =	vld [tilespmem:s15+$0x7B00];
	[tilespmem:s15+$0x7A90] =	vst v3;
	v3 =	vmul.f32 v56, v55  }
0x149: {  	v62 =	vld [tilespmem:s15+$0x7B10];
	[tilespmem:s15+$0x7AA0] =	vst v2;
	v2 =	vmul.f32 v57, v55  }
0x14a: {  	v63 =	vld [tilespmem:s15+$0x7B20];
	[tilespmem:s15+$0x7AB0] =	vst v3;
	v3 =	vmul.f32 v58, v55  }
0x14b: {  	v13 =	vld [tilespmem:s15+$0x7B30];
	v12 =	vbroadcast v1, $0x4;
	[tilespmem:s15+$0x7AC0] =	vst v2;
	v2 =	vmul.f32 v59, v55  }
0x14c: {  	v14 =	vld [tilespmem:s15+$0x7B40];
	[tilespmem:s15+$0x7AD0] =	vst v3;
	v3 =	vmul.f32 v60, v55  }
0x14d: {  	v15 =	vld [tilespmem:s15+$0x7B50];
	[tilespmem:s15+$0x7AE0] =	vst v2;
	v2 =	vmul.f32 v61, v12  }
0x14e: {  	v16 =	vld [tilespmem:s15+$0x7B60];
	[tilespmem:s15+$0x7AF0] =	vst v3;
	v3 =	vmul.f32 v62, v12  }
0x14f: {  	v17 =	vld [tilespmem:s15+$0x7B70];
	[tilespmem:s15+$0x7B00] =	vst v2;
	v2 =	vmul.f32 v63, v12  }
0x150: {  	v18 =	vld [tilespmem:s15+$0x7B80];
	[tilespmem:s15+$0x7B10] =	vst v3;
	v3 =	vmul.f32 v13, v12  }
0x151: {  	v19 =	vld [tilespmem:s15+$0x7B90];
	[tilespmem:s15+$0x7B20] =	vst v2;
	v2 =	vmul.f32 v14, v12  }
0x152: {  	v20 =	vld [tilespmem:s15+$0x7BA0];
	[tilespmem:s15+$0x7B30] =	vst v3;
	v3 =	vmul.f32 v15, v12  }
0x153: {  	v22 =	vld [tilespmem:s15+$0x7BB0];
	v21 =	vbroadcast v1, $0x5;
	[tilespmem:s15+$0x7B40] =	vst v2;
	v2 =	vmul.f32 v16, v12  }
0x154: {  	v23 =	vld [tilespmem:s15+$0x7BC0];
	[tilespmem:s15+$0x7B50] =	vst v3;
	v3 =	vmul.f32 v17, v12  }
0x155: {  	v24 =	vld [tilespmem:s15+$0x7BD0];
	[tilespmem:s15+$0x7B60] =	vst v2;
	v2 =	vmul.f32 v18, v21  }
0x156: {  	v25 =	vld [tilespmem:s15+$0x7BE0];
	[tilespmem:s15+$0x7B70] =	vst v3;
	v3 =	vmul.f32 v19, v21  }
0x157: {  	v26 =	vld [tilespmem:s15+$0x7BF0];
	[tilespmem:s15+$0x7B80] =	vst v2;
	v2 =	vmul.f32 v20, v21  }
0x158: {  	v27 =	vld [tilespmem:s15+$0x7C00];
	[tilespmem:s15+$0x7B90] =	vst v3;
	v3 =	vmul.f32 v22, v21  }
0x159: {  	v28 =	vld [tilespmem:s15+$0x7C10];
	[tilespmem:s15+$0x7BA0] =	vst v2;
	v2 =	vmul.f32 v23, v21  }
0x15a: {  	v29 =	vld [tilespmem:s15+$0x7C20];
	[tilespmem:s15+$0x7BB0] =	vst v3;
	v3 =	vmul.f32 v24, v21  }
0x15b: {  	v31 =	vld [tilespmem:s15+$0x7C30];
	v30 =	vbroadcast v1, $0x6;
	[tilespmem:s15+$0x7BC0] =	vst v2;
	v2 =	vmul.f32 v25, v21  }
0x15c: {  	v32 =	vld [tilespmem:s15+$0x7C40];
	[tilespmem:s15+$0x7BD0] =	vst v3;
	v3 =	vmul.f32 v26, v21  }
0x15d: {  	v33 =	vld [tilespmem:s15+$0x7C50];
	[tilespmem:s15+$0x7BE0] =	vst v2;
	v2 =	vmul.f32 v27, v30  }
0x15e: {  	v34 =	vld [tilespmem:s15+$0x7C60];
	[tilespmem:s15+$0x7BF0] =	vst v3;
	v3 =	vmul.f32 v28, v30  }
0x15f: {  	v35 =	vld [tilespmem:s15+$0x7C70];
	[tilespmem:s15+$0x7C00] =	vst v2;
	v2 =	vmul.f32 v29, v30  }
0x160: {  	v36 =	vld [tilespmem:s15+$0x7C80];
	[tilespmem:s15+$0x7C10] =	vst v3;
	v3 =	vmul.f32 v31, v30  }
0x161: {  	v37 =	vld [tilespmem:s15+$0x7C90];
	[tilespmem:s15+$0x7C20] =	vst v2;
	v2 =	vmul.f32 v32, v30  }
0x162: {  	v38 =	vld [tilespmem:s15+$0x7CA0];
	[tilespmem:s15+$0x7C30] =	vst v3;
	v3 =	vmul.f32 v33, v30  }
0x163: {  	v39 =	vbroadcast v1, $0x7;
	v40 =	vld [tilespmem:s15+$0x7CB0];
	[tilespmem:s15+$0x7C40] =	vst v2;
	v2 =	vmul.f32 v34, v30  }
0x164: {  	v41 =	vld [tilespmem:s15+$0x7CC0];
	[tilespmem:s15+$0x7C50] =	vst v3;
	v3 =	vmul.f32 v35, v30  }
0x165: {  	v42 =	vld [tilespmem:s15+$0x7CD0];
	[tilespmem:s15+$0x7C60] =	vst v2;
	v2 =	vmul.f32 v36, v39  }
0x166: {  	v43 =	vld [tilespmem:s15+$0x7CE0];
	[tilespmem:s15+$0x7C70] =	vst v3;
	v3 =	vmul.f32 v37, v39  }
0x167: {  	v44 =	vld [tilespmem:s15+$0x7CF0];
	[tilespmem:s15+$0x7C80] =	vst v2;
	v2 =	vmul.f32 v38, v39  }
0x168: {  	v45 =	vld [tilespmem:s15+$0x7D00];
	[tilespmem:s15+$0x7C90] =	vst v3;
	v3 =	vmul.f32 v40, v39  }
0x169: {  	v46 =	vld [tilespmem:s15+$0x7D10];
	[tilespmem:s15+$0x7CA0] =	vst v2;
	v2 =	vmul.f32 v41, v39  }
0x16a: {  	v47 =	vld [tilespmem:s15+$0x7D20];
	[tilespmem:s15+$0x7CB0] =	vst v3;
	v3 =	vmul.f32 v42, v39  }
0x16b: {  	v48 =	vbroadcast v1, $0x8;
	v49 =	vld [tilespmem:s15+$0x7D30];
	[tilespmem:s15+$0x7CC0] =	vst v2;
	v2 =	vmul.f32 v43, v39  }
0x16c: {  	v50 =	vld [tilespmem:s15+$0x7D40];
	[tilespmem:s15+$0x7CD0] =	vst v3;
	v3 =	vmul.f32 v44, v39  }
0x16d: {  	v51 =	vld [tilespmem:s15+$0x7D50];
	[tilespmem:s15+$0x7CE0] =	vst v2;
	v2 =	vmul.f32 v45, v48  }
0x16e: {  	v52 =	vld [tilespmem:s15+$0x7D60];
	[tilespmem:s15+$0x7CF0] =	vst v3;
	v3 =	vmul.f32 v46, v48  }
0x16f: {  	v53 =	vld [tilespmem:s15+$0x7D70];
	[tilespmem:s15+$0x7D00] =	vst v2;
	v2 =	vmul.f32 v47, v48  }
0x170: {  	v54 =	vld [tilespmem:s15+$0x7D80];
	[tilespmem:s15+$0x7D10] =	vst v3;
	v3 =	vmul.f32 v49, v48  }
0x171: {  	v55 =	vld [tilespmem:s15+$0x7D90];
	[tilespmem:s15+$0x7D20] =	vst v2;
	v2 =	vmul.f32 v50, v48  }
0x172: {  	v56 =	vld [tilespmem:s15+$0x7DA0];
	[tilespmem:s15+$0x7D30] =	vst v3;
	v3 =	vmul.f32 v51, v48  }
0x173: {  	v57 =	vbroadcast v1, $0x9;
	v58 =	vld [tilespmem:s15+$0x7DB0];
	[tilespmem:s15+$0x7D40] =	vst v2;
	v2 =	vmul.f32 v52, v48  }
0x174: {  	v59 =	vld [tilespmem:s15+$0x7DC0];
	[tilespmem:s15+$0x7D50] =	vst v3;
	v3 =	vmul.f32 v53, v48  }
0x175: {  	v60 =	vld [tilespmem:s15+$0x7DD0];
	[tilespmem:s15+$0x7D60] =	vst v2;
	v2 =	vmul.f32 v54, v57  }
0x176: {  	v61 =	vld [tilespmem:s15+$0x7DE0];
	[tilespmem:s15+$0x7D70] =	vst v3;
	v3 =	vmul.f32 v55, v57  }
0x177: {  	v62 =	vld [tilespmem:s15+$0x7DF0];
	[tilespmem:s15+$0x7D80] =	vst v2;
	v2 =	vmul.f32 v56, v57  }
0x178: {  	v63 =	vld [tilespmem:s15+$0x7E00];
	[tilespmem:s15+$0x7D90] =	vst v3;
	v3 =	vmul.f32 v58, v57  }
0x179: {  	v12 =	vld [tilespmem:s15+$0x7E10];
	[tilespmem:s15+$0x7DA0] =	vst v2;
	v2 =	vmul.f32 v59, v57  }
0x17a: {  	v13 =	vld [tilespmem:s15+$0x7E20];
	[tilespmem:s15+$0x7DB0] =	vst v3;
	v3 =	vmul.f32 v60, v57  }
0x17b: {  	v14 =	vbroadcast v1, $0xA;
	v15 =	vld [tilespmem:s15+$0x7E30];
	[tilespmem:s15+$0x7DC0] =	vst v2;
	v2 =	vmul.f32 v61, v57  }
0x17c: {  	v16 =	vld [tilespmem:s15+$0x7E40];
	[tilespmem:s15+$0x7DD0] =	vst v3;
	v3 =	vmul.f32 v62, v57  }
0x17d: {  	v17 =	vld [tilespmem:s15+$0x7E50];
	[tilespmem:s15+$0x7DE0] =	vst v2;
	v2 =	vmul.f32 v63, v14  }
0x17e: {  	v18 =	vld [tilespmem:s15+$0x7E60];
	[tilespmem:s15+$0x7DF0] =	vst v3;
	v3 =	vmul.f32 v12, v14  }
0x17f: {  	v19 =	vld [tilespmem:s15+$0x7E70];
	[tilespmem:s15+$0x7E00] =	vst v2;
	v2 =	vmul.f32 v13, v14  }
0x180: {  	v20 =	vld [tilespmem:s15+$0x7E80];
	[tilespmem:s15+$0x7E10] =	vst v3;
	v3 =	vmul.f32 v15, v14  }
0x181: {  	v21 =	vld [tilespmem:s15+$0x7E90];
	[tilespmem:s15+$0x7E20] =	vst v2;
	v2 =	vmul.f32 v16, v14  }
0x182: {  	v22 =	vld [tilespmem:s15+$0x7EA0];
	[tilespmem:s15+$0x7E30] =	vst v3;
	v3 =	vmul.f32 v17, v14  }
0x183: {  	v23 =	vbroadcast v1, $0xB;
	v24 =	vld [tilespmem:s15+$0x7EB0];
	[tilespmem:s15+$0x7E40] =	vst v2;
	v2 =	vmul.f32 v18, v14  }
0x184: {  	v25 =	vld [tilespmem:s15+$0x7EC0];
	[tilespmem:s15+$0x7E50] =	vst v3;
	v3 =	vmul.f32 v19, v14  }
0x185: {  	v26 =	vld [tilespmem:s15+$0x7ED0];
	[tilespmem:s15+$0x7E60] =	vst v2;
	v2 =	vmul.f32 v20, v23  }
0x186: {  	v27 =	vld [tilespmem:s15+$0x7EE0];
	[tilespmem:s15+$0x7E70] =	vst v3;
	v3 =	vmul.f32 v21, v23  }
0x187: {  	v28 =	vld [tilespmem:s15+$0x7EF0];
	[tilespmem:s15+$0x7E80] =	vst v2;
	v2 =	vmul.f32 v22, v23  }
0x188: {  	v29 =	vld [tilespmem:s15+$0x7F00];
	[tilespmem:s15+$0x7E90] =	vst v3;
	v3 =	vmul.f32 v24, v23  }
0x189: {  	v30 =	vld [tilespmem:s15+$0x7F10];
	[tilespmem:s15+$0x7EA0] =	vst v2;
	v2 =	vmul.f32 v25, v23  }
0x18a: {  	v31 =	vld [tilespmem:s15+$0x7F20];
	[tilespmem:s15+$0x7EB0] =	vst v3;
	v3 =	vmul.f32 v26, v23  }
0x18b: {  	v32 =	vbroadcast v1, $0xC;
	v33 =	vld [tilespmem:s15+$0x7F30];
	[tilespmem:s15+$0x7EC0] =	vst v2;
	v2 =	vmul.f32 v27, v23  }
0x18c: {  	v34 =	vld [tilespmem:s15+$0x7F40];
	[tilespmem:s15+$0x7ED0] =	vst v3;
	v3 =	vmul.f32 v28, v23  }
0x18d: {  	v35 =	vld [tilespmem:s15+$0x7F50];
	[tilespmem:s15+$0x7EE0] =	vst v2;
	v2 =	vmul.f32 v29, v32  }
0x18e: {  	v36 =	vld [tilespmem:s15+$0x7F60];
	[tilespmem:s15+$0x7EF0] =	vst v3;
	v3 =	vmul.f32 v30, v32  }
0x18f: {  	v37 =	vld [tilespmem:s15+$0x7F70];
	[tilespmem:s15+$0x7F00] =	vst v2;
	v2 =	vmul.f32 v31, v32  }
0x190: {  	v38 =	vld [tilespmem:s15+$0x7F80];
	[tilespmem:s15+$0x7F10] =	vst v3;
	v3 =	vmul.f32 v33, v32  }
0x191: {  	v39 =	vld [tilespmem:s15+$0x7F90];
	[tilespmem:s15+$0x7F20] =	vst v2;
	v2 =	vmul.f32 v34, v32  }
0x192: {  	v40 =	vld [tilespmem:s15+$0x7FA0];
	[tilespmem:s15+$0x7F30] =	vst v3;
	v3 =	vmul.f32 v35, v32  }
0x193: {  	v41 =	vbroadcast v1, $0xD;
	v42 =	vld [tilespmem:s15+$0x7FB0];
	[tilespmem:s15+$0x7F40] =	vst v2;
	v2 =	vmul.f32 v36, v32  }
0x194: {  	v43 =	vld [tilespmem:s15+$0x7FC0];
	[tilespmem:s15+$0x7F50] =	vst v3;
	v3 =	vmul.f32 v37, v32  }
0x195: {  	v44 =	vld [tilespmem:s15+$0x7FD0];
	[tilespmem:s15+$0x7F60] =	vst v2;
	v2 =	vmul.f32 v38, v41  }
0x196: {  	v45 =	vld [tilespmem:s15+$0x7FE0];
	[tilespmem:s15+$0x7F70] =	vst v3;
	v3 =	vmul.f32 v39, v41  }
0x197: {  	v46 =	vld [tilespmem:s15+$0x7FF0];
	[tilespmem:s15+$0x7F80] =	vst v2;
	v2 =	vmul.f32 v40, v41  }
0x198: {  	v47 =	vld [tilespmem:s15+$0x8000];
	[tilespmem:s15+$0x7F90] =	vst v3;
	v3 =	vmul.f32 v42, v41  }
0x199: {  	v48 =	vld [tilespmem:s15+$0x8010];
	[tilespmem:s15+$0x7FA0] =	vst v2;
	v2 =	vmul.f32 v43, v41  }
0x19a: {  	v49 =	vld [tilespmem:s15+$0x8020];
	[tilespmem:s15+$0x7FB0] =	vst v3;
	v3 =	vmul.f32 v44, v41  }
0x19b: {  	v50 =	vbroadcast v1, $0xE;
	v51 =	vld [tilespmem:s15+$0x8030];
	[tilespmem:s15+$0x7FC0] =	vst v2;
	v2 =	vmul.f32 v45, v41  }
0x19c: {  	v52 =	vld [tilespmem:s15+$0x8040];
	[tilespmem:s15+$0x7FD0] =	vst v3;
	v3 =	vmul.f32 v46, v41  }
0x19d: {  	v53 =	vld [tilespmem:s15+$0x8050];
	[tilespmem:s15+$0x7FE0] =	vst v2;
	v2 =	vmul.f32 v47, v50  }
0x19e: {  	v54 =	vld [tilespmem:s15+$0x8060];
	[tilespmem:s15+$0x7FF0] =	vst v3;
	v3 =	vmul.f32 v48, v50  }
0x19f: {  	v55 =	vld [tilespmem:s15+$0x8070];
	[tilespmem:s15+$0x8000] =	vst v2;
	v2 =	vmul.f32 v49, v50  }
0x1a0: {  	v56 =	vld [tilespmem:s15+$0x8080];
	[tilespmem:s15+$0x8010] =	vst v3;
	v3 =	vmul.f32 v51, v50  }
0x1a1: {  	v57 =	vld [tilespmem:s15+$0x8090];
	[tilespmem:s15+$0x8020] =	vst v2;
	v2 =	vmul.f32 v52, v50  }
0x1a2: {  	v58 =	vld [tilespmem:s15+$0x80A0];
	[tilespmem:s15+$0x8030] =	vst v3;
	v3 =	vmul.f32 v53, v50  }
0x1a3: {  	v1 =	vbroadcast v1, $0xF;
	v59 =	vld [tilespmem:s15+$0x80B0];
	[tilespmem:s15+$0x8040] =	vst v2;
	v2 =	vmul.f32 v54, v50  }
0x1a4: {  	v60 =	vld [tilespmem:s15+$0x80C0];
	[tilespmem:s15+$0x8050] =	vst v3;
	v3 =	vmul.f32 v55, v50  }
0x1a5: {  	v61 =	vld [tilespmem:s15+$0x80D0];
	[tilespmem:s15+$0x8060] =	vst v2;
	v2 =	vmul.f32 v56, v1  }
0x1a6: {  	v62 =	vld [tilespmem:s15+$0x80E0];
	[tilespmem:s15+$0x8070] =	vst v3;
	v3 =	vmul.f32 v57, v1  }
0x1a7: {  	v63 =	vld [tilespmem:s15+$0x80F0];
	[tilespmem:s15+$0x8080] =	vst v2;
	v2 =	vmul.f32 v58, v1  }
0x1a8: {  	[tilespmem:s15+$0x8090] =	vst v3;
	v3 =	vmul.f32 v59, v1  }
0x1a9: {  	p2 =	sne.s32 s14, $0x4;
	[tilespmem:s15+$0x80A0] =	vst v2;
	v2 =	vmul.f32 v60, v1  }
.Ltmp7:
0x1aa: {  	[tilespmem:s15+$0x80B0] =	vst v3;
	v3 =	vmul.f32 v61, v1;
	(pc) =	sbr.rel @p2 .LBB2_8-.Ltmp7, $4  }
0x1ab: {  	[tilespmem:s15+$0x80C0] =	vst v2;
	v2 =	vmul.f32 v62, v1  }
0x1ac: {  	[tilespmem:s15+$0x80D0] =	vst v3;
	v1 =	vmul.f32 v63, v1  }
0x1ad: {  	[tilespmem:s15+$0x80E0] =	vst v2  }
0x1ae: {  	s14 =	sadd.s32 $0x1, s14;
	[tilespmem:s15+$0x80F0] =	vst v1  }
0x1af: {  	s12 =	smul.u32 $0x140, s12;
	_ =	sdelay $0x1  }
0x1b0: {  	s12 =	sshra.s32 s12, $0x2  }
0x1b1: {  	v1 =	vld [tilespmem:s12+$0x2780];
	_ =	sdelay $0x4  }
0x1b2: {  	[tilespmem:$0x5080] =	vst v1  }
0x1b3: {  	v1 =	vld [tilespmem:s12+$0x2790];
	_ =	sdelay $0x4  }
0x1b4: {  	[tilespmem:$0x5090] =	vst v1  }
0x1b5: {  	v1 =	vld [tilespmem:s12+$0x27A0];
	_ =	sdelay $0x4  }
0x1b6: {  	[tilespmem:$0x50A0] =	vst v1  }
0x1b7: {  	v1 =	vld [tilespmem:s12+$0x27B0];
	_ =	sdelay $0x4  }
0x1b8: {  	[tilespmem:$0x50B0] =	vst v1  }
0x1b9: {  	v1 =	vld [tilespmem:s12+$0x27C0];
	_ =	sdelay $0x1  }
0x1ba: {  	p2 =	sgt.u32 s10, $0x3C  }
0x1bb: {  	s12 =	sadd.s32 @!p2 s13, s19  }
.Ltmp8:
0x1bc: {  	s12 =	sshrl.u32 @!p2 s12, $0x3;
	(pc) =	sbr.rel .LBB2_10-.Ltmp8, $4  }
0x1bd: {  	s14 =	simm.s32 @!p2 $0x4F80;
	s13 =	simm.s32 @!p2 $0x0;
	s12 =	sadd.s32 @!p2 s3, s12;
	[tilespmem:$0x50C0] =	vst v1  }
0x1be: {  	[tilespmem:s14], [sflag:$0x2] =	stream.linear.gather @!p2 [hbm4b:s12+s13], $0x50, $0x38;
	[tilespmem:$0x1D980] =	vst v63  }
0x1bf: {  	_ = 	snop  }
0x1c0: {  	[spmem:s4] =	stream.indirect.scatter.add.f32 [tilespmem:s7], [sflag:$0x4], $0x80, s0, s23, $0xb8;
	[tilespmem:$0x1D980] =	vst v63  }
.LBB2_12:
0x1c1: {  	_ =	sfence.sel $0x180000  }
0x1c2: {  	[bflag:$0x0] =	sbarrier.arrive $0xFFFF  }
0x1c3: {  	_ =	strace $0x90000047  }
0x1c4: {  	s0 =	stileid.u32;
	[bflag:$0x2] =	sbarrier.arrive $0xFFFF  }
0x1c5: {  	p0 =	sne.s32 s0, $0x0;
	s0 =	rddreg [dreg:$0x4]  }
0x1c6: {  	s0 =	sadd.s32 @!p0 $0x100000, s0  }
0x1c7: {  	[sflag:s0] =	ssyncadd.tile.s32 @!p0 $0x1;
	_ =	shalt  }
.Lfunc_end2:
_tile_overlayer_lowered:
.L_overlay_start_2:
0x1c8: {  	(tag) =	ssettag $0x2  }
0x1c9: {  	s0 =	rddreg [dreg:$0x0];
	s2 =	stileid.u32  }
0x1ca: {  	s1 =	rddreg [dreg:$0x1];
	p0 =	sne.s32 s2, $0x0  }
0x1cb: {  	s3 =	rddreg [dreg:$0x2];
	[bflag:$0x3] =	sbarrier.arrive $0xFFFF;
	s2 =	simm.s32 @!p0 $0x1C05  }
0x1cc: {  	[timem:s3], [sflag:s2] =	dma.local @!p0 [hbm:s0], s1  }
0x1cd: {  	s0 =	simm.s32 @!p0 $0x5  }
0x1ce: {  	_ =	swait.ge @!p0 [sflag:s0], s1  }
0x1cf: {  	s1 =	ssub.s32 @!p0 $0x0, s1;
	[sflag:s0] =	ssyncset.done @!p0 $0x0  }
0x1d0: {  	[sflag:s0] =	ssyncadd.s32 @!p0 s1  }
0x1d1: {  	[bflag:$0x3] =	sbarrier.arrive $0xFFFF  }
0x1d2: {  	_ =	shalt  }

</sc_bundles>
